<compile_context>
chip_gen: v7x
topology: tpu7x:2x2x1
jax: 0.10.2.dev20260603
libtpu: 0.0.44.dev20260713+nightly
codegen_flags: <defaults>
</compile_context>

<pallas_src>
import functools

import jax
import jax.numpy as jnp
from jax import lax
from jax.experimental import pallas as pl
from jax.experimental.pallas import tpu as pltpu
from jax.experimental.pallas import tpu_sc as plsc

D = 1024
SCALE = 32.0

NC, NS, L = 2, 16, 16
NW = NC * NS

B = 16384
B_PER_W = B // NW
CB = 32
NCHUNK = B_PER_W // CB
SLICES_PER_ROW = D // L


def _scale_rows(rows_v, lo, hi):
    def row_body(r, c0):
        for c in range(SLICES_PER_ROW):
            sl = pl.ds(c * L, L)
            rows_v[r, sl] = rows_v[r, sl] * SCALE
        return c0

    lax.fori_loop(lo, hi, row_body, 0)


def _sc_embed(idx_hbm, table_hbm, out_hbm, idx_v, rows0, rows1, sg0, sg1,
              ss0, ss1):
    wid = lax.axis_index("s") * NC + lax.axis_index("c")
    base = wid * B_PER_W
    pltpu.sync_copy(idx_hbm.at[pl.ds(base, CB)], idx_v.at[pl.ds(0, CB)])

    bufs = (rows0, rows1)
    gsems = (sg0, sg1)
    ssems = (ss0, ss1)

    def gather_desc(g, b):
        return pltpu.make_async_copy(
            table_hbm.at[idx_v.at[pl.ds(g * CB, CB)]], bufs[b], gsems[b]
        )

    NH = 4
    H = CB // NH

    def scatter_desc(g, b, h):
        return pltpu.make_async_copy(
            bufs[b].at[pl.ds(h * H, H)],
            out_hbm.at[pl.ds(base + g * CB + h * H, H)],
            ssems[b],
        )

    gather_desc(0, 0).start()
    pltpu.sync_copy(
        idx_hbm.at[pl.ds(base + CB, B_PER_W - CB)],
        idx_v.at[pl.ds(CB, B_PER_W - CB)],
    )

    def chunk_pair(g0, carry):
        for bsel in range(2):
            g = g0 * 2 + bsel
            gather_desc(g, bsel).wait()
            @pl.when(g >= 1)
            def _():
                def wait_body(h, c0):
                    scatter_desc(g - 1, 1 - bsel, h).wait()
                    return c0

                lax.fori_loop(0, NH, wait_body, 0)

            @pl.when(g + 1 < NCHUNK)
            def _():
                gather_desc(g + 1, 1 - bsel).start()

            def quarter_body(h, c0):
                _scale_rows(bufs[bsel], h * H, (h + 1) * H)
                scatter_desc(g, bsel, h).start()
                return c0

            lax.fori_loop(0, NH, quarter_body, 0)
        return carry

    lax.fori_loop(0, NCHUNK // 2, chunk_pair, 0)

    def tail_wait(h, c0):
        scatter_desc(NCHUNK - 1, 1, h).wait()
        return c0

    lax.fori_loop(0, NH, tail_wait, 0)


@functools.partial(
    pl.kernel,
    mesh=plsc.VectorSubcoreMesh(core_axis_name="c", subcore_axis_name="s"),
    out_type=jax.ShapeDtypeStruct((B, D), jnp.float32),
    scratch_types=[
        pltpu.VMEM((B_PER_W,), jnp.int32),
        pltpu.VMEM((CB, D), jnp.float32),
        pltpu.VMEM((CB, D), jnp.float32),
        pltpu.SemaphoreType.DMA,
        pltpu.SemaphoreType.DMA,
        pltpu.SemaphoreType.DMA,
        pltpu.SemaphoreType.DMA,
    ],
)
def _embed_call(idx_hbm, table_hbm, out_hbm, idx_v, rows0, rows1, sg0, sg1,
                ss0, ss1):
    _sc_embed(idx_hbm, table_hbm, out_hbm, idx_v, rows0, rows1, sg0, sg1,
              ss0, ss1)


def kernel(input_ids, weight):
    idx = input_ids.reshape(-1).astype(jnp.int32)
    out = _embed_call(idx, weight)
    return out.reshape(input_ids.shape + (D,))

# --- scband reference (transcript-rebuilt; emitter-appended) ---
"""Pipeline reference for scband-token-embedding-60206851555848 (READ-ONLY COPY).

The authoritative reference and input builder live on the scoring server;
editing this copy changes nothing except your own understanding.
"""

import jax, jax.numpy as jnp
import numpy as np

VOCAB = 100000
D_MODEL = 1024
BATCH = 4
SEQ = 4096
SCALE = float(np.sqrt(D_MODEL))


def setup_inputs(seed: int = 0) -> dict:
    key = jax.random.key(seed)
    k1, k2 = jax.random.split(key)
    input_ids = jax.random.randint(k1, (BATCH, SEQ), 0, VOCAB, dtype=jnp.int64 if jax.config.jax_enable_x64 else jnp.int32)
    weight = jax.random.normal(k2, (VOCAB, D_MODEL), dtype=jnp.float32) * (D_MODEL ** -0.5)
    return {"input_ids": input_ids, "weight": weight}


def reference(input_ids, weight):
    # embedding lookup: gather rows of the table
    embeddings = jnp.take(weight, input_ids, axis=0)
    # scale by sqrt(d_model) as in Transformer token embedding
    embeddings = embeddings * SCALE
    # dropout with p=0.0 is identity (eval-mode equivalence)
    return embeddings

if __name__ == "__main__":
    import jax
    _d = setup_inputs()
    print(jax.jit(kernel)(*tuple(_d.values())))

</pallas_src>

<mosaic_0001>
#map = affine_map<(d0, d1) -> (0)>
#map1 = affine_map<(d0, d1) -> (0, 0)>
module attributes {stable_mosaic.version = 14 : i64} {
  func.func @_embed_call(%arg0: i32, %arg1: i32, %arg2: memref<16384xi32, #tpu.memory_space<hbm>>, %arg3: memref<100000x1024xf32, #tpu.memory_space<hbm>>, %arg4: memref<16384x1024xf32, #tpu.memory_space<hbm>>, %arg5: memref<512xi32, #tpu.memory_space<vmem>>, %arg6: memref<32x1024xf32, #tpu.memory_space<vmem>>, %arg7: memref<32x1024xf32, #tpu.memory_space<vmem>>, %arg8: memref<!tpu.dma_semaphore, #tpu.memory_space<semaphore_mem>>, %arg9: memref<!tpu.dma_semaphore, #tpu.memory_space<semaphore_mem>>, %arg10: memref<!tpu.dma_semaphore, #tpu.memory_space<semaphore_mem>>, %arg11: memref<!tpu.dma_semaphore, #tpu.memory_space<semaphore_mem>>) attributes {dimension_semantics = [#tpu.dimension_semantics<core_parallel>, #tpu.dimension_semantics<subcore_parallel>], iteration_bounds = array<i64: 2, 16>, scalar_prefetch = 0 : i64, scratch_operands = 7 : i64, tpu.core_type = #tpu.core_type<sc_vector_subcore>, window_params = [{transform_indices = #map}, {transform_indices = #map1}, {transform_indices = #map1}]} {
    %mul3A = arith.constant 2 : i32
    %mul3A_0 = arith.muli %arg1, %mul3A : i32
    %add3A = arith.addi %mul3A_0, %arg0 : i32
    %mul3A_1 = arith.constant 512 : i32
    %mul3A_2 = arith.muli %add3A, %mul3A_1 : i32
    "tpu.region"() ({
      %run_scoped3A = tpu.sem_alloc : memref<!tpu.dma_semaphore, #tpu.memory_space<semaphore_mem>>
      %dma_start3A_20 = arith.constant 0 : i32
      %dma_start3A_21 = tpu.memref_slice %arg5[%dma_start3A_20] : memref<512xi32, #tpu.memory_space<vmem>> -> memref<32xi32, #tpu.memory_space<vmem>>
      %dma_start3A_22 = tpu.memref_slice %arg2[%mul3A_2] : memref<16384xi32, #tpu.memory_space<hbm>> -> memref<32xi32, #tpu.memory_space<hbm>>
      %dma_start3A_23 = arith.constant 0 : i32
      %dma_start3A_24 = tpu.memref_slice %arg5[%dma_start3A_23] : memref<512xi32, #tpu.memory_space<vmem>> -> memref<32xi32, #tpu.memory_space<vmem>>
      %dma_start3A_25 = tpu.memref_slice %arg2[%mul3A_2] : memref<16384xi32, #tpu.memory_space<hbm>> -> memref<32xi32, #tpu.memory_space<hbm>>
      tpu.enqueue_dma source(%dma_start3A_25 : memref<32xi32, #tpu.memory_space<hbm>>) target(%dma_start3A_24 : memref<32xi32, #tpu.memory_space<vmem>>) target_semaphore(%run_scoped3A : memref<!tpu.dma_semaphore, #tpu.memory_space<semaphore_mem>>)
      %dma_wait3A = arith.constant 0 : i32
      %dma_wait3A_26 = tpu.memref_slice %arg5[%dma_wait3A] : memref<512xi32, #tpu.memory_space<vmem>> -> memref<32xi32, #tpu.memory_space<vmem>>
      %dma_wait3A_27 = tpu.memref_slice %arg2[%mul3A_2] : memref<16384xi32, #tpu.memory_space<hbm>> -> memref<32xi32, #tpu.memory_space<hbm>>
      %dma_wait3A_28 = arith.constant 0 : i32
      %dma_wait3A_29 = tpu.memref_slice %arg5[%dma_wait3A_28] : memref<512xi32, #tpu.memory_space<vmem>> -> memref<32xi32, #tpu.memory_space<vmem>>
      %dma_wait3A_30 = tpu.memref_slice %arg2[%mul3A_2] : memref<16384xi32, #tpu.memory_space<hbm>> -> memref<32xi32, #tpu.memory_space<hbm>>
      tpu.wait_dma2 semaphore(%run_scoped3A : memref<!tpu.dma_semaphore, #tpu.memory_space<semaphore_mem>>) src(%dma_wait3A_30 : memref<32xi32, #tpu.memory_space<hbm>>) dst(%dma_wait3A_29 : memref<32xi32, #tpu.memory_space<vmem>>)
      tpu.yield
    }) : () -> ()
    %dma_start3A = arith.constant 0 : i32
    %dma_start3A_3 = tpu.memref_slice %arg5[%dma_start3A] : memref<512xi32, #tpu.memory_space<vmem>> -> memref<32xi32, #tpu.memory_space<vmem>>
    %dma_start3A_4 = arith.constant 0 : i32
    %dma_start3A_5 = arith.constant 0 : i32
    %dma_start3A_6 = tpu.memref_slice %arg3[%dma_start3A_4, %dma_start3A_5] : memref<100000x1024xf32, #tpu.memory_space<hbm>> -> memref<100000x1024xf32, #tpu.memory_space<hbm>>
    tpu.enqueue_indirect_dma source(%dma_start3A_6 : memref<100000x1024xf32, #tpu.memory_space<hbm>>) target(%arg6 : memref<32x1024xf32, #tpu.memory_space<vmem>>) offsets(%dma_start3A_3 : memref<32xi32, #tpu.memory_space<vmem>>) semaphore(%arg8 : memref<!tpu.dma_semaphore, #tpu.memory_space<semaphore_mem>>)
    %add3A_7 = arith.constant 32 : i32
    %add3A_8 = arith.addi %mul3A_2, %add3A_7 : i32
    "tpu.region"() ({
      %run_scoped3A = tpu.sem_alloc : memref<!tpu.dma_semaphore, #tpu.memory_space<semaphore_mem>>
      %dma_start3A_20 = arith.constant 32 : i32
      %dma_start3A_21 = tpu.memref_slice %arg5[%dma_start3A_20] : memref<512xi32, #tpu.memory_space<vmem>> -> memref<480xi32, #tpu.memory_space<vmem>>
      %dma_start3A_22 = tpu.memref_slice %arg2[%add3A_8] : memref<16384xi32, #tpu.memory_space<hbm>> -> memref<480xi32, #tpu.memory_space<hbm>>
      %dma_start3A_23 = arith.constant 32 : i32
      %dma_start3A_24 = tpu.memref_slice %arg5[%dma_start3A_23] : memref<512xi32, #tpu.memory_space<vmem>> -> memref<480xi32, #tpu.memory_space<vmem>>
      %dma_start3A_25 = tpu.memref_slice %arg2[%add3A_8] : memref<16384xi32, #tpu.memory_space<hbm>> -> memref<480xi32, #tpu.memory_space<hbm>>
      tpu.enqueue_dma source(%dma_start3A_25 : memref<480xi32, #tpu.memory_space<hbm>>) target(%dma_start3A_24 : memref<480xi32, #tpu.memory_space<vmem>>) target_semaphore(%run_scoped3A : memref<!tpu.dma_semaphore, #tpu.memory_space<semaphore_mem>>)
      %dma_wait3A = arith.constant 32 : i32
      %dma_wait3A_26 = tpu.memref_slice %arg5[%dma_wait3A] : memref<512xi32, #tpu.memory_space<vmem>> -> memref<480xi32, #tpu.memory_space<vmem>>
      %dma_wait3A_27 = tpu.memref_slice %arg2[%add3A_8] : memref<16384xi32, #tpu.memory_space<hbm>> -> memref<480xi32, #tpu.memory_space<hbm>>
      %dma_wait3A_28 = arith.constant 32 : i32
      %dma_wait3A_29 = tpu.memref_slice %arg5[%dma_wait3A_28] : memref<512xi32, #tpu.memory_space<vmem>> -> memref<480xi32, #tpu.memory_space<vmem>>
      %dma_wait3A_30 = tpu.memref_slice %arg2[%add3A_8] : memref<16384xi32, #tpu.memory_space<hbm>> -> memref<480xi32, #tpu.memory_space<hbm>>
      tpu.wait_dma2 semaphore(%run_scoped3A : memref<!tpu.dma_semaphore, #tpu.memory_space<semaphore_mem>>) src(%dma_wait3A_30 : memref<480xi32, #tpu.memory_space<hbm>>) dst(%dma_wait3A_29 : memref<480xi32, #tpu.memory_space<vmem>>)
      tpu.yield
    }) : () -> ()
    %scan3A = arith.constant 0 : i32
    %scan3A_9 = arith.constant 0 : i32
    %scan3A_10 = arith.constant 8 : i32
    %scan3A_11 = arith.addi %scan3A_9, %scan3A_10 : i32
    %scan3A_12 = arith.constant 1 : i32
    scf.for %scan3A_20 = %scan3A_9 to %scan3A_11 step %scan3A_12  : i32 {
      %mul3A_21 = arith.constant 2 : i32
      %mul3A_22 = arith.muli %scan3A_20, %mul3A_21 : i32
      %add3A_23 = arith.constant 0 : i32
      %add3A_24 = arith.addi %mul3A_22, %add3A_23 : i32
      %mul3A_25 = arith.constant 32 : i32
      %mul3A_26 = arith.muli %add3A_24, %mul3A_25 : i32
      %dma_wait3A = tpu.memref_slice %arg5[%mul3A_26] : memref<512xi32, #tpu.memory_space<vmem>> -> memref<32xi32, #tpu.memory_space<vmem>>
      %dma_wait3A_27 = arith.constant 0 : i32
      %dma_wait3A_28 = arith.constant 0 : i32
      %dma_wait3A_29 = tpu.memref_slice %arg3[%dma_wait3A_27, %dma_wait3A_28] : memref<100000x1024xf32, #tpu.memory_space<hbm>> -> memref<100000x1024xf32, #tpu.memory_space<hbm>>
      tpu.wait_indirect_dma semaphore(%arg8 : memref<!tpu.dma_semaphore, #tpu.memory_space<semaphore_mem>>) src(%dma_wait3A_29 : memref<100000x1024xf32, #tpu.memory_space<hbm>>) dst(%arg6 : memref<32x1024xf32, #tpu.memory_space<vmem>>)
      %ge3A = arith.constant 1 : i32
      %ge3A_30 = arith.cmpi sge, %add3A_24, %ge3A : i32
      %convert_element_type3A = arith.extui %ge3A_30 : i1 to i32
      %cond3A = arith.constant 0 : i32
      %cond3A_31 = arith.cmpi ne, %convert_element_type3A, %cond3A : i32
      scf.if %cond3A_31 {
        %scan3A_72 = arith.constant 0 : i32
        %scan3A_73 = arith.constant 0 : i32
        %scan3A_74 = arith.constant 4 : i32
        %scan3A_75 = arith.addi %scan3A_73, %scan3A_74 : i32
        %scan3A_76 = arith.constant 1 : i32
        scf.for %scan3A_78 = %scan3A_73 to %scan3A_75 step %scan3A_76  : i32 {
          %sub3A = arith.constant 1 : i32
          %sub3A_79 = arith.subi %add3A_24, %sub3A : i32
          %mul3A_80 = arith.constant 8 : i32
          %mul3A_81 = arith.muli %scan3A_78, %mul3A_80 : i32
          %mul3A_82 = arith.constant 32 : i32
          %mul3A_83 = arith.muli %sub3A_79, %mul3A_82 : i32
          %add3A_84 = arith.addi %mul3A_2, %mul3A_83 : i32
          %mul3A_85 = arith.constant 8 : i32
          %mul3A_86 = arith.muli %scan3A_78, %mul3A_85 : i32
          %add3A_87 = arith.addi %add3A_84, %mul3A_86 : i32
          %dma_wait3A_88 = arith.constant 0 : i32
          %dma_wait3A_89 = tpu.memref_slice %arg7[%mul3A_81, %dma_wait3A_88] : memref<32x1024xf32, #tpu.memory_space<vmem>> -> memref<8x1024xf32, #tpu.memory_space<vmem>>
          %dma_wait3A_90 = arith.constant 0 : i32
          %dma_wait3A_91 = tpu.memref_slice %arg4[%add3A_87, %dma_wait3A_90] : memref<16384x1024xf32, #tpu.memory_space<hbm>> -> memref<8x1024xf32, #tpu.memory_space<hbm>>
          %dma_wait3A_92 = arith.constant 0 : i32
          %dma_wait3A_93 = tpu.memref_slice %arg4[%add3A_87, %dma_wait3A_92] : memref<16384x1024xf32, #tpu.memory_space<hbm>> -> memref<8x1024xf32, #tpu.memory_space<hbm>>
          %dma_wait3A_94 = arith.constant 0 : i32
          %dma_wait3A_95 = tpu.memref_slice %arg7[%mul3A_81, %dma_wait3A_94] : memref<32x1024xf32, #tpu.memory_space<vmem>> -> memref<8x1024xf32, #tpu.memory_space<vmem>>
          tpu.wait_dma2 semaphore(%arg11 : memref<!tpu.dma_semaphore, #tpu.memory_space<semaphore_mem>>) src(%dma_wait3A_95 : memref<8x1024xf32, #tpu.memory_space<vmem>>) dst(%dma_wait3A_93 : memref<8x1024xf32, #tpu.memory_space<hbm>>)
        }
        %scan3A_77 = arith.constant 4 : i32
      } else {
      }
      %add3A_32 = arith.constant 1 : i32
      %add3A_33 = arith.addi %add3A_24, %add3A_32 : i32
      %lt3A = arith.constant 16 : i32
      %lt3A_34 = arith.cmpi slt, %add3A_33, %lt3A : i32
      %convert_element_type3A_35 = arith.extui %lt3A_34 : i1 to i32
      %cond3A_36 = arith.constant 0 : i32
      %cond3A_37 = arith.cmpi ne, %convert_element_type3A_35, %cond3A_36 : i32
      scf.if %cond3A_37 {
        %add3A_72 = arith.constant 1 : i32
        %add3A_73 = arith.addi %add3A_24, %add3A_72 : i32
        %mul3A_74 = arith.constant 32 : i32
        %mul3A_75 = arith.muli %add3A_73, %mul3A_74 : i32
        %dma_start3A_76 = tpu.memref_slice %arg5[%mul3A_75] : memref<512xi32, #tpu.memory_space<vmem>> -> memref<32xi32, #tpu.memory_space<vmem>>
        %dma_start3A_77 = arith.constant 0 : i32
        %dma_start3A_78 = arith.constant 0 : i32
        %dma_start3A_79 = tpu.memref_slice %arg3[%dma_start3A_77, %dma_start3A_78] : memref<100000x1024xf32, #tpu.memory_space<hbm>> -> memref<100000x1024xf32, #tpu.memory_space<hbm>>
        tpu.enqueue_indirect_dma source(%dma_start3A_79 : memref<100000x1024xf32, #tpu.memory_space<hbm>>) target(%arg7 : memref<32x1024xf32, #tpu.memory_space<vmem>>) offsets(%dma_start3A_76 : memref<32xi32, #tpu.memory_space<vmem>>) semaphore(%arg9 : memref<!tpu.dma_semaphore, #tpu.memory_space<semaphore_mem>>)
      } else {
      }
      %scan3A_38 = arith.constant 0 : i32
      %scan3A_39 = arith.constant 0 : i32
      %scan3A_40 = arith.constant 4 : i32
      %scan3A_41 = arith.addi %scan3A_39, %scan3A_40 : i32
      %scan3A_42 = arith.constant 1 : i32
      scf.for %scan3A_72 = %scan3A_39 to %scan3A_41 step %scan3A_42  : i32 {
        %mul3A_73 = arith.constant 8 : i32
        %mul3A_74 = arith.muli %scan3A_72, %mul3A_73 : i32
        %add3A_75 = arith.constant 1 : i32
        %add3A_76 = arith.addi %scan3A_72, %add3A_75 : i32
        %mul3A_77 = arith.constant 8 : i32
        %mul3A_78 = arith.muli %add3A_76, %mul3A_77 : i32
        %while3A = arith.constant 0 : i32
        %while3A_79 = arith.subi %mul3A_78, %mul3A_74 : i32
        %while3A_80 = arith.addi %mul3A_74, %while3A_79 : i32
        %while3A_81 = arith.constant 1 : i32
        %while3A_82 = arith.divsi %while3A_79, %while3A_81 : i32
        %while3A_83 = arith.muli %while3A_82, %while3A_81 : i32
        %while3A_84 = arith.addi %mul3A_74, %while3A_83 : i32
        %while3A_85 = arith.constant 1 : i32
        scf.for %while3A_103 = %mul3A_74 to %while3A_84 step %while3A_85  : i32 {
          %get3A = arith.index_cast %while3A_103 : i32 to index
          %get3A_104 = arith.constant 0 : index
          %get3A_105 = tpu.vector_load %arg6[%get3A, %get3A_104] {strides = array<i32>} : memref<32x1024xf32, #tpu.memory_space<vmem>>, vector<1x16xf32>,
          %get3A_106 = vector.shape_cast %get3A_105 : vector<1x16xf32> to vector<16xf32>
          %mul3A_107 = arith.constant 3.200000e+01 : f32
          %mul3A_108 = vector.broadcast %mul3A_107 : f32 to vector<16xf32>
          %mul3A_109 = arith.mulf %get3A_106, %mul3A_108 : vector<16xf32>
          %swap3A = arith.index_cast %while3A_103 : i32 to index
          %swap3A_110 = arith.constant 0 : index
          %swap3A_111 = tpu.vector_load %arg6[%swap3A, %swap3A_110] {strides = array<i32>} : memref<32x1024xf32, #tpu.memory_space<vmem>>, vector<1x16xf32>,
          %swap3A_112 = vector.shape_cast %swap3A_111 : vector<1x16xf32> to vector<16xf32>
          %swap3A_113 = vector.shape_cast %mul3A_109 : vector<16xf32> to vector<1x16xf32>
          tpu.vector_store %arg6[%swap3A, %swap3A_110], %swap3A_113 {strides = array<i32>} : memref<32x1024xf32, #tpu.memory_space<vmem>>, vector<1x16xf32>,
          %get3A_114 = arith.index_cast %while3A_103 : i32 to index
          %get3A_115 = arith.constant 16 : index
          %get3A_116 = tpu.vector_load %arg6[%get3A_114, %get3A_115] {strides = array<i32>} : memref<32x1024xf32, #tpu.memory_space<vmem>>, vector<1x16xf32>,
          %get3A_117 = vector.shape_cast %get3A_116 : vector<1x16xf32> to vector<16xf32>
          %mul3A_118 = arith.constant 3.200000e+01 : f32
          %mul3A_119 = vector.broadcast %mul3A_118 : f32 to vector<16xf32>
          %mul3A_120 = arith.mulf %get3A_117, %mul3A_119 : vector<16xf32>
          %swap3A_121 = arith.index_cast %while3A_103 : i32 to index
          %swap3A_122 = arith.constant 16 : index
          %swap3A_123 = tpu.vector_load %arg6[%swap3A_121, %swap3A_122] {strides = array<i32>} : memref<32x1024xf32, #tpu.memory_space<vmem>>, vector<1x16xf32>,
          %swap3A_124 = vector.shape_cast %swap3A_123 : vector<1x16xf32> to vector<16xf32>
          %swap3A_125 = vector.shape_cast %mul3A_120 : vector<16xf32> to vector<1x16xf32>
          tpu.vector_store %arg6[%swap3A_121, %swap3A_122], %swap3A_125 {strides = array<i32>} : memref<32x1024xf32, #tpu.memory_space<vmem>>, vector<1x16xf32>,
          %get3A_126 = arith.index_cast %while3A_103 : i32 to index
          %get3A_127 = arith.constant 32 : index
          %get3A_128 = tpu.vector_load %arg6[%get3A_126, %get3A_127] {strides = array<i32>} : memref<32x1024xf32, #tpu.memory_space<vmem>>, vector<1x16xf32>,
          %get3A_129 = vector.shape_cast %get3A_128 : vector<1x16xf32> to vector<16xf32>
          %mul3A_130 = arith.constant 3.200000e+01 : f32
          %mul3A_131 = vector.broadcast %mul3A_130 : f32 to vector<16xf32>
          %mul3A_132 = arith.mulf %get3A_129, %mul3A_131 : vector<16xf32>
          %swap3A_133 = arith.index_cast %while3A_103 : i32 to index
          %swap3A_134 = arith.constant 32 : index
          %swap3A_135 = tpu.vector_load %arg6[%swap3A_133, %swap3A_134] {strides = array<i32>} : memref<32x1024xf32, #tpu.memory_space<vmem>>, vector<1x16xf32>,
          %swap3A_136 = vector.shape_cast %swap3A_135 : vector<1x16xf32> to vector<16xf32>
          %swap3A_137 = vector.shape_cast %mul3A_132 : vector<16xf32> to vector<1x16xf32>
          tpu.vector_store %arg6[%swap3A_133, %swap3A_134], %swap3A_137 {strides = array<i32>} : memref<32x1024xf32, #tpu.memory_space<vmem>>, vector<1x16xf32>,
          %get3A_138 = arith.index_cast %while3A_103 : i32 to index
          %get3A_139 = arith.constant 48 : index
          %get3A_140 = tpu.vector_load %arg6[%get3A_138, %get3A_139] {strides = array<i32>} : memref<32x1024xf32, #tpu.memory_space<vmem>>, vector<1x16xf32>,
          %get3A_141 = vector.shape_cast %get3A_140 : vector<1x16xf32> to vector<16xf32>
          %mul3A_142 = arith.constant 3.200000e+01 : f32
          %mul3A_143 = vector.broadcast %mul3A_142 : f32 to vector<16xf32>
          %mul3A_144 = arith.mulf %get3A_141, %mul3A_143 : vector<16xf32>
          %swap3A_145 = arith.index_cast %while3A_103 : i32 to index
          %swap3A_146 = arith.constant 48 : index
          %swap3A_147 = tpu.vector_load %arg6[%swap3A_145, %swap3A_146] {strides = array<i32>} : memref<32x1024xf32, #tpu.memory_space<vmem>>, vector<1x16xf32>,
          %swap3A_148 = vector.shape_cast %swap3A_147 : vector<1x16xf32> to vector<16xf32>
          %swap3A_149 = vector.shape_cast %mul3A_144 : vector<16xf32> to vector<1x16xf32>
          tpu.vector_store %arg6[%swap3A_145, %swap3A_146], %swap3A_149 {strides = array<i32>} : memref<32x1024xf32, #tpu.memory_space<vmem>>, vector<1x16xf32>,
          %get3A_150 = arith.index_cast %while3A_103 : i32 to index
          %get3A_151 = arith.constant 64 : index
          %get3A_152 = tpu.vector_load %arg6[%get3A_150, %get3A_151] {strides = array<i32>} : memref<32x1024xf32, #tpu.memory_space<vmem>>, vector<1x16xf32>,
          %get3A_153 = vector.shape_cast %get3A_152 : vector<1x16xf32> to vector<16xf32>
          %mul3A_154 = arith.constant 3.200000e+01 : f32
          %mul3A_155 = vector.broadcast %mul3A_154 : f32 to vector<16xf32>
          %mul3A_156 = arith.mulf %get3A_153, %mul3A_155 : vector<16xf32>
          %swap3A_157 = arith.index_cast %while3A_103 : i32 to index
          %swap3A_158 = arith.constant 64 : index
          %swap3A_159 = tpu.vector_load %arg6[%swap3A_157, %swap3A_158] {strides = array<i32>} : memref<32x1024xf32, #tpu.memory_space<vmem>>, vector<1x16xf32>,
          %swap3A_160 = vector.shape_cast %swap3A_159 : vector<1x16xf32> to vector<16xf32>
          %swap3A_161 = vector.shape_cast %mul3A_156 : vector<16xf32> to vector<1x16xf32>
          tpu.vector_store %arg6[%swap3A_157, %swap3A_158], %swap3A_161 {strides = array<i32>} : memref<32x1024xf32, #tpu.memory_space<vmem>>, vector<1x16xf32>,
          %get3A_162 = arith.index_cast %while3A_103 : i32 to index
          %get3A_163 = arith.constant 80 : index
          %get3A_164 = tpu.vector_load %arg6[%get3A_162, %get3A_163] {strides = array<i32>} : memref<32x1024xf32, #tpu.memory_space<vmem>>, vector<1x16xf32>,
          %get3A_165 = vector.shape_cast %get3A_164 : vector<1x16xf32> to vector<16xf32>
          %mul3A_166 = arith.constant 3.200000e+01 : f32
          %mul3A_167 = vector.broadcast %mul3A_166 : f32 to vector<16xf32>
          %mul3A_168 = arith.mulf %get3A_165, %mul3A_167 : vector<16xf32>
          %swap3A_169 = arith.index_cast %while3A_103 : i32 to index
          %swap3A_170 = arith.constant 80 : index
          %swap3A_171 = tpu.vector_load %arg6[%swap3A_169, %swap3A_170] {strides = array<i32>} : memref<32x1024xf32, #tpu.memory_space<vmem>>, vector<1x16xf32>,
          %swap3A_172 = vector.shape_cast %swap3A_171 : vector<1x16xf32> to vector<16xf32>
          %swap3A_173 = vector.shape_cast %mul3A_168 : vector<16xf32> to vector<1x16xf32>
          tpu.vector_store %arg6[%swap3A_169, %swap3A_170], %swap3A_173 {strides = array<i32>} : memref<32x1024xf32, #tpu.memory_space<vmem>>, vector<1x16xf32>,
          %get3A_174 = arith.index_cast %while3A_103 : i32 to index
          %get3A_175 = arith.constant 96 : index
          %get3A_176 = tpu.vector_load %arg6[%get3A_174, %get3A_175] {strides = array<i32>} : memref<32x1024xf32, #tpu.memory_space<vmem>>, vector<1x16xf32>,
          %get3A_177 = vector.shape_cast %get3A_176 : vector<1x16xf32> to vector<16xf32>
          %mul3A_178 = arith.constant 3.200000e+01 : f32
          %mul3A_179 = vector.broadcast %mul3A_178 : f32 to vector<16xf32>
          %mul3A_180 = arith.mulf %get3A_177, %mul3A_179 : vector<16xf32>
          %swap3A_181 = arith.index_cast %while3A_103 : i32 to index
          %swap3A_182 = arith.constant 96 : index
          %swap3A_183 = tpu.vector_load %arg6[%swap3A_181, %swap3A_182] {strides = array<i32>} : memref<32x1024xf32, #tpu.memory_space<vmem>>, vector<1x16xf32>,
          %swap3A_184 = vector.shape_cast %swap3A_183 : vector<1x16xf32> to vector<16xf32>
          %swap3A_185 = vector.shape_cast %mul3A_180 : vector<16xf32> to vector<1x16xf32>
          tpu.vector_store %arg6[%swap3A_181, %swap3A_182], %swap3A_185 {strides = array<i32>} : memref<32x1024xf32, #tpu.memory_space<vmem>>, vector<1x16xf32>,
          %get3A_186 = arith.index_cast %while3A_103 : i32 to index
          %get3A_187 = arith.constant 112 : index
          %get3A_188 = tpu.vector_load %arg6[%get3A_186, %get3A_187] {strides = array<i32>} : memref<32x1024xf32, #tpu.memory_space<vmem>>, vector<1x16xf32>,
          %get3A_189 = vector.shape_cast %get3A_188 : vector<1x16xf32> to vector<16xf32>
          %mul3A_190 = arith.constant 3.200000e+01 : f32
          %mul3A_191 = vector.broadcast %mul3A_190 : f32 to vector<16xf32>
          %mul3A_192 = arith.mulf %get3A_189, %mul3A_191 : vector<16xf32>
          %swap3A_193 = arith.index_cast %while3A_103 : i32 to index
          %swap3A_194 = arith.constant 112 : index
          %swap3A_195 = tpu.vector_load %arg6[%swap3A_193, %swap3A_194] {strides = array<i32>} : memref<32x1024xf32, #tpu.memory_space<vmem>>, vector<1x16xf32>,
          %swap3A_196 = vector.shape_cast %swap3A_195 : vector<1x16xf32> to vector<16xf32>
          %swap3A_197 = vector.shape_cast %mul3A_192 : vector<16xf32> to vector<1x16xf32>
          tpu.vector_store %arg6[%swap3A_193, %swap3A_194], %swap3A_197 {strides = array<i32>} : memref<32x1024xf32, #tpu.memory_space<vmem>>, vector<1x16xf32>,
          %get3A_198 = arith.index_cast %while3A_103 : i32 to index
          %get3A_199 = arith.constant 128 : index
          %get3A_200 = tpu.vector_load %arg6[%get3A_198, %get3A_199] {strides = array<i32>} : memref<32x1024xf32, #tpu.memory_space<vmem>>, vector<1x16xf32>,
          %get3A_201 = vector.shape_cast %get3A_200 : vector<1x16xf32> to vector<16xf32>
          %mul3A_202 = arith.constant 3.200000e+01 : f32
          %mul3A_203 = vector.broadcast %mul3A_202 : f32 to vector<16xf32>
          %mul3A_204 = arith.mulf %get3A_201, %mul3A_203 : vector<16xf32>
          %swap3A_205 = arith.index_cast %while3A_103 : i32 to index
          %swap3A_206 = arith.constant 128 : index
          %swap3A_207 = tpu.vector_load %arg6[%swap3A_205, %swap3A_206] {strides = array<i32>} : memref<32x1024xf32, #tpu.memory_space<vmem>>, vector<1x16xf32>,
          %swap3A_208 = vector.shape_cast %swap3A_207 : vector<1x16xf32> to vector<16xf32>
          %swap3A_209 = vector.shape_cast %mul3A_204 : vector<16xf32> to vector<1x16xf32>
          tpu.vector_store %arg6[%swap3A_205, %swap3A_206], %swap3A_209 {strides = array<i32>} : memref<32x1024xf32, #tpu.memory_space<vmem>>, vector<1x16xf32>,
          %get3A_210 = arith.index_cast %while3A_103 : i32 to index
          %get3A_211 = arith.constant 144 : index
          %get3A_212 = tpu.vector_load %arg6[%get3A_210, %get3A_211] {strides = array<i32>} : memref<32x1024xf32, #tpu.memory_space<vmem>>, vector<1x16xf32>,
          %get3A_213 = vector.shape_cast %get3A_212 : vector<1x16xf32> to vector<16xf32>
          %mul3A_214 = arith.constant 3.200000e+01 : f32
          %mul3A_215 = vector.broadcast %mul3A_214 : f32 to vector<16xf32>
          %mul3A_216 = arith.mulf %get3A_213, %mul3A_215 : vector<16xf32>
          %swap3A_217 = arith.index_cast %while3A_103 : i32 to index
          %swap3A_218 = arith.constant 144 : index
          %swap3A_219 = tpu.vector_load %arg6[%swap3A_217, %swap3A_218] {strides = array<i32>} : memref<32x1024xf32, #tpu.memory_space<vmem>>, vector<1x16xf32>,
          %swap3A_220 = vector.shape_cast %swap3A_219 : vector<1x16xf32> to vector<16xf32>
          %swap3A_221 = vector.shape_cast %mul3A_216 : vector<16xf32> to vector<1x16xf32>
          tpu.vector_store %arg6[%swap3A_217, %swap3A_218], %swap3A_221 {strides = array<i32>} : memref<32x1024xf32, #tpu.memory_space<vmem>>, vector<1x16xf32>,
          %get3A_222 = arith.index_cast %while3A_103 : i32 to index
          %get3A_223 = arith.constant 160 : index
          %get3A_224 = tpu.vector_load %arg6[%get3A_222, %get3A_223] {strides = array<i32>} : memref<32x1024xf32, #tpu.memory_space<vmem>>, vector<1x16xf32>,
          %get3A_225 = vector.shape_cast %get3A_224 : vector<1x16xf32> to vector<16xf32>
          %mul3A_226 = arith.constant 3.200000e+01 : f32
          %mul3A_227 = vector.broadcast %mul3A_226 : f32 to vector<16xf32>
          %mul3A_228 = arith.mulf %get3A_225, %mul3A_227 : vector<16xf32>
          %swap3A_229 = arith.index_cast %while3A_103 : i32 to index
          %swap3A_230 = arith.constant 160 : index
          %swap3A_231 = tpu.vector_load %arg6[%swap3A_229, %swap3A_230] {strides = array<i32>} : memref<32x1024xf32, #tpu.memory_space<vmem>>, vector<1x16xf32>,
          %swap3A_232 = vector.shape_cast %swap3A_231 : vector<1x16xf32> to vector<16xf32>
          %swap3A_233 = vector.shape_cast %mul3A_228 : vector<16xf32> to vector<1x16xf32>
          tpu.vector_store %arg6[%swap3A_229, %swap3A_230], %swap3A_233 {strides = array<i32>} : memref<32x1024xf32, #tpu.memory_space<vmem>>, vector<1x16xf32>,
          %get3A_234 = arith.index_cast %while3A_103 : i32 to index
          %get3A_235 = arith.constant 176 : index
          %get3A_236 = tpu.vector_load %arg6[%get3A_234, %get3A_235] {strides = array<i32>} : memref<32x1024xf32, #tpu.memory_space<vmem>>, vector<1x16xf32>,
          %get3A_237 = vector.shape_cast %get3A_236 : vector<1x16xf32> to vector<16xf32>
          %mul3A_238 = arith.constant 3.200000e+01 : f32
          %mul3A_239 = vector.broadcast %mul3A_238 : f32 to vector<16xf32>
          %mul3A_240 = arith.mulf %get3A_237, %mul3A_239 : vector<16xf32>
          %swap3A_241 = arith.index_cast %while3A_103 : i32 to index
          %swap3A_242 = arith.constant 176 : index
          %swap3A_243 = tpu.vector_load %arg6[%swap3A_241, %swap3A_242] {strides = array<i32>} : memref<32x1024xf32, #tpu.memory_space<vmem>>, vector<1x16xf32>,
          %swap3A_244 = vector.shape_cast %swap3A_243 : vector<1x16xf32> to vector<16xf32>
          %swap3A_245 = vector.shape_cast %mul3A_240 : vector<16xf32> to vector<1x16xf32>
          tpu.vector_store %arg6[%swap3A_241, %swap3A_242], %swap3A_245 {strides = array<i32>} : memref<32x1024xf32, #tpu.memory_space<vmem>>, vector<1x16xf32>,
          %get3A_246 = arith.index_cast %while3A_103 : i32 to index
          %get3A_247 = arith.constant 192 : index
          %get3A_248 = tpu.vector_load %arg6[%get3A_246, %get3A_247] {strides = array<i32>} : memref<32x1024xf32, #tpu.memory_space<vmem>>, vector<1x16xf32>,
          %get3A_249 = vector.shape_cast %get3A_248 : vector<1x16xf32> to vector<16xf32>
          %mul3A_250 = arith.constant 3.200000e+01 : f32
          %mul3A_251 = vector.broadcast %mul3A_250 : f32 to vector<16xf32>
          %mul3A_252 = arith.mulf %get3A_249, %mul3A_251 : vector<16xf32>
          %swap3A_253 = arith.index_cast %while3A_103 : i32 to index
          %swap3A_254 = arith.constant 192 : index
          %swap3A_255 = tpu.vector_load %arg6[%swap3A_253, %swap3A_254] {strides = array<i32>} : memref<32x1024xf32, #tpu.memory_space<vmem>>, vector<1x16xf32>,
          %swap3A_256 = vector.shape_cast %swap3A_255 : vector<1x16xf32> to vector<16xf32>
          %swap3A_257 = vector.shape_cast %mul3A_252 : vector<16xf32> to vector<1x16xf32>
          tpu.vector_store %arg6[%swap3A_253, %swap3A_254], %swap3A_257 {strides = array<i32>} : memref<32x1024xf32, #tpu.memory_space<vmem>>, vector<1x16xf32>,
          %get3A_258 = arith.index_cast %while3A_103 : i32 to index
          %get3A_259 = arith.constant 208 : index
          %get3A_260 = tpu.vector_load %arg6[%get3A_258, %get3A_259] {strides = array<i32>} : memref<32x1024xf32, #tpu.memory_space<vmem>>, vector<1x16xf32>,
          %get3A_261 = vector.shape_cast %get3A_260 : vector<1x16xf32> to vector<16xf32>
          %mul3A_262 = arith.constant 3.200000e+01 : f32
          %mul3A_263 = vector.broadcast %mul3A_262 : f32 to vector<16xf32>
          %mul3A_264 = arith.mulf %get3A_261, %mul3A_263 : vector<16xf32>
          %swap3A_265 = arith.index_cast %while3A_103 : i32 to index
          %swap3A_266 = arith.constant 208 : index
          %swap3A_267 = tpu.vector_load %arg6[%swap3A_265, %swap3A_266] {strides = array<i32>} : memref<32x1024xf32, #tpu.memory_space<vmem>>, vector<1x16xf32>,
          %swap3A_268 = vector.shape_cast %swap3A_267 : vector<1x16xf32> to vector<16xf32>
          %swap3A_269 = vector.shape_cast %mul3A_264 : vector<16xf32> to vector<1x16xf32>
          tpu.vector_store %arg6[%swap3A_265, %swap3A_266], %swap3A_269 {strides = array<i32>} : memref<32x1024xf32, #tpu.memory_space<vmem>>, vector<1x16xf32>,
          %get3A_270 = arith.index_cast %while3A_103 : i32 to index
          %get3A_271 = arith.constant 224 : index
          %get3A_272 = tpu.vector_load %arg6[%get3A_270, %get3A_271] {strides = array<i32>} : memref<32x1024xf32, #tpu.memory_space<vmem>>, vector<1x16xf32>,
          %get3A_273 = vector.shape_cast %get3A_272 : vector<1x16xf32> to vector<16xf32>
          %mul3A_274 = arith.constant 3.200000e+01 : f32
          %mul3A_275 = vector.broadcast %mul3A_274 : f32 to vector<16xf32>
          %mul3A_276 = arith.mulf %get3A_273, %mul3A_275 : vector<16xf32>
          %swap3A_277 = arith.index_cast %while3A_103 : i32 to index
          %swap3A_278 = arith.constant 224 : index
          %swap3A_279 = tpu.vector_load %arg6[%swap3A_277, %swap3A_278] {strides = array<i32>} : memref<32x1024xf32, #tpu.memory_space<vmem>>, vector<1x16xf32>,
          %swap3A_280 = vector.shape_cast %swap3A_279 : vector<1x16xf32> to vector<16xf32>
          %swap3A_281 = vector.shape_cast %mul3A_276 : vector<16xf32> to vector<1x16xf32>
          tpu.vector_store %arg6[%swap3A_277, %swap3A_278], %swap3A_281 {strides = array<i32>} : memref<32x1024xf32, #tpu.memory_space<vmem>>, vector<1x16xf32>,
          %get3A_282 = arith.index_cast %while3A_103 : i32 to index
          %get3A_283 = arith.constant 240 : index
          %get3A_284 = tpu.vector_load %arg6[%get3A_282, %get3A_283] {strides = array<i32>} : memref<32x1024xf32, #tpu.memory_space<vmem>>, vector<1x16xf32>,
          %get3A_285 = vector.shape_cast %get3A_284 : vector<1x16xf32> to vector<16xf32>
          %mul3A_286 = arith.constant 3.200000e+01 : f32
          %mul3A_287 = vector.broadcast %mul3A_286 : f32 to vector<16xf32>
          %mul3A_288 = arith.mulf %get3A_285, %mul3A_287 : vector<16xf32>
          %swap3A_289 = arith.index_cast %while3A_103 : i32 to index
          %swap3A_290 = arith.constant 240 : index
          %swap3A_291 = tpu.vector_load %arg6[%swap3A_289, %swap3A_290] {strides = array<i32>} : memref<32x1024xf32, #tpu.memory_space<vmem>>, vector<1x16xf32>,
          %swap3A_292 = vector.shape_cast %swap3A_291 : vector<1x16xf32> to vector<16xf32>
          %swap3A_293 = vector.shape_cast %mul3A_288 : vector<16xf32> to vector<1x16xf32>
          tpu.vector_store %arg6[%swap3A_289, %swap3A_290], %swap3A_293 {strides = array<i32>} : memref<32x1024xf32, #tpu.memory_space<vmem>>, vector<1x16xf32>,
          %get3A_294 = arith.index_cast %while3A_103 : i32 to index
          %get3A_295 = arith.constant 256 : index
          %get3A_296 = tpu.vector_load %arg6[%get3A_294, %get3A_295] {strides = array<i32>} : memref<32x1024xf32, #tpu.memory_space<vmem>>, vector<1x16xf32>,
          %get3A_297 = vector.shape_cast %get3A_296 : vector<1x16xf32> to vector<16xf32>
          %mul3A_298 = arith.constant 3.200000e+01 : f32
          %mul3A_299 = vector.broadcast %mul3A_298 : f32 to vector<16xf32>
          %mul3A_300 = arith.mulf %get3A_297, %mul3A_299 : vector<16xf32>
          %swap3A_301 = arith.index_cast %while3A_103 : i32 to index
          %swap3A_302 = arith.constant 256 : index
          %swap3A_303 = tpu.vector_load %arg6[%swap3A_301, %swap3A_302] {strides = array<i32>} : memref<32x1024xf32, #tpu.memory_space<vmem>>, vector<1x16xf32>,
          %swap3A_304 = vector.shape_cast %swap3A_303 : vector<1x16xf32> to vector<16xf32>
          %swap3A_305 = vector.shape_cast %mul3A_300 : vector<16xf32> to vector<1x16xf32>
          tpu.vector_store %arg6[%swap3A_301, %swap3A_302], %swap3A_305 {strides = array<i32>} : memref<32x1024xf32, #tpu.memory_space<vmem>>, vector<1x16xf32>,
          %get3A_306 = arith.index_cast %while3A_103 : i32 to index
          %get3A_307 = arith.constant 272 : index
          %get3A_308 = tpu.vector_load %arg6[%get3A_306, %get3A_307] {strides = array<i32>} : memref<32x1024xf32, #tpu.memory_space<vmem>>, vector<1x16xf32>,
          %get3A_309 = vector.shape_cast %get3A_308 : vector<1x16xf32> to vector<16xf32>
          %mul3A_310 = arith.constant 3.200000e+01 : f32
          %mul3A_311 = vector.broadcast %mul3A_310 : f32 to vector<16xf32>
          %mul3A_312 = arith.mulf %get3A_309, %mul3A_311 : vector<16xf32>
          %swap3A_313 = arith.index_cast %while3A_103 : i32 to index
          %swap3A_314 = arith.constant 272 : index
          %swap3A_315 = tpu.vector_load %arg6[%swap3A_313, %swap3A_314] {strides = array<i32>} : memref<32x1024xf32, #tpu.memory_space<vmem>>, vector<1x16xf32>,
          %swap3A_316 = vector.shape_cast %swap3A_315 : vector<1x16xf32> to vector<16xf32>
          %swap3A_317 = vector.shape_cast %mul3A_312 : vector<16xf32> to vector<1x16xf32>
          tpu.vector_store %arg6[%swap3A_313, %swap3A_314], %swap3A_317 {strides = array<i32>} : memref<32x1024xf32, #tpu.memory_space<vmem>>, vector<1x16xf32>,
          %get3A_318 = arith.index_cast %while3A_103 : i32 to index
          %get3A_319 = arith.constant 288 : index
          %get3A_320 = tpu.vector_load %arg6[%get3A_318, %get3A_319] {strides = array<i32>} : memref<32x1024xf32, #tpu.memory_space<vmem>>, vector<1x16xf32>,
          %get3A_321 = vector.shape_cast %get3A_320 : vector<1x16xf32> to vector<16xf32>
          %mul3A_322 = arith.constant 3.200000e+01 : f32
          %mul3A_323 = vector.broadcast %mul3A_322 : f32 to vector<16xf32>
          %mul3A_324 = arith.mulf %get3A_321, %mul3A_323 : vector<16xf32>
          %swap3A_325 = arith.index_cast %while3A_103 : i32 to index
          %swap3A_326 = arith.constant 288 : index
          %swap3A_327 = tpu.vector_load %arg6[%swap3A_325, %swap3A_326] {strides = array<i32>} : memref<32x1024xf32, #tpu.memory_space<vmem>>, vector<1x16xf32>,
          %swap3A_328 = vector.shape_cast %swap3A_327 : vector<1x16xf32> to vector<16xf32>
          %swap3A_329 = vector.shape_cast %mul3A_324 : vector<16xf32> to vector<1x16xf32>
          tpu.vector_store %arg6[%swap3A_325, %swap3A_326], %swap3A_329 {strides = array<i32>} : memref<32x1024xf32, #tpu.memory_space<vmem>>, vector<1x16xf32>,
          %get3A_330 = arith.index_cast %while3A_103 : i32 to index
          %get3A_331 = arith.constant 304 : index
          %get3A_332 = tpu.vector_load %arg6[%get3A_330, %get3A_331] {strides = array<i32>} : memref<32x1024xf32, #tpu.memory_space<vmem>>, vector<1x16xf32>,
          %get3A_333 = vector.shape_cast %get3A_332 : vector<1x16xf32> to vector<16xf32>
          %mul3A_334 = arith.constant 3.200000e+01 : f32
          %mul3A_335 = vector.broadcast %mul3A_334 : f32 to vector<16xf32>
          %mul3A_336 = arith.mulf %get3A_333, %mul3A_335 : vector<16xf32>
          %swap3A_337 = arith.index_cast %while3A_103 : i32 to index
          %swap3A_338 = arith.constant 304 : index
          %swap3A_339 = tpu.vector_load %arg6[%swap3A_337, %swap3A_338] {strides = array<i32>} : memref<32x1024xf32, #tpu.memory_space<vmem>>, vector<1x16xf32>,
          %swap3A_340 = vector.shape_cast %swap3A_339 : vector<1x16xf32> to vector<16xf32>
          %swap3A_341 = vector.shape_cast %mul3A_336 : vector<16xf32> to vector<1x16xf32>
          tpu.vector_store %arg6[%swap3A_337, %swap3A_338], %swap3A_341 {strides = array<i32>} : memref<32x1024xf32, #tpu.memory_space<vmem>>, vector<1x16xf32>,
          %get3A_342 = arith.index_cast %while3A_103 : i32 to index
          %get3A_343 = arith.constant 320 : index
          %get3A_344 = tpu.vector_load %arg6[%get3A_342, %get3A_343] {strides = array<i32>} : memref<32x1024xf32, #tpu.memory_space<vmem>>, vector<1x16xf32>,
          %get3A_345 = vector.shape_cast %get3A_344 : vector<1x16xf32> to vector<16xf32>
          %mul3A_346 = arith.constant 3.200000e+01 : f32
          %mul3A_347 = vector.broadcast %mul3A_346 : f32 to vector<16xf32>
          %mul3A_348 = arith.mulf %get3A_345, %mul3A_347 : vector<16xf32>
          %swap3A_349 = arith.index_cast %while3A_103 : i32 to index
          %swap3A_350 = arith.constant 320 : index
          %swap3A_351 = tpu.vector_load %arg6[%swap3A_349, %swap3A_350] {strides = array<i32>} : memref<32x1024xf32, #tpu.memory_space<vmem>>, vector<1x16xf32>,
          %swap3A_352 = vector.shape_cast %swap3A_351 : vector<1x16xf32> to vector<16xf32>
          %swap3A_353 = vector.shape_cast %mul3A_348 : vector<16xf32> to vector<1x16xf32>
          tpu.vector_store %arg6[%swap3A_349, %swap3A_350], %swap3A_353 {strides = array<i32>} : memref<32x1024xf32, #tpu.memory_space<vmem>>, vector<1x16xf32>,
          %get3A_354 = arith.index_cast %while3A_103 : i32 to index
          %get3A_355 = arith.constant 336 : index
          %get3A_356 = tpu.vector_load %arg6[%get3A_354, %get3A_355] {strides = array<i32>} : memref<32x1024xf32, #tpu.memory_space<vmem>>, vector<1x16xf32>,
          %get3A_357 = vector.shape_cast %get3A_356 : vector<1x16xf32> to vector<16xf32>
          %mul3A_358 = arith.constant 3.200000e+01 : f32
          %mul3A_359 = vector.broadcast %mul3A_358 : f32 to vector<16xf32>
          %mul3A_360 = arith.mulf %get3A_357, %mul3A_359 : vector<16xf32>
          %swap3A_361 = arith.index_cast %while3A_103 : i32 to index
          %swap3A_362 = arith.constant 336 : index
          %swap3A_363 = tpu.vector_load %arg6[%swap3A_361, %swap3A_362] {strides = array<i32>} : memref<32x1024xf32, #tpu.memory_space<vmem>>, vector<1x16xf32>,
          %swap3A_364 = vector.shape_cast %swap3A_363 : vector<1x16xf32> to vector<16xf32>
          %swap3A_365 = vector.shape_cast %mul3A_360 : vector<16xf32> to vector<1x16xf32>
          tpu.vector_store %arg6[%swap3A_361, %swap3A_362], %swap3A_365 {strides = array<i32>} : memref<32x1024xf32, #tpu.memory_space<vmem>>, vector<1x16xf32>,
          %get3A_366 = arith.index_cast %while3A_103 : i32 to index
          %get3A_367 = arith.constant 352 : index
          %get3A_368 = tpu.vector_load %arg6[%get3A_366, %get3A_367] {strides = array<i32>} : memref<32x1024xf32, #tpu.memory_space<vmem>>, vector<1x16xf32>,
          %get3A_369 = vector.shape_cast %get3A_368 : vector<1x16xf32> to vector<16xf32>
          %mul3A_370 = arith.constant 3.200000e+01 : f32
          %mul3A_371 = vector.broadcast %mul3A_370 : f32 to vector<16xf32>
          %mul3A_372 = arith.mulf %get3A_369, %mul3A_371 : vector<16xf32>
          %swap3A_373 = arith.index_cast %while3A_103 : i32 to index
          %swap3A_374 = arith.constant 352 : index
          %swap3A_375 = tpu.vector_load %arg6[%swap3A_373, %swap3A_374] {strides = array<i32>} : memref<32x1024xf32, #tpu.memory_space<vmem>>, vector<1x16xf32>,
          %swap3A_376 = vector.shape_cast %swap3A_375 : vector<1x16xf32> to vector<16xf32>
          %swap3A_377 = vector.shape_cast %mul3A_372 : vector<16xf32> to vector<1x16xf32>
          tpu.vector_store %arg6[%swap3A_373, %swap3A_374], %swap3A_377 {strides = array<i32>} : memref<32x1024xf32, #tpu.memory_space<vmem>>, vector<1x16xf32>,
          %get3A_378 = arith.index_cast %while3A_103 : i32 to index
          %get3A_379 = arith.constant 368 : index
          %get3A_380 = tpu.vector_load %arg6[%get3A_378, %get3A_379] {strides = array<i32>} : memref<32x1024xf32, #tpu.memory_space<vmem>>, vector<1x16xf32>,
          %get3A_381 = vector.shape_cast %get3A_380 : vector<1x16xf32> to vector<16xf32>
          %mul3A_382 = arith.constant 3.200000e+01 : f32
          %mul3A_383 = vector.broadcast %mul3A_382 : f32 to vector<16xf32>
          %mul3A_384 = arith.mulf %get3A_381, %mul3A_383 : vector<16xf32>
          %swap3A_385 = arith.index_cast %while3A_103 : i32 to index
          %swap3A_386 = arith.constant 368 : index
          %swap3A_387 = tpu.vector_load %arg6[%swap3A_385, %swap3A_386] {strides = array<i32>} : memref<32x1024xf32, #tpu.memory_space<vmem>>, vector<1x16xf32>,
          %swap3A_388 = vector.shape_cast %swap3A_387 : vector<1x16xf32> to vector<16xf32>
          %swap3A_389 = vector.shape_cast %mul3A_384 : vector<16xf32> to vector<1x16xf32>
          tpu.vector_store %arg6[%swap3A_385, %swap3A_386], %swap3A_389 {strides = array<i32>} : memref<32x1024xf32, #tpu.memory_space<vmem>>, vector<1x16xf32>,
          %get3A_390 = arith.index_cast %while3A_103 : i32 to index
          %get3A_391 = arith.constant 384 : index
          %get3A_392 = tpu.vector_load %arg6[%get3A_390, %get3A_391] {strides = array<i32>} : memref<32x1024xf32, #tpu.memory_space<vmem>>, vector<1x16xf32>,
          %get3A_393 = vector.shape_cast %get3A_392 : vector<1x16xf32> to vector<16xf32>
          %mul3A_394 = arith.constant 3.200000e+01 : f32
          %mul3A_395 = vector.broadcast %mul3A_394 : f32 to vector<16xf32>
          %mul3A_396 = arith.mulf %get3A_393, %mul3A_395 : vector<16xf32>
          %swap3A_397 = arith.index_cast %while3A_103 : i32 to index
          %swap3A_398 = arith.constant 384 : index
          %swap3A_399 = tpu.vector_load %arg6[%swap3A_397, %swap3A_398] {strides = array<i32>} : memref<32x1024xf32, #tpu.memory_space<vmem>>, vector<1x16xf32>,
          %swap3A_400 = vector.shape_cast %swap3A_399 : vector<1x16xf32> to vector<16xf32>
          %swap3A_401 = vector.shape_cast %mul3A_396 : vector<16xf32> to vector<1x16xf32>
          tpu.vector_store %arg6[%swap3A_397, %swap3A_398], %swap3A_401 {strides = array<i32>} : memref<32x1024xf32, #tpu.memory_space<vmem>>, vector<1x16xf32>,
          %get3A_402 = arith.index_cast %while3A_103 : i32 to index
          %get3A_403 = arith.constant 400 : index
          %get3A_404 = tpu.vector_load %arg6[%get3A_402, %get3A_403] {strides = array<i32>} : memref<32x1024xf32, #tpu.memory_space<vmem>>, vector<1x16xf32>,
          %get3A_405 = vector.shape_cast %get3A_404 : vector<1x16xf32> to vector<16xf32>
          %mul3A_406 = arith.constant 3.200000e+01 : f32
          %mul3A_407 = vector.broadcast %mul3A_406 : f32 to vector<16xf32>
          %mul3A_408 = arith.mulf %get3A_405, %mul3A_407 : vector<16xf32>
          %swap3A_409 = arith.index_cast %while3A_103 : i32 to index
          %swap3A_410 = arith.constant 400 : index
          %swap3A_411 = tpu.vector_load %arg6[%swap3A_409, %swap3A_410] {strides = array<i32>} : memref<32x1024xf32, #tpu.memory_space<vmem>>, vector<1x16xf32>,
          %swap3A_412 = vector.shape_cast %swap3A_411 : vector<1x16xf32> to vector<16xf32>
          %swap3A_413 = vector.shape_cast %mul3A_408 : vector<16xf32> to vector<1x16xf32>
          tpu.vector_store %arg6[%swap3A_409, %swap3A_410], %swap3A_413 {strides = array<i32>} : memref<32x1024xf32, #tpu.memory_space<vmem>>, vector<1x16xf32>,
          %get3A_414 = arith.index_cast %while3A_103 : i32 to index
          %get3A_415 = arith.constant 416 : index
          %get3A_416 = tpu.vector_load %arg6[%get3A_414, %get3A_415] {strides = array<i32>} : memref<32x1024xf32, #tpu.memory_space<vmem>>, vector<1x16xf32>,
          %get3A_417 = vector.shape_cast %get3A_416 : vector<1x16xf32> to vector<16xf32>
          %mul3A_418 = arith.constant 3.200000e+01 : f32
          %mul3A_419 = vector.broadcast %mul3A_418 : f32 to vector<16xf32>
          %mul3A_420 = arith.mulf %get3A_417, %mul3A_419 : vector<16xf32>
          %swap3A_421 = arith.index_cast %while3A_103 : i32 to index
          %swap3A_422 = arith.constant 416 : index
          %swap3A_423 = tpu.vector_load %arg6[%swap3A_421, %swap3A_422] {strides = array<i32>} : memref<32x1024xf32, #tpu.memory_space<vmem>>, vector<1x16xf32>,
          %swap3A_424 = vector.shape_cast %swap3A_423 : vector<1x16xf32> to vector<16xf32>
          %swap3A_425 = vector.shape_cast %mul3A_420 : vector<16xf32> to vector<1x16xf32>
          tpu.vector_store %arg6[%swap3A_421, %swap3A_422], %swap3A_425 {strides = array<i32>} : memref<32x1024xf32, #tpu.memory_space<vmem>>, vector<1x16xf32>,
          %get3A_426 = arith.index_cast %while3A_103 : i32 to index
          %get3A_427 = arith.constant 432 : index
          %get3A_428 = tpu.vector_load %arg6[%get3A_426, %get3A_427] {strides = array<i32>} : memref<32x1024xf32, #tpu.memory_space<vmem>>, vector<1x16xf32>,
          %get3A_429 = vector.shape_cast %get3A_428 : vector<1x16xf32> to vector<16xf32>
          %mul3A_430 = arith.constant 3.200000e+01 : f32
          %mul3A_431 = vector.broadcast %mul3A_430 : f32 to vector<16xf32>
          %mul3A_432 = arith.mulf %get3A_429, %mul3A_431 : vector<16xf32>
          %swap3A_433 = arith.index_cast %while3A_103 : i32 to index
          %swap3A_434 = arith.constant 432 : index
          %swap3A_435 = tpu.vector_load %arg6[%swap3A_433, %swap3A_434] {strides = array<i32>} : memref<32x1024xf32, #tpu.memory_space<vmem>>, vector<1x16xf32>,
          %swap3A_436 = vector.shape_cast %swap3A_435 : vector<1x16xf32> to vector<16xf32>
          %swap3A_437 = vector.shape_cast %mul3A_432 : vector<16xf32> to vector<1x16xf32>
          tpu.vector_store %arg6[%swap3A_433, %swap3A_434], %swap3A_437 {strides = array<i32>} : memref<32x1024xf32, #tpu.memory_space<vmem>>, vector<1x16xf32>,
          %get3A_438 = arith.index_cast %while3A_103 : i32 to index
          %get3A_439 = arith.constant 448 : index
          %get3A_440 = tpu.vector_load %arg6[%get3A_438, %get3A_439] {strides = array<i32>} : memref<32x1024xf32, #tpu.memory_space<vmem>>, vector<1x16xf32>,
          %get3A_441 = vector.shape_cast %get3A_440 : vector<1x16xf32> to vector<16xf32>
          %mul3A_442 = arith.constant 3.200000e+01 : f32
          %mul3A_443 = vector.broadcast %mul3A_442 : f32 to vector<16xf32>
          %mul3A_444 = arith.mulf %get3A_441, %mul3A_443 : vector<16xf32>
          %swap3A_445 = arith.index_cast %while3A_103 : i32 to index
          %swap3A_446 = arith.constant 448 : index
          %swap3A_447 = tpu.vector_load %arg6[%swap3A_445, %swap3A_446] {strides = array<i32>} : memref<32x1024xf32, #tpu.memory_space<vmem>>, vector<1x16xf32>,
          %swap3A_448 = vector.shape_cast %swap3A_447 : vector<1x16xf32> to vector<16xf32>
          %swap3A_449 = vector.shape_cast %mul3A_444 : vector<16xf32> to vector<1x16xf32>
          tpu.vector_store %arg6[%swap3A_445, %swap3A_446], %swap3A_449 {strides = array<i32>} : memref<32x1024xf32, #tpu.memory_space<vmem>>, vector<1x16xf32>,
          %get3A_450 = arith.index_cast %while3A_103 : i32 to index
          %get3A_451 = arith.constant 464 : index
          %get3A_452 = tpu.vector_load %arg6[%get3A_450, %get3A_451] {strides = array<i32>} : memref<32x1024xf32, #tpu.memory_space<vmem>>, vector<1x16xf32>,
          %get3A_453 = vector.shape_cast %get3A_452 : vector<1x16xf32> to vector<16xf32>
          %mul3A_454 = arith.constant 3.200000e+01 : f32
          %mul3A_455 = vector.broadcast %mul3A_454 : f32 to vector<16xf32>
          %mul3A_456 = arith.mulf %get3A_453, %mul3A_455 : vector<16xf32>
          %swap3A_457 = arith.index_cast %while3A_103 : i32 to index
          %swap3A_458 = arith.constant 464 : index
          %swap3A_459 = tpu.vector_load %arg6[%swap3A_457, %swap3A_458] {strides = array<i32>} : memref<32x1024xf32, #tpu.memory_space<vmem>>, vector<1x16xf32>,
          %swap3A_460 = vector.shape_cast %swap3A_459 : vector<1x16xf32> to vector<16xf32>
          %swap3A_461 = vector.shape_cast %mul3A_456 : vector<16xf32> to vector<1x16xf32>
          tpu.vector_store %arg6[%swap3A_457, %swap3A_458], %swap3A_461 {strides = array<i32>} : memref<32x1024xf32, #tpu.memory_space<vmem>>, vector<1x16xf32>,
          %get3A_462 = arith.index_cast %while3A_103 : i32 to index
          %get3A_463 = arith.constant 480 : index
          %get3A_464 = tpu.vector_load %arg6[%get3A_462, %get3A_463] {strides = array<i32>} : memref<32x1024xf32, #tpu.memory_space<vmem>>, vector<1x16xf32>,
          %get3A_465 = vector.shape_cast %get3A_464 : vector<1x16xf32> to vector<16xf32>
          %mul3A_466 = arith.constant 3.200000e+01 : f32
          %mul3A_467 = vector.broadcast %mul3A_466 : f32 to vector<16xf32>
          %mul3A_468 = arith.mulf %get3A_465, %mul3A_467 : vector<16xf32>
          %swap3A_469 = arith.index_cast %while3A_103 : i32 to index
          %swap3A_470 = arith.constant 480 : index
          %swap3A_471 = tpu.vector_load %arg6[%swap3A_469, %swap3A_470] {strides = array<i32>} : memref<32x1024xf32, #tpu.memory_space<vmem>>, vector<1x16xf32>,
          %swap3A_472 = vector.shape_cast %swap3A_471 : vector<1x16xf32> to vector<16xf32>
          %swap3A_473 = vector.shape_cast %mul3A_468 : vector<16xf32> to vector<1x16xf32>
          tpu.vector_store %arg6[%swap3A_469, %swap3A_470], %swap3A_473 {strides = array<i32>} : memref<32x1024xf32, #tpu.memory_space<vmem>>, vector<1x16xf32>,
          %get3A_474 = arith.index_cast %while3A_103 : i32 to index
          %get3A_475 = arith.constant 496 : index
          %get3A_476 = tpu.vector_load %arg6[%get3A_474, %get3A_475] {strides = array<i32>} : memref<32x1024xf32, #tpu.memory_space<vmem>>, vector<1x16xf32>,
          %get3A_477 = vector.shape_cast %get3A_476 : vector<1x16xf32> to vector<16xf32>
          %mul3A_478 = arith.constant 3.200000e+01 : f32
          %mul3A_479 = vector.broadcast %mul3A_478 : f32 to vector<16xf32>
          %mul3A_480 = arith.mulf %get3A_477, %mul3A_479 : vector<16xf32>
          %swap3A_481 = arith.index_cast %while3A_103 : i32 to index
          %swap3A_482 = arith.constant 496 : index
          %swap3A_483 = tpu.vector_load %arg6[%swap3A_481, %swap3A_482] {strides = array<i32>} : memref<32x1024xf32, #tpu.memory_space<vmem>>, vector<1x16xf32>,
          %swap3A_484 = vector.shape_cast %swap3A_483 : vector<1x16xf32> to vector<16xf32>
          %swap3A_485 = vector.shape_cast %mul3A_480 : vector<16xf32> to vector<1x16xf32>
          tpu.vector_store %arg6[%swap3A_481, %swap3A_482], %swap3A_485 {strides = array<i32>} : memref<32x1024xf32, #tpu.memory_space<vmem>>, vector<1x16xf32>,
          %get3A_486 = arith.index_cast %while3A_103 : i32 to index
          %get3A_487 = arith.constant 512 : index
          %get3A_488 = tpu.vector_load %arg6[%get3A_486, %get3A_487] {strides = array<i32>} : memref<32x1024xf32, #tpu.memory_space<vmem>>, vector<1x16xf32>,
          %get3A_489 = vector.shape_cast %get3A_488 : vector<1x16xf32> to vector<16xf32>
          %mul3A_490 = arith.constant 3.200000e+01 : f32
          %mul3A_491 = vector.broadcast %mul3A_490 : f32 to vector<16xf32>
          %mul3A_492 = arith.mulf %get3A_489, %mul3A_491 : vector<16xf32>
          %swap3A_493 = arith.index_cast %while3A_103 : i32 to index
          %swap3A_494 = arith.constant 512 : index
          %swap3A_495 = tpu.vector_load %arg6[%swap3A_493, %swap3A_494] {strides = array<i32>} : memref<32x1024xf32, #tpu.memory_space<vmem>>, vector<1x16xf32>,
          %swap3A_496 = vector.shape_cast %swap3A_495 : vector<1x16xf32> to vector<16xf32>
          %swap3A_497 = vector.shape_cast %mul3A_492 : vector<16xf32> to vector<1x16xf32>
          tpu.vector_store %arg6[%swap3A_493, %swap3A_494], %swap3A_497 {strides = array<i32>} : memref<32x1024xf32, #tpu.memory_space<vmem>>, vector<1x16xf32>,
          %get3A_498 = arith.index_cast %while3A_103 : i32 to index
          %get3A_499 = arith.constant 528 : index
          %get3A_500 = tpu.vector_load %arg6[%get3A_498, %get3A_499] {strides = array<i32>} : memref<32x1024xf32, #tpu.memory_space<vmem>>, vector<1x16xf32>,
          %get3A_501 = vector.shape_cast %get3A_500 : vector<1x16xf32> to vector<16xf32>
          %mul3A_502 = arith.constant 3.200000e+01 : f32
          %mul3A_503 = vector.broadcast %mul3A_502 : f32 to vector<16xf32>
          %mul3A_504 = arith.mulf %get3A_501, %mul3A_503 : vector<16xf32>
          %swap3A_505 = arith.index_cast %while3A_103 : i32 to index
          %swap3A_506 = arith.constant 528 : index
          %swap3A_507 = tpu.vector_load %arg6[%swap3A_505, %swap3A_506] {strides = array<i32>} : memref<32x1024xf32, #tpu.memory_space<vmem>>, vector<1x16xf32>,
          %swap3A_508 = vector.shape_cast %swap3A_507 : vector<1x16xf32> to vector<16xf32>
          %swap3A_509 = vector.shape_cast %mul3A_504 : vector<16xf32> to vector<1x16xf32>
          tpu.vector_store %arg6[%swap3A_505, %swap3A_506], %swap3A_509 {strides = array<i32>} : memref<32x1024xf32, #tpu.memory_space<vmem>>, vector<1x16xf32>,
          %get3A_510 = arith.index_cast %while3A_103 : i32 to index
          %get3A_511 = arith.constant 544 : index
          %get3A_512 = tpu.vector_load %arg6[%get3A_510, %get3A_511] {strides = array<i32>} : memref<32x1024xf32, #tpu.memory_space<vmem>>, vector<1x16xf32>,
          %get3A_513 = vector.shape_cast %get3A_512 : vector<1x16xf32> to vector<16xf32>
          %mul3A_514 = arith.constant 3.200000e+01 : f32
          %mul3A_515 = vector.broadcast %mul3A_514 : f32 to vector<16xf32>
          %mul3A_516 = arith.mulf %get3A_513, %mul3A_515 : vector<16xf32>
          %swap3A_517 = arith.index_cast %while3A_103 : i32 to index
          %swap3A_518 = arith.constant 544 : index
          %swap3A_519 = tpu.vector_load %arg6[%swap3A_517, %swap3A_518] {strides = array<i32>} : memref<32x1024xf32, #tpu.memory_space<vmem>>, vector<1x16xf32>,
          %swap3A_520 = vector.shape_cast %swap3A_519 : vector<1x16xf32> to vector<16xf32>
          %swap3A_521 = vector.shape_cast %mul3A_516 : vector<16xf32> to vector<1x16xf32>
          tpu.vector_store %arg6[%swap3A_517, %swap3A_518], %swap3A_521 {strides = array<i32>} : memref<32x1024xf32, #tpu.memory_space<vmem>>, vector<1x16xf32>,
          %get3A_522 = arith.index_cast %while3A_103 : i32 to index
          %get3A_523 = arith.constant 560 : index
          %get3A_524 = tpu.vector_load %arg6[%get3A_522, %get3A_523] {strides = array<i32>} : memref<32x1024xf32, #tpu.memory_space<vmem>>, vector<1x16xf32>,
          %get3A_525 = vector.shape_cast %get3A_524 : vector<1x16xf32> to vector<16xf32>
          %mul3A_526 = arith.constant 3.200000e+01 : f32
          %mul3A_527 = vector.broadcast %mul3A_526 : f32 to vector<16xf32>
          %mul3A_528 = arith.mulf %get3A_525, %mul3A_527 : vector<16xf32>
          %swap3A_529 = arith.index_cast %while3A_103 : i32 to index
          %swap3A_530 = arith.constant 560 : index
          %swap3A_531 = tpu.vector_load %arg6[%swap3A_529, %swap3A_530] {strides = array<i32>} : memref<32x1024xf32, #tpu.memory_space<vmem>>, vector<1x16xf32>,
          %swap3A_532 = vector.shape_cast %swap3A_531 : vector<1x16xf32> to vector<16xf32>
          %swap3A_533 = vector.shape_cast %mul3A_528 : vector<16xf32> to vector<1x16xf32>
          tpu.vector_store %arg6[%swap3A_529, %swap3A_530], %swap3A_533 {strides = array<i32>} : memref<32x1024xf32, #tpu.memory_space<vmem>>, vector<1x16xf32>,
          %get3A_534 = arith.index_cast %while3A_103 : i32 to index
          %get3A_535 = arith.constant 576 : index
          %get3A_536 = tpu.vector_load %arg6[%get3A_534, %get3A_535] {strides = array<i32>} : memref<32x1024xf32, #tpu.memory_space<vmem>>, vector<1x16xf32>,
          %get3A_537 = vector.shape_cast %get3A_536 : vector<1x16xf32> to vector<16xf32>
          %mul3A_538 = arith.constant 3.200000e+01 : f32
          %mul3A_539 = vector.broadcast %mul3A_538 : f32 to vector<16xf32>
          %mul3A_540 = arith.mulf %get3A_537, %mul3A_539 : vector<16xf32>
          %swap3A_541 = arith.index_cast %while3A_103 : i32 to index
          %swap3A_542 = arith.constant 576 : index
          %swap3A_543 = tpu.vector_load %arg6[%swap3A_541, %swap3A_542] {strides = array<i32>} : memref<32x1024xf32, #tpu.memory_space<vmem>>, vector<1x16xf32>,
          %swap3A_544 = vector.shape_cast %swap3A_543 : vector<1x16xf32> to vector<16xf32>
          %swap3A_545 = vector.shape_cast %mul3A_540 : vector<16xf32> to vector<1x16xf32>
          tpu.vector_store %arg6[%swap3A_541, %swap3A_542], %swap3A_545 {strides = array<i32>} : memref<32x1024xf32, #tpu.memory_space<vmem>>, vector<1x16xf32>,
          %get3A_546 = arith.index_cast %while3A_103 : i32 to index
          %get3A_547 = arith.constant 592 : index
          %get3A_548 = tpu.vector_load %arg6[%get3A_546, %get3A_547] {strides = array<i32>} : memref<32x1024xf32, #tpu.memory_space<vmem>>, vector<1x16xf32>,
          %get3A_549 = vector.shape_cast %get3A_548 : vector<1x16xf32> to vector<16xf32>
          %mul3A_550 = arith.constant 3.200000e+01 : f32
          %mul3A_551 = vector.broadcast %mul3A_550 : f32 to vector<16xf32>
          %mul3A_552 = arith.mulf %get3A_549, %mul3A_551 : vector<16xf32>
          %swap3A_553 = arith.index_cast %while3A_103 : i32 to index
          %swap3A_554 = arith.constant 592 : index
          %swap3A_555 = tpu.vector_load %arg6[%swap3A_553, %swap3A_554] {strides = array<i32>} : memref<32x1024xf32, #tpu.memory_space<vmem>>, vector<1x16xf32>,
          %swap3A_556 = vector.shape_cast %swap3A_555 : vector<1x16xf32> to vector<16xf32>
          %swap3A_557 = vector.shape_cast %mul3A_552 : vector<16xf32> to vector<1x16xf32>
          tpu.vector_store %arg6[%swap3A_553, %swap3A_554], %swap3A_557 {strides = array<i32>} : memref<32x1024xf32, #tpu.memory_space<vmem>>, vector<1x16xf32>,
          %get3A_558 = arith.index_cast %while3A_103 : i32 to index
          %get3A_559 = arith.constant 608 : index
          %get3A_560 = tpu.vector_load %arg6[%get3A_558, %get3A_559] {strides = array<i32>} : memref<32x1024xf32, #tpu.memory_space<vmem>>, vector<1x16xf32>,
          %get3A_561 = vector.shape_cast %get3A_560 : vector<1x16xf32> to vector<16xf32>
          %mul3A_562 = arith.constant 3.200000e+01 : f32
          %mul3A_563 = vector.broadcast %mul3A_562 : f32 to vector<16xf32>
          %mul3A_564 = arith.mulf %get3A_561, %mul3A_563 : vector<16xf32>
          %swap3A_565 = arith.index_cast %while3A_103 : i32 to index
          %swap3A_566 = arith.constant 608 : index
          %swap3A_567 = tpu.vector_load %arg6[%swap3A_565, %swap3A_566] {strides = array<i32>} : memref<32x1024xf32, #tpu.memory_space<vmem>>, vector<1x16xf32>,
          %swap3A_568 = vector.shape_cast %swap3A_567 : vector<1x16xf32> to vector<16xf32>
          %swap3A_569 = vector.shape_cast %mul3A_564 : vector<16xf32> to vector<1x16xf32>
          tpu.vector_store %arg6[%swap3A_565, %swap3A_566], %swap3A_569 {strides = array<i32>} : memref<32x1024xf32, #tpu.memory_space<vmem>>, vector<1x16xf32>,
          %get3A_570 = arith.index_cast %while3A_103 : i32 to index
          %get3A_571 = arith.constant 624 : index
          %get3A_572 = tpu.vector_load %arg6[%get3A_570, %get3A_571] {strides = array<i32>} : memref<32x1024xf32, #tpu.memory_space<vmem>>, vector<1x16xf32>,
          %get3A_573 = vector.shape_cast %get3A_572 : vector<1x16xf32> to vector<16xf32>
          %mul3A_574 = arith.constant 3.200000e+01 : f32
          %mul3A_575 = vector.broadcast %mul3A_574 : f32 to vector<16xf32>
          %mul3A_576 = arith.mulf %get3A_573, %mul3A_575 : vector<16xf32>
          %swap3A_577 = arith.index_cast %while3A_103 : i32 to index
          %swap3A_578 = arith.constant 624 : index
          %swap3A_579 = tpu.vector_load %arg6[%swap3A_577, %swap3A_578] {strides = array<i32>} : memref<32x1024xf32, #tpu.memory_space<vmem>>, vector<1x16xf32>,
          %swap3A_580 = vector.shape_cast %swap3A_579 : vector<1x16xf32> to vector<16xf32>
          %swap3A_581 = vector.shape_cast %mul3A_576 : vector<16xf32> to vector<1x16xf32>
          tpu.vector_store %arg6[%swap3A_577, %swap3A_578], %swap3A_581 {strides = array<i32>} : memref<32x1024xf32, #tpu.memory_space<vmem>>, vector<1x16xf32>,
          %get3A_582 = arith.index_cast %while3A_103 : i32 to index
          %get3A_583 = arith.constant 640 : index
          %get3A_584 = tpu.vector_load %arg6[%get3A_582, %get3A_583] {strides = array<i32>} : memref<32x1024xf32, #tpu.memory_space<vmem>>, vector<1x16xf32>,
          %get3A_585 = vector.shape_cast %get3A_584 : vector<1x16xf32> to vector<16xf32>
          %mul3A_586 = arith.constant 3.200000e+01 : f32
          %mul3A_587 = vector.broadcast %mul3A_586 : f32 to vector<16xf32>
          %mul3A_588 = arith.mulf %get3A_585, %mul3A_587 : vector<16xf32>
          %swap3A_589 = arith.index_cast %while3A_103 : i32 to index
          %swap3A_590 = arith.constant 640 : index
          %swap3A_591 = tpu.vector_load %arg6[%swap3A_589, %swap3A_590] {strides = array<i32>} : memref<32x1024xf32, #tpu.memory_space<vmem>>, vector<1x16xf32>,
          %swap3A_592 = vector.shape_cast %swap3A_591 : vector<1x16xf32> to vector<16xf32>
          %swap3A_593 = vector.shape_cast %mul3A_588 : vector<16xf32> to vector<1x16xf32>
          tpu.vector_store %arg6[%swap3A_589, %swap3A_590], %swap3A_593 {strides = array<i32>} : memref<32x1024xf32, #tpu.memory_space<vmem>>, vector<1x16xf32>,
          %get3A_594 = arith.index_cast %while3A_103 : i32 to index
          %get3A_595 = arith.constant 656 : index
          %get3A_596 = tpu.vector_load %arg6[%get3A_594, %get3A_595] {strides = array<i32>} : memref<32x1024xf32, #tpu.memory_space<vmem>>, vector<1x16xf32>,
          %get3A_597 = vector.shape_cast %get3A_596 : vector<1x16xf32> to vector<16xf32>
          %mul3A_598 = arith.constant 3.200000e+01 : f32
          %mul3A_599 = vector.broadcast %mul3A_598 : f32 to vector<16xf32>
          %mul3A_600 = arith.mulf %get3A_597, %mul3A_599 : vector<16xf32>
          %swap3A_601 = arith.index_cast %while3A_103 : i32 to index
          %swap3A_602 = arith.constant 656 : index
          %swap3A_603 = tpu.vector_load %arg6[%swap3A_601, %swap3A_602] {strides = array<i32>} : memref<32x1024xf32, #tpu.memory_space<vmem>>, vector<1x16xf32>,
          %swap3A_604 = vector.shape_cast %swap3A_603 : vector<1x16xf32> to vector<16xf32>
          %swap3A_605 = vector.shape_cast %mul3A_600 : vector<16xf32> to vector<1x16xf32>
          tpu.vector_store %arg6[%swap3A_601, %swap3A_602], %swap3A_605 {strides = array<i32>} : memref<32x1024xf32, #tpu.memory_space<vmem>>, vector<1x16xf32>,
          %get3A_606 = arith.index_cast %while3A_103 : i32 to index
          %get3A_607 = arith.constant 672 : index
          %get3A_608 = tpu.vector_load %arg6[%get3A_606, %get3A_607] {strides = array<i32>} : memref<32x1024xf32, #tpu.memory_space<vmem>>, vector<1x16xf32>,
          %get3A_609 = vector.shape_cast %get3A_608 : vector<1x16xf32> to vector<16xf32>
          %mul3A_610 = arith.constant 3.200000e+01 : f32
          %mul3A_611 = vector.broadcast %mul3A_610 : f32 to vector<16xf32>
          %mul3A_612 = arith.mulf %get3A_609, %mul3A_611 : vector<16xf32>
          %swap3A_613 = arith.index_cast %while3A_103 : i32 to index
          %swap3A_614 = arith.constant 672 : index
          %swap3A_615 = tpu.vector_load %arg6[%swap3A_613, %swap3A_614] {strides = array<i32>} : memref<32x1024xf32, #tpu.memory_space<vmem>>, vector<1x16xf32>,
          %swap3A_616 = vector.shape_cast %swap3A_615 : vector<1x16xf32> to vector<16xf32>
          %swap3A_617 = vector.shape_cast %mul3A_612 : vector<16xf32> to vector<1x16xf32>
          tpu.vector_store %arg6[%swap3A_613, %swap3A_614], %swap3A_617 {strides = array<i32>} : memref<32x1024xf32, #tpu.memory_space<vmem>>, vector<1x16xf32>,
          %get3A_618 = arith.index_cast %while3A_103 : i32 to index
          %get3A_619 = arith.constant 688 : index
          %get3A_620 = tpu.vector_load %arg6[%get3A_618, %get3A_619] {strides = array<i32>} : memref<32x1024xf32, #tpu.memory_space<vmem>>, vector<1x16xf32>,
          %get3A_621 = vector.shape_cast %get3A_620 : vector<1x16xf32> to vector<16xf32>
          %mul3A_622 = arith.constant 3.200000e+01 : f32
          %mul3A_623 = vector.broadcast %mul3A_622 : f32 to vector<16xf32>
          %mul3A_624 = arith.mulf %get3A_621, %mul3A_623 : vector<16xf32>
          %swap3A_625 = arith.index_cast %while3A_103 : i32 to index
          %swap3A_626 = arith.constant 688 : index
          %swap3A_627 = tpu.vector_load %arg6[%swap3A_625, %swap3A_626] {strides = array<i32>} : memref<32x1024xf32, #tpu.memory_space<vmem>>, vector<1x16xf32>,
          %swap3A_628 = vector.shape_cast %swap3A_627 : vector<1x16xf32> to vector<16xf32>
          %swap3A_629 = vector.shape_cast %mul3A_624 : vector<16xf32> to vector<1x16xf32>
          tpu.vector_store %arg6[%swap3A_625, %swap3A_626], %swap3A_629 {strides = array<i32>} : memref<32x1024xf32, #tpu.memory_space<vmem>>, vector<1x16xf32>,
          %get3A_630 = arith.index_cast %while3A_103 : i32 to index
          %get3A_631 = arith.constant 704 : index
          %get3A_632 = tpu.vector_load %arg6[%get3A_630, %get3A_631] {strides = array<i32>} : memref<32x1024xf32, #tpu.memory_space<vmem>>, vector<1x16xf32>,
          %get3A_633 = vector.shape_cast %get3A_632 : vector<1x16xf32> to vector<16xf32>
          %mul3A_634 = arith.constant 3.200000e+01 : f32
          %mul3A_635 = vector.broadcast %mul3A_634 : f32 to vector<16xf32>
          %mul3A_636 = arith.mulf %get3A_633, %mul3A_635 : vector<16xf32>
          %swap3A_637 = arith.index_cast %while3A_103 : i32 to index
          %swap3A_638 = arith.constant 704 : index
          %swap3A_639 = tpu.vector_load %arg6[%swap3A_637, %swap3A_638] {strides = array<i32>} : memref<32x1024xf32, #tpu.memory_space<vmem>>, vector<1x16xf32>,
          %swap3A_640 = vector.shape_cast %swap3A_639 : vector<1x16xf32> to vector<16xf32>
          %swap3A_641 = vector.shape_cast %mul3A_636 : vector<16xf32> to vector<1x16xf32>
          tpu.vector_store %arg6[%swap3A_637, %swap3A_638], %swap3A_641 {strides = array<i32>} : memref<32x1024xf32, #tpu.memory_space<vmem>>, vector<1x16xf32>,
          %get3A_642 = arith.index_cast %while3A_103 : i32 to index
          %get3A_643 = arith.constant 720 : index
          %get3A_644 = tpu.vector_load %arg6[%get3A_642, %get3A_643] {strides = array<i32>} : memref<32x1024xf32, #tpu.memory_space<vmem>>, vector<1x16xf32>,
          %get3A_645 = vector.shape_cast %get3A_644 : vector<1x16xf32> to vector<16xf32>
          %mul3A_646 = arith.constant 3.200000e+01 : f32
          %mul3A_647 = vector.broadcast %mul3A_646 : f32 to vector<16xf32>
          %mul3A_648 = arith.mulf %get3A_645, %mul3A_647 : vector<16xf32>
          %swap3A_649 = arith.index_cast %while3A_103 : i32 to index
          %swap3A_650 = arith.constant 720 : index
          %swap3A_651 = tpu.vector_load %arg6[%swap3A_649, %swap3A_650] {strides = array<i32>} : memref<32x1024xf32, #tpu.memory_space<vmem>>, vector<1x16xf32>,
          %swap3A_652 = vector.shape_cast %swap3A_651 : vector<1x16xf32> to vector<16xf32>
          %swap3A_653 = vector.shape_cast %mul3A_648 : vector<16xf32> to vector<1x16xf32>
          tpu.vector_store %arg6[%swap3A_649, %swap3A_650], %swap3A_653 {strides = array<i32>} : memref<32x1024xf32, #tpu.memory_space<vmem>>, vector<1x16xf32>,
          %get3A_654 = arith.index_cast %while3A_103 : i32 to index
          %get3A_655 = arith.constant 736 : index
          %get3A_656 = tpu.vector_load %arg6[%get3A_654, %get3A_655] {strides = array<i32>} : memref<32x1024xf32, #tpu.memory_space<vmem>>, vector<1x16xf32>,
          %get3A_657 = vector.shape_cast %get3A_656 : vector<1x16xf32> to vector<16xf32>
          %mul3A_658 = arith.constant 3.200000e+01 : f32
          %mul3A_659 = vector.broadcast %mul3A_658 : f32 to vector<16xf32>
          %mul3A_660 = arith.mulf %get3A_657, %mul3A_659 : vector<16xf32>
          %swap3A_661 = arith.index_cast %while3A_103 : i32 to index
          %swap3A_662 = arith.constant 736 : index
          %swap3A_663 = tpu.vector_load %arg6[%swap3A_661, %swap3A_662] {strides = array<i32>} : memref<32x1024xf32, #tpu.memory_space<vmem>>, vector<1x16xf32>,
          %swap3A_664 = vector.shape_cast %swap3A_663 : vector<1x16xf32> to vector<16xf32>
          %swap3A_665 = vector.shape_cast %mul3A_660 : vector<16xf32> to vector<1x16xf32>
          tpu.vector_store %arg6[%swap3A_661, %swap3A_662], %swap3A_665 {strides = array<i32>} : memref<32x1024xf32, #tpu.memory_space<vmem>>, vector<1x16xf32>,
          %get3A_666 = arith.index_cast %while3A_103 : i32 to index
          %get3A_667 = arith.constant 752 : index
          %get3A_668 = tpu.vector_load %arg6[%get3A_666, %get3A_667] {strides = array<i32>} : memref<32x1024xf32, #tpu.memory_space<vmem>>, vector<1x16xf32>,
          %get3A_669 = vector.shape_cast %get3A_668 : vector<1x16xf32> to vector<16xf32>
          %mul3A_670 = arith.constant 3.200000e+01 : f32
          %mul3A_671 = vector.broadcast %mul3A_670 : f32 to vector<16xf32>
          %mul3A_672 = arith.mulf %get3A_669, %mul3A_671 : vector<16xf32>
          %swap3A_673 = arith.index_cast %while3A_103 : i32 to index
          %swap3A_674 = arith.constant 752 : index
          %swap3A_675 = tpu.vector_load %arg6[%swap3A_673, %swap3A_674] {strides = array<i32>} : memref<32x1024xf32, #tpu.memory_space<vmem>>, vector<1x16xf32>,
          %swap3A_676 = vector.shape_cast %swap3A_675 : vector<1x16xf32> to vector<16xf32>
          %swap3A_677 = vector.shape_cast %mul3A_672 : vector<16xf32> to vector<1x16xf32>
          tpu.vector_store %arg6[%swap3A_673, %swap3A_674], %swap3A_677 {strides = array<i32>} : memref<32x1024xf32, #tpu.memory_space<vmem>>, vector<1x16xf32>,
          %get3A_678 = arith.index_cast %while3A_103 : i32 to index
          %get3A_679 = arith.constant 768 : index
          %get3A_680 = tpu.vector_load %arg6[%get3A_678, %get3A_679] {strides = array<i32>} : memref<32x1024xf32, #tpu.memory_space<vmem>>, vector<1x16xf32>,
          %get3A_681 = vector.shape_cast %get3A_680 : vector<1x16xf32> to vector<16xf32>
          %mul3A_682 = arith.constant 3.200000e+01 : f32
          %mul3A_683 = vector.broadcast %mul3A_682 : f32 to vector<16xf32>
          %mul3A_684 = arith.mulf %get3A_681, %mul3A_683 : vector<16xf32>
          %swap3A_685 = arith.index_cast %while3A_103 : i32 to index
          %swap3A_686 = arith.constant 768 : index
          %swap3A_687 = tpu.vector_load %arg6[%swap3A_685, %swap3A_686] {strides = array<i32>} : memref<32x1024xf32, #tpu.memory_space<vmem>>, vector<1x16xf32>,
          %swap3A_688 = vector.shape_cast %swap3A_687 : vector<1x16xf32> to vector<16xf32>
          %swap3A_689 = vector.shape_cast %mul3A_684 : vector<16xf32> to vector<1x16xf32>
          tpu.vector_store %arg6[%swap3A_685, %swap3A_686], %swap3A_689 {strides = array<i32>} : memref<32x1024xf32, #tpu.memory_space<vmem>>, vector<1x16xf32>,
          %get3A_690 = arith.index_cast %while3A_103 : i32 to index
          %get3A_691 = arith.constant 784 : index
          %get3A_692 = tpu.vector_load %arg6[%get3A_690, %get3A_691] {strides = array<i32>} : memref<32x1024xf32, #tpu.memory_space<vmem>>, vector<1x16xf32>,
          %get3A_693 = vector.shape_cast %get3A_692 : vector<1x16xf32> to vector<16xf32>
          %mul3A_694 = arith.constant 3.200000e+01 : f32
          %mul3A_695 = vector.broadcast %mul3A_694 : f32 to vector<16xf32>
          %mul3A_696 = arith.mulf %get3A_693, %mul3A_695 : vector<16xf32>
          %swap3A_697 = arith.index_cast %while3A_103 : i32 to index
          %swap3A_698 = arith.constant 784 : index
          %swap3A_699 = tpu.vector_load %arg6[%swap3A_697, %swap3A_698] {strides = array<i32>} : memref<32x1024xf32, #tpu.memory_space<vmem>>, vector<1x16xf32>,
          %swap3A_700 = vector.shape_cast %swap3A_699 : vector<1x16xf32> to vector<16xf32>
          %swap3A_701 = vector.shape_cast %mul3A_696 : vector<16xf32> to vector<1x16xf32>
          tpu.vector_store %arg6[%swap3A_697, %swap3A_698], %swap3A_701 {strides = array<i32>} : memref<32x1024xf32, #tpu.memory_space<vmem>>, vector<1x16xf32>,
          %get3A_702 = arith.index_cast %while3A_103 : i32 to index
          %get3A_703 = arith.constant 800 : index
          %get3A_704 = tpu.vector_load %arg6[%get3A_702, %get3A_703] {strides = array<i32>} : memref<32x1024xf32, #tpu.memory_space<vmem>>, vector<1x16xf32>,
          %get3A_705 = vector.shape_cast %get3A_704 : vector<1x16xf32> to vector<16xf32>
          %mul3A_706 = arith.constant 3.200000e+01 : f32
          %mul3A_707 = vector.broadcast %mul3A_706 : f32 to vector<16xf32>
          %mul3A_708 = arith.mulf %get3A_705, %mul3A_707 : vector<16xf32>
          %swap3A_709 = arith.index_cast %while3A_103 : i32 to index
          %swap3A_710 = arith.constant 800 : index
          %swap3A_711 = tpu.vector_load %arg6[%swap3A_709, %swap3A_710] {strides = array<i32>} : memref<32x1024xf32, #tpu.memory_space<vmem>>, vector<1x16xf32>,
          %swap3A_712 = vector.shape_cast %swap3A_711 : vector<1x16xf32> to vector<16xf32>
          %swap3A_713 = vector.shape_cast %mul3A_708 : vector<16xf32> to vector<1x16xf32>
          tpu.vector_store %arg6[%swap3A_709, %swap3A_710], %swap3A_713 {strides = array<i32>} : memref<32x1024xf32, #tpu.memory_space<vmem>>, vector<1x16xf32>,
          %get3A_714 = arith.index_cast %while3A_103 : i32 to index
          %get3A_715 = arith.constant 816 : index
          %get3A_716 = tpu.vector_load %arg6[%get3A_714, %get3A_715] {strides = array<i32>} : memref<32x1024xf32, #tpu.memory_space<vmem>>, vector<1x16xf32>,
          %get3A_717 = vector.shape_cast %get3A_716 : vector<1x16xf32> to vector<16xf32>
          %mul3A_718 = arith.constant 3.200000e+01 : f32
          %mul3A_719 = vector.broadcast %mul3A_718 : f32 to vector<16xf32>
          %mul3A_720 = arith.mulf %get3A_717, %mul3A_719 : vector<16xf32>
          %swap3A_721 = arith.index_cast %while3A_103 : i32 to index
          %swap3A_722 = arith.constant 816 : index
          %swap3A_723 = tpu.vector_load %arg6[%swap3A_721, %swap3A_722] {strides = array<i32>} : memref<32x1024xf32, #tpu.memory_space<vmem>>, vector<1x16xf32>,
          %swap3A_724 = vector.shape_cast %swap3A_723 : vector<1x16xf32> to vector<16xf32>
          %swap3A_725 = vector.shape_cast %mul3A_720 : vector<16xf32> to vector<1x16xf32>
          tpu.vector_store %arg6[%swap3A_721, %swap3A_722], %swap3A_725 {strides = array<i32>} : memref<32x1024xf32, #tpu.memory_space<vmem>>, vector<1x16xf32>,
          %get3A_726 = arith.index_cast %while3A_103 : i32 to index
          %get3A_727 = arith.constant 832 : index
          %get3A_728 = tpu.vector_load %arg6[%get3A_726, %get3A_727] {strides = array<i32>} : memref<32x1024xf32, #tpu.memory_space<vmem>>, vector<1x16xf32>,
          %get3A_729 = vector.shape_cast %get3A_728 : vector<1x16xf32> to vector<16xf32>
          %mul3A_730 = arith.constant 3.200000e+01 : f32
          %mul3A_731 = vector.broadcast %mul3A_730 : f32 to vector<16xf32>
          %mul3A_732 = arith.mulf %get3A_729, %mul3A_731 : vector<16xf32>
          %swap3A_733 = arith.index_cast %while3A_103 : i32 to index
          %swap3A_734 = arith.constant 832 : index
          %swap3A_735 = tpu.vector_load %arg6[%swap3A_733, %swap3A_734] {strides = array<i32>} : memref<32x1024xf32, #tpu.memory_space<vmem>>, vector<1x16xf32>,
          %swap3A_736 = vector.shape_cast %swap3A_735 : vector<1x16xf32> to vector<16xf32>
          %swap3A_737 = vector.shape_cast %mul3A_732 : vector<16xf32> to vector<1x16xf32>
          tpu.vector_store %arg6[%swap3A_733, %swap3A_734], %swap3A_737 {strides = array<i32>} : memref<32x1024xf32, #tpu.memory_space<vmem>>, vector<1x16xf32>,
          %get3A_738 = arith.index_cast %while3A_103 : i32 to index
          %get3A_739 = arith.constant 848 : index
          %get3A_740 = tpu.vector_load %arg6[%get3A_738, %get3A_739] {strides = array<i32>} : memref<32x1024xf32, #tpu.memory_space<vmem>>, vector<1x16xf32>,
          %get3A_741 = vector.shape_cast %get3A_740 : vector<1x16xf32> to vector<16xf32>
          %mul3A_742 = arith.constant 3.200000e+01 : f32
          %mul3A_743 = vector.broadcast %mul3A_742 : f32 to vector<16xf32>
          %mul3A_744 = arith.mulf %get3A_741, %mul3A_743 : vector<16xf32>
          %swap3A_745 = arith.index_cast %while3A_103 : i32 to index
          %swap3A_746 = arith.constant 848 : index
          %swap3A_747 = tpu.vector_load %arg6[%swap3A_745, %swap3A_746] {strides = array<i32>} : memref<32x1024xf32, #tpu.memory_space<vmem>>, vector<1x16xf32>,
          %swap3A_748 = vector.shape_cast %swap3A_747 : vector<1x16xf32> to vector<16xf32>
          %swap3A_749 = vector.shape_cast %mul3A_744 : vector<16xf32> to vector<1x16xf32>
          tpu.vector_store %arg6[%swap3A_745, %swap3A_746], %swap3A_749 {strides = array<i32>} : memref<32x1024xf32, #tpu.memory_space<vmem>>, vector<1x16xf32>,
          %get3A_750 = arith.index_cast %while3A_103 : i32 to index
          %get3A_751 = arith.constant 864 : index
          %get3A_752 = tpu.vector_load %arg6[%get3A_750, %get3A_751] {strides = array<i32>} : memref<32x1024xf32, #tpu.memory_space<vmem>>, vector<1x16xf32>,
          %get3A_753 = vector.shape_cast %get3A_752 : vector<1x16xf32> to vector<16xf32>
          %mul3A_754 = arith.constant 3.200000e+01 : f32
          %mul3A_755 = vector.broadcast %mul3A_754 : f32 to vector<16xf32>
          %mul3A_756 = arith.mulf %get3A_753, %mul3A_755 : vector<16xf32>
          %swap3A_757 = arith.index_cast %while3A_103 : i32 to index
          %swap3A_758 = arith.constant 864 : index
          %swap3A_759 = tpu.vector_load %arg6[%swap3A_757, %swap3A_758] {strides = array<i32>} : memref<32x1024xf32, #tpu.memory_space<vmem>>, vector<1x16xf32>,
          %swap3A_760 = vector.shape_cast %swap3A_759 : vector<1x16xf32> to vector<16xf32>
          %swap3A_761 = vector.shape_cast %mul3A_756 : vector<16xf32> to vector<1x16xf32>
          tpu.vector_store %arg6[%swap3A_757, %swap3A_758], %swap3A_761 {strides = array<i32>} : memref<32x1024xf32, #tpu.memory_space<vmem>>, vector<1x16xf32>,
          %get3A_762 = arith.index_cast %while3A_103 : i32 to index
          %get3A_763 = arith.constant 880 : index
          %get3A_764 = tpu.vector_load %arg6[%get3A_762, %get3A_763] {strides = array<i32>} : memref<32x1024xf32, #tpu.memory_space<vmem>>, vector<1x16xf32>,
          %get3A_765 = vector.shape_cast %get3A_764 : vector<1x16xf32> to vector<16xf32>
          %mul3A_766 = arith.constant 3.200000e+01 : f32
          %mul3A_767 = vector.broadcast %mul3A_766 : f32 to vector<16xf32>
          %mul3A_768 = arith.mulf %get3A_765, %mul3A_767 : vector<16xf32>
          %swap3A_769 = arith.index_cast %while3A_103 : i32 to index
          %swap3A_770 = arith.constant 880 : index
          %swap3A_771 = tpu.vector_load %arg6[%swap3A_769, %swap3A_770] {strides = array<i32>} : memref<32x1024xf32, #tpu.memory_space<vmem>>, vector<1x16xf32>,
          %swap3A_772 = vector.shape_cast %swap3A_771 : vector<1x16xf32> to vector<16xf32>
          %swap3A_773 = vector.shape_cast %mul3A_768 : vector<16xf32> to vector<1x16xf32>
          tpu.vector_store %arg6[%swap3A_769, %swap3A_770], %swap3A_773 {strides = array<i32>} : memref<32x1024xf32, #tpu.memory_space<vmem>>, vector<1x16xf32>,
          %get3A_774 = arith.index_cast %while3A_103 : i32 to index
          %get3A_775 = arith.constant 896 : index
          %get3A_776 = tpu.vector_load %arg6[%get3A_774, %get3A_775] {strides = array<i32>} : memref<32x1024xf32, #tpu.memory_space<vmem>>, vector<1x16xf32>,
          %get3A_777 = vector.shape_cast %get3A_776 : vector<1x16xf32> to vector<16xf32>
          %mul3A_778 = arith.constant 3.200000e+01 : f32
          %mul3A_779 = vector.broadcast %mul3A_778 : f32 to vector<16xf32>
          %mul3A_780 = arith.mulf %get3A_777, %mul3A_779 : vector<16xf32>
          %swap3A_781 = arith.index_cast %while3A_103 : i32 to index
          %swap3A_782 = arith.constant 896 : index
          %swap3A_783 = tpu.vector_load %arg6[%swap3A_781, %swap3A_782] {strides = array<i32>} : memref<32x1024xf32, #tpu.memory_space<vmem>>, vector<1x16xf32>,
          %swap3A_784 = vector.shape_cast %swap3A_783 : vector<1x16xf32> to vector<16xf32>
          %swap3A_785 = vector.shape_cast %mul3A_780 : vector<16xf32> to vector<1x16xf32>
          tpu.vector_store %arg6[%swap3A_781, %swap3A_782], %swap3A_785 {strides = array<i32>} : memref<32x1024xf32, #tpu.memory_space<vmem>>, vector<1x16xf32>,
          %get3A_786 = arith.index_cast %while3A_103 : i32 to index
          %get3A_787 = arith.constant 912 : index
          %get3A_788 = tpu.vector_load %arg6[%get3A_786, %get3A_787] {strides = array<i32>} : memref<32x1024xf32, #tpu.memory_space<vmem>>, vector<1x16xf32>,
          %get3A_789 = vector.shape_cast %get3A_788 : vector<1x16xf32> to vector<16xf32>
          %mul3A_790 = arith.constant 3.200000e+01 : f32
          %mul3A_791 = vector.broadcast %mul3A_790 : f32 to vector<16xf32>
          %mul3A_792 = arith.mulf %get3A_789, %mul3A_791 : vector<16xf32>
          %swap3A_793 = arith.index_cast %while3A_103 : i32 to index
          %swap3A_794 = arith.constant 912 : index
          %swap3A_795 = tpu.vector_load %arg6[%swap3A_793, %swap3A_794] {strides = array<i32>} : memref<32x1024xf32, #tpu.memory_space<vmem>>, vector<1x16xf32>,
          %swap3A_796 = vector.shape_cast %swap3A_795 : vector<1x16xf32> to vector<16xf32>
          %swap3A_797 = vector.shape_cast %mul3A_792 : vector<16xf32> to vector<1x16xf32>
          tpu.vector_store %arg6[%swap3A_793, %swap3A_794], %swap3A_797 {strides = array<i32>} : memref<32x1024xf32, #tpu.memory_space<vmem>>, vector<1x16xf32>,
          %get3A_798 = arith.index_cast %while3A_103 : i32 to index
          %get3A_799 = arith.constant 928 : index
          %get3A_800 = tpu.vector_load %arg6[%get3A_798, %get3A_799] {strides = array<i32>} : memref<32x1024xf32, #tpu.memory_space<vmem>>, vector<1x16xf32>,
          %get3A_801 = vector.shape_cast %get3A_800 : vector<1x16xf32> to vector<16xf32>
          %mul3A_802 = arith.constant 3.200000e+01 : f32
          %mul3A_803 = vector.broadcast %mul3A_802 : f32 to vector<16xf32>
          %mul3A_804 = arith.mulf %get3A_801, %mul3A_803 : vector<16xf32>
          %swap3A_805 = arith.index_cast %while3A_103 : i32 to index
          %swap3A_806 = arith.constant 928 : index
          %swap3A_807 = tpu.vector_load %arg6[%swap3A_805, %swap3A_806] {strides = array<i32>} : memref<32x1024xf32, #tpu.memory_space<vmem>>, vector<1x16xf32>,
          %swap3A_808 = vector.shape_cast %swap3A_807 : vector<1x16xf32> to vector<16xf32>
          %swap3A_809 = vector.shape_cast %mul3A_804 : vector<16xf32> to vector<1x16xf32>
          tpu.vector_store %arg6[%swap3A_805, %swap3A_806], %swap3A_809 {strides = array<i32>} : memref<32x1024xf32, #tpu.memory_space<vmem>>, vector<1x16xf32>,
          %get3A_810 = arith.index_cast %while3A_103 : i32 to index
          %get3A_811 = arith.constant 944 : index
          %get3A_812 = tpu.vector_load %arg6[%get3A_810, %get3A_811] {strides = array<i32>} : memref<32x1024xf32, #tpu.memory_space<vmem>>, vector<1x16xf32>,
          %get3A_813 = vector.shape_cast %get3A_812 : vector<1x16xf32> to vector<16xf32>
          %mul3A_814 = arith.constant 3.200000e+01 : f32
          %mul3A_815 = vector.broadcast %mul3A_814 : f32 to vector<16xf32>
          %mul3A_816 = arith.mulf %get3A_813, %mul3A_815 : vector<16xf32>
          %swap3A_817 = arith.index_cast %while3A_103 : i32 to index
          %swap3A_818 = arith.constant 944 : index
          %swap3A_819 = tpu.vector_load %arg6[%swap3A_817, %swap3A_818] {strides = array<i32>} : memref<32x1024xf32, #tpu.memory_space<vmem>>, vector<1x16xf32>,
          %swap3A_820 = vector.shape_cast %swap3A_819 : vector<1x16xf32> to vector<16xf32>
          %swap3A_821 = vector.shape_cast %mul3A_816 : vector<16xf32> to vector<1x16xf32>
          tpu.vector_store %arg6[%swap3A_817, %swap3A_818], %swap3A_821 {strides = array<i32>} : memref<32x1024xf32, #tpu.memory_space<vmem>>, vector<1x16xf32>,
          %get3A_822 = arith.index_cast %while3A_103 : i32 to index
          %get3A_823 = arith.constant 960 : index
          %get3A_824 = tpu.vector_load %arg6[%get3A_822, %get3A_823] {strides = array<i32>} : memref<32x1024xf32, #tpu.memory_space<vmem>>, vector<1x16xf32>,
          %get3A_825 = vector.shape_cast %get3A_824 : vector<1x16xf32> to vector<16xf32>
          %mul3A_826 = arith.constant 3.200000e+01 : f32
          %mul3A_827 = vector.broadcast %mul3A_826 : f32 to vector<16xf32>
          %mul3A_828 = arith.mulf %get3A_825, %mul3A_827 : vector<16xf32>
          %swap3A_829 = arith.index_cast %while3A_103 : i32 to index
          %swap3A_830 = arith.constant 960 : index
          %swap3A_831 = tpu.vector_load %arg6[%swap3A_829, %swap3A_830] {strides = array<i32>} : memref<32x1024xf32, #tpu.memory_space<vmem>>, vector<1x16xf32>,
          %swap3A_832 = vector.shape_cast %swap3A_831 : vector<1x16xf32> to vector<16xf32>
          %swap3A_833 = vector.shape_cast %mul3A_828 : vector<16xf32> to vector<1x16xf32>
          tpu.vector_store %arg6[%swap3A_829, %swap3A_830], %swap3A_833 {strides = array<i32>} : memref<32x1024xf32, #tpu.memory_space<vmem>>, vector<1x16xf32>,
          %get3A_834 = arith.index_cast %while3A_103 : i32 to index
          %get3A_835 = arith.constant 976 : index
          %get3A_836 = tpu.vector_load %arg6[%get3A_834, %get3A_835] {strides = array<i32>} : memref<32x1024xf32, #tpu.memory_space<vmem>>, vector<1x16xf32>,
          %get3A_837 = vector.shape_cast %get3A_836 : vector<1x16xf32> to vector<16xf32>
          %mul3A_838 = arith.constant 3.200000e+01 : f32
          %mul3A_839 = vector.broadcast %mul3A_838 : f32 to vector<16xf32>
          %mul3A_840 = arith.mulf %get3A_837, %mul3A_839 : vector<16xf32>
          %swap3A_841 = arith.index_cast %while3A_103 : i32 to index
          %swap3A_842 = arith.constant 976 : index
          %swap3A_843 = tpu.vector_load %arg6[%swap3A_841, %swap3A_842] {strides = array<i32>} : memref<32x1024xf32, #tpu.memory_space<vmem>>, vector<1x16xf32>,
          %swap3A_844 = vector.shape_cast %swap3A_843 : vector<1x16xf32> to vector<16xf32>
          %swap3A_845 = vector.shape_cast %mul3A_840 : vector<16xf32> to vector<1x16xf32>
          tpu.vector_store %arg6[%swap3A_841, %swap3A_842], %swap3A_845 {strides = array<i32>} : memref<32x1024xf32, #tpu.memory_space<vmem>>, vector<1x16xf32>,
          %get3A_846 = arith.index_cast %while3A_103 : i32 to index
          %get3A_847 = arith.constant 992 : index
          %get3A_848 = tpu.vector_load %arg6[%get3A_846, %get3A_847] {strides = array<i32>} : memref<32x1024xf32, #tpu.memory_space<vmem>>, vector<1x16xf32>,
          %get3A_849 = vector.shape_cast %get3A_848 : vector<1x16xf32> to vector<16xf32>
          %mul3A_850 = arith.constant 3.200000e+01 : f32
          %mul3A_851 = vector.broadcast %mul3A_850 : f32 to vector<16xf32>
          %mul3A_852 = arith.mulf %get3A_849, %mul3A_851 : vector<16xf32>
          %swap3A_853 = arith.index_cast %while3A_103 : i32 to index
          %swap3A_854 = arith.constant 992 : index
          %swap3A_855 = tpu.vector_load %arg6[%swap3A_853, %swap3A_854] {strides = array<i32>} : memref<32x1024xf32, #tpu.memory_space<vmem>>, vector<1x16xf32>,
          %swap3A_856 = vector.shape_cast %swap3A_855 : vector<1x16xf32> to vector<16xf32>
          %swap3A_857 = vector.shape_cast %mul3A_852 : vector<16xf32> to vector<1x16xf32>
          tpu.vector_store %arg6[%swap3A_853, %swap3A_854], %swap3A_857 {strides = array<i32>} : memref<32x1024xf32, #tpu.memory_space<vmem>>, vector<1x16xf32>,
          %get3A_858 = arith.index_cast %while3A_103 : i32 to index
          %get3A_859 = arith.constant 1008 : index
          %get3A_860 = tpu.vector_load %arg6[%get3A_858, %get3A_859] {strides = array<i32>} : memref<32x1024xf32, #tpu.memory_space<vmem>>, vector<1x16xf32>,
          %get3A_861 = vector.shape_cast %get3A_860 : vector<1x16xf32> to vector<16xf32>
          %mul3A_862 = arith.constant 3.200000e+01 : f32
          %mul3A_863 = vector.broadcast %mul3A_862 : f32 to vector<16xf32>
          %mul3A_864 = arith.mulf %get3A_861, %mul3A_863 : vector<16xf32>
          %swap3A_865 = arith.index_cast %while3A_103 : i32 to index
          %swap3A_866 = arith.constant 1008 : index
          %swap3A_867 = tpu.vector_load %arg6[%swap3A_865, %swap3A_866] {strides = array<i32>} : memref<32x1024xf32, #tpu.memory_space<vmem>>, vector<1x16xf32>,
          %swap3A_868 = vector.shape_cast %swap3A_867 : vector<1x16xf32> to vector<16xf32>
          %swap3A_869 = vector.shape_cast %mul3A_864 : vector<16xf32> to vector<1x16xf32>
          tpu.vector_store %arg6[%swap3A_865, %swap3A_866], %swap3A_869 {strides = array<i32>} : memref<32x1024xf32, #tpu.memory_space<vmem>>, vector<1x16xf32>,
        }
        %while3A_86 = arith.constant 1 : i32
        scf.for %while3A_103 = %while3A_84 to %while3A_80 step %while3A_86  : i32 {
          %get3A = arith.index_cast %while3A_103 : i32 to index
          %get3A_104 = arith.constant 0 : index
          %get3A_105 = tpu.vector_load %arg6[%get3A, %get3A_104] {strides = array<i32>} : memref<32x1024xf32, #tpu.memory_space<vmem>>, vector<1x16xf32>,
          %get3A_106 = vector.shape_cast %get3A_105 : vector<1x16xf32> to vector<16xf32>
          %mul3A_107 = arith.constant 3.200000e+01 : f32
          %mul3A_108 = vector.broadcast %mul3A_107 : f32 to vector<16xf32>
          %mul3A_109 = arith.mulf %get3A_106, %mul3A_108 : vector<16xf32>
          %swap3A = arith.index_cast %while3A_103 : i32 to index
          %swap3A_110 = arith.constant 0 : index
          %swap3A_111 = tpu.vector_load %arg6[%swap3A, %swap3A_110] {strides = array<i32>} : memref<32x1024xf32, #tpu.memory_space<vmem>>, vector<1x16xf32>,
          %swap3A_112 = vector.shape_cast %swap3A_111 : vector<1x16xf32> to vector<16xf32>
          %swap3A_113 = vector.shape_cast %mul3A_109 : vector<16xf32> to vector<1x16xf32>
          tpu.vector_store %arg6[%swap3A, %swap3A_110], %swap3A_113 {strides = array<i32>} : memref<32x1024xf32, #tpu.memory_space<vmem>>, vector<1x16xf32>,
          %get3A_114 = arith.index_cast %while3A_103 : i32 to index
          %get3A_115 = arith.constant 16 : index
          %get3A_116 = tpu.vector_load %arg6[%get3A_114, %get3A_115] {strides = array<i32>} : memref<32x1024xf32, #tpu.memory_space<vmem>>, vector<1x16xf32>,
          %get3A_117 = vector.shape_cast %get3A_116 : vector<1x16xf32> to vector<16xf32>
          %mul3A_118 = arith.constant 3.200000e+01 : f32
          %mul3A_119 = vector.broadcast %mul3A_118 : f32 to vector<16xf32>
          %mul3A_120 = arith.mulf %get3A_117, %mul3A_119 : vector<16xf32>
          %swap3A_121 = arith.index_cast %while3A_103 : i32 to index
          %swap3A_122 = arith.constant 16 : index
          %swap3A_123 = tpu.vector_load %arg6[%swap3A_121, %swap3A_122] {strides = array<i32>} : memref<32x1024xf32, #tpu.memory_space<vmem>>, vector<1x16xf32>,
          %swap3A_124 = vector.shape_cast %swap3A_123 : vector<1x16xf32> to vector<16xf32>
          %swap3A_125 = vector.shape_cast %mul3A_120 : vector<16xf32> to vector<1x16xf32>
          tpu.vector_store %arg6[%swap3A_121, %swap3A_122], %swap3A_125 {strides = array<i32>} : memref<32x1024xf32, #tpu.memory_space<vmem>>, vector<1x16xf32>,
          %get3A_126 = arith.index_cast %while3A_103 : i32 to index
          %get3A_127 = arith.constant 32 : index
          %get3A_128 = tpu.vector_load %arg6[%get3A_126, %get3A_127] {strides = array<i32>} : memref<32x1024xf32, #tpu.memory_space<vmem>>, vector<1x16xf32>,
          %get3A_129 = vector.shape_cast %get3A_128 : vector<1x16xf32> to vector<16xf32>
          %mul3A_130 = arith.constant 3.200000e+01 : f32
          %mul3A_131 = vector.broadcast %mul3A_130 : f32 to vector<16xf32>
          %mul3A_132 = arith.mulf %get3A_129, %mul3A_131 : vector<16xf32>
          %swap3A_133 = arith.index_cast %while3A_103 : i32 to index
          %swap3A_134 = arith.constant 32 : index
          %swap3A_135 = tpu.vector_load %arg6[%swap3A_133, %swap3A_134] {strides = array<i32>} : memref<32x1024xf32, #tpu.memory_space<vmem>>, vector<1x16xf32>,
          %swap3A_136 = vector.shape_cast %swap3A_135 : vector<1x16xf32> to vector<16xf32>
          %swap3A_137 = vector.shape_cast %mul3A_132 : vector<16xf32> to vector<1x16xf32>
          tpu.vector_store %arg6[%swap3A_133, %swap3A_134], %swap3A_137 {strides = array<i32>} : memref<32x1024xf32, #tpu.memory_space<vmem>>, vector<1x16xf32>,
          %get3A_138 = arith.index_cast %while3A_103 : i32 to index
          %get3A_139 = arith.constant 48 : index
          %get3A_140 = tpu.vector_load %arg6[%get3A_138, %get3A_139] {strides = array<i32>} : memref<32x1024xf32, #tpu.memory_space<vmem>>, vector<1x16xf32>,
          %get3A_141 = vector.shape_cast %get3A_140 : vector<1x16xf32> to vector<16xf32>
          %mul3A_142 = arith.constant 3.200000e+01 : f32
          %mul3A_143 = vector.broadcast %mul3A_142 : f32 to vector<16xf32>
          %mul3A_144 = arith.mulf %get3A_141, %mul3A_143 : vector<16xf32>
          %swap3A_145 = arith.index_cast %while3A_103 : i32 to index
          %swap3A_146 = arith.constant 48 : index
          %swap3A_147 = tpu.vector_load %arg6[%swap3A_145, %swap3A_146] {strides = array<i32>} : memref<32x1024xf32, #tpu.memory_space<vmem>>, vector<1x16xf32>,
          %swap3A_148 = vector.shape_cast %swap3A_147 : vector<1x16xf32> to vector<16xf32>
          %swap3A_149 = vector.shape_cast %mul3A_144 : vector<16xf32> to vector<1x16xf32>
          tpu.vector_store %arg6[%swap3A_145, %swap3A_146], %swap3A_149 {strides = array<i32>} : memref<32x1024xf32, #tpu.memory_space<vmem>>, vector<1x16xf32>,
          %get3A_150 = arith.index_cast %while3A_103 : i32 to index
          %get3A_151 = arith.constant 64 : index
          %get3A_152 = tpu.vector_load %arg6[%get3A_150, %get3A_151] {strides = array<i32>} : memref<32x1024xf32, #tpu.memory_space<vmem>>, vector<1x16xf32>,
          %get3A_153 = vector.shape_cast %get3A_152 : vector<1x16xf32> to vector<16xf32>
          %mul3A_154 = arith.constant 3.200000e+01 : f32
          %mul3A_155 = vector.broadcast %mul3A_154 : f32 to vector<16xf32>
          %mul3A_156 = arith.mulf %get3A_153, %mul3A_155 : vector<16xf32>
          %swap3A_157 = arith.index_cast %while3A_103 : i32 to index
          %swap3A_158 = arith.constant 64 : index
          %swap3A_159 = tpu.vector_load %arg6[%swap3A_157, %swap3A_158] {strides = array<i32>} : memref<32x1024xf32, #tpu.memory_space<vmem>>, vector<1x16xf32>,
          %swap3A_160 = vector.shape_cast %swap3A_159 : vector<1x16xf32> to vector<16xf32>
          %swap3A_161 = vector.shape_cast %mul3A_156 : vector<16xf32> to vector<1x16xf32>
          tpu.vector_store %arg6[%swap3A_157, %swap3A_158], %swap3A_161 {strides = array<i32>} : memref<32x1024xf32, #tpu.memory_space<vmem>>, vector<1x16xf32>,
          %get3A_162 = arith.index_cast %while3A_103 : i32 to index
          %get3A_163 = arith.constant 80 : index
          %get3A_164 = tpu.vector_load %arg6[%get3A_162, %get3A_163] {strides = array<i32>} : memref<32x1024xf32, #tpu.memory_space<vmem>>, vector<1x16xf32>,
          %get3A_165 = vector.shape_cast %get3A_164 : vector<1x16xf32> to vector<16xf32>
          %mul3A_166 = arith.constant 3.200000e+01 : f32
          %mul3A_167 = vector.broadcast %mul3A_166 : f32 to vector<16xf32>
          %mul3A_168 = arith.mulf %get3A_165, %mul3A_167 : vector<16xf32>
          %swap3A_169 = arith.index_cast %while3A_103 : i32 to index
          %swap3A_170 = arith.constant 80 : index
          %swap3A_171 = tpu.vector_load %arg6[%swap3A_169, %swap3A_170] {strides = array<i32>} : memref<32x1024xf32, #tpu.memory_space<vmem>>, vector<1x16xf32>,
          %swap3A_172 = vector.shape_cast %swap3A_171 : vector<1x16xf32> to vector<16xf32>
          %swap3A_173 = vector.shape_cast %mul3A_168 : vector<16xf32> to vector<1x16xf32>
          tpu.vector_store %arg6[%swap3A_169, %swap3A_170], %swap3A_173 {strides = array<i32>} : memref<32x1024xf32, #tpu.memory_space<vmem>>, vector<1x16xf32>,
          %get3A_174 = arith.index_cast %while3A_103 : i32 to index
          %get3A_175 = arith.constant 96 : index
          %get3A_176 = tpu.vector_load %arg6[%get3A_174, %get3A_175] {strides = array<i32>} : memref<32x1024xf32, #tpu.memory_space<vmem>>, vector<1x16xf32>,
          %get3A_177 = vector.shape_cast %get3A_176 : vector<1x16xf32> to vector<16xf32>
          %mul3A_178 = arith.constant 3.200000e+01 : f32
          %mul3A_179 = vector.broadcast %mul3A_178 : f32 to vector<16xf32>
          %mul3A_180 = arith.mulf %get3A_177, %mul3A_179 : vector<16xf32>
          %swap3A_181 = arith.index_cast %while3A_103 : i32 to index
          %swap3A_182 = arith.constant 96 : index
          %swap3A_183 = tpu.vector_load %arg6[%swap3A_181, %swap3A_182] {strides = array<i32>} : memref<32x1024xf32, #tpu.memory_space<vmem>>, vector<1x16xf32>,
          %swap3A_184 = vector.shape_cast %swap3A_183 : vector<1x16xf32> to vector<16xf32>
          %swap3A_185 = vector.shape_cast %mul3A_180 : vector<16xf32> to vector<1x16xf32>
          tpu.vector_store %arg6[%swap3A_181, %swap3A_182], %swap3A_185 {strides = array<i32>} : memref<32x1024xf32, #tpu.memory_space<vmem>>, vector<1x16xf32>,
          %get3A_186 = arith.index_cast %while3A_103 : i32 to index
          %get3A_187 = arith.constant 112 : index
          %get3A_188 = tpu.vector_load %arg6[%get3A_186, %get3A_187] {strides = array<i32>} : memref<32x1024xf32, #tpu.memory_space<vmem>>, vector<1x16xf32>,
          %get3A_189 = vector.shape_cast %get3A_188 : vector<1x16xf32> to vector<16xf32>
          %mul3A_190 = arith.constant 3.200000e+01 : f32
          %mul3A_191 = vector.broadcast %mul3A_190 : f32 to vector<16xf32>
          %mul3A_192 = arith.mulf %get3A_189, %mul3A_191 : vector<16xf32>
          %swap3A_193 = arith.index_cast %while3A_103 : i32 to index
          %swap3A_194 = arith.constant 112 : index
          %swap3A_195 = tpu.vector_load %arg6[%swap3A_193, %swap3A_194] {strides = array<i32>} : memref<32x1024xf32, #tpu.memory_space<vmem>>, vector<1x16xf32>,
          %swap3A_196 = vector.shape_cast %swap3A_195 : vector<1x16xf32> to vector<16xf32>
          %swap3A_197 = vector.shape_cast %mul3A_192 : vector<16xf32> to vector<1x16xf32>
          tpu.vector_store %arg6[%swap3A_193, %swap3A_194], %swap3A_197 {strides = array<i32>} : memref<32x1024xf32, #tpu.memory_space<vmem>>, vector<1x16xf32>,
          %get3A_198 = arith.index_cast %while3A_103 : i32 to index
          %get3A_199 = arith.constant 128 : index
          %get3A_200 = tpu.vector_load %arg6[%get3A_198, %get3A_199] {strides = array<i32>} : memref<32x1024xf32, #tpu.memory_space<vmem>>, vector<1x16xf32>,
          %get3A_201 = vector.shape_cast %get3A_200 : vector<1x16xf32> to vector<16xf32>
          %mul3A_202 = arith.constant 3.200000e+01 : f32
          %mul3A_203 = vector.broadcast %mul3A_202 : f32 to vector<16xf32>
          %mul3A_204 = arith.mulf %get3A_201, %mul3A_203 : vector<16xf32>
          %swap3A_205 = arith.index_cast %while3A_103 : i32 to index
          %swap3A_206 = arith.constant 128 : index
          %swap3A_207 = tpu.vector_load %arg6[%swap3A_205, %swap3A_206] {strides = array<i32>} : memref<32x1024xf32, #tpu.memory_space<vmem>>, vector<1x16xf32>,
          %swap3A_208 = vector.shape_cast %swap3A_207 : vector<1x16xf32> to vector<16xf32>
          %swap3A_209 = vector.shape_cast %mul3A_204 : vector<16xf32> to vector<1x16xf32>
          tpu.vector_store %arg6[%swap3A_205, %swap3A_206], %swap3A_209 {strides = array<i32>} : memref<32x1024xf32, #tpu.memory_space<vmem>>, vector<1x16xf32>,
          %get3A_210 = arith.index_cast %while3A_103 : i32 to index
          %get3A_211 = arith.constant 144 : index
          %get3A_212 = tpu.vector_load %arg6[%get3A_210, %get3A_211] {strides = array<i32>} : memref<32x1024xf32, #tpu.memory_space<vmem>>, vector<1x16xf32>,
          %get3A_213 = vector.shape_cast %get3A_212 : vector<1x16xf32> to vector<16xf32>
          %mul3A_214 = arith.constant 3.200000e+01 : f32
          %mul3A_215 = vector.broadcast %mul3A_214 : f32 to vector<16xf32>
          %mul3A_216 = arith.mulf %get3A_213, %mul3A_215 : vector<16xf32>
          %swap3A_217 = arith.index_cast %while3A_103 : i32 to index
          %swap3A_218 = arith.constant 144 : index
          %swap3A_219 = tpu.vector_load %arg6[%swap3A_217, %swap3A_218] {strides = array<i32>} : memref<32x1024xf32, #tpu.memory_space<vmem>>, vector<1x16xf32>,
          %swap3A_220 = vector.shape_cast %swap3A_219 : vector<1x16xf32> to vector<16xf32>
          %swap3A_221 = vector.shape_cast %mul3A_216 : vector<16xf32> to vector<1x16xf32>
          tpu.vector_store %arg6[%swap3A_217, %swap3A_218], %swap3A_221 {strides = array<i32>} : memref<32x1024xf32, #tpu.memory_space<vmem>>, vector<1x16xf32>,
          %get3A_222 = arith.index_cast %while3A_103 : i32 to index
          %get3A_223 = arith.constant 160 : index
          %get3A_224 = tpu.vector_load %arg6[%get3A_222, %get3A_223] {strides = array<i32>} : memref<32x1024xf32, #tpu.memory_space<vmem>>, vector<1x16xf32>,
          %get3A_225 = vector.shape_cast %get3A_224 : vector<1x16xf32> to vector<16xf32>
          %mul3A_226 = arith.constant 3.200000e+01 : f32
          %mul3A_227 = vector.broadcast %mul3A_226 : f32 to vector<16xf32>
          %mul3A_228 = arith.mulf %get3A_225, %mul3A_227 : vector<16xf32>
          %swap3A_229 = arith.index_cast %while3A_103 : i32 to index
          %swap3A_230 = arith.constant 160 : index
          %swap3A_231 = tpu.vector_load %arg6[%swap3A_229, %swap3A_230] {strides = array<i32>} : memref<32x1024xf32, #tpu.memory_space<vmem>>, vector<1x16xf32>,
          %swap3A_232 = vector.shape_cast %swap3A_231 : vector<1x16xf32> to vector<16xf32>
          %swap3A_233 = vector.shape_cast %mul3A_228 : vector<16xf32> to vector<1x16xf32>
          tpu.vector_store %arg6[%swap3A_229, %swap3A_230], %swap3A_233 {strides = array<i32>} : memref<32x1024xf32, #tpu.memory_space<vmem>>, vector<1x16xf32>,
          %get3A_234 = arith.index_cast %while3A_103 : i32 to index
          %get3A_235 = arith.constant 176 : index
          %get3A_236 = tpu.vector_load %arg6[%get3A_234, %get3A_235] {strides = array<i32>} : memref<32x1024xf32, #tpu.memory_space<vmem>>, vector<1x16xf32>,
          %get3A_237 = vector.shape_cast %get3A_236 : vector<1x16xf32> to vector<16xf32>
          %mul3A_238 = arith.constant 3.200000e+01 : f32
          %mul3A_239 = vector.broadcast %mul3A_238 : f32 to vector<16xf32>
          %mul3A_240 = arith.mulf %get3A_237, %mul3A_239 : vector<16xf32>
          %swap3A_241 = arith.index_cast %while3A_103 : i32 to index
          %swap3A_242 = arith.constant 176 : index
          %swap3A_243 = tpu.vector_load %arg6[%swap3A_241, %swap3A_242] {strides = array<i32>} : memref<32x1024xf32, #tpu.memory_space<vmem>>, vector<1x16xf32>,
          %swap3A_244 = vector.shape_cast %swap3A_243 : vector<1x16xf32> to vector<16xf32>
          %swap3A_245 = vector.shape_cast %mul3A_240 : vector<16xf32> to vector<1x16xf32>
          tpu.vector_store %arg6[%swap3A_241, %swap3A_242], %swap3A_245 {strides = array<i32>} : memref<32x1024xf32, #tpu.memory_space<vmem>>, vector<1x16xf32>,
          %get3A_246 = arith.index_cast %while3A_103 : i32 to index
          %get3A_247 = arith.constant 192 : index
          %get3A_248 = tpu.vector_load %arg6[%get3A_246, %get3A_247] {strides = array<i32>} : memref<32x1024xf32, #tpu.memory_space<vmem>>, vector<1x16xf32>,
          %get3A_249 = vector.shape_cast %get3A_248 : vector<1x16xf32> to vector<16xf32>
          %mul3A_250 = arith.constant 3.200000e+01 : f32
          %mul3A_251 = vector.broadcast %mul3A_250 : f32 to vector<16xf32>
          %mul3A_252 = arith.mulf %get3A_249, %mul3A_251 : vector<16xf32>
          %swap3A_253 = arith.index_cast %while3A_103 : i32 to index
          %swap3A_254 = arith.constant 192 : index
          %swap3A_255 = tpu.vector_load %arg6[%swap3A_253, %swap3A_254] {strides = array<i32>} : memref<32x1024xf32, #tpu.memory_space<vmem>>, vector<1x16xf32>,
          %swap3A_256 = vector.shape_cast %swap3A_255 : vector<1x16xf32> to vector<16xf32>
          %swap3A_257 = vector.shape_cast %mul3A_252 : vector<16xf32> to vector<1x16xf32>
          tpu.vector_store %arg6[%swap3A_253, %swap3A_254], %swap3A_257 {strides = array<i32>} : memref<32x1024xf32, #tpu.memory_space<vmem>>, vector<1x16xf32>,
          %get3A_258 = arith.index_cast %while3A_103 : i32 to index
          %get3A_259 = arith.constant 208 : index
          %get3A_260 = tpu.vector_load %arg6[%get3A_258, %get3A_259] {strides = array<i32>} : memref<32x1024xf32, #tpu.memory_space<vmem>>, vector<1x16xf32>,
          %get3A_261 = vector.shape_cast %get3A_260 : vector<1x16xf32> to vector<16xf32>
          %mul3A_262 = arith.constant 3.200000e+01 : f32
          %mul3A_263 = vector.broadcast %mul3A_262 : f32 to vector<16xf32>
          %mul3A_264 = arith.mulf %get3A_261, %mul3A_263 : vector<16xf32>
          %swap3A_265 = arith.index_cast %while3A_103 : i32 to index
          %swap3A_266 = arith.constant 208 : index
          %swap3A_267 = tpu.vector_load %arg6[%swap3A_265, %swap3A_266] {strides = array<i32>} : memref<32x1024xf32, #tpu.memory_space<vmem>>, vector<1x16xf32>,
          %swap3A_268 = vector.shape_cast %swap3A_267 : vector<1x16xf32> to vector<16xf32>
          %swap3A_269 = vector.shape_cast %mul3A_264 : vector<16xf32> to vector<1x16xf32>
          tpu.vector_store %arg6[%swap3A_265, %swap3A_266], %swap3A_269 {strides = array<i32>} : memref<32x1024xf32, #tpu.memory_space<vmem>>, vector<1x16xf32>,
          %get3A_270 = arith.index_cast %while3A_103 : i32 to index
          %get3A_271 = arith.constant 224 : index
          %get3A_272 = tpu.vector_load %arg6[%get3A_270, %get3A_271] {strides = array<i32>} : memref<32x1024xf32, #tpu.memory_space<vmem>>, vector<1x16xf32>,
          %get3A_273 = vector.shape_cast %get3A_272 : vector<1x16xf32> to vector<16xf32>
          %mul3A_274 = arith.constant 3.200000e+01 : f32
          %mul3A_275 = vector.broadcast %mul3A_274 : f32 to vector<16xf32>
          %mul3A_276 = arith.mulf %get3A_273, %mul3A_275 : vector<16xf32>
          %swap3A_277 = arith.index_cast %while3A_103 : i32 to index
          %swap3A_278 = arith.constant 224 : index
          %swap3A_279 = tpu.vector_load %arg6[%swap3A_277, %swap3A_278] {strides = array<i32>} : memref<32x1024xf32, #tpu.memory_space<vmem>>, vector<1x16xf32>,
          %swap3A_280 = vector.shape_cast %swap3A_279 : vector<1x16xf32> to vector<16xf32>
          %swap3A_281 = vector.shape_cast %mul3A_276 : vector<16xf32> to vector<1x16xf32>
          tpu.vector_store %arg6[%swap3A_277, %swap3A_278], %swap3A_281 {strides = array<i32>} : memref<32x1024xf32, #tpu.memory_space<vmem>>, vector<1x16xf32>,
          %get3A_282 = arith.index_cast %while3A_103 : i32 to index
          %get3A_283 = arith.constant 240 : index
          %get3A_284 = tpu.vector_load %arg6[%get3A_282, %get3A_283] {strides = array<i32>} : memref<32x1024xf32, #tpu.memory_space<vmem>>, vector<1x16xf32>,
          %get3A_285 = vector.shape_cast %get3A_284 : vector<1x16xf32> to vector<16xf32>
          %mul3A_286 = arith.constant 3.200000e+01 : f32
          %mul3A_287 = vector.broadcast %mul3A_286 : f32 to vector<16xf32>
          %mul3A_288 = arith.mulf %get3A_285, %mul3A_287 : vector<16xf32>
          %swap3A_289 = arith.index_cast %while3A_103 : i32 to index
          %swap3A_290 = arith.constant 240 : index
          %swap3A_291 = tpu.vector_load %arg6[%swap3A_289, %swap3A_290] {strides = array<i32>} : memref<32x1024xf32, #tpu.memory_space<vmem>>, vector<1x16xf32>,
          %swap3A_292 = vector.shape_cast %swap3A_291 : vector<1x16xf32> to vector<16xf32>
          %swap3A_293 = vector.shape_cast %mul3A_288 : vector<16xf32> to vector<1x16xf32>
          tpu.vector_store %arg6[%swap3A_289, %swap3A_290], %swap3A_293 {strides = array<i32>} : memref<32x1024xf32, #tpu.memory_space<vmem>>, vector<1x16xf32>,
          %get3A_294 = arith.index_cast %while3A_103 : i32 to index
          %get3A_295 = arith.constant 256 : index
          %get3A_296 = tpu.vector_load %arg6[%get3A_294, %get3A_295] {strides = array<i32>} : memref<32x1024xf32, #tpu.memory_space<vmem>>, vector<1x16xf32>,
          %get3A_297 = vector.shape_cast %get3A_296 : vector<1x16xf32> to vector<16xf32>
          %mul3A_298 = arith.constant 3.200000e+01 : f32
          %mul3A_299 = vector.broadcast %mul3A_298 : f32 to vector<16xf32>
          %mul3A_300 = arith.mulf %get3A_297, %mul3A_299 : vector<16xf32>
          %swap3A_301 = arith.index_cast %while3A_103 : i32 to index
          %swap3A_302 = arith.constant 256 : index
          %swap3A_303 = tpu.vector_load %arg6[%swap3A_301, %swap3A_302] {strides = array<i32>} : memref<32x1024xf32, #tpu.memory_space<vmem>>, vector<1x16xf32>,
          %swap3A_304 = vector.shape_cast %swap3A_303 : vector<1x16xf32> to vector<16xf32>
          %swap3A_305 = vector.shape_cast %mul3A_300 : vector<16xf32> to vector<1x16xf32>
          tpu.vector_store %arg6[%swap3A_301, %swap3A_302], %swap3A_305 {strides = array<i32>} : memref<32x1024xf32, #tpu.memory_space<vmem>>, vector<1x16xf32>,
          %get3A_306 = arith.index_cast %while3A_103 : i32 to index
          %get3A_307 = arith.constant 272 : index
          %get3A_308 = tpu.vector_load %arg6[%get3A_306, %get3A_307] {strides = array<i32>} : memref<32x1024xf32, #tpu.memory_space<vmem>>, vector<1x16xf32>,
          %get3A_309 = vector.shape_cast %get3A_308 : vector<1x16xf32> to vector<16xf32>
          %mul3A_310 = arith.constant 3.200000e+01 : f32
          %mul3A_311 = vector.broadcast %mul3A_310 : f32 to vector<16xf32>
          %mul3A_312 = arith.mulf %get3A_309, %mul3A_311 : vector<16xf32>
          %swap3A_313 = arith.index_cast %while3A_103 : i32 to index
          %swap3A_314 = arith.constant 272 : index
          %swap3A_315 = tpu.vector_load %arg6[%swap3A_313, %swap3A_314] {strides = array<i32>} : memref<32x1024xf32, #tpu.memory_space<vmem>>, vector<1x16xf32>,
          %swap3A_316 = vector.shape_cast %swap3A_315 : vector<1x16xf32> to vector<16xf32>
          %swap3A_317 = vector.shape_cast %mul3A_312 : vector<16xf32> to vector<1x16xf32>
          tpu.vector_store %arg6[%swap3A_313, %swap3A_314], %swap3A_317 {strides = array<i32>} : memref<32x1024xf32, #tpu.memory_space<vmem>>, vector<1x16xf32>,
          %get3A_318 = arith.index_cast %while3A_103 : i32 to index
          %get3A_319 = arith.constant 288 : index
          %get3A_320 = tpu.vector_load %arg6[%get3A_318, %get3A_319] {strides = array<i32>} : memref<32x1024xf32, #tpu.memory_space<vmem>>, vector<1x16xf32>,
          %get3A_321 = vector.shape_cast %get3A_320 : vector<1x16xf32> to vector<16xf32>
          %mul3A_322 = arith.constant 3.200000e+01 : f32
          %mul3A_323 = vector.broadcast %mul3A_322 : f32 to vector<16xf32>
          %mul3A_324 = arith.mulf %get3A_321, %mul3A_323 : vector<16xf32>
          %swap3A_325 = arith.index_cast %while3A_103 : i32 to index
          %swap3A_326 = arith.constant 288 : index
          %swap3A_327 = tpu.vector_load %arg6[%swap3A_325, %swap3A_326] {strides = array<i32>} : memref<32x1024xf32, #tpu.memory_space<vmem>>, vector<1x16xf32>,
          %swap3A_328 = vector.shape_cast %swap3A_327 : vector<1x16xf32> to vector<16xf32>
          %swap3A_329 = vector.shape_cast %mul3A_324 : vector<16xf32> to vector<1x16xf32>
          tpu.vector_store %arg6[%swap3A_325, %swap3A_326], %swap3A_329 {strides = array<i32>} : memref<32x1024xf32, #tpu.memory_space<vmem>>, vector<1x16xf32>,
          %get3A_330 = arith.index_cast %while3A_103 : i32 to index
          %get3A_331 = arith.constant 304 : index
          %get3A_332 = tpu.vector_load %arg6[%get3A_330, %get3A_331] {strides = array<i32>} : memref<32x1024xf32, #tpu.memory_space<vmem>>, vector<1x16xf32>,
          %get3A_333 = vector.shape_cast %get3A_332 : vector<1x16xf32> to vector<16xf32>
          %mul3A_334 = arith.constant 3.200000e+01 : f32
          %mul3A_335 = vector.broadcast %mul3A_334 : f32 to vector<16xf32>
          %mul3A_336 = arith.mulf %get3A_333, %mul3A_335 : vector<16xf32>
          %swap3A_337 = arith.index_cast %while3A_103 : i32 to index
          %swap3A_338 = arith.constant 304 : index
          %swap3A_339 = tpu.vector_load %arg6[%swap3A_337, %swap3A_338] {strides = array<i32>} : memref<32x1024xf32, #tpu.memory_space<vmem>>, vector<1x16xf32>,
          %swap3A_340 = vector.shape_cast %swap3A_339 : vector<1x16xf32> to vector<16xf32>
          %swap3A_341 = vector.shape_cast %mul3A_336 : vector<16xf32> to vector<1x16xf32>
          tpu.vector_store %arg6[%swap3A_337, %swap3A_338], %swap3A_341 {strides = array<i32>} : memref<32x1024xf32, #tpu.memory_space<vmem>>, vector<1x16xf32>,
          %get3A_342 = arith.index_cast %while3A_103 : i32 to index
          %get3A_343 = arith.constant 320 : index
          %get3A_344 = tpu.vector_load %arg6[%get3A_342, %get3A_343] {strides = array<i32>} : memref<32x1024xf32, #tpu.memory_space<vmem>>, vector<1x16xf32>,
          %get3A_345 = vector.shape_cast %get3A_344 : vector<1x16xf32> to vector<16xf32>
          %mul3A_346 = arith.constant 3.200000e+01 : f32
          %mul3A_347 = vector.broadcast %mul3A_346 : f32 to vector<16xf32>
          %mul3A_348 = arith.mulf %get3A_345, %mul3A_347 : vector<16xf32>
          %swap3A_349 = arith.index_cast %while3A_103 : i32 to index
          %swap3A_350 = arith.constant 320 : index
          %swap3A_351 = tpu.vector_load %arg6[%swap3A_349, %swap3A_350] {strides = array<i32>} : memref<32x1024xf32, #tpu.memory_space<vmem>>, vector<1x16xf32>,
          %swap3A_352 = vector.shape_cast %swap3A_351 : vector<1x16xf32> to vector<16xf32>
          %swap3A_353 = vector.shape_cast %mul3A_348 : vector<16xf32> to vector<1x16xf32>
          tpu.vector_store %arg6[%swap3A_349, %swap3A_350], %swap3A_353 {strides = array<i32>} : memref<32x1024xf32, #tpu.memory_space<vmem>>, vector<1x16xf32>,
          %get3A_354 = arith.index_cast %while3A_103 : i32 to index
          %get3A_355 = arith.constant 336 : index
          %get3A_356 = tpu.vector_load %arg6[%get3A_354, %get3A_355] {strides = array<i32>} : memref<32x1024xf32, #tpu.memory_space<vmem>>, vector<1x16xf32>,
          %get3A_357 = vector.shape_cast %get3A_356 : vector<1x16xf32> to vector<16xf32>
          %mul3A_358 = arith.constant 3.200000e+01 : f32
          %mul3A_359 = vector.broadcast %mul3A_358 : f32 to vector<16xf32>
          %mul3A_360 = arith.mulf %get3A_357, %mul3A_359 : vector<16xf32>
          %swap3A_361 = arith.index_cast %while3A_103 : i32 to index
          %swap3A_362 = arith.constant 336 : index
          %swap3A_363 = tpu.vector_load %arg6[%swap3A_361, %swap3A_362] {strides = array<i32>} : memref<32x1024xf32, #tpu.memory_space<vmem>>, vector<1x16xf32>,
          %swap3A_364 = vector.shape_cast %swap3A_363 : vector<1x16xf32> to vector<16xf32>
          %swap3A_365 = vector.shape_cast %mul3A_360 : vector<16xf32> to vector<1x16xf32>
          tpu.vector_store %arg6[%swap3A_361, %swap3A_362], %swap3A_365 {strides = array<i32>} : memref<32x1024xf32, #tpu.memory_space<vmem>>, vector<1x16xf32>,
          %get3A_366 = arith.index_cast %while3A_103 : i32 to index
          %get3A_367 = arith.constant 352 : index
          %get3A_368 = tpu.vector_load %arg6[%get3A_366, %get3A_367] {strides = array<i32>} : memref<32x1024xf32, #tpu.memory_space<vmem>>, vector<1x16xf32>,
          %get3A_369 = vector.shape_cast %get3A_368 : vector<1x16xf32> to vector<16xf32>
          %mul3A_370 = arith.constant 3.200000e+01 : f32
          %mul3A_371 = vector.broadcast %mul3A_370 : f32 to vector<16xf32>
          %mul3A_372 = arith.mulf %get3A_369, %mul3A_371 : vector<16xf32>
          %swap3A_373 = arith.index_cast %while3A_103 : i32 to index
          %swap3A_374 = arith.constant 352 : index
          %swap3A_375 = tpu.vector_load %arg6[%swap3A_373, %swap3A_374] {strides = array<i32>} : memref<32x1024xf32, #tpu.memory_space<vmem>>, vector<1x16xf32>,
          %swap3A_376 = vector.shape_cast %swap3A_375 : vector<1x16xf32> to vector<16xf32>
          %swap3A_377 = vector.shape_cast %mul3A_372 : vector<16xf32> to vector<1x16xf32>
          tpu.vector_store %arg6[%swap3A_373, %swap3A_374], %swap3A_377 {strides = array<i32>} : memref<32x1024xf32, #tpu.memory_space<vmem>>, vector<1x16xf32>,
          %get3A_378 = arith.index_cast %while3A_103 : i32 to index
          %get3A_379 = arith.constant 368 : index
          %get3A_380 = tpu.vector_load %arg6[%get3A_378, %get3A_379] {strides = array<i32>} : memref<32x1024xf32, #tpu.memory_space<vmem>>, vector<1x16xf32>,
          %get3A_381 = vector.shape_cast %get3A_380 : vector<1x16xf32> to vector<16xf32>
          %mul3A_382 = arith.constant 3.200000e+01 : f32
          %mul3A_383 = vector.broadcast %mul3A_382 : f32 to vector<16xf32>
          %mul3A_384 = arith.mulf %get3A_381, %mul3A_383 : vector<16xf32>
          %swap3A_385 = arith.index_cast %while3A_103 : i32 to index
          %swap3A_386 = arith.constant 368 : index
          %swap3A_387 = tpu.vector_load %arg6[%swap3A_385, %swap3A_386] {strides = array<i32>} : memref<32x1024xf32, #tpu.memory_space<vmem>>, vector<1x16xf32>,
          %swap3A_388 = vector.shape_cast %swap3A_387 : vector<1x16xf32> to vector<16xf32>
          %swap3A_389 = vector.shape_cast %mul3A_384 : vector<16xf32> to vector<1x16xf32>
          tpu.vector_store %arg6[%swap3A_385, %swap3A_386], %swap3A_389 {strides = array<i32>} : memref<32x1024xf32, #tpu.memory_space<vmem>>, vector<1x16xf32>,
          %get3A_390 = arith.index_cast %while3A_103 : i32 to index
          %get3A_391 = arith.constant 384 : index
          %get3A_392 = tpu.vector_load %arg6[%get3A_390, %get3A_391] {strides = array<i32>} : memref<32x1024xf32, #tpu.memory_space<vmem>>, vector<1x16xf32>,
          %get3A_393 = vector.shape_cast %get3A_392 : vector<1x16xf32> to vector<16xf32>
          %mul3A_394 = arith.constant 3.200000e+01 : f32
          %mul3A_395 = vector.broadcast %mul3A_394 : f32 to vector<16xf32>
          %mul3A_396 = arith.mulf %get3A_393, %mul3A_395 : vector<16xf32>
          %swap3A_397 = arith.index_cast %while3A_103 : i32 to index
          %swap3A_398 = arith.constant 384 : index
          %swap3A_399 = tpu.vector_load %arg6[%swap3A_397, %swap3A_398] {strides = array<i32>} : memref<32x1024xf32, #tpu.memory_space<vmem>>, vector<1x16xf32>,
          %swap3A_400 = vector.shape_cast %swap3A_399 : vector<1x16xf32> to vector<16xf32>
          %swap3A_401 = vector.shape_cast %mul3A_396 : vector<16xf32> to vector<1x16xf32>
          tpu.vector_store %arg6[%swap3A_397, %swap3A_398], %swap3A_401 {strides = array<i32>} : memref<32x1024xf32, #tpu.memory_space<vmem>>, vector<1x16xf32>,
          %get3A_402 = arith.index_cast %while3A_103 : i32 to index
          %get3A_403 = arith.constant 400 : index
          %get3A_404 = tpu.vector_load %arg6[%get3A_402, %get3A_403] {strides = array<i32>} : memref<32x1024xf32, #tpu.memory_space<vmem>>, vector<1x16xf32>,
          %get3A_405 = vector.shape_cast %get3A_404 : vector<1x16xf32> to vector<16xf32>
          %mul3A_406 = arith.constant 3.200000e+01 : f32
          %mul3A_407 = vector.broadcast %mul3A_406 : f32 to vector<16xf32>
          %mul3A_408 = arith.mulf %get3A_405, %mul3A_407 : vector<16xf32>
          %swap3A_409 = arith.index_cast %while3A_103 : i32 to index
          %swap3A_410 = arith.constant 400 : index
          %swap3A_411 = tpu.vector_load %arg6[%swap3A_409, %swap3A_410] {strides = array<i32>} : memref<32x1024xf32, #tpu.memory_space<vmem>>, vector<1x16xf32>,
          %swap3A_412 = vector.shape_cast %swap3A_411 : vector<1x16xf32> to vector<16xf32>
          %swap3A_413 = vector.shape_cast %mul3A_408 : vector<16xf32> to vector<1x16xf32>
          tpu.vector_store %arg6[%swap3A_409, %swap3A_410], %swap3A_413 {strides = array<i32>} : memref<32x1024xf32, #tpu.memory_space<vmem>>, vector<1x16xf32>,
          %get3A_414 = arith.index_cast %while3A_103 : i32 to index
          %get3A_415 = arith.constant 416 : index
          %get3A_416 = tpu.vector_load %arg6[%get3A_414, %get3A_415] {strides = array<i32>} : memref<32x1024xf32, #tpu.memory_space<vmem>>, vector<1x16xf32>,
          %get3A_417 = vector.shape_cast %get3A_416 : vector<1x16xf32> to vector<16xf32>
          %mul3A_418 = arith.constant 3.200000e+01 : f32
          %mul3A_419 = vector.broadcast %mul3A_418 : f32 to vector<16xf32>
          %mul3A_420 = arith.mulf %get3A_417, %mul3A_419 : vector<16xf32>
          %swap3A_421 = arith.index_cast %while3A_103 : i32 to index
          %swap3A_422 = arith.constant 416 : index
          %swap3A_423 = tpu.vector_load %arg6[%swap3A_421, %swap3A_422] {strides = array<i32>} : memref<32x1024xf32, #tpu.memory_space<vmem>>, vector<1x16xf32>,
          %swap3A_424 = vector.shape_cast %swap3A_423 : vector<1x16xf32> to vector<16xf32>
          %swap3A_425 = vector.shape_cast %mul3A_420 : vector<16xf32> to vector<1x16xf32>
          tpu.vector_store %arg6[%swap3A_421, %swap3A_422], %swap3A_425 {strides = array<i32>} : memref<32x1024xf32, #tpu.memory_space<vmem>>, vector<1x16xf32>,
          %get3A_426 = arith.index_cast %while3A_103 : i32 to index
          %get3A_427 = arith.constant 432 : index
          %get3A_428 = tpu.vector_load %arg6[%get3A_426, %get3A_427] {strides = array<i32>} : memref<32x1024xf32, #tpu.memory_space<vmem>>, vector<1x16xf32>,
          %get3A_429 = vector.shape_cast %get3A_428 : vector<1x16xf32> to vector<16xf32>
          %mul3A_430 = arith.constant 3.200000e+01 : f32
          %mul3A_431 = vector.broadcast %mul3A_430 : f32 to vector<16xf32>
          %mul3A_432 = arith.mulf %get3A_429, %mul3A_431 : vector<16xf32>
          %swap3A_433 = arith.index_cast %while3A_103 : i32 to index
          %swap3A_434 = arith.constant 432 : index
          %swap3A_435 = tpu.vector_load %arg6[%swap3A_433, %swap3A_434] {strides = array<i32>} : memref<32x1024xf32, #tpu.memory_space<vmem>>, vector<1x16xf32>,
          %swap3A_436 = vector.shape_cast %swap3A_435 : vector<1x16xf32> to vector<16xf32>
          %swap3A_437 = vector.shape_cast %mul3A_432 : vector<16xf32> to vector<1x16xf32>
          tpu.vector_store %arg6[%swap3A_433, %swap3A_434], %swap3A_437 {strides = array<i32>} : memref<32x1024xf32, #tpu.memory_space<vmem>>, vector<1x16xf32>,
          %get3A_438 = arith.index_cast %while3A_103 : i32 to index
          %get3A_439 = arith.constant 448 : index
          %get3A_440 = tpu.vector_load %arg6[%get3A_438, %get3A_439] {strides = array<i32>} : memref<32x1024xf32, #tpu.memory_space<vmem>>, vector<1x16xf32>,
          %get3A_441 = vector.shape_cast %get3A_440 : vector<1x16xf32> to vector<16xf32>
          %mul3A_442 = arith.constant 3.200000e+01 : f32
          %mul3A_443 = vector.broadcast %mul3A_442 : f32 to vector<16xf32>
          %mul3A_444 = arith.mulf %get3A_441, %mul3A_443 : vector<16xf32>
          %swap3A_445 = arith.index_cast %while3A_103 : i32 to index
          %swap3A_446 = arith.constant 448 : index
          %swap3A_447 = tpu.vector_load %arg6[%swap3A_445, %swap3A_446] {strides = array<i32>} : memref<32x1024xf32, #tpu.memory_space<vmem>>, vector<1x16xf32>,
          %swap3A_448 = vector.shape_cast %swap3A_447 : vector<1x16xf32> to vector<16xf32>
          %swap3A_449 = vector.shape_cast %mul3A_444 : vector<16xf32> to vector<1x16xf32>
          tpu.vector_store %arg6[%swap3A_445, %swap3A_446], %swap3A_449 {strides = array<i32>} : memref<32x1024xf32, #tpu.memory_space<vmem>>, vector<1x16xf32>,
          %get3A_450 = arith.index_cast %while3A_103 : i32 to index
          %get3A_451 = arith.constant 464 : index
          %get3A_452 = tpu.vector_load %arg6[%get3A_450, %get3A_451] {strides = array<i32>} : memref<32x1024xf32, #tpu.memory_space<vmem>>, vector<1x16xf32>,
          %get3A_453 = vector.shape_cast %get3A_452 : vector<1x16xf32> to vector<16xf32>
          %mul3A_454 = arith.constant 3.200000e+01 : f32
          %mul3A_455 = vector.broadcast %mul3A_454 : f32 to vector<16xf32>
          %mul3A_456 = arith.mulf %get3A_453, %mul3A_455 : vector<16xf32>
          %swap3A_457 = arith.index_cast %while3A_103 : i32 to index
          %swap3A_458 = arith.constant 464 : index
          %swap3A_459 = tpu.vector_load %arg6[%swap3A_457, %swap3A_458] {strides = array<i32>} : memref<32x1024xf32, #tpu.memory_space<vmem>>, vector<1x16xf32>,
          %swap3A_460 = vector.shape_cast %swap3A_459 : vector<1x16xf32> to vector<16xf32>
          %swap3A_461 = vector.shape_cast %mul3A_456 : vector<16xf32> to vector<1x16xf32>
          tpu.vector_store %arg6[%swap3A_457, %swap3A_458], %swap3A_461 {strides = array<i32>} : memref<32x1024xf32, #tpu.memory_space<vmem>>, vector<1x16xf32>,
          %get3A_462 = arith.index_cast %while3A_103 : i32 to index
          %get3A_463 = arith.constant 480 : index
          %get3A_464 = tpu.vector_load %arg6[%get3A_462, %get3A_463] {strides = array<i32>} : memref<32x1024xf32, #tpu.memory_space<vmem>>, vector<1x16xf32>,
          %get3A_465 = vector.shape_cast %get3A_464 : vector<1x16xf32> to vector<16xf32>
          %mul3A_466 = arith.constant 3.200000e+01 : f32
          %mul3A_467 = vector.broadcast %mul3A_466 : f32 to vector<16xf32>
          %mul3A_468 = arith.mulf %get3A_465, %mul3A_467 : vector<16xf32>
          %swap3A_469 = arith.index_cast %while3A_103 : i32 to index
          %swap3A_470 = arith.constant 480 : index
          %swap3A_471 = tpu.vector_load %arg6[%swap3A_469, %swap3A_470] {strides = array<i32>} : memref<32x1024xf32, #tpu.memory_space<vmem>>, vector<1x16xf32>,
          %swap3A_472 = vector.shape_cast %swap3A_471 : vector<1x16xf32> to vector<16xf32>
          %swap3A_473 = vector.shape_cast %mul3A_468 : vector<16xf32> to vector<1x16xf32>
          tpu.vector_store %arg6[%swap3A_469, %swap3A_470], %swap3A_473 {strides = array<i32>} : memref<32x1024xf32, #tpu.memory_space<vmem>>, vector<1x16xf32>,
          %get3A_474 = arith.index_cast %while3A_103 : i32 to index
          %get3A_475 = arith.constant 496 : index
          %get3A_476 = tpu.vector_load %arg6[%get3A_474, %get3A_475] {strides = array<i32>} : memref<32x1024xf32, #tpu.memory_space<vmem>>, vector<1x16xf32>,
          %get3A_477 = vector.shape_cast %get3A_476 : vector<1x16xf32> to vector<16xf32>
          %mul3A_478 = arith.constant 3.200000e+01 : f32
          %mul3A_479 = vector.broadcast %mul3A_478 : f32 to vector<16xf32>
          %mul3A_480 = arith.mulf %get3A_477, %mul3A_479 : vector<16xf32>
          %swap3A_481 = arith.index_cast %while3A_103 : i32 to index
          %swap3A_482 = arith.constant 496 : index
          %swap3A_483 = tpu.vector_load %arg6[%swap3A_481, %swap3A_482] {strides = array<i32>} : memref<32x1024xf32, #tpu.memory_space<vmem>>, vector<1x16xf32>,
          %swap3A_484 = vector.shape_cast %swap3A_483 : vector<1x16xf32> to vector<16xf32>
          %swap3A_485 = vector.shape_cast %mul3A_480 : vector<16xf32> to vector<1x16xf32>
          tpu.vector_store %arg6[%swap3A_481, %swap3A_482], %swap3A_485 {strides = array<i32>} : memref<32x1024xf32, #tpu.memory_space<vmem>>, vector<1x16xf32>,
          %get3A_486 = arith.index_cast %while3A_103 : i32 to index
          %get3A_487 = arith.constant 512 : index
          %get3A_488 = tpu.vector_load %arg6[%get3A_486, %get3A_487] {strides = array<i32>} : memref<32x1024xf32, #tpu.memory_space<vmem>>, vector<1x16xf32>,
          %get3A_489 = vector.shape_cast %get3A_488 : vector<1x16xf32> to vector<16xf32>
          %mul3A_490 = arith.constant 3.200000e+01 : f32
          %mul3A_491 = vector.broadcast %mul3A_490 : f32 to vector<16xf32>
          %mul3A_492 = arith.mulf %get3A_489, %mul3A_491 : vector<16xf32>
          %swap3A_493 = arith.index_cast %while3A_103 : i32 to index
          %swap3A_494 = arith.constant 512 : index
          %swap3A_495 = tpu.vector_load %arg6[%swap3A_493, %swap3A_494] {strides = array<i32>} : memref<32x1024xf32, #tpu.memory_space<vmem>>, vector<1x16xf32>,
          %swap3A_496 = vector.shape_cast %swap3A_495 : vector<1x16xf32> to vector<16xf32>
          %swap3A_497 = vector.shape_cast %mul3A_492 : vector<16xf32> to vector<1x16xf32>
          tpu.vector_store %arg6[%swap3A_493, %swap3A_494], %swap3A_497 {strides = array<i32>} : memref<32x1024xf32, #tpu.memory_space<vmem>>, vector<1x16xf32>,
          %get3A_498 = arith.index_cast %while3A_103 : i32 to index
          %get3A_499 = arith.constant 528 : index
          %get3A_500 = tpu.vector_load %arg6[%get3A_498, %get3A_499] {strides = array<i32>} : memref<32x1024xf32, #tpu.memory_space<vmem>>, vector<1x16xf32>,
          %get3A_501 = vector.shape_cast %get3A_500 : vector<1x16xf32> to vector<16xf32>
          %mul3A_502 = arith.constant 3.200000e+01 : f32
          %mul3A_503 = vector.broadcast %mul3A_502 : f32 to vector<16xf32>
          %mul3A_504 = arith.mulf %get3A_501, %mul3A_503 : vector<16xf32>
          %swap3A_505 = arith.index_cast %while3A_103 : i32 to index
          %swap3A_506 = arith.constant 528 : index
          %swap3A_507 = tpu.vector_load %arg6[%swap3A_505, %swap3A_506] {strides = array<i32>} : memref<32x1024xf32, #tpu.memory_space<vmem>>, vector<1x16xf32>,
          %swap3A_508 = vector.shape_cast %swap3A_507 : vector<1x16xf32> to vector<16xf32>
          %swap3A_509 = vector.shape_cast %mul3A_504 : vector<16xf32> to vector<1x16xf32>
          tpu.vector_store %arg6[%swap3A_505, %swap3A_506], %swap3A_509 {strides = array<i32>} : memref<32x1024xf32, #tpu.memory_space<vmem>>, vector<1x16xf32>,
          %get3A_510 = arith.index_cast %while3A_103 : i32 to index
          %get3A_511 = arith.constant 544 : index
          %get3A_512 = tpu.vector_load %arg6[%get3A_510, %get3A_511] {strides = array<i32>} : memref<32x1024xf32, #tpu.memory_space<vmem>>, vector<1x16xf32>,
          %get3A_513 = vector.shape_cast %get3A_512 : vector<1x16xf32> to vector<16xf32>
          %mul3A_514 = arith.constant 3.200000e+01 : f32
          %mul3A_515 = vector.broadcast %mul3A_514 : f32 to vector<16xf32>
          %mul3A_516 = arith.mulf %get3A_513, %mul3A_515 : vector<16xf32>
          %swap3A_517 = arith.index_cast %while3A_103 : i32 to index
          %swap3A_518 = arith.constant 544 : index
          %swap3A_519 = tpu.vector_load %arg6[%swap3A_517, %swap3A_518] {strides = array<i32>} : memref<32x1024xf32, #tpu.memory_space<vmem>>, vector<1x16xf32>,
          %swap3A_520 = vector.shape_cast %swap3A_519 : vector<1x16xf32> to vector<16xf32>
          %swap3A_521 = vector.shape_cast %mul3A_516 : vector<16xf32> to vector<1x16xf32>
          tpu.vector_store %arg6[%swap3A_517, %swap3A_518], %swap3A_521 {strides = array<i32>} : memref<32x1024xf32, #tpu.memory_space<vmem>>, vector<1x16xf32>,
          %get3A_522 = arith.index_cast %while3A_103 : i32 to index
          %get3A_523 = arith.constant 560 : index
          %get3A_524 = tpu.vector_load %arg6[%get3A_522, %get3A_523] {strides = array<i32>} : memref<32x1024xf32, #tpu.memory_space<vmem>>, vector<1x16xf32>,
          %get3A_525 = vector.shape_cast %get3A_524 : vector<1x16xf32> to vector<16xf32>
          %mul3A_526 = arith.constant 3.200000e+01 : f32
          %mul3A_527 = vector.broadcast %mul3A_526 : f32 to vector<16xf32>
          %mul3A_528 = arith.mulf %get3A_525, %mul3A_527 : vector<16xf32>
          %swap3A_529 = arith.index_cast %while3A_103 : i32 to index
          %swap3A_530 = arith.constant 560 : index
          %swap3A_531 = tpu.vector_load %arg6[%swap3A_529, %swap3A_530] {strides = array<i32>} : memref<32x1024xf32, #tpu.memory_space<vmem>>, vector<1x16xf32>,
          %swap3A_532 = vector.shape_cast %swap3A_531 : vector<1x16xf32> to vector<16xf32>
          %swap3A_533 = vector.shape_cast %mul3A_528 : vector<16xf32> to vector<1x16xf32>
          tpu.vector_store %arg6[%swap3A_529, %swap3A_530], %swap3A_533 {strides = array<i32>} : memref<32x1024xf32, #tpu.memory_space<vmem>>, vector<1x16xf32>,
          %get3A_534 = arith.index_cast %while3A_103 : i32 to index
          %get3A_535 = arith.constant 576 : index
          %get3A_536 = tpu.vector_load %arg6[%get3A_534, %get3A_535] {strides = array<i32>} : memref<32x1024xf32, #tpu.memory_space<vmem>>, vector<1x16xf32>,
          %get3A_537 = vector.shape_cast %get3A_536 : vector<1x16xf32> to vector<16xf32>
          %mul3A_538 = arith.constant 3.200000e+01 : f32
          %mul3A_539 = vector.broadcast %mul3A_538 : f32 to vector<16xf32>
          %mul3A_540 = arith.mulf %get3A_537, %mul3A_539 : vector<16xf32>
          %swap3A_541 = arith.index_cast %while3A_103 : i32 to index
          %swap3A_542 = arith.constant 576 : index
          %swap3A_543 = tpu.vector_load %arg6[%swap3A_541, %swap3A_542] {strides = array<i32>} : memref<32x1024xf32, #tpu.memory_space<vmem>>, vector<1x16xf32>,
          %swap3A_544 = vector.shape_cast %swap3A_543 : vector<1x16xf32> to vector<16xf32>
          %swap3A_545 = vector.shape_cast %mul3A_540 : vector<16xf32> to vector<1x16xf32>
          tpu.vector_store %arg6[%swap3A_541, %swap3A_542], %swap3A_545 {strides = array<i32>} : memref<32x1024xf32, #tpu.memory_space<vmem>>, vector<1x16xf32>,
          %get3A_546 = arith.index_cast %while3A_103 : i32 to index
          %get3A_547 = arith.constant 592 : index
          %get3A_548 = tpu.vector_load %arg6[%get3A_546, %get3A_547] {strides = array<i32>} : memref<32x1024xf32, #tpu.memory_space<vmem>>, vector<1x16xf32>,
          %get3A_549 = vector.shape_cast %get3A_548 : vector<1x16xf32> to vector<16xf32>
          %mul3A_550 = arith.constant 3.200000e+01 : f32
          %mul3A_551 = vector.broadcast %mul3A_550 : f32 to vector<16xf32>
          %mul3A_552 = arith.mulf %get3A_549, %mul3A_551 : vector<16xf32>
          %swap3A_553 = arith.index_cast %while3A_103 : i32 to index
          %swap3A_554 = arith.constant 592 : index
          %swap3A_555 = tpu.vector_load %arg6[%swap3A_553, %swap3A_554] {strides = array<i32>} : memref<32x1024xf32, #tpu.memory_space<vmem>>, vector<1x16xf32>,
          %swap3A_556 = vector.shape_cast %swap3A_555 : vector<1x16xf32> to vector<16xf32>
          %swap3A_557 = vector.shape_cast %mul3A_552 : vector<16xf32> to vector<1x16xf32>
          tpu.vector_store %arg6[%swap3A_553, %swap3A_554], %swap3A_557 {strides = array<i32>} : memref<32x1024xf32, #tpu.memory_space<vmem>>, vector<1x16xf32>,
          %get3A_558 = arith.index_cast %while3A_103 : i32 to index
          %get3A_559 = arith.constant 608 : index
          %get3A_560 = tpu.vector_load %arg6[%get3A_558, %get3A_559] {strides = array<i32>} : memref<32x1024xf32, #tpu.memory_space<vmem>>, vector<1x16xf32>,
          %get3A_561 = vector.shape_cast %get3A_560 : vector<1x16xf32> to vector<16xf32>
          %mul3A_562 = arith.constant 3.200000e+01 : f32
          %mul3A_563 = vector.broadcast %mul3A_562 : f32 to vector<16xf32>
          %mul3A_564 = arith.mulf %get3A_561, %mul3A_563 : vector<16xf32>
          %swap3A_565 = arith.index_cast %while3A_103 : i32 to index
          %swap3A_566 = arith.constant 608 : index
          %swap3A_567 = tpu.vector_load %arg6[%swap3A_565, %swap3A_566] {strides = array<i32>} : memref<32x1024xf32, #tpu.memory_space<vmem>>, vector<1x16xf32>,
          %swap3A_568 = vector.shape_cast %swap3A_567 : vector<1x16xf32> to vector<16xf32>
          %swap3A_569 = vector.shape_cast %mul3A_564 : vector<16xf32> to vector<1x16xf32>
          tpu.vector_store %arg6[%swap3A_565, %swap3A_566], %swap3A_569 {strides = array<i32>} : memref<32x1024xf32, #tpu.memory_space<vmem>>, vector<1x16xf32>,
          %get3A_570 = arith.index_cast %while3A_103 : i32 to index
          %get3A_571 = arith.constant 624 : index
          %get3A_572 = tpu.vector_load %arg6[%get3A_570, %get3A_571] {strides = array<i32>} : memref<32x1024xf32, #tpu.memory_space<vmem>>, vector<1x16xf32>,
          %get3A_573 = vector.shape_cast %get3A_572 : vector<1x16xf32> to vector<16xf32>
          %mul3A_574 = arith.constant 3.200000e+01 : f32
          %mul3A_575 = vector.broadcast %mul3A_574 : f32 to vector<16xf32>
          %mul3A_576 = arith.mulf %get3A_573, %mul3A_575 : vector<16xf32>
          %swap3A_577 = arith.index_cast %while3A_103 : i32 to index
          %swap3A_578 = arith.constant 624 : index
          %swap3A_579 = tpu.vector_load %arg6[%swap3A_577, %swap3A_578] {strides = array<i32>} : memref<32x1024xf32, #tpu.memory_space<vmem>>, vector<1x16xf32>,
          %swap3A_580 = vector.shape_cast %swap3A_579 : vector<1x16xf32> to vector<16xf32>
          %swap3A_581 = vector.shape_cast %mul3A_576 : vector<16xf32> to vector<1x16xf32>
          tpu.vector_store %arg6[%swap3A_577, %swap3A_578], %swap3A_581 {strides = array<i32>} : memref<32x1024xf32, #tpu.memory_space<vmem>>, vector<1x16xf32>,
          %get3A_582 = arith.index_cast %while3A_103 : i32 to index
          %get3A_583 = arith.constant 640 : index
          %get3A_584 = tpu.vector_load %arg6[%get3A_582, %get3A_583] {strides = array<i32>} : memref<32x1024xf32, #tpu.memory_space<vmem>>, vector<1x16xf32>,
          %get3A_585 = vector.shape_cast %get3A_584 : vector<1x16xf32> to vector<16xf32>
          %mul3A_586 = arith.constant 3.200000e+01 : f32
          %mul3A_587 = vector.broadcast %mul3A_586 : f32 to vector<16xf32>
          %mul3A_588 = arith.mulf %get3A_585, %mul3A_587 : vector<16xf32>
          %swap3A_589 = arith.index_cast %while3A_103 : i32 to index
          %swap3A_590 = arith.constant 640 : index
          %swap3A_591 = tpu.vector_load %arg6[%swap3A_589, %swap3A_590] {strides = array<i32>} : memref<32x1024xf32, #tpu.memory_space<vmem>>, vector<1x16xf32>,
          %swap3A_592 = vector.shape_cast %swap3A_591 : vector<1x16xf32> to vector<16xf32>
          %swap3A_593 = vector.shape_cast %mul3A_588 : vector<16xf32> to vector<1x16xf32>
          tpu.vector_store %arg6[%swap3A_589, %swap3A_590], %swap3A_593 {strides = array<i32>} : memref<32x1024xf32, #tpu.memory_space<vmem>>, vector<1x16xf32>,
          %get3A_594 = arith.index_cast %while3A_103 : i32 to index
          %get3A_595 = arith.constant 656 : index
          %get3A_596 = tpu.vector_load %arg6[%get3A_594, %get3A_595] {strides = array<i32>} : memref<32x1024xf32, #tpu.memory_space<vmem>>, vector<1x16xf32>,
          %get3A_597 = vector.shape_cast %get3A_596 : vector<1x16xf32> to vector<16xf32>
          %mul3A_598 = arith.constant 3.200000e+01 : f32
          %mul3A_599 = vector.broadcast %mul3A_598 : f32 to vector<16xf32>
          %mul3A_600 = arith.mulf %get3A_597, %mul3A_599 : vector<16xf32>
          %swap3A_601 = arith.index_cast %while3A_103 : i32 to index
          %swap3A_602 = arith.constant 656 : index
          %swap3A_603 = tpu.vector_load %arg6[%swap3A_601, %swap3A_602] {strides = array<i32>} : memref<32x1024xf32, #tpu.memory_space<vmem>>, vector<1x16xf32>,
          %swap3A_604 = vector.shape_cast %swap3A_603 : vector<1x16xf32> to vector<16xf32>
          %swap3A_605 = vector.shape_cast %mul3A_600 : vector<16xf32> to vector<1x16xf32>
          tpu.vector_store %arg6[%swap3A_601, %swap3A_602], %swap3A_605 {strides = array<i32>} : memref<32x1024xf32, #tpu.memory_space<vmem>>, vector<1x16xf32>,
          %get3A_606 = arith.index_cast %while3A_103 : i32 to index
          %get3A_607 = arith.constant 672 : index
          %get3A_608 = tpu.vector_load %arg6[%get3A_606, %get3A_607] {strides = array<i32>} : memref<32x1024xf32, #tpu.memory_space<vmem>>, vector<1x16xf32>,
          %get3A_609 = vector.shape_cast %get3A_608 : vector<1x16xf32> to vector<16xf32>
          %mul3A_610 = arith.constant 3.200000e+01 : f32
          %mul3A_611 = vector.broadcast %mul3A_610 : f32 to vector<16xf32>
          %mul3A_612 = arith.mulf %get3A_609, %mul3A_611 : vector<16xf32>
          %swap3A_613 = arith.index_cast %while3A_103 : i32 to index
          %swap3A_614 = arith.constant 672 : index
          %swap3A_615 = tpu.vector_load %arg6[%swap3A_613, %swap3A_614] {strides = array<i32>} : memref<32x1024xf32, #tpu.memory_space<vmem>>, vector<1x16xf32>,
          %swap3A_616 = vector.shape_cast %swap3A_615 : vector<1x16xf32> to vector<16xf32>
          %swap3A_617 = vector.shape_cast %mul3A_612 : vector<16xf32> to vector<1x16xf32>
          tpu.vector_store %arg6[%swap3A_613, %swap3A_614], %swap3A_617 {strides = array<i32>} : memref<32x1024xf32, #tpu.memory_space<vmem>>, vector<1x16xf32>,
          %get3A_618 = arith.index_cast %while3A_103 : i32 to index
          %get3A_619 = arith.constant 688 : index
          %get3A_620 = tpu.vector_load %arg6[%get3A_618, %get3A_619] {strides = array<i32>} : memref<32x1024xf32, #tpu.memory_space<vmem>>, vector<1x16xf32>,
          %get3A_621 = vector.shape_cast %get3A_620 : vector<1x16xf32> to vector<16xf32>
          %mul3A_622 = arith.constant 3.200000e+01 : f32
          %mul3A_623 = vector.broadcast %mul3A_622 : f32 to vector<16xf32>
          %mul3A_624 = arith.mulf %get3A_621, %mul3A_623 : vector<16xf32>
          %swap3A_625 = arith.index_cast %while3A_103 : i32 to index
          %swap3A_626 = arith.constant 688 : index
          %swap3A_627 = tpu.vector_load %arg6[%swap3A_625, %swap3A_626] {strides = array<i32>} : memref<32x1024xf32, #tpu.memory_space<vmem>>, vector<1x16xf32>,
          %swap3A_628 = vector.shape_cast %swap3A_627 : vector<1x16xf32> to vector<16xf32>
          %swap3A_629 = vector.shape_cast %mul3A_624 : vector<16xf32> to vector<1x16xf32>
          tpu.vector_store %arg6[%swap3A_625, %swap3A_626], %swap3A_629 {strides = array<i32>} : memref<32x1024xf32, #tpu.memory_space<vmem>>, vector<1x16xf32>,
          %get3A_630 = arith.index_cast %while3A_103 : i32 to index
          %get3A_631 = arith.constant 704 : index
          %get3A_632 = tpu.vector_load %arg6[%get3A_630, %get3A_631] {strides = array<i32>} : memref<32x1024xf32, #tpu.memory_space<vmem>>, vector<1x16xf32>,
          %get3A_633 = vector.shape_cast %get3A_632 : vector<1x16xf32> to vector<16xf32>
          %mul3A_634 = arith.constant 3.200000e+01 : f32
          %mul3A_635 = vector.broadcast %mul3A_634 : f32 to vector<16xf32>
          %mul3A_636 = arith.mulf %get3A_633, %mul3A_635 : vector<16xf32>
          %swap3A_637 = arith.index_cast %while3A_103 : i32 to index
          %swap3A_638 = arith.constant 704 : index
          %swap3A_639 = tpu.vector_load %arg6[%swap3A_637, %swap3A_638] {strides = array<i32>} : memref<32x1024xf32, #tpu.memory_space<vmem>>, vector<1x16xf32>,
          %swap3A_640 = vector.shape_cast %swap3A_639 : vector<1x16xf32> to vector<16xf32>
          %swap3A_641 = vector.shape_cast %mul3A_636 : vector<16xf32> to vector<1x16xf32>
          tpu.vector_store %arg6[%swap3A_637, %swap3A_638], %swap3A_641 {strides = array<i32>} : memref<32x1024xf32, #tpu.memory_space<vmem>>, vector<1x16xf32>,
          %get3A_642 = arith.index_cast %while3A_103 : i32 to index
          %get3A_643 = arith.constant 720 : index
          %get3A_644 = tpu.vector_load %arg6[%get3A_642, %get3A_643] {strides = array<i32>} : memref<32x1024xf32, #tpu.memory_space<vmem>>, vector<1x16xf32>,
          %get3A_645 = vector.shape_cast %get3A_644 : vector<1x16xf32> to vector<16xf32>
          %mul3A_646 = arith.constant 3.200000e+01 : f32
          %mul3A_647 = vector.broadcast %mul3A_646 : f32 to vector<16xf32>
          %mul3A_648 = arith.mulf %get3A_645, %mul3A_647 : vector<16xf32>
          %swap3A_649 = arith.index_cast %while3A_103 : i32 to index
          %swap3A_650 = arith.constant 720 : index
          %swap3A_651 = tpu.vector_load %arg6[%swap3A_649, %swap3A_650] {strides = array<i32>} : memref<32x1024xf32, #tpu.memory_space<vmem>>, vector<1x16xf32>,
          %swap3A_652 = vector.shape_cast %swap3A_651 : vector<1x16xf32> to vector<16xf32>
          %swap3A_653 = vector.shape_cast %mul3A_648 : vector<16xf32> to vector<1x16xf32>
          tpu.vector_store %arg6[%swap3A_649, %swap3A_650], %swap3A_653 {strides = array<i32>} : memref<32x1024xf32, #tpu.memory_space<vmem>>, vector<1x16xf32>,
          %get3A_654 = arith.index_cast %while3A_103 : i32 to index
          %get3A_655 = arith.constant 736 : index
          %get3A_656 = tpu.vector_load %arg6[%get3A_654, %get3A_655] {strides = array<i32>} : memref<32x1024xf32, #tpu.memory_space<vmem>>, vector<1x16xf32>,
          %get3A_657 = vector.shape_cast %get3A_656 : vector<1x16xf32> to vector<16xf32>
          %mul3A_658 = arith.constant 3.200000e+01 : f32
          %mul3A_659 = vector.broadcast %mul3A_658 : f32 to vector<16xf32>
          %mul3A_660 = arith.mulf %get3A_657, %mul3A_659 : vector<16xf32>
          %swap3A_661 = arith.index_cast %while3A_103 : i32 to index
          %swap3A_662 = arith.constant 736 : index
          %swap3A_663 = tpu.vector_load %arg6[%swap3A_661, %swap3A_662] {strides = array<i32>} : memref<32x1024xf32, #tpu.memory_space<vmem>>, vector<1x16xf32>,
          %swap3A_664 = vector.shape_cast %swap3A_663 : vector<1x16xf32> to vector<16xf32>
          %swap3A_665 = vector.shape_cast %mul3A_660 : vector<16xf32> to vector<1x16xf32>
          tpu.vector_store %arg6[%swap3A_661, %swap3A_662], %swap3A_665 {strides = array<i32>} : memref<32x1024xf32, #tpu.memory_space<vmem>>, vector<1x16xf32>,
          %get3A_666 = arith.index_cast %while3A_103 : i32 to index
          %get3A_667 = arith.constant 752 : index
          %get3A_668 = tpu.vector_load %arg6[%get3A_666, %get3A_667] {strides = array<i32>} : memref<32x1024xf32, #tpu.memory_space<vmem>>, vector<1x16xf32>,
          %get3A_669 = vector.shape_cast %get3A_668 : vector<1x16xf32> to vector<16xf32>
          %mul3A_670 = arith.constant 3.200000e+01 : f32
          %mul3A_671 = vector.broadcast %mul3A_670 : f32 to vector<16xf32>
          %mul3A_672 = arith.mulf %get3A_669, %mul3A_671 : vector<16xf32>
          %swap3A_673 = arith.index_cast %while3A_103 : i32 to index
          %swap3A_674 = arith.constant 752 : index
          %swap3A_675 = tpu.vector_load %arg6[%swap3A_673, %swap3A_674] {strides = array<i32>} : memref<32x1024xf32, #tpu.memory_space<vmem>>, vector<1x16xf32>,
          %swap3A_676 = vector.shape_cast %swap3A_675 : vector<1x16xf32> to vector<16xf32>
          %swap3A_677 = vector.shape_cast %mul3A_672 : vector<16xf32> to vector<1x16xf32>
          tpu.vector_store %arg6[%swap3A_673, %swap3A_674], %swap3A_677 {strides = array<i32>} : memref<32x1024xf32, #tpu.memory_space<vmem>>, vector<1x16xf32>,
          %get3A_678 = arith.index_cast %while3A_103 : i32 to index
          %get3A_679 = arith.constant 768 : index
          %get3A_680 = tpu.vector_load %arg6[%get3A_678, %get3A_679] {strides = array<i32>} : memref<32x1024xf32, #tpu.memory_space<vmem>>, vector<1x16xf32>,
          %get3A_681 = vector.shape_cast %get3A_680 : vector<1x16xf32> to vector<16xf32>
          %mul3A_682 = arith.constant 3.200000e+01 : f32
          %mul3A_683 = vector.broadcast %mul3A_682 : f32 to vector<16xf32>
          %mul3A_684 = arith.mulf %get3A_681, %mul3A_683 : vector<16xf32>
          %swap3A_685 = arith.index_cast %while3A_103 : i32 to index
          %swap3A_686 = arith.constant 768 : index
          %swap3A_687 = tpu.vector_load %arg6[%swap3A_685, %swap3A_686] {strides = array<i32>} : memref<32x1024xf32, #tpu.memory_space<vmem>>, vector<1x16xf32>,
          %swap3A_688 = vector.shape_cast %swap3A_687 : vector<1x16xf32> to vector<16xf32>
          %swap3A_689 = vector.shape_cast %mul3A_684 : vector<16xf32> to vector<1x16xf32>
          tpu.vector_store %arg6[%swap3A_685, %swap3A_686], %swap3A_689 {strides = array<i32>} : memref<32x1024xf32, #tpu.memory_space<vmem>>, vector<1x16xf32>,
          %get3A_690 = arith.index_cast %while3A_103 : i32 to index
          %get3A_691 = arith.constant 784 : index
          %get3A_692 = tpu.vector_load %arg6[%get3A_690, %get3A_691] {strides = array<i32>} : memref<32x1024xf32, #tpu.memory_space<vmem>>, vector<1x16xf32>,
          %get3A_693 = vector.shape_cast %get3A_692 : vector<1x16xf32> to vector<16xf32>
          %mul3A_694 = arith.constant 3.200000e+01 : f32
          %mul3A_695 = vector.broadcast %mul3A_694 : f32 to vector<16xf32>
          %mul3A_696 = arith.mulf %get3A_693, %mul3A_695 : vector<16xf32>
          %swap3A_697 = arith.index_cast %while3A_103 : i32 to index
          %swap3A_698 = arith.constant 784 : index
          %swap3A_699 = tpu.vector_load %arg6[%swap3A_697, %swap3A_698] {strides = array<i32>} : memref<32x1024xf32, #tpu.memory_space<vmem>>, vector<1x16xf32>,
          %swap3A_700 = vector.shape_cast %swap3A_699 : vector<1x16xf32> to vector<16xf32>
          %swap3A_701 = vector.shape_cast %mul3A_696 : vector<16xf32> to vector<1x16xf32>
          tpu.vector_store %arg6[%swap3A_697, %swap3A_698], %swap3A_701 {strides = array<i32>} : memref<32x1024xf32, #tpu.memory_space<vmem>>, vector<1x16xf32>,
          %get3A_702 = arith.index_cast %while3A_103 : i32 to index
          %get3A_703 = arith.constant 800 : index
          %get3A_704 = tpu.vector_load %arg6[%get3A_702, %get3A_703] {strides = array<i32>} : memref<32x1024xf32, #tpu.memory_space<vmem>>, vector<1x16xf32>,
          %get3A_705 = vector.shape_cast %get3A_704 : vector<1x16xf32> to vector<16xf32>
          %mul3A_706 = arith.constant 3.200000e+01 : f32
          %mul3A_707 = vector.broadcast %mul3A_706 : f32 to vector<16xf32>
          %mul3A_708 = arith.mulf %get3A_705, %mul3A_707 : vector<16xf32>
          %swap3A_709 = arith.index_cast %while3A_103 : i32 to index
          %swap3A_710 = arith.constant 800 : index
          %swap3A_711 = tpu.vector_load %arg6[%swap3A_709, %swap3A_710] {strides = array<i32>} : memref<32x1024xf32, #tpu.memory_space<vmem>>, vector<1x16xf32>,
          %swap3A_712 = vector.shape_cast %swap3A_711 : vector<1x16xf32> to vector<16xf32>
          %swap3A_713 = vector.shape_cast %mul3A_708 : vector<16xf32> to vector<1x16xf32>
          tpu.vector_store %arg6[%swap3A_709, %swap3A_710], %swap3A_713 {strides = array<i32>} : memref<32x1024xf32, #tpu.memory_space<vmem>>, vector<1x16xf32>,
          %get3A_714 = arith.index_cast %while3A_103 : i32 to index
          %get3A_715 = arith.constant 816 : index
          %get3A_716 = tpu.vector_load %arg6[%get3A_714, %get3A_715] {strides = array<i32>} : memref<32x1024xf32, #tpu.memory_space<vmem>>, vector<1x16xf32>,
          %get3A_717 = vector.shape_cast %get3A_716 : vector<1x16xf32> to vector<16xf32>
          %mul3A_718 = arith.constant 3.200000e+01 : f32
          %mul3A_719 = vector.broadcast %mul3A_718 : f32 to vector<16xf32>
          %mul3A_720 = arith.mulf %get3A_717, %mul3A_719 : vector<16xf32>
          %swap3A_721 = arith.index_cast %while3A_103 : i32 to index
          %swap3A_722 = arith.constant 816 : index
          %swap3A_723 = tpu.vector_load %arg6[%swap3A_721, %swap3A_722] {strides = array<i32>} : memref<32x1024xf32, #tpu.memory_space<vmem>>, vector<1x16xf32>,
          %swap3A_724 = vector.shape_cast %swap3A_723 : vector<1x16xf32> to vector<16xf32>
          %swap3A_725 = vector.shape_cast %mul3A_720 : vector<16xf32> to vector<1x16xf32>
          tpu.vector_store %arg6[%swap3A_721, %swap3A_722], %swap3A_725 {strides = array<i32>} : memref<32x1024xf32, #tpu.memory_space<vmem>>, vector<1x16xf32>,
          %get3A_726 = arith.index_cast %while3A_103 : i32 to index
          %get3A_727 = arith.constant 832 : index
          %get3A_728 = tpu.vector_load %arg6[%get3A_726, %get3A_727] {strides = array<i32>} : memref<32x1024xf32, #tpu.memory_space<vmem>>, vector<1x16xf32>,
          %get3A_729 = vector.shape_cast %get3A_728 : vector<1x16xf32> to vector<16xf32>
          %mul3A_730 = arith.constant 3.200000e+01 : f32
          %mul3A_731 = vector.broadcast %mul3A_730 : f32 to vector<16xf32>
          %mul3A_732 = arith.mulf %get3A_729, %mul3A_731 : vector<16xf32>
          %swap3A_733 = arith.index_cast %while3A_103 : i32 to index
          %swap3A_734 = arith.constant 832 : index
          %swap3A_735 = tpu.vector_load %arg6[%swap3A_733, %swap3A_734] {strides = array<i32>} : memref<32x1024xf32, #tpu.memory_space<vmem>>, vector<1x16xf32>,
          %swap3A_736 = vector.shape_cast %swap3A_735 : vector<1x16xf32> to vector<16xf32>
          %swap3A_737 = vector.shape_cast %mul3A_732 : vector<16xf32> to vector<1x16xf32>
          tpu.vector_store %arg6[%swap3A_733, %swap3A_734], %swap3A_737 {strides = array<i32>} : memref<32x1024xf32, #tpu.memory_space<vmem>>, vector<1x16xf32>,
          %get3A_738 = arith.index_cast %while3A_103 : i32 to index
          %get3A_739 = arith.constant 848 : index
          %get3A_740 = tpu.vector_load %arg6[%get3A_738, %get3A_739] {strides = array<i32>} : memref<32x1024xf32, #tpu.memory_space<vmem>>, vector<1x16xf32>,
          %get3A_741 = vector.shape_cast %get3A_740 : vector<1x16xf32> to vector<16xf32>
          %mul3A_742 = arith.constant 3.200000e+01 : f32
          %mul3A_743 = vector.broadcast %mul3A_742 : f32 to vector<16xf32>
          %mul3A_744 = arith.mulf %get3A_741, %mul3A_743 : vector<16xf32>
          %swap3A_745 = arith.index_cast %while3A_103 : i32 to index
          %swap3A_746 = arith.constant 848 : index
          %swap3A_747 = tpu.vector_load %arg6[%swap3A_745, %swap3A_746] {strides = array<i32>} : memref<32x1024xf32, #tpu.memory_space<vmem>>, vector<1x16xf32>,
          %swap3A_748 = vector.shape_cast %swap3A_747 : vector<1x16xf32> to vector<16xf32>
          %swap3A_749 = vector.shape_cast %mul3A_744 : vector<16xf32> to vector<1x16xf32>
          tpu.vector_store %arg6[%swap3A_745, %swap3A_746], %swap3A_749 {strides = array<i32>} : memref<32x1024xf32, #tpu.memory_space<vmem>>, vector<1x16xf32>,
          %get3A_750 = arith.index_cast %while3A_103 : i32 to index
          %get3A_751 = arith.constant 864 : index
          %get3A_752 = tpu.vector_load %arg6[%get3A_750, %get3A_751] {strides = array<i32>} : memref<32x1024xf32, #tpu.memory_space<vmem>>, vector<1x16xf32>,
          %get3A_753 = vector.shape_cast %get3A_752 : vector<1x16xf32> to vector<16xf32>
          %mul3A_754 = arith.constant 3.200000e+01 : f32
          %mul3A_755 = vector.broadcast %mul3A_754 : f32 to vector<16xf32>
          %mul3A_756 = arith.mulf %get3A_753, %mul3A_755 : vector<16xf32>
          %swap3A_757 = arith.index_cast %while3A_103 : i32 to index
          %swap3A_758 = arith.constant 864 : index
          %swap3A_759 = tpu.vector_load %arg6[%swap3A_757, %swap3A_758] {strides = array<i32>} : memref<32x1024xf32, #tpu.memory_space<vmem>>, vector<1x16xf32>,
          %swap3A_760 = vector.shape_cast %swap3A_759 : vector<1x16xf32> to vector<16xf32>
          %swap3A_761 = vector.shape_cast %mul3A_756 : vector<16xf32> to vector<1x16xf32>
          tpu.vector_store %arg6[%swap3A_757, %swap3A_758], %swap3A_761 {strides = array<i32>} : memref<32x1024xf32, #tpu.memory_space<vmem>>, vector<1x16xf32>,
          %get3A_762 = arith.index_cast %while3A_103 : i32 to index
          %get3A_763 = arith.constant 880 : index
          %get3A_764 = tpu.vector_load %arg6[%get3A_762, %get3A_763] {strides = array<i32>} : memref<32x1024xf32, #tpu.memory_space<vmem>>, vector<1x16xf32>,
          %get3A_765 = vector.shape_cast %get3A_764 : vector<1x16xf32> to vector<16xf32>
          %mul3A_766 = arith.constant 3.200000e+01 : f32
          %mul3A_767 = vector.broadcast %mul3A_766 : f32 to vector<16xf32>
          %mul3A_768 = arith.mulf %get3A_765, %mul3A_767 : vector<16xf32>
          %swap3A_769 = arith.index_cast %while3A_103 : i32 to index
          %swap3A_770 = arith.constant 880 : index
          %swap3A_771 = tpu.vector_load %arg6[%swap3A_769, %swap3A_770] {strides = array<i32>} : memref<32x1024xf32, #tpu.memory_space<vmem>>, vector<1x16xf32>,
          %swap3A_772 = vector.shape_cast %swap3A_771 : vector<1x16xf32> to vector<16xf32>
          %swap3A_773 = vector.shape_cast %mul3A_768 : vector<16xf32> to vector<1x16xf32>
          tpu.vector_store %arg6[%swap3A_769, %swap3A_770], %swap3A_773 {strides = array<i32>} : memref<32x1024xf32, #tpu.memory_space<vmem>>, vector<1x16xf32>,
          %get3A_774 = arith.index_cast %while3A_103 : i32 to index
          %get3A_775 = arith.constant 896 : index
          %get3A_776 = tpu.vector_load %arg6[%get3A_774, %get3A_775] {strides = array<i32>} : memref<32x1024xf32, #tpu.memory_space<vmem>>, vector<1x16xf32>,
          %get3A_777 = vector.shape_cast %get3A_776 : vector<1x16xf32> to vector<16xf32>
          %mul3A_778 = arith.constant 3.200000e+01 : f32
          %mul3A_779 = vector.broadcast %mul3A_778 : f32 to vector<16xf32>
          %mul3A_780 = arith.mulf %get3A_777, %mul3A_779 : vector<16xf32>
          %swap3A_781 = arith.index_cast %while3A_103 : i32 to index
          %swap3A_782 = arith.constant 896 : index
          %swap3A_783 = tpu.vector_load %arg6[%swap3A_781, %swap3A_782] {strides = array<i32>} : memref<32x1024xf32, #tpu.memory_space<vmem>>, vector<1x16xf32>,
          %swap3A_784 = vector.shape_cast %swap3A_783 : vector<1x16xf32> to vector<16xf32>
          %swap3A_785 = vector.shape_cast %mul3A_780 : vector<16xf32> to vector<1x16xf32>
          tpu.vector_store %arg6[%swap3A_781, %swap3A_782], %swap3A_785 {strides = array<i32>} : memref<32x1024xf32, #tpu.memory_space<vmem>>, vector<1x16xf32>,
          %get3A_786 = arith.index_cast %while3A_103 : i32 to index
          %get3A_787 = arith.constant 912 : index
          %get3A_788 = tpu.vector_load %arg6[%get3A_786, %get3A_787] {strides = array<i32>} : memref<32x1024xf32, #tpu.memory_space<vmem>>, vector<1x16xf32>,
          %get3A_789 = vector.shape_cast %get3A_788 : vector<1x16xf32> to vector<16xf32>
          %mul3A_790 = arith.constant 3.200000e+01 : f32
          %mul3A_791 = vector.broadcast %mul3A_790 : f32 to vector<16xf32>
          %mul3A_792 = arith.mulf %get3A_789, %mul3A_791 : vector<16xf32>
          %swap3A_793 = arith.index_cast %while3A_103 : i32 to index
          %swap3A_794 = arith.constant 912 : index
          %swap3A_795 = tpu.vector_load %arg6[%swap3A_793, %swap3A_794] {strides = array<i32>} : memref<32x1024xf32, #tpu.memory_space<vmem>>, vector<1x16xf32>,
          %swap3A_796 = vector.shape_cast %swap3A_795 : vector<1x16xf32> to vector<16xf32>
          %swap3A_797 = vector.shape_cast %mul3A_792 : vector<16xf32> to vector<1x16xf32>
          tpu.vector_store %arg6[%swap3A_793, %swap3A_794], %swap3A_797 {strides = array<i32>} : memref<32x1024xf32, #tpu.memory_space<vmem>>, vector<1x16xf32>,
          %get3A_798 = arith.index_cast %while3A_103 : i32 to index
          %get3A_799 = arith.constant 928 : index
          %get3A_800 = tpu.vector_load %arg6[%get3A_798, %get3A_799] {strides = array<i32>} : memref<32x1024xf32, #tpu.memory_space<vmem>>, vector<1x16xf32>,
          %get3A_801 = vector.shape_cast %get3A_800 : vector<1x16xf32> to vector<16xf32>
          %mul3A_802 = arith.constant 3.200000e+01 : f32
          %mul3A_803 = vector.broadcast %mul3A_802 : f32 to vector<16xf32>
          %mul3A_804 = arith.mulf %get3A_801, %mul3A_803 : vector<16xf32>
          %swap3A_805 = arith.index_cast %while3A_103 : i32 to index
          %swap3A_806 = arith.constant 928 : index
          %swap3A_807 = tpu.vector_load %arg6[%swap3A_805, %swap3A_806] {strides = array<i32>} : memref<32x1024xf32, #tpu.memory_space<vmem>>, vector<1x16xf32>,
          %swap3A_808 = vector.shape_cast %swap3A_807 : vector<1x16xf32> to vector<16xf32>
          %swap3A_809 = vector.shape_cast %mul3A_804 : vector<16xf32> to vector<1x16xf32>
          tpu.vector_store %arg6[%swap3A_805, %swap3A_806], %swap3A_809 {strides = array<i32>} : memref<32x1024xf32, #tpu.memory_space<vmem>>, vector<1x16xf32>,
          %get3A_810 = arith.index_cast %while3A_103 : i32 to index
          %get3A_811 = arith.constant 944 : index
          %get3A_812 = tpu.vector_load %arg6[%get3A_810, %get3A_811] {strides = array<i32>} : memref<32x1024xf32, #tpu.memory_space<vmem>>, vector<1x16xf32>,
          %get3A_813 = vector.shape_cast %get3A_812 : vector<1x16xf32> to vector<16xf32>
          %mul3A_814 = arith.constant 3.200000e+01 : f32
          %mul3A_815 = vector.broadcast %mul3A_814 : f32 to vector<16xf32>
          %mul3A_816 = arith.mulf %get3A_813, %mul3A_815 : vector<16xf32>
          %swap3A_817 = arith.index_cast %while3A_103 : i32 to index
          %swap3A_818 = arith.constant 944 : index
          %swap3A_819 = tpu.vector_load %arg6[%swap3A_817, %swap3A_818] {strides = array<i32>} : memref<32x1024xf32, #tpu.memory_space<vmem>>, vector<1x16xf32>,
          %swap3A_820 = vector.shape_cast %swap3A_819 : vector<1x16xf32> to vector<16xf32>
          %swap3A_821 = vector.shape_cast %mul3A_816 : vector<16xf32> to vector<1x16xf32>
          tpu.vector_store %arg6[%swap3A_817, %swap3A_818], %swap3A_821 {strides = array<i32>} : memref<32x1024xf32, #tpu.memory_space<vmem>>, vector<1x16xf32>,
          %get3A_822 = arith.index_cast %while3A_103 : i32 to index
          %get3A_823 = arith.constant 960 : index
          %get3A_824 = tpu.vector_load %arg6[%get3A_822, %get3A_823] {strides = array<i32>} : memref<32x1024xf32, #tpu.memory_space<vmem>>, vector<1x16xf32>,
          %get3A_825 = vector.shape_cast %get3A_824 : vector<1x16xf32> to vector<16xf32>
          %mul3A_826 = arith.constant 3.200000e+01 : f32
          %mul3A_827 = vector.broadcast %mul3A_826 : f32 to vector<16xf32>
          %mul3A_828 = arith.mulf %get3A_825, %mul3A_827 : vector<16xf32>
          %swap3A_829 = arith.index_cast %while3A_103 : i32 to index
          %swap3A_830 = arith.constant 960 : index
          %swap3A_831 = tpu.vector_load %arg6[%swap3A_829, %swap3A_830] {strides = array<i32>} : memref<32x1024xf32, #tpu.memory_space<vmem>>, vector<1x16xf32>,
          %swap3A_832 = vector.shape_cast %swap3A_831 : vector<1x16xf32> to vector<16xf32>
          %swap3A_833 = vector.shape_cast %mul3A_828 : vector<16xf32> to vector<1x16xf32>
          tpu.vector_store %arg6[%swap3A_829, %swap3A_830], %swap3A_833 {strides = array<i32>} : memref<32x1024xf32, #tpu.memory_space<vmem>>, vector<1x16xf32>,
          %get3A_834 = arith.index_cast %while3A_103 : i32 to index
          %get3A_835 = arith.constant 976 : index
          %get3A_836 = tpu.vector_load %arg6[%get3A_834, %get3A_835] {strides = array<i32>} : memref<32x1024xf32, #tpu.memory_space<vmem>>, vector<1x16xf32>,
          %get3A_837 = vector.shape_cast %get3A_836 : vector<1x16xf32> to vector<16xf32>
          %mul3A_838 = arith.constant 3.200000e+01 : f32
          %mul3A_839 = vector.broadcast %mul3A_838 : f32 to vector<16xf32>
          %mul3A_840 = arith.mulf %get3A_837, %mul3A_839 : vector<16xf32>
          %swap3A_841 = arith.index_cast %while3A_103 : i32 to index
          %swap3A_842 = arith.constant 976 : index
          %swap3A_843 = tpu.vector_load %arg6[%swap3A_841, %swap3A_842] {strides = array<i32>} : memref<32x1024xf32, #tpu.memory_space<vmem>>, vector<1x16xf32>,
          %swap3A_844 = vector.shape_cast %swap3A_843 : vector<1x16xf32> to vector<16xf32>
          %swap3A_845 = vector.shape_cast %mul3A_840 : vector<16xf32> to vector<1x16xf32>
          tpu.vector_store %arg6[%swap3A_841, %swap3A_842], %swap3A_845 {strides = array<i32>} : memref<32x1024xf32, #tpu.memory_space<vmem>>, vector<1x16xf32>,
          %get3A_846 = arith.index_cast %while3A_103 : i32 to index
          %get3A_847 = arith.constant 992 : index
          %get3A_848 = tpu.vector_load %arg6[%get3A_846, %get3A_847] {strides = array<i32>} : memref<32x1024xf32, #tpu.memory_space<vmem>>, vector<1x16xf32>,
          %get3A_849 = vector.shape_cast %get3A_848 : vector<1x16xf32> to vector<16xf32>
          %mul3A_850 = arith.constant 3.200000e+01 : f32
          %mul3A_851 = vector.broadcast %mul3A_850 : f32 to vector<16xf32>
          %mul3A_852 = arith.mulf %get3A_849, %mul3A_851 : vector<16xf32>
          %swap3A_853 = arith.index_cast %while3A_103 : i32 to index
          %swap3A_854 = arith.constant 992 : index
          %swap3A_855 = tpu.vector_load %arg6[%swap3A_853, %swap3A_854] {strides = array<i32>} : memref<32x1024xf32, #tpu.memory_space<vmem>>, vector<1x16xf32>,
          %swap3A_856 = vector.shape_cast %swap3A_855 : vector<1x16xf32> to vector<16xf32>
          %swap3A_857 = vector.shape_cast %mul3A_852 : vector<16xf32> to vector<1x16xf32>
          tpu.vector_store %arg6[%swap3A_853, %swap3A_854], %swap3A_857 {strides = array<i32>} : memref<32x1024xf32, #tpu.memory_space<vmem>>, vector<1x16xf32>,
          %get3A_858 = arith.index_cast %while3A_103 : i32 to index
          %get3A_859 = arith.constant 1008 : index
          %get3A_860 = tpu.vector_load %arg6[%get3A_858, %get3A_859] {strides = array<i32>} : memref<32x1024xf32, #tpu.memory_space<vmem>>, vector<1x16xf32>,
          %get3A_861 = vector.shape_cast %get3A_860 : vector<1x16xf32> to vector<16xf32>
          %mul3A_862 = arith.constant 3.200000e+01 : f32
          %mul3A_863 = vector.broadcast %mul3A_862 : f32 to vector<16xf32>
          %mul3A_864 = arith.mulf %get3A_861, %mul3A_863 : vector<16xf32>
          %swap3A_865 = arith.index_cast %while3A_103 : i32 to index
          %swap3A_866 = arith.constant 1008 : index
          %swap3A_867 = tpu.vector_load %arg6[%swap3A_865, %swap3A_866] {strides = array<i32>} : memref<32x1024xf32, #tpu.memory_space<vmem>>, vector<1x16xf32>,
          %swap3A_868 = vector.shape_cast %swap3A_867 : vector<1x16xf32> to vector<16xf32>
          %swap3A_869 = vector.shape_cast %mul3A_864 : vector<16xf32> to vector<1x16xf32>
          tpu.vector_store %arg6[%swap3A_865, %swap3A_866], %swap3A_869 {strides = array<i32>} : memref<32x1024xf32, #tpu.memory_space<vmem>>, vector<1x16xf32>,
        }
        %mul3A_87 = arith.constant 8 : i32
        %mul3A_88 = arith.muli %scan3A_72, %mul3A_87 : i32
        %mul3A_89 = arith.constant 32 : i32
        %mul3A_90 = arith.muli %add3A_24, %mul3A_89 : i32
        %add3A_91 = arith.addi %mul3A_2, %mul3A_90 : i32
        %mul3A_92 = arith.constant 8 : i32
        %mul3A_93 = arith.muli %scan3A_72, %mul3A_92 : i32
        %add3A_94 = arith.addi %add3A_91, %mul3A_93 : i32
        %dma_start3A_95 = arith.constant 0 : i32
        %dma_start3A_96 = tpu.memref_slice %arg6[%mul3A_88, %dma_start3A_95] : memref<32x1024xf32, #tpu.memory_space<vmem>> -> memref<8x1024xf32, #tpu.memory_space<vmem>>
        %dma_start3A_97 = arith.constant 0 : i32
        %dma_start3A_98 = tpu.memref_slice %arg4[%add3A_94, %dma_start3A_97] : memref<16384x1024xf32, #tpu.memory_space<hbm>> -> memref<8x1024xf32, #tpu.memory_space<hbm>>
        %dma_start3A_99 = arith.constant 0 : i32
        %dma_start3A_100 = tpu.memref_slice %arg4[%add3A_94, %dma_start3A_99] : memref<16384x1024xf32, #tpu.memory_space<hbm>> -> memref<8x1024xf32, #tpu.memory_space<hbm>>
        %dma_start3A_101 = arith.constant 0 : i32
        %dma_start3A_102 = tpu.memref_slice %arg6[%mul3A_88, %dma_start3A_101] : memref<32x1024xf32, #tpu.memory_space<vmem>> -> memref<8x1024xf32, #tpu.memory_space<vmem>>
        tpu.enqueue_dma source(%dma_start3A_102 : memref<8x1024xf32, #tpu.memory_space<vmem>>) target(%dma_start3A_100 : memref<8x1024xf32, #tpu.memory_space<hbm>>) target_semaphore(%arg10 : memref<!tpu.dma_semaphore, #tpu.memory_space<semaphore_mem>>)
      }
      %scan3A_43 = arith.constant 4 : i32
      %mul3A_44 = arith.constant 2 : i32
      %mul3A_45 = arith.muli %scan3A_20, %mul3A_44 : i32
      %add3A_46 = arith.constant 1 : i32
      %add3A_47 = arith.addi %mul3A_45, %add3A_46 : i32
      %mul3A_48 = arith.constant 32 : i32
      %mul3A_49 = arith.muli %add3A_47, %mul3A_48 : i32
      %dma_wait3A_50 = tpu.memref_slice %arg5[%mul3A_49] : memref<512xi32, #tpu.memory_space<vmem>> -> memref<32xi32, #tpu.memory_space<vmem>>
      %dma_wait3A_51 = arith.constant 0 : i32
      %dma_wait3A_52 = arith.constant 0 : i32
      %dma_wait3A_53 = tpu.memref_slice %arg3[%dma_wait3A_51, %dma_wait3A_52] : memref<100000x1024xf32, #tpu.memory_space<hbm>> -> memref<100000x1024xf32, #tpu.memory_space<hbm>>
      tpu.wait_indirect_dma semaphore(%arg9 : memref<!tpu.dma_semaphore, #tpu.memory_space<semaphore_mem>>) src(%dma_wait3A_53 : memref<100000x1024xf32, #tpu.memory_space<hbm>>) dst(%arg7 : memref<32x1024xf32, #tpu.memory_space<vmem>>)
      %ge3A_54 = arith.constant 1 : i32
      %ge3A_55 = arith.cmpi sge, %add3A_47, %ge3A_54 : i32
      %convert_element_type3A_56 = arith.extui %ge3A_55 : i1 to i32
      %cond3A_57 = arith.constant 0 : i32
      %cond3A_58 = arith.cmpi ne, %convert_element_type3A_56, %cond3A_57 : i32
      scf.if %cond3A_58 {
        %scan3A_72 = arith.constant 0 : i32
        %scan3A_73 = arith.constant 0 : i32
        %scan3A_74 = arith.constant 4 : i32
        %scan3A_75 = arith.addi %scan3A_73, %scan3A_74 : i32
        %scan3A_76 = arith.constant 1 : i32
        scf.for %scan3A_78 = %scan3A_73 to %scan3A_75 step %scan3A_76  : i32 {
          %sub3A = arith.constant 1 : i32
          %sub3A_79 = arith.subi %add3A_47, %sub3A : i32
          %mul3A_80 = arith.constant 8 : i32
          %mul3A_81 = arith.muli %scan3A_78, %mul3A_80 : i32
          %mul3A_82 = arith.constant 32 : i32
          %mul3A_83 = arith.muli %sub3A_79, %mul3A_82 : i32
          %add3A_84 = arith.addi %mul3A_2, %mul3A_83 : i32
          %mul3A_85 = arith.constant 8 : i32
          %mul3A_86 = arith.muli %scan3A_78, %mul3A_85 : i32
          %add3A_87 = arith.addi %add3A_84, %mul3A_86 : i32
          %dma_wait3A_88 = arith.constant 0 : i32
          %dma_wait3A_89 = tpu.memref_slice %arg6[%mul3A_81, %dma_wait3A_88] : memref<32x1024xf32, #tpu.memory_space<vmem>> -> memref<8x1024xf32, #tpu.memory_space<vmem>>
          %dma_wait3A_90 = arith.constant 0 : i32
          %dma_wait3A_91 = tpu.memref_slice %arg4[%add3A_87, %dma_wait3A_90] : memref<16384x1024xf32, #tpu.memory_space<hbm>> -> memref<8x1024xf32, #tpu.memory_space<hbm>>
          %dma_wait3A_92 = arith.constant 0 : i32
          %dma_wait3A_93 = tpu.memref_slice %arg4[%add3A_87, %dma_wait3A_92] : memref<16384x1024xf32, #tpu.memory_space<hbm>> -> memref<8x1024xf32, #tpu.memory_space<hbm>>
          %dma_wait3A_94 = arith.constant 0 : i32
          %dma_wait3A_95 = tpu.memref_slice %arg6[%mul3A_81, %dma_wait3A_94] : memref<32x1024xf32, #tpu.memory_space<vmem>> -> memref<8x1024xf32, #tpu.memory_space<vmem>>
          tpu.wait_dma2 semaphore(%arg10 : memref<!tpu.dma_semaphore, #tpu.memory_space<semaphore_mem>>) src(%dma_wait3A_95 : memref<8x1024xf32, #tpu.memory_space<vmem>>) dst(%dma_wait3A_93 : memref<8x1024xf32, #tpu.memory_space<hbm>>)
        }
        %scan3A_77 = arith.constant 4 : i32
      } else {
      }
      %add3A_59 = arith.constant 1 : i32
      %add3A_60 = arith.addi %add3A_47, %add3A_59 : i32
      %lt3A_61 = arith.constant 16 : i32
      %lt3A_62 = arith.cmpi slt, %add3A_60, %lt3A_61 : i32
      %convert_element_type3A_63 = arith.extui %lt3A_62 : i1 to i32
      %cond3A_64 = arith.constant 0 : i32
      %cond3A_65 = arith.cmpi ne, %convert_element_type3A_63, %cond3A_64 : i32
      scf.if %cond3A_65 {
        %add3A_72 = arith.constant 1 : i32
        %add3A_73 = arith.addi %add3A_47, %add3A_72 : i32
        %mul3A_74 = arith.constant 32 : i32
        %mul3A_75 = arith.muli %add3A_73, %mul3A_74 : i32
        %dma_start3A_76 = tpu.memref_slice %arg5[%mul3A_75] : memref<512xi32, #tpu.memory_space<vmem>> -> memref<32xi32, #tpu.memory_space<vmem>>
        %dma_start3A_77 = arith.constant 0 : i32
        %dma_start3A_78 = arith.constant 0 : i32
        %dma_start3A_79 = tpu.memref_slice %arg3[%dma_start3A_77, %dma_start3A_78] : memref<100000x1024xf32, #tpu.memory_space<hbm>> -> memref<100000x1024xf32, #tpu.memory_space<hbm>>
        tpu.enqueue_indirect_dma source(%dma_start3A_79 : memref<100000x1024xf32, #tpu.memory_space<hbm>>) target(%arg6 : memref<32x1024xf32, #tpu.memory_space<vmem>>) offsets(%dma_start3A_76 : memref<32xi32, #tpu.memory_space<vmem>>) semaphore(%arg8 : memref<!tpu.dma_semaphore, #tpu.memory_space<semaphore_mem>>)
      } else {
      }
      %scan3A_66 = arith.constant 0 : i32
      %scan3A_67 = arith.constant 0 : i32
      %scan3A_68 = arith.constant 4 : i32
      %scan3A_69 = arith.addi %scan3A_67, %scan3A_68 : i32
      %scan3A_70 = arith.constant 1 : i32
      scf.for %scan3A_72 = %scan3A_67 to %scan3A_69 step %scan3A_70  : i32 {
        %mul3A_73 = arith.constant 8 : i32
        %mul3A_74 = arith.muli %scan3A_72, %mul3A_73 : i32
        %add3A_75 = arith.constant 1 : i32
        %add3A_76 = arith.addi %scan3A_72, %add3A_75 : i32
        %mul3A_77 = arith.constant 8 : i32
        %mul3A_78 = arith.muli %add3A_76, %mul3A_77 : i32
        %while3A = arith.constant 0 : i32
        %while3A_79 = arith.subi %mul3A_78, %mul3A_74 : i32
        %while3A_80 = arith.addi %mul3A_74, %while3A_79 : i32
        %while3A_81 = arith.constant 1 : i32
        %while3A_82 = arith.divsi %while3A_79, %while3A_81 : i32
        %while3A_83 = arith.muli %while3A_82, %while3A_81 : i32
        %while3A_84 = arith.addi %mul3A_74, %while3A_83 : i32
        %while3A_85 = arith.constant 1 : i32
        scf.for %while3A_103 = %mul3A_74 to %while3A_84 step %while3A_85  : i32 {
          %get3A = arith.index_cast %while3A_103 : i32 to index
          %get3A_104 = arith.constant 0 : index
          %get3A_105 = tpu.vector_load %arg7[%get3A, %get3A_104] {strides = array<i32>} : memref<32x1024xf32, #tpu.memory_space<vmem>>, vector<1x16xf32>,
          %get3A_106 = vector.shape_cast %get3A_105 : vector<1x16xf32> to vector<16xf32>
          %mul3A_107 = arith.constant 3.200000e+01 : f32
          %mul3A_108 = vector.broadcast %mul3A_107 : f32 to vector<16xf32>
          %mul3A_109 = arith.mulf %get3A_106, %mul3A_108 : vector<16xf32>
          %swap3A = arith.index_cast %while3A_103 : i32 to index
          %swap3A_110 = arith.constant 0 : index
          %swap3A_111 = tpu.vector_load %arg7[%swap3A, %swap3A_110] {strides = array<i32>} : memref<32x1024xf32, #tpu.memory_space<vmem>>, vector<1x16xf32>,
          %swap3A_112 = vector.shape_cast %swap3A_111 : vector<1x16xf32> to vector<16xf32>
          %swap3A_113 = vector.shape_cast %mul3A_109 : vector<16xf32> to vector<1x16xf32>
          tpu.vector_store %arg7[%swap3A, %swap3A_110], %swap3A_113 {strides = array<i32>} : memref<32x1024xf32, #tpu.memory_space<vmem>>, vector<1x16xf32>,
          %get3A_114 = arith.index_cast %while3A_103 : i32 to index
          %get3A_115 = arith.constant 16 : index
          %get3A_116 = tpu.vector_load %arg7[%get3A_114, %get3A_115] {strides = array<i32>} : memref<32x1024xf32, #tpu.memory_space<vmem>>, vector<1x16xf32>,
          %get3A_117 = vector.shape_cast %get3A_116 : vector<1x16xf32> to vector<16xf32>
          %mul3A_118 = arith.constant 3.200000e+01 : f32
          %mul3A_119 = vector.broadcast %mul3A_118 : f32 to vector<16xf32>
          %mul3A_120 = arith.mulf %get3A_117, %mul3A_119 : vector<16xf32>
          %swap3A_121 = arith.index_cast %while3A_103 : i32 to index
          %swap3A_122 = arith.constant 16 : index
          %swap3A_123 = tpu.vector_load %arg7[%swap3A_121, %swap3A_122] {strides = array<i32>} : memref<32x1024xf32, #tpu.memory_space<vmem>>, vector<1x16xf32>,
          %swap3A_124 = vector.shape_cast %swap3A_123 : vector<1x16xf32> to vector<16xf32>
          %swap3A_125 = vector.shape_cast %mul3A_120 : vector<16xf32> to vector<1x16xf32>
          tpu.vector_store %arg7[%swap3A_121, %swap3A_122], %swap3A_125 {strides = array<i32>} : memref<32x1024xf32, #tpu.memory_space<vmem>>, vector<1x16xf32>,
          %get3A_126 = arith.index_cast %while3A_103 : i32 to index
          %get3A_127 = arith.constant 32 : index
          %get3A_128 = tpu.vector_load %arg7[%get3A_126, %get3A_127] {strides = array<i32>} : memref<32x1024xf32, #tpu.memory_space<vmem>>, vector<1x16xf32>,
          %get3A_129 = vector.shape_cast %get3A_128 : vector<1x16xf32> to vector<16xf32>
          %mul3A_130 = arith.constant 3.200000e+01 : f32
          %mul3A_131 = vector.broadcast %mul3A_130 : f32 to vector<16xf32>
          %mul3A_132 = arith.mulf %get3A_129, %mul3A_131 : vector<16xf32>
          %swap3A_133 = arith.index_cast %while3A_103 : i32 to index
          %swap3A_134 = arith.constant 32 : index
          %swap3A_135 = tpu.vector_load %arg7[%swap3A_133, %swap3A_134] {strides = array<i32>} : memref<32x1024xf32, #tpu.memory_space<vmem>>, vector<1x16xf32>,
          %swap3A_136 = vector.shape_cast %swap3A_135 : vector<1x16xf32> to vector<16xf32>
          %swap3A_137 = vector.shape_cast %mul3A_132 : vector<16xf32> to vector<1x16xf32>
          tpu.vector_store %arg7[%swap3A_133, %swap3A_134], %swap3A_137 {strides = array<i32>} : memref<32x1024xf32, #tpu.memory_space<vmem>>, vector<1x16xf32>,
          %get3A_138 = arith.index_cast %while3A_103 : i32 to index
          %get3A_139 = arith.constant 48 : index
          %get3A_140 = tpu.vector_load %arg7[%get3A_138, %get3A_139] {strides = array<i32>} : memref<32x1024xf32, #tpu.memory_space<vmem>>, vector<1x16xf32>,
          %get3A_141 = vector.shape_cast %get3A_140 : vector<1x16xf32> to vector<16xf32>
          %mul3A_142 = arith.constant 3.200000e+01 : f32
          %mul3A_143 = vector.broadcast %mul3A_142 : f32 to vector<16xf32>
          %mul3A_144 = arith.mulf %get3A_141, %mul3A_143 : vector<16xf32>
          %swap3A_145 = arith.index_cast %while3A_103 : i32 to index
          %swap3A_146 = arith.constant 48 : index
          %swap3A_147 = tpu.vector_load %arg7[%swap3A_145, %swap3A_146] {strides = array<i32>} : memref<32x1024xf32, #tpu.memory_space<vmem>>, vector<1x16xf32>,
          %swap3A_148 = vector.shape_cast %swap3A_147 : vector<1x16xf32> to vector<16xf32>
          %swap3A_149 = vector.shape_cast %mul3A_144 : vector<16xf32> to vector<1x16xf32>
          tpu.vector_store %arg7[%swap3A_145, %swap3A_146], %swap3A_149 {strides = array<i32>} : memref<32x1024xf32, #tpu.memory_space<vmem>>, vector<1x16xf32>,
          %get3A_150 = arith.index_cast %while3A_103 : i32 to index
          %get3A_151 = arith.constant 64 : index
          %get3A_152 = tpu.vector_load %arg7[%get3A_150, %get3A_151] {strides = array<i32>} : memref<32x1024xf32, #tpu.memory_space<vmem>>, vector<1x16xf32>,
          %get3A_153 = vector.shape_cast %get3A_152 : vector<1x16xf32> to vector<16xf32>
          %mul3A_154 = arith.constant 3.200000e+01 : f32
          %mul3A_155 = vector.broadcast %mul3A_154 : f32 to vector<16xf32>
          %mul3A_156 = arith.mulf %get3A_153, %mul3A_155 : vector<16xf32>
          %swap3A_157 = arith.index_cast %while3A_103 : i32 to index
          %swap3A_158 = arith.constant 64 : index
          %swap3A_159 = tpu.vector_load %arg7[%swap3A_157, %swap3A_158] {strides = array<i32>} : memref<32x1024xf32, #tpu.memory_space<vmem>>, vector<1x16xf32>,
          %swap3A_160 = vector.shape_cast %swap3A_159 : vector<1x16xf32> to vector<16xf32>
          %swap3A_161 = vector.shape_cast %mul3A_156 : vector<16xf32> to vector<1x16xf32>
          tpu.vector_store %arg7[%swap3A_157, %swap3A_158], %swap3A_161 {strides = array<i32>} : memref<32x1024xf32, #tpu.memory_space<vmem>>, vector<1x16xf32>,
          %get3A_162 = arith.index_cast %while3A_103 : i32 to index
          %get3A_163 = arith.constant 80 : index
          %get3A_164 = tpu.vector_load %arg7[%get3A_162, %get3A_163] {strides = array<i32>} : memref<32x1024xf32, #tpu.memory_space<vmem>>, vector<1x16xf32>,
          %get3A_165 = vector.shape_cast %get3A_164 : vector<1x16xf32> to vector<16xf32>
          %mul3A_166 = arith.constant 3.200000e+01 : f32
          %mul3A_167 = vector.broadcast %mul3A_166 : f32 to vector<16xf32>
          %mul3A_168 = arith.mulf %get3A_165, %mul3A_167 : vector<16xf32>
          %swap3A_169 = arith.index_cast %while3A_103 : i32 to index
          %swap3A_170 = arith.constant 80 : index
          %swap3A_171 = tpu.vector_load %arg7[%swap3A_169, %swap3A_170] {strides = array<i32>} : memref<32x1024xf32, #tpu.memory_space<vmem>>, vector<1x16xf32>,
          %swap3A_172 = vector.shape_cast %swap3A_171 : vector<1x16xf32> to vector<16xf32>
          %swap3A_173 = vector.shape_cast %mul3A_168 : vector<16xf32> to vector<1x16xf32>
          tpu.vector_store %arg7[%swap3A_169, %swap3A_170], %swap3A_173 {strides = array<i32>} : memref<32x1024xf32, #tpu.memory_space<vmem>>, vector<1x16xf32>,
          %get3A_174 = arith.index_cast %while3A_103 : i32 to index
          %get3A_175 = arith.constant 96 : index
          %get3A_176 = tpu.vector_load %arg7[%get3A_174, %get3A_175] {strides = array<i32>} : memref<32x1024xf32, #tpu.memory_space<vmem>>, vector<1x16xf32>,
          %get3A_177 = vector.shape_cast %get3A_176 : vector<1x16xf32> to vector<16xf32>
          %mul3A_178 = arith.constant 3.200000e+01 : f32
          %mul3A_179 = vector.broadcast %mul3A_178 : f32 to vector<16xf32>
          %mul3A_180 = arith.mulf %get3A_177, %mul3A_179 : vector<16xf32>
          %swap3A_181 = arith.index_cast %while3A_103 : i32 to index
          %swap3A_182 = arith.constant 96 : index
          %swap3A_183 = tpu.vector_load %arg7[%swap3A_181, %swap3A_182] {strides = array<i32>} : memref<32x1024xf32, #tpu.memory_space<vmem>>, vector<1x16xf32>,
          %swap3A_184 = vector.shape_cast %swap3A_183 : vector<1x16xf32> to vector<16xf32>
          %swap3A_185 = vector.shape_cast %mul3A_180 : vector<16xf32> to vector<1x16xf32>
          tpu.vector_store %arg7[%swap3A_181, %swap3A_182], %swap3A_185 {strides = array<i32>} : memref<32x1024xf32, #tpu.memory_space<vmem>>, vector<1x16xf32>,
          %get3A_186 = arith.index_cast %while3A_103 : i32 to index
          %get3A_187 = arith.constant 112 : index
          %get3A_188 = tpu.vector_load %arg7[%get3A_186, %get3A_187] {strides = array<i32>} : memref<32x1024xf32, #tpu.memory_space<vmem>>, vector<1x16xf32>,
          %get3A_189 = vector.shape_cast %get3A_188 : vector<1x16xf32> to vector<16xf32>
          %mul3A_190 = arith.constant 3.200000e+01 : f32
          %mul3A_191 = vector.broadcast %mul3A_190 : f32 to vector<16xf32>
          %mul3A_192 = arith.mulf %get3A_189, %mul3A_191 : vector<16xf32>
          %swap3A_193 = arith.index_cast %while3A_103 : i32 to index
          %swap3A_194 = arith.constant 112 : index
          %swap3A_195 = tpu.vector_load %arg7[%swap3A_193, %swap3A_194] {strides = array<i32>} : memref<32x1024xf32, #tpu.memory_space<vmem>>, vector<1x16xf32>,
          %swap3A_196 = vector.shape_cast %swap3A_195 : vector<1x16xf32> to vector<16xf32>
          %swap3A_197 = vector.shape_cast %mul3A_192 : vector<16xf32> to vector<1x16xf32>
          tpu.vector_store %arg7[%swap3A_193, %swap3A_194], %swap3A_197 {strides = array<i32>} : memref<32x1024xf32, #tpu.memory_space<vmem>>, vector<1x16xf32>,
          %get3A_198 = arith.index_cast %while3A_103 : i32 to index
          %get3A_199 = arith.constant 128 : index
          %get3A_200 = tpu.vector_load %arg7[%get3A_198, %get3A_199] {strides = array<i32>} : memref<32x1024xf32, #tpu.memory_space<vmem>>, vector<1x16xf32>,
          %get3A_201 = vector.shape_cast %get3A_200 : vector<1x16xf32> to vector<16xf32>
          %mul3A_202 = arith.constant 3.200000e+01 : f32
          %mul3A_203 = vector.broadcast %mul3A_202 : f32 to vector<16xf32>
          %mul3A_204 = arith.mulf %get3A_201, %mul3A_203 : vector<16xf32>
          %swap3A_205 = arith.index_cast %while3A_103 : i32 to index
          %swap3A_206 = arith.constant 128 : index
          %swap3A_207 = tpu.vector_load %arg7[%swap3A_205, %swap3A_206] {strides = array<i32>} : memref<32x1024xf32, #tpu.memory_space<vmem>>, vector<1x16xf32>,
          %swap3A_208 = vector.shape_cast %swap3A_207 : vector<1x16xf32> to vector<16xf32>
          %swap3A_209 = vector.shape_cast %mul3A_204 : vector<16xf32> to vector<1x16xf32>
          tpu.vector_store %arg7[%swap3A_205, %swap3A_206], %swap3A_209 {strides = array<i32>} : memref<32x1024xf32, #tpu.memory_space<vmem>>, vector<1x16xf32>,
          %get3A_210 = arith.index_cast %while3A_103 : i32 to index
          %get3A_211 = arith.constant 144 : index
          %get3A_212 = tpu.vector_load %arg7[%get3A_210, %get3A_211] {strides = array<i32>} : memref<32x1024xf32, #tpu.memory_space<vmem>>, vector<1x16xf32>,
          %get3A_213 = vector.shape_cast %get3A_212 : vector<1x16xf32> to vector<16xf32>
          %mul3A_214 = arith.constant 3.200000e+01 : f32
          %mul3A_215 = vector.broadcast %mul3A_214 : f32 to vector<16xf32>
          %mul3A_216 = arith.mulf %get3A_213, %mul3A_215 : vector<16xf32>
          %swap3A_217 = arith.index_cast %while3A_103 : i32 to index
          %swap3A_218 = arith.constant 144 : index
          %swap3A_219 = tpu.vector_load %arg7[%swap3A_217, %swap3A_218] {strides = array<i32>} : memref<32x1024xf32, #tpu.memory_space<vmem>>, vector<1x16xf32>,
          %swap3A_220 = vector.shape_cast %swap3A_219 : vector<1x16xf32> to vector<16xf32>
          %swap3A_221 = vector.shape_cast %mul3A_216 : vector<16xf32> to vector<1x16xf32>
          tpu.vector_store %arg7[%swap3A_217, %swap3A_218], %swap3A_221 {strides = array<i32>} : memref<32x1024xf32, #tpu.memory_space<vmem>>, vector<1x16xf32>,
          %get3A_222 = arith.index_cast %while3A_103 : i32 to index
          %get3A_223 = arith.constant 160 : index
          %get3A_224 = tpu.vector_load %arg7[%get3A_222, %get3A_223] {strides = array<i32>} : memref<32x1024xf32, #tpu.memory_space<vmem>>, vector<1x16xf32>,
          %get3A_225 = vector.shape_cast %get3A_224 : vector<1x16xf32> to vector<16xf32>
          %mul3A_226 = arith.constant 3.200000e+01 : f32
          %mul3A_227 = vector.broadcast %mul3A_226 : f32 to vector<16xf32>
          %mul3A_228 = arith.mulf %get3A_225, %mul3A_227 : vector<16xf32>
          %swap3A_229 = arith.index_cast %while3A_103 : i32 to index
          %swap3A_230 = arith.constant 160 : index
          %swap3A_231 = tpu.vector_load %arg7[%swap3A_229, %swap3A_230] {strides = array<i32>} : memref<32x1024xf32, #tpu.memory_space<vmem>>, vector<1x16xf32>,
          %swap3A_232 = vector.shape_cast %swap3A_231 : vector<1x16xf32> to vector<16xf32>
          %swap3A_233 = vector.shape_cast %mul3A_228 : vector<16xf32> to vector<1x16xf32>
          tpu.vector_store %arg7[%swap3A_229, %swap3A_230], %swap3A_233 {strides = array<i32>} : memref<32x1024xf32, #tpu.memory_space<vmem>>, vector<1x16xf32>,
          %get3A_234 = arith.index_cast %while3A_103 : i32 to index
          %get3A_235 = arith.constant 176 : index
          %get3A_236 = tpu.vector_load %arg7[%get3A_234, %get3A_235] {strides = array<i32>} : memref<32x1024xf32, #tpu.memory_space<vmem>>, vector<1x16xf32>,
          %get3A_237 = vector.shape_cast %get3A_236 : vector<1x16xf32> to vector<16xf32>
          %mul3A_238 = arith.constant 3.200000e+01 : f32
          %mul3A_239 = vector.broadcast %mul3A_238 : f32 to vector<16xf32>
          %mul3A_240 = arith.mulf %get3A_237, %mul3A_239 : vector<16xf32>
          %swap3A_241 = arith.index_cast %while3A_103 : i32 to index
          %swap3A_242 = arith.constant 176 : index
          %swap3A_243 = tpu.vector_load %arg7[%swap3A_241, %swap3A_242] {strides = array<i32>} : memref<32x1024xf32, #tpu.memory_space<vmem>>, vector<1x16xf32>,
          %swap3A_244 = vector.shape_cast %swap3A_243 : vector<1x16xf32> to vector<16xf32>
          %swap3A_245 = vector.shape_cast %mul3A_240 : vector<16xf32> to vector<1x16xf32>
          tpu.vector_store %arg7[%swap3A_241, %swap3A_242], %swap3A_245 {strides = array<i32>} : memref<32x1024xf32, #tpu.memory_space<vmem>>, vector<1x16xf32>,
          %get3A_246 = arith.index_cast %while3A_103 : i32 to index
          %get3A_247 = arith.constant 192 : index
          %get3A_248 = tpu.vector_load %arg7[%get3A_246, %get3A_247] {strides = array<i32>} : memref<32x1024xf32, #tpu.memory_space<vmem>>, vector<1x16xf32>,
          %get3A_249 = vector.shape_cast %get3A_248 : vector<1x16xf32> to vector<16xf32>
          %mul3A_250 = arith.constant 3.200000e+01 : f32
          %mul3A_251 = vector.broadcast %mul3A_250 : f32 to vector<16xf32>
          %mul3A_252 = arith.mulf %get3A_249, %mul3A_251 : vector<16xf32>
          %swap3A_253 = arith.index_cast %while3A_103 : i32 to index
          %swap3A_254 = arith.constant 192 : index
          %swap3A_255 = tpu.vector_load %arg7[%swap3A_253, %swap3A_254] {strides = array<i32>} : memref<32x1024xf32, #tpu.memory_space<vmem>>, vector<1x16xf32>,
          %swap3A_256 = vector.shape_cast %swap3A_255 : vector<1x16xf32> to vector<16xf32>
          %swap3A_257 = vector.shape_cast %mul3A_252 : vector<16xf32> to vector<1x16xf32>
          tpu.vector_store %arg7[%swap3A_253, %swap3A_254], %swap3A_257 {strides = array<i32>} : memref<32x1024xf32, #tpu.memory_space<vmem>>, vector<1x16xf32>,
          %get3A_258 = arith.index_cast %while3A_103 : i32 to index
          %get3A_259 = arith.constant 208 : index
          %get3A_260 = tpu.vector_load %arg7[%get3A_258, %get3A_259] {strides = array<i32>} : memref<32x1024xf32, #tpu.memory_space<vmem>>, vector<1x16xf32>,
          %get3A_261 = vector.shape_cast %get3A_260 : vector<1x16xf32> to vector<16xf32>
          %mul3A_262 = arith.constant 3.200000e+01 : f32
          %mul3A_263 = vector.broadcast %mul3A_262 : f32 to vector<16xf32>
          %mul3A_264 = arith.mulf %get3A_261, %mul3A_263 : vector<16xf32>
          %swap3A_265 = arith.index_cast %while3A_103 : i32 to index
          %swap3A_266 = arith.constant 208 : index
          %swap3A_267 = tpu.vector_load %arg7[%swap3A_265, %swap3A_266] {strides = array<i32>} : memref<32x1024xf32, #tpu.memory_space<vmem>>, vector<1x16xf32>,
          %swap3A_268 = vector.shape_cast %swap3A_267 : vector<1x16xf32> to vector<16xf32>
          %swap3A_269 = vector.shape_cast %mul3A_264 : vector<16xf32> to vector<1x16xf32>
          tpu.vector_store %arg7[%swap3A_265, %swap3A_266], %swap3A_269 {strides = array<i32>} : memref<32x1024xf32, #tpu.memory_space<vmem>>, vector<1x16xf32>,
          %get3A_270 = arith.index_cast %while3A_103 : i32 to index
          %get3A_271 = arith.constant 224 : index
          %get3A_272 = tpu.vector_load %arg7[%get3A_270, %get3A_271] {strides = array<i32>} : memref<32x1024xf32, #tpu.memory_space<vmem>>, vector<1x16xf32>,
          %get3A_273 = vector.shape_cast %get3A_272 : vector<1x16xf32> to vector<16xf32>
          %mul3A_274 = arith.constant 3.200000e+01 : f32
          %mul3A_275 = vector.broadcast %mul3A_274 : f32 to vector<16xf32>
          %mul3A_276 = arith.mulf %get3A_273, %mul3A_275 : vector<16xf32>
          %swap3A_277 = arith.index_cast %while3A_103 : i32 to index
          %swap3A_278 = arith.constant 224 : index
          %swap3A_279 = tpu.vector_load %arg7[%swap3A_277, %swap3A_278] {strides = array<i32>} : memref<32x1024xf32, #tpu.memory_space<vmem>>, vector<1x16xf32>,
          %swap3A_280 = vector.shape_cast %swap3A_279 : vector<1x16xf32> to vector<16xf32>
          %swap3A_281 = vector.shape_cast %mul3A_276 : vector<16xf32> to vector<1x16xf32>
          tpu.vector_store %arg7[%swap3A_277, %swap3A_278], %swap3A_281 {strides = array<i32>} : memref<32x1024xf32, #tpu.memory_space<vmem>>, vector<1x16xf32>,
          %get3A_282 = arith.index_cast %while3A_103 : i32 to index
          %get3A_283 = arith.constant 240 : index
          %get3A_284 = tpu.vector_load %arg7[%get3A_282, %get3A_283] {strides = array<i32>} : memref<32x1024xf32, #tpu.memory_space<vmem>>, vector<1x16xf32>,
          %get3A_285 = vector.shape_cast %get3A_284 : vector<1x16xf32> to vector<16xf32>
          %mul3A_286 = arith.constant 3.200000e+01 : f32
          %mul3A_287 = vector.broadcast %mul3A_286 : f32 to vector<16xf32>
          %mul3A_288 = arith.mulf %get3A_285, %mul3A_287 : vector<16xf32>
          %swap3A_289 = arith.index_cast %while3A_103 : i32 to index
          %swap3A_290 = arith.constant 240 : index
          %swap3A_291 = tpu.vector_load %arg7[%swap3A_289, %swap3A_290] {strides = array<i32>} : memref<32x1024xf32, #tpu.memory_space<vmem>>, vector<1x16xf32>,
          %swap3A_292 = vector.shape_cast %swap3A_291 : vector<1x16xf32> to vector<16xf32>
          %swap3A_293 = vector.shape_cast %mul3A_288 : vector<16xf32> to vector<1x16xf32>
          tpu.vector_store %arg7[%swap3A_289, %swap3A_290], %swap3A_293 {strides = array<i32>} : memref<32x1024xf32, #tpu.memory_space<vmem>>, vector<1x16xf32>,
          %get3A_294 = arith.index_cast %while3A_103 : i32 to index
          %get3A_295 = arith.constant 256 : index
          %get3A_296 = tpu.vector_load %arg7[%get3A_294, %get3A_295] {strides = array<i32>} : memref<32x1024xf32, #tpu.memory_space<vmem>>, vector<1x16xf32>,
          %get3A_297 = vector.shape_cast %get3A_296 : vector<1x16xf32> to vector<16xf32>
          %mul3A_298 = arith.constant 3.200000e+01 : f32
          %mul3A_299 = vector.broadcast %mul3A_298 : f32 to vector<16xf32>
          %mul3A_300 = arith.mulf %get3A_297, %mul3A_299 : vector<16xf32>
          %swap3A_301 = arith.index_cast %while3A_103 : i32 to index
          %swap3A_302 = arith.constant 256 : index
          %swap3A_303 = tpu.vector_load %arg7[%swap3A_301, %swap3A_302] {strides = array<i32>} : memref<32x1024xf32, #tpu.memory_space<vmem>>, vector<1x16xf32>,
          %swap3A_304 = vector.shape_cast %swap3A_303 : vector<1x16xf32> to vector<16xf32>
          %swap3A_305 = vector.shape_cast %mul3A_300 : vector<16xf32> to vector<1x16xf32>
          tpu.vector_store %arg7[%swap3A_301, %swap3A_302], %swap3A_305 {strides = array<i32>} : memref<32x1024xf32, #tpu.memory_space<vmem>>, vector<1x16xf32>,
          %get3A_306 = arith.index_cast %while3A_103 : i32 to index
          %get3A_307 = arith.constant 272 : index
          %get3A_308 = tpu.vector_load %arg7[%get3A_306, %get3A_307] {strides = array<i32>} : memref<32x1024xf32, #tpu.memory_space<vmem>>, vector<1x16xf32>,
          %get3A_309 = vector.shape_cast %get3A_308 : vector<1x16xf32> to vector<16xf32>
          %mul3A_310 = arith.constant 3.200000e+01 : f32
          %mul3A_311 = vector.broadcast %mul3A_310 : f32 to vector<16xf32>
          %mul3A_312 = arith.mulf %get3A_309, %mul3A_311 : vector<16xf32>
          %swap3A_313 = arith.index_cast %while3A_103 : i32 to index
          %swap3A_314 = arith.constant 272 : index
          %swap3A_315 = tpu.vector_load %arg7[%swap3A_313, %swap3A_314] {strides = array<i32>} : memref<32x1024xf32, #tpu.memory_space<vmem>>, vector<1x16xf32>,
          %swap3A_316 = vector.shape_cast %swap3A_315 : vector<1x16xf32> to vector<16xf32>
          %swap3A_317 = vector.shape_cast %mul3A_312 : vector<16xf32> to vector<1x16xf32>
          tpu.vector_store %arg7[%swap3A_313, %swap3A_314], %swap3A_317 {strides = array<i32>} : memref<32x1024xf32, #tpu.memory_space<vmem>>, vector<1x16xf32>,
          %get3A_318 = arith.index_cast %while3A_103 : i32 to index
          %get3A_319 = arith.constant 288 : index
          %get3A_320 = tpu.vector_load %arg7[%get3A_318, %get3A_319] {strides = array<i32>} : memref<32x1024xf32, #tpu.memory_space<vmem>>, vector<1x16xf32>,
          %get3A_321 = vector.shape_cast %get3A_320 : vector<1x16xf32> to vector<16xf32>
          %mul3A_322 = arith.constant 3.200000e+01 : f32
          %mul3A_323 = vector.broadcast %mul3A_322 : f32 to vector<16xf32>
          %mul3A_324 = arith.mulf %get3A_321, %mul3A_323 : vector<16xf32>
          %swap3A_325 = arith.index_cast %while3A_103 : i32 to index
          %swap3A_326 = arith.constant 288 : index
          %swap3A_327 = tpu.vector_load %arg7[%swap3A_325, %swap3A_326] {strides = array<i32>} : memref<32x1024xf32, #tpu.memory_space<vmem>>, vector<1x16xf32>,
          %swap3A_328 = vector.shape_cast %swap3A_327 : vector<1x16xf32> to vector<16xf32>
          %swap3A_329 = vector.shape_cast %mul3A_324 : vector<16xf32> to vector<1x16xf32>
          tpu.vector_store %arg7[%swap3A_325, %swap3A_326], %swap3A_329 {strides = array<i32>} : memref<32x1024xf32, #tpu.memory_space<vmem>>, vector<1x16xf32>,
          %get3A_330 = arith.index_cast %while3A_103 : i32 to index
          %get3A_331 = arith.constant 304 : index
          %get3A_332 = tpu.vector_load %arg7[%get3A_330, %get3A_331] {strides = array<i32>} : memref<32x1024xf32, #tpu.memory_space<vmem>>, vector<1x16xf32>,
          %get3A_333 = vector.shape_cast %get3A_332 : vector<1x16xf32> to vector<16xf32>
          %mul3A_334 = arith.constant 3.200000e+01 : f32
          %mul3A_335 = vector.broadcast %mul3A_334 : f32 to vector<16xf32>
          %mul3A_336 = arith.mulf %get3A_333, %mul3A_335 : vector<16xf32>
          %swap3A_337 = arith.index_cast %while3A_103 : i32 to index
          %swap3A_338 = arith.constant 304 : index
          %swap3A_339 = tpu.vector_load %arg7[%swap3A_337, %swap3A_338] {strides = array<i32>} : memref<32x1024xf32, #tpu.memory_space<vmem>>, vector<1x16xf32>,
          %swap3A_340 = vector.shape_cast %swap3A_339 : vector<1x16xf32> to vector<16xf32>
          %swap3A_341 = vector.shape_cast %mul3A_336 : vector<16xf32> to vector<1x16xf32>
          tpu.vector_store %arg7[%swap3A_337, %swap3A_338], %swap3A_341 {strides = array<i32>} : memref<32x1024xf32, #tpu.memory_space<vmem>>, vector<1x16xf32>,
          %get3A_342 = arith.index_cast %while3A_103 : i32 to index
          %get3A_343 = arith.constant 320 : index
          %get3A_344 = tpu.vector_load %arg7[%get3A_342, %get3A_343] {strides = array<i32>} : memref<32x1024xf32, #tpu.memory_space<vmem>>, vector<1x16xf32>,
          %get3A_345 = vector.shape_cast %get3A_344 : vector<1x16xf32> to vector<16xf32>
          %mul3A_346 = arith.constant 3.200000e+01 : f32
          %mul3A_347 = vector.broadcast %mul3A_346 : f32 to vector<16xf32>
          %mul3A_348 = arith.mulf %get3A_345, %mul3A_347 : vector<16xf32>
          %swap3A_349 = arith.index_cast %while3A_103 : i32 to index
          %swap3A_350 = arith.constant 320 : index
          %swap3A_351 = tpu.vector_load %arg7[%swap3A_349, %swap3A_350] {strides = array<i32>} : memref<32x1024xf32, #tpu.memory_space<vmem>>, vector<1x16xf32>,
          %swap3A_352 = vector.shape_cast %swap3A_351 : vector<1x16xf32> to vector<16xf32>
          %swap3A_353 = vector.shape_cast %mul3A_348 : vector<16xf32> to vector<1x16xf32>
          tpu.vector_store %arg7[%swap3A_349, %swap3A_350], %swap3A_353 {strides = array<i32>} : memref<32x1024xf32, #tpu.memory_space<vmem>>, vector<1x16xf32>,
          %get3A_354 = arith.index_cast %while3A_103 : i32 to index
          %get3A_355 = arith.constant 336 : index
          %get3A_356 = tpu.vector_load %arg7[%get3A_354, %get3A_355] {strides = array<i32>} : memref<32x1024xf32, #tpu.memory_space<vmem>>, vector<1x16xf32>,
          %get3A_357 = vector.shape_cast %get3A_356 : vector<1x16xf32> to vector<16xf32>
          %mul3A_358 = arith.constant 3.200000e+01 : f32
          %mul3A_359 = vector.broadcast %mul3A_358 : f32 to vector<16xf32>
          %mul3A_360 = arith.mulf %get3A_357, %mul3A_359 : vector<16xf32>
          %swap3A_361 = arith.index_cast %while3A_103 : i32 to index
          %swap3A_362 = arith.constant 336 : index
          %swap3A_363 = tpu.vector_load %arg7[%swap3A_361, %swap3A_362] {strides = array<i32>} : memref<32x1024xf32, #tpu.memory_space<vmem>>, vector<1x16xf32>,
          %swap3A_364 = vector.shape_cast %swap3A_363 : vector<1x16xf32> to vector<16xf32>
          %swap3A_365 = vector.shape_cast %mul3A_360 : vector<16xf32> to vector<1x16xf32>
          tpu.vector_store %arg7[%swap3A_361, %swap3A_362], %swap3A_365 {strides = array<i32>} : memref<32x1024xf32, #tpu.memory_space<vmem>>, vector<1x16xf32>,
          %get3A_366 = arith.index_cast %while3A_103 : i32 to index
          %get3A_367 = arith.constant 352 : index
          %get3A_368 = tpu.vector_load %arg7[%get3A_366, %get3A_367] {strides = array<i32>} : memref<32x1024xf32, #tpu.memory_space<vmem>>, vector<1x16xf32>,
          %get3A_369 = vector.shape_cast %get3A_368 : vector<1x16xf32> to vector<16xf32>
          %mul3A_370 = arith.constant 3.200000e+01 : f32
          %mul3A_371 = vector.broadcast %mul3A_370 : f32 to vector<16xf32>
          %mul3A_372 = arith.mulf %get3A_369, %mul3A_371 : vector<16xf32>
          %swap3A_373 = arith.index_cast %while3A_103 : i32 to index
          %swap3A_374 = arith.constant 352 : index
          %swap3A_375 = tpu.vector_load %arg7[%swap3A_373, %swap3A_374] {strides = array<i32>} : memref<32x1024xf32, #tpu.memory_space<vmem>>, vector<1x16xf32>,
          %swap3A_376 = vector.shape_cast %swap3A_375 : vector<1x16xf32> to vector<16xf32>
          %swap3A_377 = vector.shape_cast %mul3A_372 : vector<16xf32> to vector<1x16xf32>
          tpu.vector_store %arg7[%swap3A_373, %swap3A_374], %swap3A_377 {strides = array<i32>} : memref<32x1024xf32, #tpu.memory_space<vmem>>, vector<1x16xf32>,
          %get3A_378 = arith.index_cast %while3A_103 : i32 to index
          %get3A_379 = arith.constant 368 : index
          %get3A_380 = tpu.vector_load %arg7[%get3A_378, %get3A_379] {strides = array<i32>} : memref<32x1024xf32, #tpu.memory_space<vmem>>, vector<1x16xf32>,
          %get3A_381 = vector.shape_cast %get3A_380 : vector<1x16xf32> to vector<16xf32>
          %mul3A_382 = arith.constant 3.200000e+01 : f32
          %mul3A_383 = vector.broadcast %mul3A_382 : f32 to vector<16xf32>
          %mul3A_384 = arith.mulf %get3A_381, %mul3A_383 : vector<16xf32>
          %swap3A_385 = arith.index_cast %while3A_103 : i32 to index
          %swap3A_386 = arith.constant 368 : index
          %swap3A_387 = tpu.vector_load %arg7[%swap3A_385, %swap3A_386] {strides = array<i32>} : memref<32x1024xf32, #tpu.memory_space<vmem>>, vector<1x16xf32>,
          %swap3A_388 = vector.shape_cast %swap3A_387 : vector<1x16xf32> to vector<16xf32>
          %swap3A_389 = vector.shape_cast %mul3A_384 : vector<16xf32> to vector<1x16xf32>
          tpu.vector_store %arg7[%swap3A_385, %swap3A_386], %swap3A_389 {strides = array<i32>} : memref<32x1024xf32, #tpu.memory_space<vmem>>, vector<1x16xf32>,
          %get3A_390 = arith.index_cast %while3A_103 : i32 to index
          %get3A_391 = arith.constant 384 : index
          %get3A_392 = tpu.vector_load %arg7[%get3A_390, %get3A_391] {strides = array<i32>} : memref<32x1024xf32, #tpu.memory_space<vmem>>, vector<1x16xf32>,
          %get3A_393 = vector.shape_cast %get3A_392 : vector<1x16xf32> to vector<16xf32>
          %mul3A_394 = arith.constant 3.200000e+01 : f32
          %mul3A_395 = vector.broadcast %mul3A_394 : f32 to vector<16xf32>
          %mul3A_396 = arith.mulf %get3A_393, %mul3A_395 : vector<16xf32>
          %swap3A_397 = arith.index_cast %while3A_103 : i32 to index
          %swap3A_398 = arith.constant 384 : index
          %swap3A_399 = tpu.vector_load %arg7[%swap3A_397, %swap3A_398] {strides = array<i32>} : memref<32x1024xf32, #tpu.memory_space<vmem>>, vector<1x16xf32>,
          %swap3A_400 = vector.shape_cast %swap3A_399 : vector<1x16xf32> to vector<16xf32>
          %swap3A_401 = vector.shape_cast %mul3A_396 : vector<16xf32> to vector<1x16xf32>
          tpu.vector_store %arg7[%swap3A_397, %swap3A_398], %swap3A_401 {strides = array<i32>} : memref<32x1024xf32, #tpu.memory_space<vmem>>, vector<1x16xf32>,
          %get3A_402 = arith.index_cast %while3A_103 : i32 to index
          %get3A_403 = arith.constant 400 : index
          %get3A_404 = tpu.vector_load %arg7[%get3A_402, %get3A_403] {strides = array<i32>} : memref<32x1024xf32, #tpu.memory_space<vmem>>, vector<1x16xf32>,
          %get3A_405 = vector.shape_cast %get3A_404 : vector<1x16xf32> to vector<16xf32>
          %mul3A_406 = arith.constant 3.200000e+01 : f32
          %mul3A_407 = vector.broadcast %mul3A_406 : f32 to vector<16xf32>
          %mul3A_408 = arith.mulf %get3A_405, %mul3A_407 : vector<16xf32>
          %swap3A_409 = arith.index_cast %while3A_103 : i32 to index
          %swap3A_410 = arith.constant 400 : index
          %swap3A_411 = tpu.vector_load %arg7[%swap3A_409, %swap3A_410] {strides = array<i32>} : memref<32x1024xf32, #tpu.memory_space<vmem>>, vector<1x16xf32>,
          %swap3A_412 = vector.shape_cast %swap3A_411 : vector<1x16xf32> to vector<16xf32>
          %swap3A_413 = vector.shape_cast %mul3A_408 : vector<16xf32> to vector<1x16xf32>
          tpu.vector_store %arg7[%swap3A_409, %swap3A_410], %swap3A_413 {strides = array<i32>} : memref<32x1024xf32, #tpu.memory_space<vmem>>, vector<1x16xf32>,
          %get3A_414 = arith.index_cast %while3A_103 : i32 to index
          %get3A_415 = arith.constant 416 : index
          %get3A_416 = tpu.vector_load %arg7[%get3A_414, %get3A_415] {strides = array<i32>} : memref<32x1024xf32, #tpu.memory_space<vmem>>, vector<1x16xf32>,
          %get3A_417 = vector.shape_cast %get3A_416 : vector<1x16xf32> to vector<16xf32>
          %mul3A_418 = arith.constant 3.200000e+01 : f32
          %mul3A_419 = vector.broadcast %mul3A_418 : f32 to vector<16xf32>
          %mul3A_420 = arith.mulf %get3A_417, %mul3A_419 : vector<16xf32>
          %swap3A_421 = arith.index_cast %while3A_103 : i32 to index
          %swap3A_422 = arith.constant 416 : index
          %swap3A_423 = tpu.vector_load %arg7[%swap3A_421, %swap3A_422] {strides = array<i32>} : memref<32x1024xf32, #tpu.memory_space<vmem>>, vector<1x16xf32>,
          %swap3A_424 = vector.shape_cast %swap3A_423 : vector<1x16xf32> to vector<16xf32>
          %swap3A_425 = vector.shape_cast %mul3A_420 : vector<16xf32> to vector<1x16xf32>
          tpu.vector_store %arg7[%swap3A_421, %swap3A_422], %swap3A_425 {strides = array<i32>} : memref<32x1024xf32, #tpu.memory_space<vmem>>, vector<1x16xf32>,
          %get3A_426 = arith.index_cast %while3A_103 : i32 to index
          %get3A_427 = arith.constant 432 : index
          %get3A_428 = tpu.vector_load %arg7[%get3A_426, %get3A_427] {strides = array<i32>} : memref<32x1024xf32, #tpu.memory_space<vmem>>, vector<1x16xf32>,
          %get3A_429 = vector.shape_cast %get3A_428 : vector<1x16xf32> to vector<16xf32>
          %mul3A_430 = arith.constant 3.200000e+01 : f32
          %mul3A_431 = vector.broadcast %mul3A_430 : f32 to vector<16xf32>
          %mul3A_432 = arith.mulf %get3A_429, %mul3A_431 : vector<16xf32>
          %swap3A_433 = arith.index_cast %while3A_103 : i32 to index
          %swap3A_434 = arith.constant 432 : index
          %swap3A_435 = tpu.vector_load %arg7[%swap3A_433, %swap3A_434] {strides = array<i32>} : memref<32x1024xf32, #tpu.memory_space<vmem>>, vector<1x16xf32>,
          %swap3A_436 = vector.shape_cast %swap3A_435 : vector<1x16xf32> to vector<16xf32>
          %swap3A_437 = vector.shape_cast %mul3A_432 : vector<16xf32> to vector<1x16xf32>
          tpu.vector_store %arg7[%swap3A_433, %swap3A_434], %swap3A_437 {strides = array<i32>} : memref<32x1024xf32, #tpu.memory_space<vmem>>, vector<1x16xf32>,
          %get3A_438 = arith.index_cast %while3A_103 : i32 to index
          %get3A_439 = arith.constant 448 : index
          %get3A_440 = tpu.vector_load %arg7[%get3A_438, %get3A_439] {strides = array<i32>} : memref<32x1024xf32, #tpu.memory_space<vmem>>, vector<1x16xf32>,
          %get3A_441 = vector.shape_cast %get3A_440 : vector<1x16xf32> to vector<16xf32>
          %mul3A_442 = arith.constant 3.200000e+01 : f32
          %mul3A_443 = vector.broadcast %mul3A_442 : f32 to vector<16xf32>
          %mul3A_444 = arith.mulf %get3A_441, %mul3A_443 : vector<16xf32>
          %swap3A_445 = arith.index_cast %while3A_103 : i32 to index
          %swap3A_446 = arith.constant 448 : index
          %swap3A_447 = tpu.vector_load %arg7[%swap3A_445, %swap3A_446] {strides = array<i32>} : memref<32x1024xf32, #tpu.memory_space<vmem>>, vector<1x16xf32>,
          %swap3A_448 = vector.shape_cast %swap3A_447 : vector<1x16xf32> to vector<16xf32>
          %swap3A_449 = vector.shape_cast %mul3A_444 : vector<16xf32> to vector<1x16xf32>
          tpu.vector_store %arg7[%swap3A_445, %swap3A_446], %swap3A_449 {strides = array<i32>} : memref<32x1024xf32, #tpu.memory_space<vmem>>, vector<1x16xf32>,
          %get3A_450 = arith.index_cast %while3A_103 : i32 to index
          %get3A_451 = arith.constant 464 : index
          %get3A_452 = tpu.vector_load %arg7[%get3A_450, %get3A_451] {strides = array<i32>} : memref<32x1024xf32, #tpu.memory_space<vmem>>, vector<1x16xf32>,
          %get3A_453 = vector.shape_cast %get3A_452 : vector<1x16xf32> to vector<16xf32>
          %mul3A_454 = arith.constant 3.200000e+01 : f32
          %mul3A_455 = vector.broadcast %mul3A_454 : f32 to vector<16xf32>
          %mul3A_456 = arith.mulf %get3A_453, %mul3A_455 : vector<16xf32>
          %swap3A_457 = arith.index_cast %while3A_103 : i32 to index
          %swap3A_458 = arith.constant 464 : index
          %swap3A_459 = tpu.vector_load %arg7[%swap3A_457, %swap3A_458] {strides = array<i32>} : memref<32x1024xf32, #tpu.memory_space<vmem>>, vector<1x16xf32>,
          %swap3A_460 = vector.shape_cast %swap3A_459 : vector<1x16xf32> to vector<16xf32>
          %swap3A_461 = vector.shape_cast %mul3A_456 : vector<16xf32> to vector<1x16xf32>
          tpu.vector_store %arg7[%swap3A_457, %swap3A_458], %swap3A_461 {strides = array<i32>} : memref<32x1024xf32, #tpu.memory_space<vmem>>, vector<1x16xf32>,
          %get3A_462 = arith.index_cast %while3A_103 : i32 to index
          %get3A_463 = arith.constant 480 : index
          %get3A_464 = tpu.vector_load %arg7[%get3A_462, %get3A_463] {strides = array<i32>} : memref<32x1024xf32, #tpu.memory_space<vmem>>, vector<1x16xf32>,
          %get3A_465 = vector.shape_cast %get3A_464 : vector<1x16xf32> to vector<16xf32>
          %mul3A_466 = arith.constant 3.200000e+01 : f32
          %mul3A_467 = vector.broadcast %mul3A_466 : f32 to vector<16xf32>
          %mul3A_468 = arith.mulf %get3A_465, %mul3A_467 : vector<16xf32>
          %swap3A_469 = arith.index_cast %while3A_103 : i32 to index
          %swap3A_470 = arith.constant 480 : index
          %swap3A_471 = tpu.vector_load %arg7[%swap3A_469, %swap3A_470] {strides = array<i32>} : memref<32x1024xf32, #tpu.memory_space<vmem>>, vector<1x16xf32>,
          %swap3A_472 = vector.shape_cast %swap3A_471 : vector<1x16xf32> to vector<16xf32>
          %swap3A_473 = vector.shape_cast %mul3A_468 : vector<16xf32> to vector<1x16xf32>
          tpu.vector_store %arg7[%swap3A_469, %swap3A_470], %swap3A_473 {strides = array<i32>} : memref<32x1024xf32, #tpu.memory_space<vmem>>, vector<1x16xf32>,
          %get3A_474 = arith.index_cast %while3A_103 : i32 to index
          %get3A_475 = arith.constant 496 : index
          %get3A_476 = tpu.vector_load %arg7[%get3A_474, %get3A_475] {strides = array<i32>} : memref<32x1024xf32, #tpu.memory_space<vmem>>, vector<1x16xf32>,
          %get3A_477 = vector.shape_cast %get3A_476 : vector<1x16xf32> to vector<16xf32>
          %mul3A_478 = arith.constant 3.200000e+01 : f32
          %mul3A_479 = vector.broadcast %mul3A_478 : f32 to vector<16xf32>
          %mul3A_480 = arith.mulf %get3A_477, %mul3A_479 : vector<16xf32>
          %swap3A_481 = arith.index_cast %while3A_103 : i32 to index
          %swap3A_482 = arith.constant 496 : index
          %swap3A_483 = tpu.vector_load %arg7[%swap3A_481, %swap3A_482] {strides = array<i32>} : memref<32x1024xf32, #tpu.memory_space<vmem>>, vector<1x16xf32>,
          %swap3A_484 = vector.shape_cast %swap3A_483 : vector<1x16xf32> to vector<16xf32>
          %swap3A_485 = vector.shape_cast %mul3A_480 : vector<16xf32> to vector<1x16xf32>
          tpu.vector_store %arg7[%swap3A_481, %swap3A_482], %swap3A_485 {strides = array<i32>} : memref<32x1024xf32, #tpu.memory_space<vmem>>, vector<1x16xf32>,
          %get3A_486 = arith.index_cast %while3A_103 : i32 to index
          %get3A_487 = arith.constant 512 : index
          %get3A_488 = tpu.vector_load %arg7[%get3A_486, %get3A_487] {strides = array<i32>} : memref<32x1024xf32, #tpu.memory_space<vmem>>, vector<1x16xf32>,
          %get3A_489 = vector.shape_cast %get3A_488 : vector<1x16xf32> to vector<16xf32>
          %mul3A_490 = arith.constant 3.200000e+01 : f32
          %mul3A_491 = vector.broadcast %mul3A_490 : f32 to vector<16xf32>
          %mul3A_492 = arith.mulf %get3A_489, %mul3A_491 : vector<16xf32>
          %swap3A_493 = arith.index_cast %while3A_103 : i32 to index
          %swap3A_494 = arith.constant 512 : index
          %swap3A_495 = tpu.vector_load %arg7[%swap3A_493, %swap3A_494] {strides = array<i32>} : memref<32x1024xf32, #tpu.memory_space<vmem>>, vector<1x16xf32>,
          %swap3A_496 = vector.shape_cast %swap3A_495 : vector<1x16xf32> to vector<16xf32>
          %swap3A_497 = vector.shape_cast %mul3A_492 : vector<16xf32> to vector<1x16xf32>
          tpu.vector_store %arg7[%swap3A_493, %swap3A_494], %swap3A_497 {strides = array<i32>} : memref<32x1024xf32, #tpu.memory_space<vmem>>, vector<1x16xf32>,
          %get3A_498 = arith.index_cast %while3A_103 : i32 to index
          %get3A_499 = arith.constant 528 : index
          %get3A_500 = tpu.vector_load %arg7[%get3A_498, %get3A_499] {strides = array<i32>} : memref<32x1024xf32, #tpu.memory_space<vmem>>, vector<1x16xf32>,
          %get3A_501 = vector.shape_cast %get3A_500 : vector<1x16xf32> to vector<16xf32>
          %mul3A_502 = arith.constant 3.200000e+01 : f32
          %mul3A_503 = vector.broadcast %mul3A_502 : f32 to vector<16xf32>
          %mul3A_504 = arith.mulf %get3A_501, %mul3A_503 : vector<16xf32>
          %swap3A_505 = arith.index_cast %while3A_103 : i32 to index
          %swap3A_506 = arith.constant 528 : index
          %swap3A_507 = tpu.vector_load %arg7[%swap3A_505, %swap3A_506] {strides = array<i32>} : memref<32x1024xf32, #tpu.memory_space<vmem>>, vector<1x16xf32>,
          %swap3A_508 = vector.shape_cast %swap3A_507 : vector<1x16xf32> to vector<16xf32>
          %swap3A_509 = vector.shape_cast %mul3A_504 : vector<16xf32> to vector<1x16xf32>
          tpu.vector_store %arg7[%swap3A_505, %swap3A_506], %swap3A_509 {strides = array<i32>} : memref<32x1024xf32, #tpu.memory_space<vmem>>, vector<1x16xf32>,
          %get3A_510 = arith.index_cast %while3A_103 : i32 to index
          %get3A_511 = arith.constant 544 : index
          %get3A_512 = tpu.vector_load %arg7[%get3A_510, %get3A_511] {strides = array<i32>} : memref<32x1024xf32, #tpu.memory_space<vmem>>, vector<1x16xf32>,
          %get3A_513 = vector.shape_cast %get3A_512 : vector<1x16xf32> to vector<16xf32>
          %mul3A_514 = arith.constant 3.200000e+01 : f32
          %mul3A_515 = vector.broadcast %mul3A_514 : f32 to vector<16xf32>
          %mul3A_516 = arith.mulf %get3A_513, %mul3A_515 : vector<16xf32>
          %swap3A_517 = arith.index_cast %while3A_103 : i32 to index
          %swap3A_518 = arith.constant 544 : index
          %swap3A_519 = tpu.vector_load %arg7[%swap3A_517, %swap3A_518] {strides = array<i32>} : memref<32x1024xf32, #tpu.memory_space<vmem>>, vector<1x16xf32>,
          %swap3A_520 = vector.shape_cast %swap3A_519 : vector<1x16xf32> to vector<16xf32>
          %swap3A_521 = vector.shape_cast %mul3A_516 : vector<16xf32> to vector<1x16xf32>
          tpu.vector_store %arg7[%swap3A_517, %swap3A_518], %swap3A_521 {strides = array<i32>} : memref<32x1024xf32, #tpu.memory_space<vmem>>, vector<1x16xf32>,
          %get3A_522 = arith.index_cast %while3A_103 : i32 to index
          %get3A_523 = arith.constant 560 : index
          %get3A_524 = tpu.vector_load %arg7[%get3A_522, %get3A_523] {strides = array<i32>} : memref<32x1024xf32, #tpu.memory_space<vmem>>, vector<1x16xf32>,
          %get3A_525 = vector.shape_cast %get3A_524 : vector<1x16xf32> to vector<16xf32>
          %mul3A_526 = arith.constant 3.200000e+01 : f32
          %mul3A_527 = vector.broadcast %mul3A_526 : f32 to vector<16xf32>
          %mul3A_528 = arith.mulf %get3A_525, %mul3A_527 : vector<16xf32>
          %swap3A_529 = arith.index_cast %while3A_103 : i32 to index
          %swap3A_530 = arith.constant 560 : index
          %swap3A_531 = tpu.vector_load %arg7[%swap3A_529, %swap3A_530] {strides = array<i32>} : memref<32x1024xf32, #tpu.memory_space<vmem>>, vector<1x16xf32>,
          %swap3A_532 = vector.shape_cast %swap3A_531 : vector<1x16xf32> to vector<16xf32>
          %swap3A_533 = vector.shape_cast %mul3A_528 : vector<16xf32> to vector<1x16xf32>
          tpu.vector_store %arg7[%swap3A_529, %swap3A_530], %swap3A_533 {strides = array<i32>} : memref<32x1024xf32, #tpu.memory_space<vmem>>, vector<1x16xf32>,
          %get3A_534 = arith.index_cast %while3A_103 : i32 to index
          %get3A_535 = arith.constant 576 : index
          %get3A_536 = tpu.vector_load %arg7[%get3A_534, %get3A_535] {strides = array<i32>} : memref<32x1024xf32, #tpu.memory_space<vmem>>, vector<1x16xf32>,
          %get3A_537 = vector.shape_cast %get3A_536 : vector<1x16xf32> to vector<16xf32>
          %mul3A_538 = arith.constant 3.200000e+01 : f32
          %mul3A_539 = vector.broadcast %mul3A_538 : f32 to vector<16xf32>
          %mul3A_540 = arith.mulf %get3A_537, %mul3A_539 : vector<16xf32>
          %swap3A_541 = arith.index_cast %while3A_103 : i32 to index
          %swap3A_542 = arith.constant 576 : index
          %swap3A_543 = tpu.vector_load %arg7[%swap3A_541, %swap3A_542] {strides = array<i32>} : memref<32x1024xf32, #tpu.memory_space<vmem>>, vector<1x16xf32>,
          %swap3A_544 = vector.shape_cast %swap3A_543 : vector<1x16xf32> to vector<16xf32>
          %swap3A_545 = vector.shape_cast %mul3A_540 : vector<16xf32> to vector<1x16xf32>
          tpu.vector_store %arg7[%swap3A_541, %swap3A_542], %swap3A_545 {strides = array<i32>} : memref<32x1024xf32, #tpu.memory_space<vmem>>, vector<1x16xf32>,
          %get3A_546 = arith.index_cast %while3A_103 : i32 to index
          %get3A_547 = arith.constant 592 : index
          %get3A_548 = tpu.vector_load %arg7[%get3A_546, %get3A_547] {strides = array<i32>} : memref<32x1024xf32, #tpu.memory_space<vmem>>, vector<1x16xf32>,
          %get3A_549 = vector.shape_cast %get3A_548 : vector<1x16xf32> to vector<16xf32>
          %mul3A_550 = arith.constant 3.200000e+01 : f32
          %mul3A_551 = vector.broadcast %mul3A_550 : f32 to vector<16xf32>
          %mul3A_552 = arith.mulf %get3A_549, %mul3A_551 : vector<16xf32>
          %swap3A_553 = arith.index_cast %while3A_103 : i32 to index
          %swap3A_554 = arith.constant 592 : index
          %swap3A_555 = tpu.vector_load %arg7[%swap3A_553, %swap3A_554] {strides = array<i32>} : memref<32x1024xf32, #tpu.memory_space<vmem>>, vector<1x16xf32>,
          %swap3A_556 = vector.shape_cast %swap3A_555 : vector<1x16xf32> to vector<16xf32>
          %swap3A_557 = vector.shape_cast %mul3A_552 : vector<16xf32> to vector<1x16xf32>
          tpu.vector_store %arg7[%swap3A_553, %swap3A_554], %swap3A_557 {strides = array<i32>} : memref<32x1024xf32, #tpu.memory_space<vmem>>, vector<1x16xf32>,
          %get3A_558 = arith.index_cast %while3A_103 : i32 to index
          %get3A_559 = arith.constant 608 : index
          %get3A_560 = tpu.vector_load %arg7[%get3A_558, %get3A_559] {strides = array<i32>} : memref<32x1024xf32, #tpu.memory_space<vmem>>, vector<1x16xf32>,
          %get3A_561 = vector.shape_cast %get3A_560 : vector<1x16xf32> to vector<16xf32>
          %mul3A_562 = arith.constant 3.200000e+01 : f32
          %mul3A_563 = vector.broadcast %mul3A_562 : f32 to vector<16xf32>
          %mul3A_564 = arith.mulf %get3A_561, %mul3A_563 : vector<16xf32>
          %swap3A_565 = arith.index_cast %while3A_103 : i32 to index
          %swap3A_566 = arith.constant 608 : index
          %swap3A_567 = tpu.vector_load %arg7[%swap3A_565, %swap3A_566] {strides = array<i32>} : memref<32x1024xf32, #tpu.memory_space<vmem>>, vector<1x16xf32>,
          %swap3A_568 = vector.shape_cast %swap3A_567 : vector<1x16xf32> to vector<16xf32>
          %swap3A_569 = vector.shape_cast %mul3A_564 : vector<16xf32> to vector<1x16xf32>
          tpu.vector_store %arg7[%swap3A_565, %swap3A_566], %swap3A_569 {strides = array<i32>} : memref<32x1024xf32, #tpu.memory_space<vmem>>, vector<1x16xf32>,
          %get3A_570 = arith.index_cast %while3A_103 : i32 to index
          %get3A_571 = arith.constant 624 : index
          %get3A_572 = tpu.vector_load %arg7[%get3A_570, %get3A_571] {strides = array<i32>} : memref<32x1024xf32, #tpu.memory_space<vmem>>, vector<1x16xf32>,
          %get3A_573 = vector.shape_cast %get3A_572 : vector<1x16xf32> to vector<16xf32>
          %mul3A_574 = arith.constant 3.200000e+01 : f32
          %mul3A_575 = vector.broadcast %mul3A_574 : f32 to vector<16xf32>
          %mul3A_576 = arith.mulf %get3A_573, %mul3A_575 : vector<16xf32>
          %swap3A_577 = arith.index_cast %while3A_103 : i32 to index
          %swap3A_578 = arith.constant 624 : index
          %swap3A_579 = tpu.vector_load %arg7[%swap3A_577, %swap3A_578] {strides = array<i32>} : memref<32x1024xf32, #tpu.memory_space<vmem>>, vector<1x16xf32>,
          %swap3A_580 = vector.shape_cast %swap3A_579 : vector<1x16xf32> to vector<16xf32>
          %swap3A_581 = vector.shape_cast %mul3A_576 : vector<16xf32> to vector<1x16xf32>
          tpu.vector_store %arg7[%swap3A_577, %swap3A_578], %swap3A_581 {strides = array<i32>} : memref<32x1024xf32, #tpu.memory_space<vmem>>, vector<1x16xf32>,
          %get3A_582 = arith.index_cast %while3A_103 : i32 to index
          %get3A_583 = arith.constant 640 : index
          %get3A_584 = tpu.vector_load %arg7[%get3A_582, %get3A_583] {strides = array<i32>} : memref<32x1024xf32, #tpu.memory_space<vmem>>, vector<1x16xf32>,
          %get3A_585 = vector.shape_cast %get3A_584 : vector<1x16xf32> to vector<16xf32>
          %mul3A_586 = arith.constant 3.200000e+01 : f32
          %mul3A_587 = vector.broadcast %mul3A_586 : f32 to vector<16xf32>
          %mul3A_588 = arith.mulf %get3A_585, %mul3A_587 : vector<16xf32>
          %swap3A_589 = arith.index_cast %while3A_103 : i32 to index
          %swap3A_590 = arith.constant 640 : index
          %swap3A_591 = tpu.vector_load %arg7[%swap3A_589, %swap3A_590] {strides = array<i32>} : memref<32x1024xf32, #tpu.memory_space<vmem>>, vector<1x16xf32>,
          %swap3A_592 = vector.shape_cast %swap3A_591 : vector<1x16xf32> to vector<16xf32>
          %swap3A_593 = vector.shape_cast %mul3A_588 : vector<16xf32> to vector<1x16xf32>
          tpu.vector_store %arg7[%swap3A_589, %swap3A_590], %swap3A_593 {strides = array<i32>} : memref<32x1024xf32, #tpu.memory_space<vmem>>, vector<1x16xf32>,
          %get3A_594 = arith.index_cast %while3A_103 : i32 to index
          %get3A_595 = arith.constant 656 : index
          %get3A_596 = tpu.vector_load %arg7[%get3A_594, %get3A_595] {strides = array<i32>} : memref<32x1024xf32, #tpu.memory_space<vmem>>, vector<1x16xf32>,
          %get3A_597 = vector.shape_cast %get3A_596 : vector<1x16xf32> to vector<16xf32>
          %mul3A_598 = arith.constant 3.200000e+01 : f32
          %mul3A_599 = vector.broadcast %mul3A_598 : f32 to vector<16xf32>
          %mul3A_600 = arith.mulf %get3A_597, %mul3A_599 : vector<16xf32>
          %swap3A_601 = arith.index_cast %while3A_103 : i32 to index
          %swap3A_602 = arith.constant 656 : index
          %swap3A_603 = tpu.vector_load %arg7[%swap3A_601, %swap3A_602] {strides = array<i32>} : memref<32x1024xf32, #tpu.memory_space<vmem>>, vector<1x16xf32>,
          %swap3A_604 = vector.shape_cast %swap3A_603 : vector<1x16xf32> to vector<16xf32>
          %swap3A_605 = vector.shape_cast %mul3A_600 : vector<16xf32> to vector<1x16xf32>
          tpu.vector_store %arg7[%swap3A_601, %swap3A_602], %swap3A_605 {strides = array<i32>} : memref<32x1024xf32, #tpu.memory_space<vmem>>, vector<1x16xf32>,
          %get3A_606 = arith.index_cast %while3A_103 : i32 to index
          %get3A_607 = arith.constant 672 : index
          %get3A_608 = tpu.vector_load %arg7[%get3A_606, %get3A_607] {strides = array<i32>} : memref<32x1024xf32, #tpu.memory_space<vmem>>, vector<1x16xf32>,
          %get3A_609 = vector.shape_cast %get3A_608 : vector<1x16xf32> to vector<16xf32>
          %mul3A_610 = arith.constant 3.200000e+01 : f32
          %mul3A_611 = vector.broadcast %mul3A_610 : f32 to vector<16xf32>
          %mul3A_612 = arith.mulf %get3A_609, %mul3A_611 : vector<16xf32>
          %swap3A_613 = arith.index_cast %while3A_103 : i32 to index
          %swap3A_614 = arith.constant 672 : index
          %swap3A_615 = tpu.vector_load %arg7[%swap3A_613, %swap3A_614] {strides = array<i32>} : memref<32x1024xf32, #tpu.memory_space<vmem>>, vector<1x16xf32>,
          %swap3A_616 = vector.shape_cast %swap3A_615 : vector<1x16xf32> to vector<16xf32>
          %swap3A_617 = vector.shape_cast %mul3A_612 : vector<16xf32> to vector<1x16xf32>
          tpu.vector_store %arg7[%swap3A_613, %swap3A_614], %swap3A_617 {strides = array<i32>} : memref<32x1024xf32, #tpu.memory_space<vmem>>, vector<1x16xf32>,
          %get3A_618 = arith.index_cast %while3A_103 : i32 to index
          %get3A_619 = arith.constant 688 : index
          %get3A_620 = tpu.vector_load %arg7[%get3A_618, %get3A_619] {strides = array<i32>} : memref<32x1024xf32, #tpu.memory_space<vmem>>, vector<1x16xf32>,
          %get3A_621 = vector.shape_cast %get3A_620 : vector<1x16xf32> to vector<16xf32>
          %mul3A_622 = arith.constant 3.200000e+01 : f32
          %mul3A_623 = vector.broadcast %mul3A_622 : f32 to vector<16xf32>
          %mul3A_624 = arith.mulf %get3A_621, %mul3A_623 : vector<16xf32>
          %swap3A_625 = arith.index_cast %while3A_103 : i32 to index
          %swap3A_626 = arith.constant 688 : index
          %swap3A_627 = tpu.vector_load %arg7[%swap3A_625, %swap3A_626] {strides = array<i32>} : memref<32x1024xf32, #tpu.memory_space<vmem>>, vector<1x16xf32>,
          %swap3A_628 = vector.shape_cast %swap3A_627 : vector<1x16xf32> to vector<16xf32>
          %swap3A_629 = vector.shape_cast %mul3A_624 : vector<16xf32> to vector<1x16xf32>
          tpu.vector_store %arg7[%swap3A_625, %swap3A_626], %swap3A_629 {strides = array<i32>} : memref<32x1024xf32, #tpu.memory_space<vmem>>, vector<1x16xf32>,
          %get3A_630 = arith.index_cast %while3A_103 : i32 to index
          %get3A_631 = arith.constant 704 : index
          %get3A_632 = tpu.vector_load %arg7[%get3A_630, %get3A_631] {strides = array<i32>} : memref<32x1024xf32, #tpu.memory_space<vmem>>, vector<1x16xf32>,
          %get3A_633 = vector.shape_cast %get3A_632 : vector<1x16xf32> to vector<16xf32>
          %mul3A_634 = arith.constant 3.200000e+01 : f32
          %mul3A_635 = vector.broadcast %mul3A_634 : f32 to vector<16xf32>
          %mul3A_636 = arith.mulf %get3A_633, %mul3A_635 : vector<16xf32>
          %swap3A_637 = arith.index_cast %while3A_103 : i32 to index
          %swap3A_638 = arith.constant 704 : index
          %swap3A_639 = tpu.vector_load %arg7[%swap3A_637, %swap3A_638] {strides = array<i32>} : memref<32x1024xf32, #tpu.memory_space<vmem>>, vector<1x16xf32>,
          %swap3A_640 = vector.shape_cast %swap3A_639 : vector<1x16xf32> to vector<16xf32>
          %swap3A_641 = vector.shape_cast %mul3A_636 : vector<16xf32> to vector<1x16xf32>
          tpu.vector_store %arg7[%swap3A_637, %swap3A_638], %swap3A_641 {strides = array<i32>} : memref<32x1024xf32, #tpu.memory_space<vmem>>, vector<1x16xf32>,
          %get3A_642 = arith.index_cast %while3A_103 : i32 to index
          %get3A_643 = arith.constant 720 : index
          %get3A_644 = tpu.vector_load %arg7[%get3A_642, %get3A_643] {strides = array<i32>} : memref<32x1024xf32, #tpu.memory_space<vmem>>, vector<1x16xf32>,
          %get3A_645 = vector.shape_cast %get3A_644 : vector<1x16xf32> to vector<16xf32>
          %mul3A_646 = arith.constant 3.200000e+01 : f32
          %mul3A_647 = vector.broadcast %mul3A_646 : f32 to vector<16xf32>
          %mul3A_648 = arith.mulf %get3A_645, %mul3A_647 : vector<16xf32>
          %swap3A_649 = arith.index_cast %while3A_103 : i32 to index
          %swap3A_650 = arith.constant 720 : index
          %swap3A_651 = tpu.vector_load %arg7[%swap3A_649, %swap3A_650] {strides = array<i32>} : memref<32x1024xf32, #tpu.memory_space<vmem>>, vector<1x16xf32>,
          %swap3A_652 = vector.shape_cast %swap3A_651 : vector<1x16xf32> to vector<16xf32>
          %swap3A_653 = vector.shape_cast %mul3A_648 : vector<16xf32> to vector<1x16xf32>
          tpu.vector_store %arg7[%swap3A_649, %swap3A_650], %swap3A_653 {strides = array<i32>} : memref<32x1024xf32, #tpu.memory_space<vmem>>, vector<1x16xf32>,
          %get3A_654 = arith.index_cast %while3A_103 : i32 to index
          %get3A_655 = arith.constant 736 : index
          %get3A_656 = tpu.vector_load %arg7[%get3A_654, %get3A_655] {strides = array<i32>} : memref<32x1024xf32, #tpu.memory_space<vmem>>, vector<1x16xf32>,
          %get3A_657 = vector.shape_cast %get3A_656 : vector<1x16xf32> to vector<16xf32>
          %mul3A_658 = arith.constant 3.200000e+01 : f32
          %mul3A_659 = vector.broadcast %mul3A_658 : f32 to vector<16xf32>
          %mul3A_660 = arith.mulf %get3A_657, %mul3A_659 : vector<16xf32>
          %swap3A_661 = arith.index_cast %while3A_103 : i32 to index
          %swap3A_662 = arith.constant 736 : index
          %swap3A_663 = tpu.vector_load %arg7[%swap3A_661, %swap3A_662] {strides = array<i32>} : memref<32x1024xf32, #tpu.memory_space<vmem>>, vector<1x16xf32>,
          %swap3A_664 = vector.shape_cast %swap3A_663 : vector<1x16xf32> to vector<16xf32>
          %swap3A_665 = vector.shape_cast %mul3A_660 : vector<16xf32> to vector<1x16xf32>
          tpu.vector_store %arg7[%swap3A_661, %swap3A_662], %swap3A_665 {strides = array<i32>} : memref<32x1024xf32, #tpu.memory_space<vmem>>, vector<1x16xf32>,
          %get3A_666 = arith.index_cast %while3A_103 : i32 to index
          %get3A_667 = arith.constant 752 : index
          %get3A_668 = tpu.vector_load %arg7[%get3A_666, %get3A_667] {strides = array<i32>} : memref<32x1024xf32, #tpu.memory_space<vmem>>, vector<1x16xf32>,
          %get3A_669 = vector.shape_cast %get3A_668 : vector<1x16xf32> to vector<16xf32>
          %mul3A_670 = arith.constant 3.200000e+01 : f32
          %mul3A_671 = vector.broadcast %mul3A_670 : f32 to vector<16xf32>
          %mul3A_672 = arith.mulf %get3A_669, %mul3A_671 : vector<16xf32>
          %swap3A_673 = arith.index_cast %while3A_103 : i32 to index
          %swap3A_674 = arith.constant 752 : index
          %swap3A_675 = tpu.vector_load %arg7[%swap3A_673, %swap3A_674] {strides = array<i32>} : memref<32x1024xf32, #tpu.memory_space<vmem>>, vector<1x16xf32>,
          %swap3A_676 = vector.shape_cast %swap3A_675 : vector<1x16xf32> to vector<16xf32>
          %swap3A_677 = vector.shape_cast %mul3A_672 : vector<16xf32> to vector<1x16xf32>
          tpu.vector_store %arg7[%swap3A_673, %swap3A_674], %swap3A_677 {strides = array<i32>} : memref<32x1024xf32, #tpu.memory_space<vmem>>, vector<1x16xf32>,
          %get3A_678 = arith.index_cast %while3A_103 : i32 to index
          %get3A_679 = arith.constant 768 : index
          %get3A_680 = tpu.vector_load %arg7[%get3A_678, %get3A_679] {strides = array<i32>} : memref<32x1024xf32, #tpu.memory_space<vmem>>, vector<1x16xf32>,
          %get3A_681 = vector.shape_cast %get3A_680 : vector<1x16xf32> to vector<16xf32>
          %mul3A_682 = arith.constant 3.200000e+01 : f32
          %mul3A_683 = vector.broadcast %mul3A_682 : f32 to vector<16xf32>
          %mul3A_684 = arith.mulf %get3A_681, %mul3A_683 : vector<16xf32>
          %swap3A_685 = arith.index_cast %while3A_103 : i32 to index
          %swap3A_686 = arith.constant 768 : index
          %swap3A_687 = tpu.vector_load %arg7[%swap3A_685, %swap3A_686] {strides = array<i32>} : memref<32x1024xf32, #tpu.memory_space<vmem>>, vector<1x16xf32>,
          %swap3A_688 = vector.shape_cast %swap3A_687 : vector<1x16xf32> to vector<16xf32>
          %swap3A_689 = vector.shape_cast %mul3A_684 : vector<16xf32> to vector<1x16xf32>
          tpu.vector_store %arg7[%swap3A_685, %swap3A_686], %swap3A_689 {strides = array<i32>} : memref<32x1024xf32, #tpu.memory_space<vmem>>, vector<1x16xf32>,
          %get3A_690 = arith.index_cast %while3A_103 : i32 to index
          %get3A_691 = arith.constant 784 : index
          %get3A_692 = tpu.vector_load %arg7[%get3A_690, %get3A_691] {strides = array<i32>} : memref<32x1024xf32, #tpu.memory_space<vmem>>, vector<1x16xf32>,
          %get3A_693 = vector.shape_cast %get3A_692 : vector<1x16xf32> to vector<16xf32>
          %mul3A_694 = arith.constant 3.200000e+01 : f32
          %mul3A_695 = vector.broadcast %mul3A_694 : f32 to vector<16xf32>
          %mul3A_696 = arith.mulf %get3A_693, %mul3A_695 : vector<16xf32>
          %swap3A_697 = arith.index_cast %while3A_103 : i32 to index
          %swap3A_698 = arith.constant 784 : index
          %swap3A_699 = tpu.vector_load %arg7[%swap3A_697, %swap3A_698] {strides = array<i32>} : memref<32x1024xf32, #tpu.memory_space<vmem>>, vector<1x16xf32>,
          %swap3A_700 = vector.shape_cast %swap3A_699 : vector<1x16xf32> to vector<16xf32>
          %swap3A_701 = vector.shape_cast %mul3A_696 : vector<16xf32> to vector<1x16xf32>
          tpu.vector_store %arg7[%swap3A_697, %swap3A_698], %swap3A_701 {strides = array<i32>} : memref<32x1024xf32, #tpu.memory_space<vmem>>, vector<1x16xf32>,
          %get3A_702 = arith.index_cast %while3A_103 : i32 to index
          %get3A_703 = arith.constant 800 : index
          %get3A_704 = tpu.vector_load %arg7[%get3A_702, %get3A_703] {strides = array<i32>} : memref<32x1024xf32, #tpu.memory_space<vmem>>, vector<1x16xf32>,
          %get3A_705 = vector.shape_cast %get3A_704 : vector<1x16xf32> to vector<16xf32>
          %mul3A_706 = arith.constant 3.200000e+01 : f32
          %mul3A_707 = vector.broadcast %mul3A_706 : f32 to vector<16xf32>
          %mul3A_708 = arith.mulf %get3A_705, %mul3A_707 : vector<16xf32>
          %swap3A_709 = arith.index_cast %while3A_103 : i32 to index
          %swap3A_710 = arith.constant 800 : index
          %swap3A_711 = tpu.vector_load %arg7[%swap3A_709, %swap3A_710] {strides = array<i32>} : memref<32x1024xf32, #tpu.memory_space<vmem>>, vector<1x16xf32>,
          %swap3A_712 = vector.shape_cast %swap3A_711 : vector<1x16xf32> to vector<16xf32>
          %swap3A_713 = vector.shape_cast %mul3A_708 : vector<16xf32> to vector<1x16xf32>
          tpu.vector_store %arg7[%swap3A_709, %swap3A_710], %swap3A_713 {strides = array<i32>} : memref<32x1024xf32, #tpu.memory_space<vmem>>, vector<1x16xf32>,
          %get3A_714 = arith.index_cast %while3A_103 : i32 to index
          %get3A_715 = arith.constant 816 : index
          %get3A_716 = tpu.vector_load %arg7[%get3A_714, %get3A_715] {strides = array<i32>} : memref<32x1024xf32, #tpu.memory_space<vmem>>, vector<1x16xf32>,
          %get3A_717 = vector.shape_cast %get3A_716 : vector<1x16xf32> to vector<16xf32>
          %mul3A_718 = arith.constant 3.200000e+01 : f32
          %mul3A_719 = vector.broadcast %mul3A_718 : f32 to vector<16xf32>
          %mul3A_720 = arith.mulf %get3A_717, %mul3A_719 : vector<16xf32>
          %swap3A_721 = arith.index_cast %while3A_103 : i32 to index
          %swap3A_722 = arith.constant 816 : index
          %swap3A_723 = tpu.vector_load %arg7[%swap3A_721, %swap3A_722] {strides = array<i32>} : memref<32x1024xf32, #tpu.memory_space<vmem>>, vector<1x16xf32>,
          %swap3A_724 = vector.shape_cast %swap3A_723 : vector<1x16xf32> to vector<16xf32>
          %swap3A_725 = vector.shape_cast %mul3A_720 : vector<16xf32> to vector<1x16xf32>
          tpu.vector_store %arg7[%swap3A_721, %swap3A_722], %swap3A_725 {strides = array<i32>} : memref<32x1024xf32, #tpu.memory_space<vmem>>, vector<1x16xf32>,
          %get3A_726 = arith.index_cast %while3A_103 : i32 to index
          %get3A_727 = arith.constant 832 : index
          %get3A_728 = tpu.vector_load %arg7[%get3A_726, %get3A_727] {strides = array<i32>} : memref<32x1024xf32, #tpu.memory_space<vmem>>, vector<1x16xf32>,
          %get3A_729 = vector.shape_cast %get3A_728 : vector<1x16xf32> to vector<16xf32>
          %mul3A_730 = arith.constant 3.200000e+01 : f32
          %mul3A_731 = vector.broadcast %mul3A_730 : f32 to vector<16xf32>
          %mul3A_732 = arith.mulf %get3A_729, %mul3A_731 : vector<16xf32>
          %swap3A_733 = arith.index_cast %while3A_103 : i32 to index
          %swap3A_734 = arith.constant 832 : index
          %swap3A_735 = tpu.vector_load %arg7[%swap3A_733, %swap3A_734] {strides = array<i32>} : memref<32x1024xf32, #tpu.memory_space<vmem>>, vector<1x16xf32>,
          %swap3A_736 = vector.shape_cast %swap3A_735 : vector<1x16xf32> to vector<16xf32>
          %swap3A_737 = vector.shape_cast %mul3A_732 : vector<16xf32> to vector<1x16xf32>
          tpu.vector_store %arg7[%swap3A_733, %swap3A_734], %swap3A_737 {strides = array<i32>} : memref<32x1024xf32, #tpu.memory_space<vmem>>, vector<1x16xf32>,
          %get3A_738 = arith.index_cast %while3A_103 : i32 to index
          %get3A_739 = arith.constant 848 : index
          %get3A_740 = tpu.vector_load %arg7[%get3A_738, %get3A_739] {strides = array<i32>} : memref<32x1024xf32, #tpu.memory_space<vmem>>, vector<1x16xf32>,
          %get3A_741 = vector.shape_cast %get3A_740 : vector<1x16xf32> to vector<16xf32>
          %mul3A_742 = arith.constant 3.200000e+01 : f32
          %mul3A_743 = vector.broadcast %mul3A_742 : f32 to vector<16xf32>
          %mul3A_744 = arith.mulf %get3A_741, %mul3A_743 : vector<16xf32>
          %swap3A_745 = arith.index_cast %while3A_103 : i32 to index
          %swap3A_746 = arith.constant 848 : index
          %swap3A_747 = tpu.vector_load %arg7[%swap3A_745, %swap3A_746] {strides = array<i32>} : memref<32x1024xf32, #tpu.memory_space<vmem>>, vector<1x16xf32>,
          %swap3A_748 = vector.shape_cast %swap3A_747 : vector<1x16xf32> to vector<16xf32>
          %swap3A_749 = vector.shape_cast %mul3A_744 : vector<16xf32> to vector<1x16xf32>
          tpu.vector_store %arg7[%swap3A_745, %swap3A_746], %swap3A_749 {strides = array<i32>} : memref<32x1024xf32, #tpu.memory_space<vmem>>, vector<1x16xf32>,
          %get3A_750 = arith.index_cast %while3A_103 : i32 to index
          %get3A_751 = arith.constant 864 : index
          %get3A_752 = tpu.vector_load %arg7[%get3A_750, %get3A_751] {strides = array<i32>} : memref<32x1024xf32, #tpu.memory_space<vmem>>, vector<1x16xf32>,
          %get3A_753 = vector.shape_cast %get3A_752 : vector<1x16xf32> to vector<16xf32>
          %mul3A_754 = arith.constant 3.200000e+01 : f32
          %mul3A_755 = vector.broadcast %mul3A_754 : f32 to vector<16xf32>
          %mul3A_756 = arith.mulf %get3A_753, %mul3A_755 : vector<16xf32>
          %swap3A_757 = arith.index_cast %while3A_103 : i32 to index
          %swap3A_758 = arith.constant 864 : index
          %swap3A_759 = tpu.vector_load %arg7[%swap3A_757, %swap3A_758] {strides = array<i32>} : memref<32x1024xf32, #tpu.memory_space<vmem>>, vector<1x16xf32>,
          %swap3A_760 = vector.shape_cast %swap3A_759 : vector<1x16xf32> to vector<16xf32>
          %swap3A_761 = vector.shape_cast %mul3A_756 : vector<16xf32> to vector<1x16xf32>
          tpu.vector_store %arg7[%swap3A_757, %swap3A_758], %swap3A_761 {strides = array<i32>} : memref<32x1024xf32, #tpu.memory_space<vmem>>, vector<1x16xf32>,
          %get3A_762 = arith.index_cast %while3A_103 : i32 to index
          %get3A_763 = arith.constant 880 : index
          %get3A_764 = tpu.vector_load %arg7[%get3A_762, %get3A_763] {strides = array<i32>} : memref<32x1024xf32, #tpu.memory_space<vmem>>, vector<1x16xf32>,
          %get3A_765 = vector.shape_cast %get3A_764 : vector<1x16xf32> to vector<16xf32>
          %mul3A_766 = arith.constant 3.200000e+01 : f32
          %mul3A_767 = vector.broadcast %mul3A_766 : f32 to vector<16xf32>
          %mul3A_768 = arith.mulf %get3A_765, %mul3A_767 : vector<16xf32>
          %swap3A_769 = arith.index_cast %while3A_103 : i32 to index
          %swap3A_770 = arith.constant 880 : index
          %swap3A_771 = tpu.vector_load %arg7[%swap3A_769, %swap3A_770] {strides = array<i32>} : memref<32x1024xf32, #tpu.memory_space<vmem>>, vector<1x16xf32>,
          %swap3A_772 = vector.shape_cast %swap3A_771 : vector<1x16xf32> to vector<16xf32>
          %swap3A_773 = vector.shape_cast %mul3A_768 : vector<16xf32> to vector<1x16xf32>
          tpu.vector_store %arg7[%swap3A_769, %swap3A_770], %swap3A_773 {strides = array<i32>} : memref<32x1024xf32, #tpu.memory_space<vmem>>, vector<1x16xf32>,
          %get3A_774 = arith.index_cast %while3A_103 : i32 to index
          %get3A_775 = arith.constant 896 : index
          %get3A_776 = tpu.vector_load %arg7[%get3A_774, %get3A_775] {strides = array<i32>} : memref<32x1024xf32, #tpu.memory_space<vmem>>, vector<1x16xf32>,
          %get3A_777 = vector.shape_cast %get3A_776 : vector<1x16xf32> to vector<16xf32>
          %mul3A_778 = arith.constant 3.200000e+01 : f32
          %mul3A_779 = vector.broadcast %mul3A_778 : f32 to vector<16xf32>
          %mul3A_780 = arith.mulf %get3A_777, %mul3A_779 : vector<16xf32>
          %swap3A_781 = arith.index_cast %while3A_103 : i32 to index
          %swap3A_782 = arith.constant 896 : index
          %swap3A_783 = tpu.vector_load %arg7[%swap3A_781, %swap3A_782] {strides = array<i32>} : memref<32x1024xf32, #tpu.memory_space<vmem>>, vector<1x16xf32>,
          %swap3A_784 = vector.shape_cast %swap3A_783 : vector<1x16xf32> to vector<16xf32>
          %swap3A_785 = vector.shape_cast %mul3A_780 : vector<16xf32> to vector<1x16xf32>
          tpu.vector_store %arg7[%swap3A_781, %swap3A_782], %swap3A_785 {strides = array<i32>} : memref<32x1024xf32, #tpu.memory_space<vmem>>, vector<1x16xf32>,
          %get3A_786 = arith.index_cast %while3A_103 : i32 to index
          %get3A_787 = arith.constant 912 : index
          %get3A_788 = tpu.vector_load %arg7[%get3A_786, %get3A_787] {strides = array<i32>} : memref<32x1024xf32, #tpu.memory_space<vmem>>, vector<1x16xf32>,
          %get3A_789 = vector.shape_cast %get3A_788 : vector<1x16xf32> to vector<16xf32>
          %mul3A_790 = arith.constant 3.200000e+01 : f32
          %mul3A_791 = vector.broadcast %mul3A_790 : f32 to vector<16xf32>
          %mul3A_792 = arith.mulf %get3A_789, %mul3A_791 : vector<16xf32>
          %swap3A_793 = arith.index_cast %while3A_103 : i32 to index
          %swap3A_794 = arith.constant 912 : index
          %swap3A_795 = tpu.vector_load %arg7[%swap3A_793, %swap3A_794] {strides = array<i32>} : memref<32x1024xf32, #tpu.memory_space<vmem>>, vector<1x16xf32>,
          %swap3A_796 = vector.shape_cast %swap3A_795 : vector<1x16xf32> to vector<16xf32>
          %swap3A_797 = vector.shape_cast %mul3A_792 : vector<16xf32> to vector<1x16xf32>
          tpu.vector_store %arg7[%swap3A_793, %swap3A_794], %swap3A_797 {strides = array<i32>} : memref<32x1024xf32, #tpu.memory_space<vmem>>, vector<1x16xf32>,
          %get3A_798 = arith.index_cast %while3A_103 : i32 to index
          %get3A_799 = arith.constant 928 : index
          %get3A_800 = tpu.vector_load %arg7[%get3A_798, %get3A_799] {strides = array<i32>} : memref<32x1024xf32, #tpu.memory_space<vmem>>, vector<1x16xf32>,
          %get3A_801 = vector.shape_cast %get3A_800 : vector<1x16xf32> to vector<16xf32>
          %mul3A_802 = arith.constant 3.200000e+01 : f32
          %mul3A_803 = vector.broadcast %mul3A_802 : f32 to vector<16xf32>
          %mul3A_804 = arith.mulf %get3A_801, %mul3A_803 : vector<16xf32>
          %swap3A_805 = arith.index_cast %while3A_103 : i32 to index
          %swap3A_806 = arith.constant 928 : index
          %swap3A_807 = tpu.vector_load %arg7[%swap3A_805, %swap3A_806] {strides = array<i32>} : memref<32x1024xf32, #tpu.memory_space<vmem>>, vector<1x16xf32>,
          %swap3A_808 = vector.shape_cast %swap3A_807 : vector<1x16xf32> to vector<16xf32>
          %swap3A_809 = vector.shape_cast %mul3A_804 : vector<16xf32> to vector<1x16xf32>
          tpu.vector_store %arg7[%swap3A_805, %swap3A_806], %swap3A_809 {strides = array<i32>} : memref<32x1024xf32, #tpu.memory_space<vmem>>, vector<1x16xf32>,
          %get3A_810 = arith.index_cast %while3A_103 : i32 to index
          %get3A_811 = arith.constant 944 : index
          %get3A_812 = tpu.vector_load %arg7[%get3A_810, %get3A_811] {strides = array<i32>} : memref<32x1024xf32, #tpu.memory_space<vmem>>, vector<1x16xf32>,
          %get3A_813 = vector.shape_cast %get3A_812 : vector<1x16xf32> to vector<16xf32>
          %mul3A_814 = arith.constant 3.200000e+01 : f32
          %mul3A_815 = vector.broadcast %mul3A_814 : f32 to vector<16xf32>
          %mul3A_816 = arith.mulf %get3A_813, %mul3A_815 : vector<16xf32>
          %swap3A_817 = arith.index_cast %while3A_103 : i32 to index
          %swap3A_818 = arith.constant 944 : index
          %swap3A_819 = tpu.vector_load %arg7[%swap3A_817, %swap3A_818] {strides = array<i32>} : memref<32x1024xf32, #tpu.memory_space<vmem>>, vector<1x16xf32>,
          %swap3A_820 = vector.shape_cast %swap3A_819 : vector<1x16xf32> to vector<16xf32>
          %swap3A_821 = vector.shape_cast %mul3A_816 : vector<16xf32> to vector<1x16xf32>
          tpu.vector_store %arg7[%swap3A_817, %swap3A_818], %swap3A_821 {strides = array<i32>} : memref<32x1024xf32, #tpu.memory_space<vmem>>, vector<1x16xf32>,
          %get3A_822 = arith.index_cast %while3A_103 : i32 to index
          %get3A_823 = arith.constant 960 : index
          %get3A_824 = tpu.vector_load %arg7[%get3A_822, %get3A_823] {strides = array<i32>} : memref<32x1024xf32, #tpu.memory_space<vmem>>, vector<1x16xf32>,
          %get3A_825 = vector.shape_cast %get3A_824 : vector<1x16xf32> to vector<16xf32>
          %mul3A_826 = arith.constant 3.200000e+01 : f32
          %mul3A_827 = vector.broadcast %mul3A_826 : f32 to vector<16xf32>
          %mul3A_828 = arith.mulf %get3A_825, %mul3A_827 : vector<16xf32>
          %swap3A_829 = arith.index_cast %while3A_103 : i32 to index
          %swap3A_830 = arith.constant 960 : index
          %swap3A_831 = tpu.vector_load %arg7[%swap3A_829, %swap3A_830] {strides = array<i32>} : memref<32x1024xf32, #tpu.memory_space<vmem>>, vector<1x16xf32>,
          %swap3A_832 = vector.shape_cast %swap3A_831 : vector<1x16xf32> to vector<16xf32>
          %swap3A_833 = vector.shape_cast %mul3A_828 : vector<16xf32> to vector<1x16xf32>
          tpu.vector_store %arg7[%swap3A_829, %swap3A_830], %swap3A_833 {strides = array<i32>} : memref<32x1024xf32, #tpu.memory_space<vmem>>, vector<1x16xf32>,
          %get3A_834 = arith.index_cast %while3A_103 : i32 to index
          %get3A_835 = arith.constant 976 : index
          %get3A_836 = tpu.vector_load %arg7[%get3A_834, %get3A_835] {strides = array<i32>} : memref<32x1024xf32, #tpu.memory_space<vmem>>, vector<1x16xf32>,
          %get3A_837 = vector.shape_cast %get3A_836 : vector<1x16xf32> to vector<16xf32>
          %mul3A_838 = arith.constant 3.200000e+01 : f32
          %mul3A_839 = vector.broadcast %mul3A_838 : f32 to vector<16xf32>
          %mul3A_840 = arith.mulf %get3A_837, %mul3A_839 : vector<16xf32>
          %swap3A_841 = arith.index_cast %while3A_103 : i32 to index
          %swap3A_842 = arith.constant 976 : index
          %swap3A_843 = tpu.vector_load %arg7[%swap3A_841, %swap3A_842] {strides = array<i32>} : memref<32x1024xf32, #tpu.memory_space<vmem>>, vector<1x16xf32>,
          %swap3A_844 = vector.shape_cast %swap3A_843 : vector<1x16xf32> to vector<16xf32>
          %swap3A_845 = vector.shape_cast %mul3A_840 : vector<16xf32> to vector<1x16xf32>
          tpu.vector_store %arg7[%swap3A_841, %swap3A_842], %swap3A_845 {strides = array<i32>} : memref<32x1024xf32, #tpu.memory_space<vmem>>, vector<1x16xf32>,
          %get3A_846 = arith.index_cast %while3A_103 : i32 to index
          %get3A_847 = arith.constant 992 : index
          %get3A_848 = tpu.vector_load %arg7[%get3A_846, %get3A_847] {strides = array<i32>} : memref<32x1024xf32, #tpu.memory_space<vmem>>, vector<1x16xf32>,
          %get3A_849 = vector.shape_cast %get3A_848 : vector<1x16xf32> to vector<16xf32>
          %mul3A_850 = arith.constant 3.200000e+01 : f32
          %mul3A_851 = vector.broadcast %mul3A_850 : f32 to vector<16xf32>
          %mul3A_852 = arith.mulf %get3A_849, %mul3A_851 : vector<16xf32>
          %swap3A_853 = arith.index_cast %while3A_103 : i32 to index
          %swap3A_854 = arith.constant 992 : index
          %swap3A_855 = tpu.vector_load %arg7[%swap3A_853, %swap3A_854] {strides = array<i32>} : memref<32x1024xf32, #tpu.memory_space<vmem>>, vector<1x16xf32>,
          %swap3A_856 = vector.shape_cast %swap3A_855 : vector<1x16xf32> to vector<16xf32>
          %swap3A_857 = vector.shape_cast %mul3A_852 : vector<16xf32> to vector<1x16xf32>
          tpu.vector_store %arg7[%swap3A_853, %swap3A_854], %swap3A_857 {strides = array<i32>} : memref<32x1024xf32, #tpu.memory_space<vmem>>, vector<1x16xf32>,
          %get3A_858 = arith.index_cast %while3A_103 : i32 to index
          %get3A_859 = arith.constant 1008 : index
          %get3A_860 = tpu.vector_load %arg7[%get3A_858, %get3A_859] {strides = array<i32>} : memref<32x1024xf32, #tpu.memory_space<vmem>>, vector<1x16xf32>,
          %get3A_861 = vector.shape_cast %get3A_860 : vector<1x16xf32> to vector<16xf32>
          %mul3A_862 = arith.constant 3.200000e+01 : f32
          %mul3A_863 = vector.broadcast %mul3A_862 : f32 to vector<16xf32>
          %mul3A_864 = arith.mulf %get3A_861, %mul3A_863 : vector<16xf32>
          %swap3A_865 = arith.index_cast %while3A_103 : i32 to index
          %swap3A_866 = arith.constant 1008 : index
          %swap3A_867 = tpu.vector_load %arg7[%swap3A_865, %swap3A_866] {strides = array<i32>} : memref<32x1024xf32, #tpu.memory_space<vmem>>, vector<1x16xf32>,
          %swap3A_868 = vector.shape_cast %swap3A_867 : vector<1x16xf32> to vector<16xf32>
          %swap3A_869 = vector.shape_cast %mul3A_864 : vector<16xf32> to vector<1x16xf32>
          tpu.vector_store %arg7[%swap3A_865, %swap3A_866], %swap3A_869 {strides = array<i32>} : memref<32x1024xf32, #tpu.memory_space<vmem>>, vector<1x16xf32>,
        }
        %while3A_86 = arith.constant 1 : i32
        scf.for %while3A_103 = %while3A_84 to %while3A_80 step %while3A_86  : i32 {
          %get3A = arith.index_cast %while3A_103 : i32 to index
          %get3A_104 = arith.constant 0 : index
          %get3A_105 = tpu.vector_load %arg7[%get3A, %get3A_104] {strides = array<i32>} : memref<32x1024xf32, #tpu.memory_space<vmem>>, vector<1x16xf32>,
          %get3A_106 = vector.shape_cast %get3A_105 : vector<1x16xf32> to vector<16xf32>
          %mul3A_107 = arith.constant 3.200000e+01 : f32
          %mul3A_108 = vector.broadcast %mul3A_107 : f32 to vector<16xf32>
          %mul3A_109 = arith.mulf %get3A_106, %mul3A_108 : vector<16xf32>
          %swap3A = arith.index_cast %while3A_103 : i32 to index
          %swap3A_110 = arith.constant 0 : index
          %swap3A_111 = tpu.vector_load %arg7[%swap3A, %swap3A_110] {strides = array<i32>} : memref<32x1024xf32, #tpu.memory_space<vmem>>, vector<1x16xf32>,
          %swap3A_112 = vector.shape_cast %swap3A_111 : vector<1x16xf32> to vector<16xf32>
          %swap3A_113 = vector.shape_cast %mul3A_109 : vector<16xf32> to vector<1x16xf32>
          tpu.vector_store %arg7[%swap3A, %swap3A_110], %swap3A_113 {strides = array<i32>} : memref<32x1024xf32, #tpu.memory_space<vmem>>, vector<1x16xf32>,
          %get3A_114 = arith.index_cast %while3A_103 : i32 to index
          %get3A_115 = arith.constant 16 : index
          %get3A_116 = tpu.vector_load %arg7[%get3A_114, %get3A_115] {strides = array<i32>} : memref<32x1024xf32, #tpu.memory_space<vmem>>, vector<1x16xf32>,
          %get3A_117 = vector.shape_cast %get3A_116 : vector<1x16xf32> to vector<16xf32>
          %mul3A_118 = arith.constant 3.200000e+01 : f32
          %mul3A_119 = vector.broadcast %mul3A_118 : f32 to vector<16xf32>
          %mul3A_120 = arith.mulf %get3A_117, %mul3A_119 : vector<16xf32>
          %swap3A_121 = arith.index_cast %while3A_103 : i32 to index
          %swap3A_122 = arith.constant 16 : index
          %swap3A_123 = tpu.vector_load %arg7[%swap3A_121, %swap3A_122] {strides = array<i32>} : memref<32x1024xf32, #tpu.memory_space<vmem>>, vector<1x16xf32>,
          %swap3A_124 = vector.shape_cast %swap3A_123 : vector<1x16xf32> to vector<16xf32>
          %swap3A_125 = vector.shape_cast %mul3A_120 : vector<16xf32> to vector<1x16xf32>
          tpu.vector_store %arg7[%swap3A_121, %swap3A_122], %swap3A_125 {strides = array<i32>} : memref<32x1024xf32, #tpu.memory_space<vmem>>, vector<1x16xf32>,
          %get3A_126 = arith.index_cast %while3A_103 : i32 to index
          %get3A_127 = arith.constant 32 : index
          %get3A_128 = tpu.vector_load %arg7[%get3A_126, %get3A_127] {strides = array<i32>} : memref<32x1024xf32, #tpu.memory_space<vmem>>, vector<1x16xf32>,
          %get3A_129 = vector.shape_cast %get3A_128 : vector<1x16xf32> to vector<16xf32>
          %mul3A_130 = arith.constant 3.200000e+01 : f32
          %mul3A_131 = vector.broadcast %mul3A_130 : f32 to vector<16xf32>
          %mul3A_132 = arith.mulf %get3A_129, %mul3A_131 : vector<16xf32>
          %swap3A_133 = arith.index_cast %while3A_103 : i32 to index
          %swap3A_134 = arith.constant 32 : index
          %swap3A_135 = tpu.vector_load %arg7[%swap3A_133, %swap3A_134] {strides = array<i32>} : memref<32x1024xf32, #tpu.memory_space<vmem>>, vector<1x16xf32>,
          %swap3A_136 = vector.shape_cast %swap3A_135 : vector<1x16xf32> to vector<16xf32>
          %swap3A_137 = vector.shape_cast %mul3A_132 : vector<16xf32> to vector<1x16xf32>
          tpu.vector_store %arg7[%swap3A_133, %swap3A_134], %swap3A_137 {strides = array<i32>} : memref<32x1024xf32, #tpu.memory_space<vmem>>, vector<1x16xf32>,
          %get3A_138 = arith.index_cast %while3A_103 : i32 to index
          %get3A_139 = arith.constant 48 : index
          %get3A_140 = tpu.vector_load %arg7[%get3A_138, %get3A_139] {strides = array<i32>} : memref<32x1024xf32, #tpu.memory_space<vmem>>, vector<1x16xf32>,
          %get3A_141 = vector.shape_cast %get3A_140 : vector<1x16xf32> to vector<16xf32>
          %mul3A_142 = arith.constant 3.200000e+01 : f32
          %mul3A_143 = vector.broadcast %mul3A_142 : f32 to vector<16xf32>
          %mul3A_144 = arith.mulf %get3A_141, %mul3A_143 : vector<16xf32>
          %swap3A_145 = arith.index_cast %while3A_103 : i32 to index
          %swap3A_146 = arith.constant 48 : index
          %swap3A_147 = tpu.vector_load %arg7[%swap3A_145, %swap3A_146] {strides = array<i32>} : memref<32x1024xf32, #tpu.memory_space<vmem>>, vector<1x16xf32>,
          %swap3A_148 = vector.shape_cast %swap3A_147 : vector<1x16xf32> to vector<16xf32>
          %swap3A_149 = vector.shape_cast %mul3A_144 : vector<16xf32> to vector<1x16xf32>
          tpu.vector_store %arg7[%swap3A_145, %swap3A_146], %swap3A_149 {strides = array<i32>} : memref<32x1024xf32, #tpu.memory_space<vmem>>, vector<1x16xf32>,
          %get3A_150 = arith.index_cast %while3A_103 : i32 to index
          %get3A_151 = arith.constant 64 : index
          %get3A_152 = tpu.vector_load %arg7[%get3A_150, %get3A_151] {strides = array<i32>} : memref<32x1024xf32, #tpu.memory_space<vmem>>, vector<1x16xf32>,
          %get3A_153 = vector.shape_cast %get3A_152 : vector<1x16xf32> to vector<16xf32>
          %mul3A_154 = arith.constant 3.200000e+01 : f32
          %mul3A_155 = vector.broadcast %mul3A_154 : f32 to vector<16xf32>
          %mul3A_156 = arith.mulf %get3A_153, %mul3A_155 : vector<16xf32>
          %swap3A_157 = arith.index_cast %while3A_103 : i32 to index
          %swap3A_158 = arith.constant 64 : index
          %swap3A_159 = tpu.vector_load %arg7[%swap3A_157, %swap3A_158] {strides = array<i32>} : memref<32x1024xf32, #tpu.memory_space<vmem>>, vector<1x16xf32>,
          %swap3A_160 = vector.shape_cast %swap3A_159 : vector<1x16xf32> to vector<16xf32>
          %swap3A_161 = vector.shape_cast %mul3A_156 : vector<16xf32> to vector<1x16xf32>
          tpu.vector_store %arg7[%swap3A_157, %swap3A_158], %swap3A_161 {strides = array<i32>} : memref<32x1024xf32, #tpu.memory_space<vmem>>, vector<1x16xf32>,
          %get3A_162 = arith.index_cast %while3A_103 : i32 to index
          %get3A_163 = arith.constant 80 : index
          %get3A_164 = tpu.vector_load %arg7[%get3A_162, %get3A_163] {strides = array<i32>} : memref<32x1024xf32, #tpu.memory_space<vmem>>, vector<1x16xf32>,
          %get3A_165 = vector.shape_cast %get3A_164 : vector<1x16xf32> to vector<16xf32>
          %mul3A_166 = arith.constant 3.200000e+01 : f32
          %mul3A_167 = vector.broadcast %mul3A_166 : f32 to vector<16xf32>
          %mul3A_168 = arith.mulf %get3A_165, %mul3A_167 : vector<16xf32>
          %swap3A_169 = arith.index_cast %while3A_103 : i32 to index
          %swap3A_170 = arith.constant 80 : index
          %swap3A_171 = tpu.vector_load %arg7[%swap3A_169, %swap3A_170] {strides = array<i32>} : memref<32x1024xf32, #tpu.memory_space<vmem>>, vector<1x16xf32>,
          %swap3A_172 = vector.shape_cast %swap3A_171 : vector<1x16xf32> to vector<16xf32>
          %swap3A_173 = vector.shape_cast %mul3A_168 : vector<16xf32> to vector<1x16xf32>
          tpu.vector_store %arg7[%swap3A_169, %swap3A_170], %swap3A_173 {strides = array<i32>} : memref<32x1024xf32, #tpu.memory_space<vmem>>, vector<1x16xf32>,
          %get3A_174 = arith.index_cast %while3A_103 : i32 to index
          %get3A_175 = arith.constant 96 : index
          %get3A_176 = tpu.vector_load %arg7[%get3A_174, %get3A_175] {strides = array<i32>} : memref<32x1024xf32, #tpu.memory_space<vmem>>, vector<1x16xf32>,
          %get3A_177 = vector.shape_cast %get3A_176 : vector<1x16xf32> to vector<16xf32>
          %mul3A_178 = arith.constant 3.200000e+01 : f32
          %mul3A_179 = vector.broadcast %mul3A_178 : f32 to vector<16xf32>
          %mul3A_180 = arith.mulf %get3A_177, %mul3A_179 : vector<16xf32>
          %swap3A_181 = arith.index_cast %while3A_103 : i32 to index
          %swap3A_182 = arith.constant 96 : index
          %swap3A_183 = tpu.vector_load %arg7[%swap3A_181, %swap3A_182] {strides = array<i32>} : memref<32x1024xf32, #tpu.memory_space<vmem>>, vector<1x16xf32>,
          %swap3A_184 = vector.shape_cast %swap3A_183 : vector<1x16xf32> to vector<16xf32>
          %swap3A_185 = vector.shape_cast %mul3A_180 : vector<16xf32> to vector<1x16xf32>
          tpu.vector_store %arg7[%swap3A_181, %swap3A_182], %swap3A_185 {strides = array<i32>} : memref<32x1024xf32, #tpu.memory_space<vmem>>, vector<1x16xf32>,
          %get3A_186 = arith.index_cast %while3A_103 : i32 to index
          %get3A_187 = arith.constant 112 : index
          %get3A_188 = tpu.vector_load %arg7[%get3A_186, %get3A_187] {strides = array<i32>} : memref<32x1024xf32, #tpu.memory_space<vmem>>, vector<1x16xf32>,
          %get3A_189 = vector.shape_cast %get3A_188 : vector<1x16xf32> to vector<16xf32>
          %mul3A_190 = arith.constant 3.200000e+01 : f32
          %mul3A_191 = vector.broadcast %mul3A_190 : f32 to vector<16xf32>
          %mul3A_192 = arith.mulf %get3A_189, %mul3A_191 : vector<16xf32>
          %swap3A_193 = arith.index_cast %while3A_103 : i32 to index
          %swap3A_194 = arith.constant 112 : index
          %swap3A_195 = tpu.vector_load %arg7[%swap3A_193, %swap3A_194] {strides = array<i32>} : memref<32x1024xf32, #tpu.memory_space<vmem>>, vector<1x16xf32>,
          %swap3A_196 = vector.shape_cast %swap3A_195 : vector<1x16xf32> to vector<16xf32>
          %swap3A_197 = vector.shape_cast %mul3A_192 : vector<16xf32> to vector<1x16xf32>
          tpu.vector_store %arg7[%swap3A_193, %swap3A_194], %swap3A_197 {strides = array<i32>} : memref<32x1024xf32, #tpu.memory_space<vmem>>, vector<1x16xf32>,
          %get3A_198 = arith.index_cast %while3A_103 : i32 to index
          %get3A_199 = arith.constant 128 : index
          %get3A_200 = tpu.vector_load %arg7[%get3A_198, %get3A_199] {strides = array<i32>} : memref<32x1024xf32, #tpu.memory_space<vmem>>, vector<1x16xf32>,
          %get3A_201 = vector.shape_cast %get3A_200 : vector<1x16xf32> to vector<16xf32>
          %mul3A_202 = arith.constant 3.200000e+01 : f32
          %mul3A_203 = vector.broadcast %mul3A_202 : f32 to vector<16xf32>
          %mul3A_204 = arith.mulf %get3A_201, %mul3A_203 : vector<16xf32>
          %swap3A_205 = arith.index_cast %while3A_103 : i32 to index
          %swap3A_206 = arith.constant 128 : index
          %swap3A_207 = tpu.vector_load %arg7[%swap3A_205, %swap3A_206] {strides = array<i32>} : memref<32x1024xf32, #tpu.memory_space<vmem>>, vector<1x16xf32>,
          %swap3A_208 = vector.shape_cast %swap3A_207 : vector<1x16xf32> to vector<16xf32>
          %swap3A_209 = vector.shape_cast %mul3A_204 : vector<16xf32> to vector<1x16xf32>
          tpu.vector_store %arg7[%swap3A_205, %swap3A_206], %swap3A_209 {strides = array<i32>} : memref<32x1024xf32, #tpu.memory_space<vmem>>, vector<1x16xf32>,
          %get3A_210 = arith.index_cast %while3A_103 : i32 to index
          %get3A_211 = arith.constant 144 : index
          %get3A_212 = tpu.vector_load %arg7[%get3A_210, %get3A_211] {strides = array<i32>} : memref<32x1024xf32, #tpu.memory_space<vmem>>, vector<1x16xf32>,
          %get3A_213 = vector.shape_cast %get3A_212 : vector<1x16xf32> to vector<16xf32>
          %mul3A_214 = arith.constant 3.200000e+01 : f32
          %mul3A_215 = vector.broadcast %mul3A_214 : f32 to vector<16xf32>
          %mul3A_216 = arith.mulf %get3A_213, %mul3A_215 : vector<16xf32>
          %swap3A_217 = arith.index_cast %while3A_103 : i32 to index
          %swap3A_218 = arith.constant 144 : index
          %swap3A_219 = tpu.vector_load %arg7[%swap3A_217, %swap3A_218] {strides = array<i32>} : memref<32x1024xf32, #tpu.memory_space<vmem>>, vector<1x16xf32>,
          %swap3A_220 = vector.shape_cast %swap3A_219 : vector<1x16xf32> to vector<16xf32>
          %swap3A_221 = vector.shape_cast %mul3A_216 : vector<16xf32> to vector<1x16xf32>
          tpu.vector_store %arg7[%swap3A_217, %swap3A_218], %swap3A_221 {strides = array<i32>} : memref<32x1024xf32, #tpu.memory_space<vmem>>, vector<1x16xf32>,
          %get3A_222 = arith.index_cast %while3A_103 : i32 to index
          %get3A_223 = arith.constant 160 : index
          %get3A_224 = tpu.vector_load %arg7[%get3A_222, %get3A_223] {strides = array<i32>} : memref<32x1024xf32, #tpu.memory_space<vmem>>, vector<1x16xf32>,
          %get3A_225 = vector.shape_cast %get3A_224 : vector<1x16xf32> to vector<16xf32>
          %mul3A_226 = arith.constant 3.200000e+01 : f32
          %mul3A_227 = vector.broadcast %mul3A_226 : f32 to vector<16xf32>
          %mul3A_228 = arith.mulf %get3A_225, %mul3A_227 : vector<16xf32>
          %swap3A_229 = arith.index_cast %while3A_103 : i32 to index
          %swap3A_230 = arith.constant 160 : index
          %swap3A_231 = tpu.vector_load %arg7[%swap3A_229, %swap3A_230] {strides = array<i32>} : memref<32x1024xf32, #tpu.memory_space<vmem>>, vector<1x16xf32>,
          %swap3A_232 = vector.shape_cast %swap3A_231 : vector<1x16xf32> to vector<16xf32>
          %swap3A_233 = vector.shape_cast %mul3A_228 : vector<16xf32> to vector<1x16xf32>
          tpu.vector_store %arg7[%swap3A_229, %swap3A_230], %swap3A_233 {strides = array<i32>} : memref<32x1024xf32, #tpu.memory_space<vmem>>, vector<1x16xf32>,
          %get3A_234 = arith.index_cast %while3A_103 : i32 to index
          %get3A_235 = arith.constant 176 : index
          %get3A_236 = tpu.vector_load %arg7[%get3A_234, %get3A_235] {strides = array<i32>} : memref<32x1024xf32, #tpu.memory_space<vmem>>, vector<1x16xf32>,
          %get3A_237 = vector.shape_cast %get3A_236 : vector<1x16xf32> to vector<16xf32>
          %mul3A_238 = arith.constant 3.200000e+01 : f32
          %mul3A_239 = vector.broadcast %mul3A_238 : f32 to vector<16xf32>
          %mul3A_240 = arith.mulf %get3A_237, %mul3A_239 : vector<16xf32>
          %swap3A_241 = arith.index_cast %while3A_103 : i32 to index
          %swap3A_242 = arith.constant 176 : index
          %swap3A_243 = tpu.vector_load %arg7[%swap3A_241, %swap3A_242] {strides = array<i32>} : memref<32x1024xf32, #tpu.memory_space<vmem>>, vector<1x16xf32>,
          %swap3A_244 = vector.shape_cast %swap3A_243 : vector<1x16xf32> to vector<16xf32>
          %swap3A_245 = vector.shape_cast %mul3A_240 : vector<16xf32> to vector<1x16xf32>
          tpu.vector_store %arg7[%swap3A_241, %swap3A_242], %swap3A_245 {strides = array<i32>} : memref<32x1024xf32, #tpu.memory_space<vmem>>, vector<1x16xf32>,
          %get3A_246 = arith.index_cast %while3A_103 : i32 to index
          %get3A_247 = arith.constant 192 : index
          %get3A_248 = tpu.vector_load %arg7[%get3A_246, %get3A_247] {strides = array<i32>} : memref<32x1024xf32, #tpu.memory_space<vmem>>, vector<1x16xf32>,
          %get3A_249 = vector.shape_cast %get3A_248 : vector<1x16xf32> to vector<16xf32>
          %mul3A_250 = arith.constant 3.200000e+01 : f32
          %mul3A_251 = vector.broadcast %mul3A_250 : f32 to vector<16xf32>
          %mul3A_252 = arith.mulf %get3A_249, %mul3A_251 : vector<16xf32>
          %swap3A_253 = arith.index_cast %while3A_103 : i32 to index
          %swap3A_254 = arith.constant 192 : index
          %swap3A_255 = tpu.vector_load %arg7[%swap3A_253, %swap3A_254] {strides = array<i32>} : memref<32x1024xf32, #tpu.memory_space<vmem>>, vector<1x16xf32>,
          %swap3A_256 = vector.shape_cast %swap3A_255 : vector<1x16xf32> to vector<16xf32>
          %swap3A_257 = vector.shape_cast %mul3A_252 : vector<16xf32> to vector<1x16xf32>
          tpu.vector_store %arg7[%swap3A_253, %swap3A_254], %swap3A_257 {strides = array<i32>} : memref<32x1024xf32, #tpu.memory_space<vmem>>, vector<1x16xf32>,
          %get3A_258 = arith.index_cast %while3A_103 : i32 to index
          %get3A_259 = arith.constant 208 : index
          %get3A_260 = tpu.vector_load %arg7[%get3A_258, %get3A_259] {strides = array<i32>} : memref<32x1024xf32, #tpu.memory_space<vmem>>, vector<1x16xf32>,
          %get3A_261 = vector.shape_cast %get3A_260 : vector<1x16xf32> to vector<16xf32>
          %mul3A_262 = arith.constant 3.200000e+01 : f32
          %mul3A_263 = vector.broadcast %mul3A_262 : f32 to vector<16xf32>
          %mul3A_264 = arith.mulf %get3A_261, %mul3A_263 : vector<16xf32>
          %swap3A_265 = arith.index_cast %while3A_103 : i32 to index
          %swap3A_266 = arith.constant 208 : index
          %swap3A_267 = tpu.vector_load %arg7[%swap3A_265, %swap3A_266] {strides = array<i32>} : memref<32x1024xf32, #tpu.memory_space<vmem>>, vector<1x16xf32>,
          %swap3A_268 = vector.shape_cast %swap3A_267 : vector<1x16xf32> to vector<16xf32>
          %swap3A_269 = vector.shape_cast %mul3A_264 : vector<16xf32> to vector<1x16xf32>
          tpu.vector_store %arg7[%swap3A_265, %swap3A_266], %swap3A_269 {strides = array<i32>} : memref<32x1024xf32, #tpu.memory_space<vmem>>, vector<1x16xf32>,
          %get3A_270 = arith.index_cast %while3A_103 : i32 to index
          %get3A_271 = arith.constant 224 : index
          %get3A_272 = tpu.vector_load %arg7[%get3A_270, %get3A_271] {strides = array<i32>} : memref<32x1024xf32, #tpu.memory_space<vmem>>, vector<1x16xf32>,
          %get3A_273 = vector.shape_cast %get3A_272 : vector<1x16xf32> to vector<16xf32>
          %mul3A_274 = arith.constant 3.200000e+01 : f32
          %mul3A_275 = vector.broadcast %mul3A_274 : f32 to vector<16xf32>
          %mul3A_276 = arith.mulf %get3A_273, %mul3A_275 : vector<16xf32>
          %swap3A_277 = arith.index_cast %while3A_103 : i32 to index
          %swap3A_278 = arith.constant 224 : index
          %swap3A_279 = tpu.vector_load %arg7[%swap3A_277, %swap3A_278] {strides = array<i32>} : memref<32x1024xf32, #tpu.memory_space<vmem>>, vector<1x16xf32>,
          %swap3A_280 = vector.shape_cast %swap3A_279 : vector<1x16xf32> to vector<16xf32>
          %swap3A_281 = vector.shape_cast %mul3A_276 : vector<16xf32> to vector<1x16xf32>
          tpu.vector_store %arg7[%swap3A_277, %swap3A_278], %swap3A_281 {strides = array<i32>} : memref<32x1024xf32, #tpu.memory_space<vmem>>, vector<1x16xf32>,
          %get3A_282 = arith.index_cast %while3A_103 : i32 to index
          %get3A_283 = arith.constant 240 : index
          %get3A_284 = tpu.vector_load %arg7[%get3A_282, %get3A_283] {strides = array<i32>} : memref<32x1024xf32, #tpu.memory_space<vmem>>, vector<1x16xf32>,
          %get3A_285 = vector.shape_cast %get3A_284 : vector<1x16xf32> to vector<16xf32>
          %mul3A_286 = arith.constant 3.200000e+01 : f32
          %mul3A_287 = vector.broadcast %mul3A_286 : f32 to vector<16xf32>
          %mul3A_288 = arith.mulf %get3A_285, %mul3A_287 : vector<16xf32>
          %swap3A_289 = arith.index_cast %while3A_103 : i32 to index
          %swap3A_290 = arith.constant 240 : index
          %swap3A_291 = tpu.vector_load %arg7[%swap3A_289, %swap3A_290] {strides = array<i32>} : memref<32x1024xf32, #tpu.memory_space<vmem>>, vector<1x16xf32>,
          %swap3A_292 = vector.shape_cast %swap3A_291 : vector<1x16xf32> to vector<16xf32>
          %swap3A_293 = vector.shape_cast %mul3A_288 : vector<16xf32> to vector<1x16xf32>
          tpu.vector_store %arg7[%swap3A_289, %swap3A_290], %swap3A_293 {strides = array<i32>} : memref<32x1024xf32, #tpu.memory_space<vmem>>, vector<1x16xf32>,
          %get3A_294 = arith.index_cast %while3A_103 : i32 to index
          %get3A_295 = arith.constant 256 : index
          %get3A_296 = tpu.vector_load %arg7[%get3A_294, %get3A_295] {strides = array<i32>} : memref<32x1024xf32, #tpu.memory_space<vmem>>, vector<1x16xf32>,
          %get3A_297 = vector.shape_cast %get3A_296 : vector<1x16xf32> to vector<16xf32>
          %mul3A_298 = arith.constant 3.200000e+01 : f32
          %mul3A_299 = vector.broadcast %mul3A_298 : f32 to vector<16xf32>
          %mul3A_300 = arith.mulf %get3A_297, %mul3A_299 : vector<16xf32>
          %swap3A_301 = arith.index_cast %while3A_103 : i32 to index
          %swap3A_302 = arith.constant 256 : index
          %swap3A_303 = tpu.vector_load %arg7[%swap3A_301, %swap3A_302] {strides = array<i32>} : memref<32x1024xf32, #tpu.memory_space<vmem>>, vector<1x16xf32>,
          %swap3A_304 = vector.shape_cast %swap3A_303 : vector<1x16xf32> to vector<16xf32>
          %swap3A_305 = vector.shape_cast %mul3A_300 : vector<16xf32> to vector<1x16xf32>
          tpu.vector_store %arg7[%swap3A_301, %swap3A_302], %swap3A_305 {strides = array<i32>} : memref<32x1024xf32, #tpu.memory_space<vmem>>, vector<1x16xf32>,
          %get3A_306 = arith.index_cast %while3A_103 : i32 to index
          %get3A_307 = arith.constant 272 : index
          %get3A_308 = tpu.vector_load %arg7[%get3A_306, %get3A_307] {strides = array<i32>} : memref<32x1024xf32, #tpu.memory_space<vmem>>, vector<1x16xf32>,
          %get3A_309 = vector.shape_cast %get3A_308 : vector<1x16xf32> to vector<16xf32>
          %mul3A_310 = arith.constant 3.200000e+01 : f32
          %mul3A_311 = vector.broadcast %mul3A_310 : f32 to vector<16xf32>
          %mul3A_312 = arith.mulf %get3A_309, %mul3A_311 : vector<16xf32>
          %swap3A_313 = arith.index_cast %while3A_103 : i32 to index
          %swap3A_314 = arith.constant 272 : index
          %swap3A_315 = tpu.vector_load %arg7[%swap3A_313, %swap3A_314] {strides = array<i32>} : memref<32x1024xf32, #tpu.memory_space<vmem>>, vector<1x16xf32>,
          %swap3A_316 = vector.shape_cast %swap3A_315 : vector<1x16xf32> to vector<16xf32>
          %swap3A_317 = vector.shape_cast %mul3A_312 : vector<16xf32> to vector<1x16xf32>
          tpu.vector_store %arg7[%swap3A_313, %swap3A_314], %swap3A_317 {strides = array<i32>} : memref<32x1024xf32, #tpu.memory_space<vmem>>, vector<1x16xf32>,
          %get3A_318 = arith.index_cast %while3A_103 : i32 to index
          %get3A_319 = arith.constant 288 : index
          %get3A_320 = tpu.vector_load %arg7[%get3A_318, %get3A_319] {strides = array<i32>} : memref<32x1024xf32, #tpu.memory_space<vmem>>, vector<1x16xf32>,
          %get3A_321 = vector.shape_cast %get3A_320 : vector<1x16xf32> to vector<16xf32>
          %mul3A_322 = arith.constant 3.200000e+01 : f32
          %mul3A_323 = vector.broadcast %mul3A_322 : f32 to vector<16xf32>
          %mul3A_324 = arith.mulf %get3A_321, %mul3A_323 : vector<16xf32>
          %swap3A_325 = arith.index_cast %while3A_103 : i32 to index
          %swap3A_326 = arith.constant 288 : index
          %swap3A_327 = tpu.vector_load %arg7[%swap3A_325, %swap3A_326] {strides = array<i32>} : memref<32x1024xf32, #tpu.memory_space<vmem>>, vector<1x16xf32>,
          %swap3A_328 = vector.shape_cast %swap3A_327 : vector<1x16xf32> to vector<16xf32>
          %swap3A_329 = vector.shape_cast %mul3A_324 : vector<16xf32> to vector<1x16xf32>
          tpu.vector_store %arg7[%swap3A_325, %swap3A_326], %swap3A_329 {strides = array<i32>} : memref<32x1024xf32, #tpu.memory_space<vmem>>, vector<1x16xf32>,
          %get3A_330 = arith.index_cast %while3A_103 : i32 to index
          %get3A_331 = arith.constant 304 : index
          %get3A_332 = tpu.vector_load %arg7[%get3A_330, %get3A_331] {strides = array<i32>} : memref<32x1024xf32, #tpu.memory_space<vmem>>, vector<1x16xf32>,
          %get3A_333 = vector.shape_cast %get3A_332 : vector<1x16xf32> to vector<16xf32>
          %mul3A_334 = arith.constant 3.200000e+01 : f32
          %mul3A_335 = vector.broadcast %mul3A_334 : f32 to vector<16xf32>
          %mul3A_336 = arith.mulf %get3A_333, %mul3A_335 : vector<16xf32>
          %swap3A_337 = arith.index_cast %while3A_103 : i32 to index
          %swap3A_338 = arith.constant 304 : index
          %swap3A_339 = tpu.vector_load %arg7[%swap3A_337, %swap3A_338] {strides = array<i32>} : memref<32x1024xf32, #tpu.memory_space<vmem>>, vector<1x16xf32>,
          %swap3A_340 = vector.shape_cast %swap3A_339 : vector<1x16xf32> to vector<16xf32>
          %swap3A_341 = vector.shape_cast %mul3A_336 : vector<16xf32> to vector<1x16xf32>
          tpu.vector_store %arg7[%swap3A_337, %swap3A_338], %swap3A_341 {strides = array<i32>} : memref<32x1024xf32, #tpu.memory_space<vmem>>, vector<1x16xf32>,
          %get3A_342 = arith.index_cast %while3A_103 : i32 to index
          %get3A_343 = arith.constant 320 : index
          %get3A_344 = tpu.vector_load %arg7[%get3A_342, %get3A_343] {strides = array<i32>} : memref<32x1024xf32, #tpu.memory_space<vmem>>, vector<1x16xf32>,
          %get3A_345 = vector.shape_cast %get3A_344 : vector<1x16xf32> to vector<16xf32>
          %mul3A_346 = arith.constant 3.200000e+01 : f32
          %mul3A_347 = vector.broadcast %mul3A_346 : f32 to vector<16xf32>
          %mul3A_348 = arith.mulf %get3A_345, %mul3A_347 : vector<16xf32>
          %swap3A_349 = arith.index_cast %while3A_103 : i32 to index
          %swap3A_350 = arith.constant 320 : index
          %swap3A_351 = tpu.vector_load %arg7[%swap3A_349, %swap3A_350] {strides = array<i32>} : memref<32x1024xf32, #tpu.memory_space<vmem>>, vector<1x16xf32>,
          %swap3A_352 = vector.shape_cast %swap3A_351 : vector<1x16xf32> to vector<16xf32>
          %swap3A_353 = vector.shape_cast %mul3A_348 : vector<16xf32> to vector<1x16xf32>
          tpu.vector_store %arg7[%swap3A_349, %swap3A_350], %swap3A_353 {strides = array<i32>} : memref<32x1024xf32, #tpu.memory_space<vmem>>, vector<1x16xf32>,
          %get3A_354 = arith.index_cast %while3A_103 : i32 to index
          %get3A_355 = arith.constant 336 : index
          %get3A_356 = tpu.vector_load %arg7[%get3A_354, %get3A_355] {strides = array<i32>} : memref<32x1024xf32, #tpu.memory_space<vmem>>, vector<1x16xf32>,
          %get3A_357 = vector.shape_cast %get3A_356 : vector<1x16xf32> to vector<16xf32>
          %mul3A_358 = arith.constant 3.200000e+01 : f32
          %mul3A_359 = vector.broadcast %mul3A_358 : f32 to vector<16xf32>
          %mul3A_360 = arith.mulf %get3A_357, %mul3A_359 : vector<16xf32>
          %swap3A_361 = arith.index_cast %while3A_103 : i32 to index
          %swap3A_362 = arith.constant 336 : index
          %swap3A_363 = tpu.vector_load %arg7[%swap3A_361, %swap3A_362] {strides = array<i32>} : memref<32x1024xf32, #tpu.memory_space<vmem>>, vector<1x16xf32>,
          %swap3A_364 = vector.shape_cast %swap3A_363 : vector<1x16xf32> to vector<16xf32>
          %swap3A_365 = vector.shape_cast %mul3A_360 : vector<16xf32> to vector<1x16xf32>
          tpu.vector_store %arg7[%swap3A_361, %swap3A_362], %swap3A_365 {strides = array<i32>} : memref<32x1024xf32, #tpu.memory_space<vmem>>, vector<1x16xf32>,
          %get3A_366 = arith.index_cast %while3A_103 : i32 to index
          %get3A_367 = arith.constant 352 : index
          %get3A_368 = tpu.vector_load %arg7[%get3A_366, %get3A_367] {strides = array<i32>} : memref<32x1024xf32, #tpu.memory_space<vmem>>, vector<1x16xf32>,
          %get3A_369 = vector.shape_cast %get3A_368 : vector<1x16xf32> to vector<16xf32>
          %mul3A_370 = arith.constant 3.200000e+01 : f32
          %mul3A_371 = vector.broadcast %mul3A_370 : f32 to vector<16xf32>
          %mul3A_372 = arith.mulf %get3A_369, %mul3A_371 : vector<16xf32>
          %swap3A_373 = arith.index_cast %while3A_103 : i32 to index
          %swap3A_374 = arith.constant 352 : index
          %swap3A_375 = tpu.vector_load %arg7[%swap3A_373, %swap3A_374] {strides = array<i32>} : memref<32x1024xf32, #tpu.memory_space<vmem>>, vector<1x16xf32>,
          %swap3A_376 = vector.shape_cast %swap3A_375 : vector<1x16xf32> to vector<16xf32>
          %swap3A_377 = vector.shape_cast %mul3A_372 : vector<16xf32> to vector<1x16xf32>
          tpu.vector_store %arg7[%swap3A_373, %swap3A_374], %swap3A_377 {strides = array<i32>} : memref<32x1024xf32, #tpu.memory_space<vmem>>, vector<1x16xf32>,
          %get3A_378 = arith.index_cast %while3A_103 : i32 to index
          %get3A_379 = arith.constant 368 : index
          %get3A_380 = tpu.vector_load %arg7[%get3A_378, %get3A_379] {strides = array<i32>} : memref<32x1024xf32, #tpu.memory_space<vmem>>, vector<1x16xf32>,
          %get3A_381 = vector.shape_cast %get3A_380 : vector<1x16xf32> to vector<16xf32>
          %mul3A_382 = arith.constant 3.200000e+01 : f32
          %mul3A_383 = vector.broadcast %mul3A_382 : f32 to vector<16xf32>
          %mul3A_384 = arith.mulf %get3A_381, %mul3A_383 : vector<16xf32>
          %swap3A_385 = arith.index_cast %while3A_103 : i32 to index
          %swap3A_386 = arith.constant 368 : index
          %swap3A_387 = tpu.vector_load %arg7[%swap3A_385, %swap3A_386] {strides = array<i32>} : memref<32x1024xf32, #tpu.memory_space<vmem>>, vector<1x16xf32>,
          %swap3A_388 = vector.shape_cast %swap3A_387 : vector<1x16xf32> to vector<16xf32>
          %swap3A_389 = vector.shape_cast %mul3A_384 : vector<16xf32> to vector<1x16xf32>
          tpu.vector_store %arg7[%swap3A_385, %swap3A_386], %swap3A_389 {strides = array<i32>} : memref<32x1024xf32, #tpu.memory_space<vmem>>, vector<1x16xf32>,
          %get3A_390 = arith.index_cast %while3A_103 : i32 to index
          %get3A_391 = arith.constant 384 : index
          %get3A_392 = tpu.vector_load %arg7[%get3A_390, %get3A_391] {strides = array<i32>} : memref<32x1024xf32, #tpu.memory_space<vmem>>, vector<1x16xf32>,
          %get3A_393 = vector.shape_cast %get3A_392 : vector<1x16xf32> to vector<16xf32>
          %mul3A_394 = arith.constant 3.200000e+01 : f32
          %mul3A_395 = vector.broadcast %mul3A_394 : f32 to vector<16xf32>
          %mul3A_396 = arith.mulf %get3A_393, %mul3A_395 : vector<16xf32>
          %swap3A_397 = arith.index_cast %while3A_103 : i32 to index
          %swap3A_398 = arith.constant 384 : index
          %swap3A_399 = tpu.vector_load %arg7[%swap3A_397, %swap3A_398] {strides = array<i32>} : memref<32x1024xf32, #tpu.memory_space<vmem>>, vector<1x16xf32>,
          %swap3A_400 = vector.shape_cast %swap3A_399 : vector<1x16xf32> to vector<16xf32>
          %swap3A_401 = vector.shape_cast %mul3A_396 : vector<16xf32> to vector<1x16xf32>
          tpu.vector_store %arg7[%swap3A_397, %swap3A_398], %swap3A_401 {strides = array<i32>} : memref<32x1024xf32, #tpu.memory_space<vmem>>, vector<1x16xf32>,
          %get3A_402 = arith.index_cast %while3A_103 : i32 to index
          %get3A_403 = arith.constant 400 : index
          %get3A_404 = tpu.vector_load %arg7[%get3A_402, %get3A_403] {strides = array<i32>} : memref<32x1024xf32, #tpu.memory_space<vmem>>, vector<1x16xf32>,
          %get3A_405 = vector.shape_cast %get3A_404 : vector<1x16xf32> to vector<16xf32>
          %mul3A_406 = arith.constant 3.200000e+01 : f32
          %mul3A_407 = vector.broadcast %mul3A_406 : f32 to vector<16xf32>
          %mul3A_408 = arith.mulf %get3A_405, %mul3A_407 : vector<16xf32>
          %swap3A_409 = arith.index_cast %while3A_103 : i32 to index
          %swap3A_410 = arith.constant 400 : index
          %swap3A_411 = tpu.vector_load %arg7[%swap3A_409, %swap3A_410] {strides = array<i32>} : memref<32x1024xf32, #tpu.memory_space<vmem>>, vector<1x16xf32>,
          %swap3A_412 = vector.shape_cast %swap3A_411 : vector<1x16xf32> to vector<16xf32>
          %swap3A_413 = vector.shape_cast %mul3A_408 : vector<16xf32> to vector<1x16xf32>
          tpu.vector_store %arg7[%swap3A_409, %swap3A_410], %swap3A_413 {strides = array<i32>} : memref<32x1024xf32, #tpu.memory_space<vmem>>, vector<1x16xf32>,
          %get3A_414 = arith.index_cast %while3A_103 : i32 to index
          %get3A_415 = arith.constant 416 : index
          %get3A_416 = tpu.vector_load %arg7[%get3A_414, %get3A_415] {strides = array<i32>} : memref<32x1024xf32, #tpu.memory_space<vmem>>, vector<1x16xf32>,
          %get3A_417 = vector.shape_cast %get3A_416 : vector<1x16xf32> to vector<16xf32>
          %mul3A_418 = arith.constant 3.200000e+01 : f32
          %mul3A_419 = vector.broadcast %mul3A_418 : f32 to vector<16xf32>
          %mul3A_420 = arith.mulf %get3A_417, %mul3A_419 : vector<16xf32>
          %swap3A_421 = arith.index_cast %while3A_103 : i32 to index
          %swap3A_422 = arith.constant 416 : index
          %swap3A_423 = tpu.vector_load %arg7[%swap3A_421, %swap3A_422] {strides = array<i32>} : memref<32x1024xf32, #tpu.memory_space<vmem>>, vector<1x16xf32>,
          %swap3A_424 = vector.shape_cast %swap3A_423 : vector<1x16xf32> to vector<16xf32>
          %swap3A_425 = vector.shape_cast %mul3A_420 : vector<16xf32> to vector<1x16xf32>
          tpu.vector_store %arg7[%swap3A_421, %swap3A_422], %swap3A_425 {strides = array<i32>} : memref<32x1024xf32, #tpu.memory_space<vmem>>, vector<1x16xf32>,
          %get3A_426 = arith.index_cast %while3A_103 : i32 to index
          %get3A_427 = arith.constant 432 : index
          %get3A_428 = tpu.vector_load %arg7[%get3A_426, %get3A_427] {strides = array<i32>} : memref<32x1024xf32, #tpu.memory_space<vmem>>, vector<1x16xf32>,
          %get3A_429 = vector.shape_cast %get3A_428 : vector<1x16xf32> to vector<16xf32>
          %mul3A_430 = arith.constant 3.200000e+01 : f32
          %mul3A_431 = vector.broadcast %mul3A_430 : f32 to vector<16xf32>
          %mul3A_432 = arith.mulf %get3A_429, %mul3A_431 : vector<16xf32>
          %swap3A_433 = arith.index_cast %while3A_103 : i32 to index
          %swap3A_434 = arith.constant 432 : index
          %swap3A_435 = tpu.vector_load %arg7[%swap3A_433, %swap3A_434] {strides = array<i32>} : memref<32x1024xf32, #tpu.memory_space<vmem>>, vector<1x16xf32>,
          %swap3A_436 = vector.shape_cast %swap3A_435 : vector<1x16xf32> to vector<16xf32>
          %swap3A_437 = vector.shape_cast %mul3A_432 : vector<16xf32> to vector<1x16xf32>
          tpu.vector_store %arg7[%swap3A_433, %swap3A_434], %swap3A_437 {strides = array<i32>} : memref<32x1024xf32, #tpu.memory_space<vmem>>, vector<1x16xf32>,
          %get3A_438 = arith.index_cast %while3A_103 : i32 to index
          %get3A_439 = arith.constant 448 : index
          %get3A_440 = tpu.vector_load %arg7[%get3A_438, %get3A_439] {strides = array<i32>} : memref<32x1024xf32, #tpu.memory_space<vmem>>, vector<1x16xf32>,
          %get3A_441 = vector.shape_cast %get3A_440 : vector<1x16xf32> to vector<16xf32>
          %mul3A_442 = arith.constant 3.200000e+01 : f32
          %mul3A_443 = vector.broadcast %mul3A_442 : f32 to vector<16xf32>
          %mul3A_444 = arith.mulf %get3A_441, %mul3A_443 : vector<16xf32>
          %swap3A_445 = arith.index_cast %while3A_103 : i32 to index
          %swap3A_446 = arith.constant 448 : index
          %swap3A_447 = tpu.vector_load %arg7[%swap3A_445, %swap3A_446] {strides = array<i32>} : memref<32x1024xf32, #tpu.memory_space<vmem>>, vector<1x16xf32>,
          %swap3A_448 = vector.shape_cast %swap3A_447 : vector<1x16xf32> to vector<16xf32>
          %swap3A_449 = vector.shape_cast %mul3A_444 : vector<16xf32> to vector<1x16xf32>
          tpu.vector_store %arg7[%swap3A_445, %swap3A_446], %swap3A_449 {strides = array<i32>} : memref<32x1024xf32, #tpu.memory_space<vmem>>, vector<1x16xf32>,
          %get3A_450 = arith.index_cast %while3A_103 : i32 to index
          %get3A_451 = arith.constant 464 : index
          %get3A_452 = tpu.vector_load %arg7[%get3A_450, %get3A_451] {strides = array<i32>} : memref<32x1024xf32, #tpu.memory_space<vmem>>, vector<1x16xf32>,
          %get3A_453 = vector.shape_cast %get3A_452 : vector<1x16xf32> to vector<16xf32>
          %mul3A_454 = arith.constant 3.200000e+01 : f32
          %mul3A_455 = vector.broadcast %mul3A_454 : f32 to vector<16xf32>
          %mul3A_456 = arith.mulf %get3A_453, %mul3A_455 : vector<16xf32>
          %swap3A_457 = arith.index_cast %while3A_103 : i32 to index
          %swap3A_458 = arith.constant 464 : index
          %swap3A_459 = tpu.vector_load %arg7[%swap3A_457, %swap3A_458] {strides = array<i32>} : memref<32x1024xf32, #tpu.memory_space<vmem>>, vector<1x16xf32>,
          %swap3A_460 = vector.shape_cast %swap3A_459 : vector<1x16xf32> to vector<16xf32>
          %swap3A_461 = vector.shape_cast %mul3A_456 : vector<16xf32> to vector<1x16xf32>
          tpu.vector_store %arg7[%swap3A_457, %swap3A_458], %swap3A_461 {strides = array<i32>} : memref<32x1024xf32, #tpu.memory_space<vmem>>, vector<1x16xf32>,
          %get3A_462 = arith.index_cast %while3A_103 : i32 to index
          %get3A_463 = arith.constant 480 : index
          %get3A_464 = tpu.vector_load %arg7[%get3A_462, %get3A_463] {strides = array<i32>} : memref<32x1024xf32, #tpu.memory_space<vmem>>, vector<1x16xf32>,
          %get3A_465 = vector.shape_cast %get3A_464 : vector<1x16xf32> to vector<16xf32>
          %mul3A_466 = arith.constant 3.200000e+01 : f32
          %mul3A_467 = vector.broadcast %mul3A_466 : f32 to vector<16xf32>
          %mul3A_468 = arith.mulf %get3A_465, %mul3A_467 : vector<16xf32>
          %swap3A_469 = arith.index_cast %while3A_103 : i32 to index
          %swap3A_470 = arith.constant 480 : index
          %swap3A_471 = tpu.vector_load %arg7[%swap3A_469, %swap3A_470] {strides = array<i32>} : memref<32x1024xf32, #tpu.memory_space<vmem>>, vector<1x16xf32>,
          %swap3A_472 = vector.shape_cast %swap3A_471 : vector<1x16xf32> to vector<16xf32>
          %swap3A_473 = vector.shape_cast %mul3A_468 : vector<16xf32> to vector<1x16xf32>
          tpu.vector_store %arg7[%swap3A_469, %swap3A_470], %swap3A_473 {strides = array<i32>} : memref<32x1024xf32, #tpu.memory_space<vmem>>, vector<1x16xf32>,
          %get3A_474 = arith.index_cast %while3A_103 : i32 to index
          %get3A_475 = arith.constant 496 : index
          %get3A_476 = tpu.vector_load %arg7[%get3A_474, %get3A_475] {strides = array<i32>} : memref<32x1024xf32, #tpu.memory_space<vmem>>, vector<1x16xf32>,
          %get3A_477 = vector.shape_cast %get3A_476 : vector<1x16xf32> to vector<16xf32>
          %mul3A_478 = arith.constant 3.200000e+01 : f32
          %mul3A_479 = vector.broadcast %mul3A_478 : f32 to vector<16xf32>
          %mul3A_480 = arith.mulf %get3A_477, %mul3A_479 : vector<16xf32>
          %swap3A_481 = arith.index_cast %while3A_103 : i32 to index
          %swap3A_482 = arith.constant 496 : index
          %swap3A_483 = tpu.vector_load %arg7[%swap3A_481, %swap3A_482] {strides = array<i32>} : memref<32x1024xf32, #tpu.memory_space<vmem>>, vector<1x16xf32>,
          %swap3A_484 = vector.shape_cast %swap3A_483 : vector<1x16xf32> to vector<16xf32>
          %swap3A_485 = vector.shape_cast %mul3A_480 : vector<16xf32> to vector<1x16xf32>
          tpu.vector_store %arg7[%swap3A_481, %swap3A_482], %swap3A_485 {strides = array<i32>} : memref<32x1024xf32, #tpu.memory_space<vmem>>, vector<1x16xf32>,
          %get3A_486 = arith.index_cast %while3A_103 : i32 to index
          %get3A_487 = arith.constant 512 : index
          %get3A_488 = tpu.vector_load %arg7[%get3A_486, %get3A_487] {strides = array<i32>} : memref<32x1024xf32, #tpu.memory_space<vmem>>, vector<1x16xf32>,
          %get3A_489 = vector.shape_cast %get3A_488 : vector<1x16xf32> to vector<16xf32>
          %mul3A_490 = arith.constant 3.200000e+01 : f32
          %mul3A_491 = vector.broadcast %mul3A_490 : f32 to vector<16xf32>
          %mul3A_492 = arith.mulf %get3A_489, %mul3A_491 : vector<16xf32>
          %swap3A_493 = arith.index_cast %while3A_103 : i32 to index
          %swap3A_494 = arith.constant 512 : index
          %swap3A_495 = tpu.vector_load %arg7[%swap3A_493, %swap3A_494] {strides = array<i32>} : memref<32x1024xf32, #tpu.memory_space<vmem>>, vector<1x16xf32>,
          %swap3A_496 = vector.shape_cast %swap3A_495 : vector<1x16xf32> to vector<16xf32>
          %swap3A_497 = vector.shape_cast %mul3A_492 : vector<16xf32> to vector<1x16xf32>
          tpu.vector_store %arg7[%swap3A_493, %swap3A_494], %swap3A_497 {strides = array<i32>} : memref<32x1024xf32, #tpu.memory_space<vmem>>, vector<1x16xf32>,
          %get3A_498 = arith.index_cast %while3A_103 : i32 to index
          %get3A_499 = arith.constant 528 : index
          %get3A_500 = tpu.vector_load %arg7[%get3A_498, %get3A_499] {strides = array<i32>} : memref<32x1024xf32, #tpu.memory_space<vmem>>, vector<1x16xf32>,
          %get3A_501 = vector.shape_cast %get3A_500 : vector<1x16xf32> to vector<16xf32>
          %mul3A_502 = arith.constant 3.200000e+01 : f32
          %mul3A_503 = vector.broadcast %mul3A_502 : f32 to vector<16xf32>
          %mul3A_504 = arith.mulf %get3A_501, %mul3A_503 : vector<16xf32>
          %swap3A_505 = arith.index_cast %while3A_103 : i32 to index
          %swap3A_506 = arith.constant 528 : index
          %swap3A_507 = tpu.vector_load %arg7[%swap3A_505, %swap3A_506] {strides = array<i32>} : memref<32x1024xf32, #tpu.memory_space<vmem>>, vector<1x16xf32>,
          %swap3A_508 = vector.shape_cast %swap3A_507 : vector<1x16xf32> to vector<16xf32>
          %swap3A_509 = vector.shape_cast %mul3A_504 : vector<16xf32> to vector<1x16xf32>
          tpu.vector_store %arg7[%swap3A_505, %swap3A_506], %swap3A_509 {strides = array<i32>} : memref<32x1024xf32, #tpu.memory_space<vmem>>, vector<1x16xf32>,
          %get3A_510 = arith.index_cast %while3A_103 : i32 to index
          %get3A_511 = arith.constant 544 : index
          %get3A_512 = tpu.vector_load %arg7[%get3A_510, %get3A_511] {strides = array<i32>} : memref<32x1024xf32, #tpu.memory_space<vmem>>, vector<1x16xf32>,
          %get3A_513 = vector.shape_cast %get3A_512 : vector<1x16xf32> to vector<16xf32>
          %mul3A_514 = arith.constant 3.200000e+01 : f32
          %mul3A_515 = vector.broadcast %mul3A_514 : f32 to vector<16xf32>
          %mul3A_516 = arith.mulf %get3A_513, %mul3A_515 : vector<16xf32>
          %swap3A_517 = arith.index_cast %while3A_103 : i32 to index
          %swap3A_518 = arith.constant 544 : index
          %swap3A_519 = tpu.vector_load %arg7[%swap3A_517, %swap3A_518] {strides = array<i32>} : memref<32x1024xf32, #tpu.memory_space<vmem>>, vector<1x16xf32>,
          %swap3A_520 = vector.shape_cast %swap3A_519 : vector<1x16xf32> to vector<16xf32>
          %swap3A_521 = vector.shape_cast %mul3A_516 : vector<16xf32> to vector<1x16xf32>
          tpu.vector_store %arg7[%swap3A_517, %swap3A_518], %swap3A_521 {strides = array<i32>} : memref<32x1024xf32, #tpu.memory_space<vmem>>, vector<1x16xf32>,
          %get3A_522 = arith.index_cast %while3A_103 : i32 to index
          %get3A_523 = arith.constant 560 : index
          %get3A_524 = tpu.vector_load %arg7[%get3A_522, %get3A_523] {strides = array<i32>} : memref<32x1024xf32, #tpu.memory_space<vmem>>, vector<1x16xf32>,
          %get3A_525 = vector.shape_cast %get3A_524 : vector<1x16xf32> to vector<16xf32>
          %mul3A_526 = arith.constant 3.200000e+01 : f32
          %mul3A_527 = vector.broadcast %mul3A_526 : f32 to vector<16xf32>
          %mul3A_528 = arith.mulf %get3A_525, %mul3A_527 : vector<16xf32>
          %swap3A_529 = arith.index_cast %while3A_103 : i32 to index
          %swap3A_530 = arith.constant 560 : index
          %swap3A_531 = tpu.vector_load %arg7[%swap3A_529, %swap3A_530] {strides = array<i32>} : memref<32x1024xf32, #tpu.memory_space<vmem>>, vector<1x16xf32>,
          %swap3A_532 = vector.shape_cast %swap3A_531 : vector<1x16xf32> to vector<16xf32>
          %swap3A_533 = vector.shape_cast %mul3A_528 : vector<16xf32> to vector<1x16xf32>
          tpu.vector_store %arg7[%swap3A_529, %swap3A_530], %swap3A_533 {strides = array<i32>} : memref<32x1024xf32, #tpu.memory_space<vmem>>, vector<1x16xf32>,
          %get3A_534 = arith.index_cast %while3A_103 : i32 to index
          %get3A_535 = arith.constant 576 : index
          %get3A_536 = tpu.vector_load %arg7[%get3A_534, %get3A_535] {strides = array<i32>} : memref<32x1024xf32, #tpu.memory_space<vmem>>, vector<1x16xf32>,
          %get3A_537 = vector.shape_cast %get3A_536 : vector<1x16xf32> to vector<16xf32>
          %mul3A_538 = arith.constant 3.200000e+01 : f32
          %mul3A_539 = vector.broadcast %mul3A_538 : f32 to vector<16xf32>
          %mul3A_540 = arith.mulf %get3A_537, %mul3A_539 : vector<16xf32>
          %swap3A_541 = arith.index_cast %while3A_103 : i32 to index
          %swap3A_542 = arith.constant 576 : index
          %swap3A_543 = tpu.vector_load %arg7[%swap3A_541, %swap3A_542] {strides = array<i32>} : memref<32x1024xf32, #tpu.memory_space<vmem>>, vector<1x16xf32>,
          %swap3A_544 = vector.shape_cast %swap3A_543 : vector<1x16xf32> to vector<16xf32>
          %swap3A_545 = vector.shape_cast %mul3A_540 : vector<16xf32> to vector<1x16xf32>
          tpu.vector_store %arg7[%swap3A_541, %swap3A_542], %swap3A_545 {strides = array<i32>} : memref<32x1024xf32, #tpu.memory_space<vmem>>, vector<1x16xf32>,
          %get3A_546 = arith.index_cast %while3A_103 : i32 to index
          %get3A_547 = arith.constant 592 : index
          %get3A_548 = tpu.vector_load %arg7[%get3A_546, %get3A_547] {strides = array<i32>} : memref<32x1024xf32, #tpu.memory_space<vmem>>, vector<1x16xf32>,
          %get3A_549 = vector.shape_cast %get3A_548 : vector<1x16xf32> to vector<16xf32>
          %mul3A_550 = arith.constant 3.200000e+01 : f32
          %mul3A_551 = vector.broadcast %mul3A_550 : f32 to vector<16xf32>
          %mul3A_552 = arith.mulf %get3A_549, %mul3A_551 : vector<16xf32>
          %swap3A_553 = arith.index_cast %while3A_103 : i32 to index
          %swap3A_554 = arith.constant 592 : index
          %swap3A_555 = tpu.vector_load %arg7[%swap3A_553, %swap3A_554] {strides = array<i32>} : memref<32x1024xf32, #tpu.memory_space<vmem>>, vector<1x16xf32>,
          %swap3A_556 = vector.shape_cast %swap3A_555 : vector<1x16xf32> to vector<16xf32>
          %swap3A_557 = vector.shape_cast %mul3A_552 : vector<16xf32> to vector<1x16xf32>
          tpu.vector_store %arg7[%swap3A_553, %swap3A_554], %swap3A_557 {strides = array<i32>} : memref<32x1024xf32, #tpu.memory_space<vmem>>, vector<1x16xf32>,
          %get3A_558 = arith.index_cast %while3A_103 : i32 to index
          %get3A_559 = arith.constant 608 : index
          %get3A_560 = tpu.vector_load %arg7[%get3A_558, %get3A_559] {strides = array<i32>} : memref<32x1024xf32, #tpu.memory_space<vmem>>, vector<1x16xf32>,
          %get3A_561 = vector.shape_cast %get3A_560 : vector<1x16xf32> to vector<16xf32>
          %mul3A_562 = arith.constant 3.200000e+01 : f32
          %mul3A_563 = vector.broadcast %mul3A_562 : f32 to vector<16xf32>
          %mul3A_564 = arith.mulf %get3A_561, %mul3A_563 : vector<16xf32>
          %swap3A_565 = arith.index_cast %while3A_103 : i32 to index
          %swap3A_566 = arith.constant 608 : index
          %swap3A_567 = tpu.vector_load %arg7[%swap3A_565, %swap3A_566] {strides = array<i32>} : memref<32x1024xf32, #tpu.memory_space<vmem>>, vector<1x16xf32>,
          %swap3A_568 = vector.shape_cast %swap3A_567 : vector<1x16xf32> to vector<16xf32>
          %swap3A_569 = vector.shape_cast %mul3A_564 : vector<16xf32> to vector<1x16xf32>
          tpu.vector_store %arg7[%swap3A_565, %swap3A_566], %swap3A_569 {strides = array<i32>} : memref<32x1024xf32, #tpu.memory_space<vmem>>, vector<1x16xf32>,
          %get3A_570 = arith.index_cast %while3A_103 : i32 to index
          %get3A_571 = arith.constant 624 : index
          %get3A_572 = tpu.vector_load %arg7[%get3A_570, %get3A_571] {strides = array<i32>} : memref<32x1024xf32, #tpu.memory_space<vmem>>, vector<1x16xf32>,
          %get3A_573 = vector.shape_cast %get3A_572 : vector<1x16xf32> to vector<16xf32>
          %mul3A_574 = arith.constant 3.200000e+01 : f32
          %mul3A_575 = vector.broadcast %mul3A_574 : f32 to vector<16xf32>
          %mul3A_576 = arith.mulf %get3A_573, %mul3A_575 : vector<16xf32>
          %swap3A_577 = arith.index_cast %while3A_103 : i32 to index
          %swap3A_578 = arith.constant 624 : index
          %swap3A_579 = tpu.vector_load %arg7[%swap3A_577, %swap3A_578] {strides = array<i32>} : memref<32x1024xf32, #tpu.memory_space<vmem>>, vector<1x16xf32>,
          %swap3A_580 = vector.shape_cast %swap3A_579 : vector<1x16xf32> to vector<16xf32>
          %swap3A_581 = vector.shape_cast %mul3A_576 : vector<16xf32> to vector<1x16xf32>
          tpu.vector_store %arg7[%swap3A_577, %swap3A_578], %swap3A_581 {strides = array<i32>} : memref<32x1024xf32, #tpu.memory_space<vmem>>, vector<1x16xf32>,
          %get3A_582 = arith.index_cast %while3A_103 : i32 to index
          %get3A_583 = arith.constant 640 : index
          %get3A_584 = tpu.vector_load %arg7[%get3A_582, %get3A_583] {strides = array<i32>} : memref<32x1024xf32, #tpu.memory_space<vmem>>, vector<1x16xf32>,
          %get3A_585 = vector.shape_cast %get3A_584 : vector<1x16xf32> to vector<16xf32>
          %mul3A_586 = arith.constant 3.200000e+01 : f32
          %mul3A_587 = vector.broadcast %mul3A_586 : f32 to vector<16xf32>
          %mul3A_588 = arith.mulf %get3A_585, %mul3A_587 : vector<16xf32>
          %swap3A_589 = arith.index_cast %while3A_103 : i32 to index
          %swap3A_590 = arith.constant 640 : index
          %swap3A_591 = tpu.vector_load %arg7[%swap3A_589, %swap3A_590] {strides = array<i32>} : memref<32x1024xf32, #tpu.memory_space<vmem>>, vector<1x16xf32>,
          %swap3A_592 = vector.shape_cast %swap3A_591 : vector<1x16xf32> to vector<16xf32>
          %swap3A_593 = vector.shape_cast %mul3A_588 : vector<16xf32> to vector<1x16xf32>
          tpu.vector_store %arg7[%swap3A_589, %swap3A_590], %swap3A_593 {strides = array<i32>} : memref<32x1024xf32, #tpu.memory_space<vmem>>, vector<1x16xf32>,
          %get3A_594 = arith.index_cast %while3A_103 : i32 to index
          %get3A_595 = arith.constant 656 : index
          %get3A_596 = tpu.vector_load %arg7[%get3A_594, %get3A_595] {strides = array<i32>} : memref<32x1024xf32, #tpu.memory_space<vmem>>, vector<1x16xf32>,
          %get3A_597 = vector.shape_cast %get3A_596 : vector<1x16xf32> to vector<16xf32>
          %mul3A_598 = arith.constant 3.200000e+01 : f32
          %mul3A_599 = vector.broadcast %mul3A_598 : f32 to vector<16xf32>
          %mul3A_600 = arith.mulf %get3A_597, %mul3A_599 : vector<16xf32>
          %swap3A_601 = arith.index_cast %while3A_103 : i32 to index
          %swap3A_602 = arith.constant 656 : index
          %swap3A_603 = tpu.vector_load %arg7[%swap3A_601, %swap3A_602] {strides = array<i32>} : memref<32x1024xf32, #tpu.memory_space<vmem>>, vector<1x16xf32>,
          %swap3A_604 = vector.shape_cast %swap3A_603 : vector<1x16xf32> to vector<16xf32>
          %swap3A_605 = vector.shape_cast %mul3A_600 : vector<16xf32> to vector<1x16xf32>
          tpu.vector_store %arg7[%swap3A_601, %swap3A_602], %swap3A_605 {strides = array<i32>} : memref<32x1024xf32, #tpu.memory_space<vmem>>, vector<1x16xf32>,
          %get3A_606 = arith.index_cast %while3A_103 : i32 to index
          %get3A_607 = arith.constant 672 : index
          %get3A_608 = tpu.vector_load %arg7[%get3A_606, %get3A_607] {strides = array<i32>} : memref<32x1024xf32, #tpu.memory_space<vmem>>, vector<1x16xf32>,
          %get3A_609 = vector.shape_cast %get3A_608 : vector<1x16xf32> to vector<16xf32>
          %mul3A_610 = arith.constant 3.200000e+01 : f32
          %mul3A_611 = vector.broadcast %mul3A_610 : f32 to vector<16xf32>
          %mul3A_612 = arith.mulf %get3A_609, %mul3A_611 : vector<16xf32>
          %swap3A_613 = arith.index_cast %while3A_103 : i32 to index
          %swap3A_614 = arith.constant 672 : index
          %swap3A_615 = tpu.vector_load %arg7[%swap3A_613, %swap3A_614] {strides = array<i32>} : memref<32x1024xf32, #tpu.memory_space<vmem>>, vector<1x16xf32>,
          %swap3A_616 = vector.shape_cast %swap3A_615 : vector<1x16xf32> to vector<16xf32>
          %swap3A_617 = vector.shape_cast %mul3A_612 : vector<16xf32> to vector<1x16xf32>
          tpu.vector_store %arg7[%swap3A_613, %swap3A_614], %swap3A_617 {strides = array<i32>} : memref<32x1024xf32, #tpu.memory_space<vmem>>, vector<1x16xf32>,
          %get3A_618 = arith.index_cast %while3A_103 : i32 to index
          %get3A_619 = arith.constant 688 : index
          %get3A_620 = tpu.vector_load %arg7[%get3A_618, %get3A_619] {strides = array<i32>} : memref<32x1024xf32, #tpu.memory_space<vmem>>, vector<1x16xf32>,
          %get3A_621 = vector.shape_cast %get3A_620 : vector<1x16xf32> to vector<16xf32>
          %mul3A_622 = arith.constant 3.200000e+01 : f32
          %mul3A_623 = vector.broadcast %mul3A_622 : f32 to vector<16xf32>
          %mul3A_624 = arith.mulf %get3A_621, %mul3A_623 : vector<16xf32>
          %swap3A_625 = arith.index_cast %while3A_103 : i32 to index
          %swap3A_626 = arith.constant 688 : index
          %swap3A_627 = tpu.vector_load %arg7[%swap3A_625, %swap3A_626] {strides = array<i32>} : memref<32x1024xf32, #tpu.memory_space<vmem>>, vector<1x16xf32>,
          %swap3A_628 = vector.shape_cast %swap3A_627 : vector<1x16xf32> to vector<16xf32>
          %swap3A_629 = vector.shape_cast %mul3A_624 : vector<16xf32> to vector<1x16xf32>
          tpu.vector_store %arg7[%swap3A_625, %swap3A_626], %swap3A_629 {strides = array<i32>} : memref<32x1024xf32, #tpu.memory_space<vmem>>, vector<1x16xf32>,
          %get3A_630 = arith.index_cast %while3A_103 : i32 to index
          %get3A_631 = arith.constant 704 : index
          %get3A_632 = tpu.vector_load %arg7[%get3A_630, %get3A_631] {strides = array<i32>} : memref<32x1024xf32, #tpu.memory_space<vmem>>, vector<1x16xf32>,
          %get3A_633 = vector.shape_cast %get3A_632 : vector<1x16xf32> to vector<16xf32>
          %mul3A_634 = arith.constant 3.200000e+01 : f32
          %mul3A_635 = vector.broadcast %mul3A_634 : f32 to vector<16xf32>
          %mul3A_636 = arith.mulf %get3A_633, %mul3A_635 : vector<16xf32>
          %swap3A_637 = arith.index_cast %while3A_103 : i32 to index
          %swap3A_638 = arith.constant 704 : index
          %swap3A_639 = tpu.vector_load %arg7[%swap3A_637, %swap3A_638] {strides = array<i32>} : memref<32x1024xf32, #tpu.memory_space<vmem>>, vector<1x16xf32>,
          %swap3A_640 = vector.shape_cast %swap3A_639 : vector<1x16xf32> to vector<16xf32>
          %swap3A_641 = vector.shape_cast %mul3A_636 : vector<16xf32> to vector<1x16xf32>
          tpu.vector_store %arg7[%swap3A_637, %swap3A_638], %swap3A_641 {strides = array<i32>} : memref<32x1024xf32, #tpu.memory_space<vmem>>, vector<1x16xf32>,
          %get3A_642 = arith.index_cast %while3A_103 : i32 to index
          %get3A_643 = arith.constant 720 : index
          %get3A_644 = tpu.vector_load %arg7[%get3A_642, %get3A_643] {strides = array<i32>} : memref<32x1024xf32, #tpu.memory_space<vmem>>, vector<1x16xf32>,
          %get3A_645 = vector.shape_cast %get3A_644 : vector<1x16xf32> to vector<16xf32>
          %mul3A_646 = arith.constant 3.200000e+01 : f32
          %mul3A_647 = vector.broadcast %mul3A_646 : f32 to vector<16xf32>
          %mul3A_648 = arith.mulf %get3A_645, %mul3A_647 : vector<16xf32>
          %swap3A_649 = arith.index_cast %while3A_103 : i32 to index
          %swap3A_650 = arith.constant 720 : index
          %swap3A_651 = tpu.vector_load %arg7[%swap3A_649, %swap3A_650] {strides = array<i32>} : memref<32x1024xf32, #tpu.memory_space<vmem>>, vector<1x16xf32>,
          %swap3A_652 = vector.shape_cast %swap3A_651 : vector<1x16xf32> to vector<16xf32>
          %swap3A_653 = vector.shape_cast %mul3A_648 : vector<16xf32> to vector<1x16xf32>
          tpu.vector_store %arg7[%swap3A_649, %swap3A_650], %swap3A_653 {strides = array<i32>} : memref<32x1024xf32, #tpu.memory_space<vmem>>, vector<1x16xf32>,
          %get3A_654 = arith.index_cast %while3A_103 : i32 to index
          %get3A_655 = arith.constant 736 : index
          %get3A_656 = tpu.vector_load %arg7[%get3A_654, %get3A_655] {strides = array<i32>} : memref<32x1024xf32, #tpu.memory_space<vmem>>, vector<1x16xf32>,
          %get3A_657 = vector.shape_cast %get3A_656 : vector<1x16xf32> to vector<16xf32>
          %mul3A_658 = arith.constant 3.200000e+01 : f32
          %mul3A_659 = vector.broadcast %mul3A_658 : f32 to vector<16xf32>
          %mul3A_660 = arith.mulf %get3A_657, %mul3A_659 : vector<16xf32>
          %swap3A_661 = arith.index_cast %while3A_103 : i32 to index
          %swap3A_662 = arith.constant 736 : index
          %swap3A_663 = tpu.vector_load %arg7[%swap3A_661, %swap3A_662] {strides = array<i32>} : memref<32x1024xf32, #tpu.memory_space<vmem>>, vector<1x16xf32>,
          %swap3A_664 = vector.shape_cast %swap3A_663 : vector<1x16xf32> to vector<16xf32>
          %swap3A_665 = vector.shape_cast %mul3A_660 : vector<16xf32> to vector<1x16xf32>
          tpu.vector_store %arg7[%swap3A_661, %swap3A_662], %swap3A_665 {strides = array<i32>} : memref<32x1024xf32, #tpu.memory_space<vmem>>, vector<1x16xf32>,
          %get3A_666 = arith.index_cast %while3A_103 : i32 to index
          %get3A_667 = arith.constant 752 : index
          %get3A_668 = tpu.vector_load %arg7[%get3A_666, %get3A_667] {strides = array<i32>} : memref<32x1024xf32, #tpu.memory_space<vmem>>, vector<1x16xf32>,
          %get3A_669 = vector.shape_cast %get3A_668 : vector<1x16xf32> to vector<16xf32>
          %mul3A_670 = arith.constant 3.200000e+01 : f32
          %mul3A_671 = vector.broadcast %mul3A_670 : f32 to vector<16xf32>
          %mul3A_672 = arith.mulf %get3A_669, %mul3A_671 : vector<16xf32>
          %swap3A_673 = arith.index_cast %while3A_103 : i32 to index
          %swap3A_674 = arith.constant 752 : index
          %swap3A_675 = tpu.vector_load %arg7[%swap3A_673, %swap3A_674] {strides = array<i32>} : memref<32x1024xf32, #tpu.memory_space<vmem>>, vector<1x16xf32>,
          %swap3A_676 = vector.shape_cast %swap3A_675 : vector<1x16xf32> to vector<16xf32>
          %swap3A_677 = vector.shape_cast %mul3A_672 : vector<16xf32> to vector<1x16xf32>
          tpu.vector_store %arg7[%swap3A_673, %swap3A_674], %swap3A_677 {strides = array<i32>} : memref<32x1024xf32, #tpu.memory_space<vmem>>, vector<1x16xf32>,
          %get3A_678 = arith.index_cast %while3A_103 : i32 to index
          %get3A_679 = arith.constant 768 : index
          %get3A_680 = tpu.vector_load %arg7[%get3A_678, %get3A_679] {strides = array<i32>} : memref<32x1024xf32, #tpu.memory_space<vmem>>, vector<1x16xf32>,
          %get3A_681 = vector.shape_cast %get3A_680 : vector<1x16xf32> to vector<16xf32>
          %mul3A_682 = arith.constant 3.200000e+01 : f32
          %mul3A_683 = vector.broadcast %mul3A_682 : f32 to vector<16xf32>
          %mul3A_684 = arith.mulf %get3A_681, %mul3A_683 : vector<16xf32>
          %swap3A_685 = arith.index_cast %while3A_103 : i32 to index
          %swap3A_686 = arith.constant 768 : index
          %swap3A_687 = tpu.vector_load %arg7[%swap3A_685, %swap3A_686] {strides = array<i32>} : memref<32x1024xf32, #tpu.memory_space<vmem>>, vector<1x16xf32>,
          %swap3A_688 = vector.shape_cast %swap3A_687 : vector<1x16xf32> to vector<16xf32>
          %swap3A_689 = vector.shape_cast %mul3A_684 : vector<16xf32> to vector<1x16xf32>
          tpu.vector_store %arg7[%swap3A_685, %swap3A_686], %swap3A_689 {strides = array<i32>} : memref<32x1024xf32, #tpu.memory_space<vmem>>, vector<1x16xf32>,
          %get3A_690 = arith.index_cast %while3A_103 : i32 to index
          %get3A_691 = arith.constant 784 : index
          %get3A_692 = tpu.vector_load %arg7[%get3A_690, %get3A_691] {strides = array<i32>} : memref<32x1024xf32, #tpu.memory_space<vmem>>, vector<1x16xf32>,
          %get3A_693 = vector.shape_cast %get3A_692 : vector<1x16xf32> to vector<16xf32>
          %mul3A_694 = arith.constant 3.200000e+01 : f32
          %mul3A_695 = vector.broadcast %mul3A_694 : f32 to vector<16xf32>
          %mul3A_696 = arith.mulf %get3A_693, %mul3A_695 : vector<16xf32>
          %swap3A_697 = arith.index_cast %while3A_103 : i32 to index
          %swap3A_698 = arith.constant 784 : index
          %swap3A_699 = tpu.vector_load %arg7[%swap3A_697, %swap3A_698] {strides = array<i32>} : memref<32x1024xf32, #tpu.memory_space<vmem>>, vector<1x16xf32>,
          %swap3A_700 = vector.shape_cast %swap3A_699 : vector<1x16xf32> to vector<16xf32>
          %swap3A_701 = vector.shape_cast %mul3A_696 : vector<16xf32> to vector<1x16xf32>
          tpu.vector_store %arg7[%swap3A_697, %swap3A_698], %swap3A_701 {strides = array<i32>} : memref<32x1024xf32, #tpu.memory_space<vmem>>, vector<1x16xf32>,
          %get3A_702 = arith.index_cast %while3A_103 : i32 to index
          %get3A_703 = arith.constant 800 : index
          %get3A_704 = tpu.vector_load %arg7[%get3A_702, %get3A_703] {strides = array<i32>} : memref<32x1024xf32, #tpu.memory_space<vmem>>, vector<1x16xf32>,
          %get3A_705 = vector.shape_cast %get3A_704 : vector<1x16xf32> to vector<16xf32>
          %mul3A_706 = arith.constant 3.200000e+01 : f32
          %mul3A_707 = vector.broadcast %mul3A_706 : f32 to vector<16xf32>
          %mul3A_708 = arith.mulf %get3A_705, %mul3A_707 : vector<16xf32>
          %swap3A_709 = arith.index_cast %while3A_103 : i32 to index
          %swap3A_710 = arith.constant 800 : index
          %swap3A_711 = tpu.vector_load %arg7[%swap3A_709, %swap3A_710] {strides = array<i32>} : memref<32x1024xf32, #tpu.memory_space<vmem>>, vector<1x16xf32>,
          %swap3A_712 = vector.shape_cast %swap3A_711 : vector<1x16xf32> to vector<16xf32>
          %swap3A_713 = vector.shape_cast %mul3A_708 : vector<16xf32> to vector<1x16xf32>
          tpu.vector_store %arg7[%swap3A_709, %swap3A_710], %swap3A_713 {strides = array<i32>} : memref<32x1024xf32, #tpu.memory_space<vmem>>, vector<1x16xf32>,
          %get3A_714 = arith.index_cast %while3A_103 : i32 to index
          %get3A_715 = arith.constant 816 : index
          %get3A_716 = tpu.vector_load %arg7[%get3A_714, %get3A_715] {strides = array<i32>} : memref<32x1024xf32, #tpu.memory_space<vmem>>, vector<1x16xf32>,
          %get3A_717 = vector.shape_cast %get3A_716 : vector<1x16xf32> to vector<16xf32>
          %mul3A_718 = arith.constant 3.200000e+01 : f32
          %mul3A_719 = vector.broadcast %mul3A_718 : f32 to vector<16xf32>
          %mul3A_720 = arith.mulf %get3A_717, %mul3A_719 : vector<16xf32>
          %swap3A_721 = arith.index_cast %while3A_103 : i32 to index
          %swap3A_722 = arith.constant 816 : index
          %swap3A_723 = tpu.vector_load %arg7[%swap3A_721, %swap3A_722] {strides = array<i32>} : memref<32x1024xf32, #tpu.memory_space<vmem>>, vector<1x16xf32>,
          %swap3A_724 = vector.shape_cast %swap3A_723 : vector<1x16xf32> to vector<16xf32>
          %swap3A_725 = vector.shape_cast %mul3A_720 : vector<16xf32> to vector<1x16xf32>
          tpu.vector_store %arg7[%swap3A_721, %swap3A_722], %swap3A_725 {strides = array<i32>} : memref<32x1024xf32, #tpu.memory_space<vmem>>, vector<1x16xf32>,
          %get3A_726 = arith.index_cast %while3A_103 : i32 to index
          %get3A_727 = arith.constant 832 : index
          %get3A_728 = tpu.vector_load %arg7[%get3A_726, %get3A_727] {strides = array<i32>} : memref<32x1024xf32, #tpu.memory_space<vmem>>, vector<1x16xf32>,
          %get3A_729 = vector.shape_cast %get3A_728 : vector<1x16xf32> to vector<16xf32>
          %mul3A_730 = arith.constant 3.200000e+01 : f32
          %mul3A_731 = vector.broadcast %mul3A_730 : f32 to vector<16xf32>
          %mul3A_732 = arith.mulf %get3A_729, %mul3A_731 : vector<16xf32>
          %swap3A_733 = arith.index_cast %while3A_103 : i32 to index
          %swap3A_734 = arith.constant 832 : index
          %swap3A_735 = tpu.vector_load %arg7[%swap3A_733, %swap3A_734] {strides = array<i32>} : memref<32x1024xf32, #tpu.memory_space<vmem>>, vector<1x16xf32>,
          %swap3A_736 = vector.shape_cast %swap3A_735 : vector<1x16xf32> to vector<16xf32>
          %swap3A_737 = vector.shape_cast %mul3A_732 : vector<16xf32> to vector<1x16xf32>
          tpu.vector_store %arg7[%swap3A_733, %swap3A_734], %swap3A_737 {strides = array<i32>} : memref<32x1024xf32, #tpu.memory_space<vmem>>, vector<1x16xf32>,
          %get3A_738 = arith.index_cast %while3A_103 : i32 to index
          %get3A_739 = arith.constant 848 : index
          %get3A_740 = tpu.vector_load %arg7[%get3A_738, %get3A_739] {strides = array<i32>} : memref<32x1024xf32, #tpu.memory_space<vmem>>, vector<1x16xf32>,
          %get3A_741 = vector.shape_cast %get3A_740 : vector<1x16xf32> to vector<16xf32>
          %mul3A_742 = arith.constant 3.200000e+01 : f32
          %mul3A_743 = vector.broadcast %mul3A_742 : f32 to vector<16xf32>
          %mul3A_744 = arith.mulf %get3A_741, %mul3A_743 : vector<16xf32>
          %swap3A_745 = arith.index_cast %while3A_103 : i32 to index
          %swap3A_746 = arith.constant 848 : index
          %swap3A_747 = tpu.vector_load %arg7[%swap3A_745, %swap3A_746] {strides = array<i32>} : memref<32x1024xf32, #tpu.memory_space<vmem>>, vector<1x16xf32>,
          %swap3A_748 = vector.shape_cast %swap3A_747 : vector<1x16xf32> to vector<16xf32>
          %swap3A_749 = vector.shape_cast %mul3A_744 : vector<16xf32> to vector<1x16xf32>
          tpu.vector_store %arg7[%swap3A_745, %swap3A_746], %swap3A_749 {strides = array<i32>} : memref<32x1024xf32, #tpu.memory_space<vmem>>, vector<1x16xf32>,
          %get3A_750 = arith.index_cast %while3A_103 : i32 to index
          %get3A_751 = arith.constant 864 : index
          %get3A_752 = tpu.vector_load %arg7[%get3A_750, %get3A_751] {strides = array<i32>} : memref<32x1024xf32, #tpu.memory_space<vmem>>, vector<1x16xf32>,
          %get3A_753 = vector.shape_cast %get3A_752 : vector<1x16xf32> to vector<16xf32>
          %mul3A_754 = arith.constant 3.200000e+01 : f32
          %mul3A_755 = vector.broadcast %mul3A_754 : f32 to vector<16xf32>
          %mul3A_756 = arith.mulf %get3A_753, %mul3A_755 : vector<16xf32>
          %swap3A_757 = arith.index_cast %while3A_103 : i32 to index
          %swap3A_758 = arith.constant 864 : index
          %swap3A_759 = tpu.vector_load %arg7[%swap3A_757, %swap3A_758] {strides = array<i32>} : memref<32x1024xf32, #tpu.memory_space<vmem>>, vector<1x16xf32>,
          %swap3A_760 = vector.shape_cast %swap3A_759 : vector<1x16xf32> to vector<16xf32>
          %swap3A_761 = vector.shape_cast %mul3A_756 : vector<16xf32> to vector<1x16xf32>
          tpu.vector_store %arg7[%swap3A_757, %swap3A_758], %swap3A_761 {strides = array<i32>} : memref<32x1024xf32, #tpu.memory_space<vmem>>, vector<1x16xf32>,
          %get3A_762 = arith.index_cast %while3A_103 : i32 to index
          %get3A_763 = arith.constant 880 : index
          %get3A_764 = tpu.vector_load %arg7[%get3A_762, %get3A_763] {strides = array<i32>} : memref<32x1024xf32, #tpu.memory_space<vmem>>, vector<1x16xf32>,
          %get3A_765 = vector.shape_cast %get3A_764 : vector<1x16xf32> to vector<16xf32>
          %mul3A_766 = arith.constant 3.200000e+01 : f32
          %mul3A_767 = vector.broadcast %mul3A_766 : f32 to vector<16xf32>
          %mul3A_768 = arith.mulf %get3A_765, %mul3A_767 : vector<16xf32>
          %swap3A_769 = arith.index_cast %while3A_103 : i32 to index
          %swap3A_770 = arith.constant 880 : index
          %swap3A_771 = tpu.vector_load %arg7[%swap3A_769, %swap3A_770] {strides = array<i32>} : memref<32x1024xf32, #tpu.memory_space<vmem>>, vector<1x16xf32>,
          %swap3A_772 = vector.shape_cast %swap3A_771 : vector<1x16xf32> to vector<16xf32>
          %swap3A_773 = vector.shape_cast %mul3A_768 : vector<16xf32> to vector<1x16xf32>
          tpu.vector_store %arg7[%swap3A_769, %swap3A_770], %swap3A_773 {strides = array<i32>} : memref<32x1024xf32, #tpu.memory_space<vmem>>, vector<1x16xf32>,
          %get3A_774 = arith.index_cast %while3A_103 : i32 to index
          %get3A_775 = arith.constant 896 : index
          %get3A_776 = tpu.vector_load %arg7[%get3A_774, %get3A_775] {strides = array<i32>} : memref<32x1024xf32, #tpu.memory_space<vmem>>, vector<1x16xf32>,
          %get3A_777 = vector.shape_cast %get3A_776 : vector<1x16xf32> to vector<16xf32>
          %mul3A_778 = arith.constant 3.200000e+01 : f32
          %mul3A_779 = vector.broadcast %mul3A_778 : f32 to vector<16xf32>
          %mul3A_780 = arith.mulf %get3A_777, %mul3A_779 : vector<16xf32>
          %swap3A_781 = arith.index_cast %while3A_103 : i32 to index
          %swap3A_782 = arith.constant 896 : index
          %swap3A_783 = tpu.vector_load %arg7[%swap3A_781, %swap3A_782] {strides = array<i32>} : memref<32x1024xf32, #tpu.memory_space<vmem>>, vector<1x16xf32>,
          %swap3A_784 = vector.shape_cast %swap3A_783 : vector<1x16xf32> to vector<16xf32>
          %swap3A_785 = vector.shape_cast %mul3A_780 : vector<16xf32> to vector<1x16xf32>
          tpu.vector_store %arg7[%swap3A_781, %swap3A_782], %swap3A_785 {strides = array<i32>} : memref<32x1024xf32, #tpu.memory_space<vmem>>, vector<1x16xf32>,
          %get3A_786 = arith.index_cast %while3A_103 : i32 to index
          %get3A_787 = arith.constant 912 : index
          %get3A_788 = tpu.vector_load %arg7[%get3A_786, %get3A_787] {strides = array<i32>} : memref<32x1024xf32, #tpu.memory_space<vmem>>, vector<1x16xf32>,
          %get3A_789 = vector.shape_cast %get3A_788 : vector<1x16xf32> to vector<16xf32>
          %mul3A_790 = arith.constant 3.200000e+01 : f32
          %mul3A_791 = vector.broadcast %mul3A_790 : f32 to vector<16xf32>
          %mul3A_792 = arith.mulf %get3A_789, %mul3A_791 : vector<16xf32>
          %swap3A_793 = arith.index_cast %while3A_103 : i32 to index
          %swap3A_794 = arith.constant 912 : index
          %swap3A_795 = tpu.vector_load %arg7[%swap3A_793, %swap3A_794] {strides = array<i32>} : memref<32x1024xf32, #tpu.memory_space<vmem>>, vector<1x16xf32>,
          %swap3A_796 = vector.shape_cast %swap3A_795 : vector<1x16xf32> to vector<16xf32>
          %swap3A_797 = vector.shape_cast %mul3A_792 : vector<16xf32> to vector<1x16xf32>
          tpu.vector_store %arg7[%swap3A_793, %swap3A_794], %swap3A_797 {strides = array<i32>} : memref<32x1024xf32, #tpu.memory_space<vmem>>, vector<1x16xf32>,
          %get3A_798 = arith.index_cast %while3A_103 : i32 to index
          %get3A_799 = arith.constant 928 : index
          %get3A_800 = tpu.vector_load %arg7[%get3A_798, %get3A_799] {strides = array<i32>} : memref<32x1024xf32, #tpu.memory_space<vmem>>, vector<1x16xf32>,
          %get3A_801 = vector.shape_cast %get3A_800 : vector<1x16xf32> to vector<16xf32>
          %mul3A_802 = arith.constant 3.200000e+01 : f32
          %mul3A_803 = vector.broadcast %mul3A_802 : f32 to vector<16xf32>
          %mul3A_804 = arith.mulf %get3A_801, %mul3A_803 : vector<16xf32>
          %swap3A_805 = arith.index_cast %while3A_103 : i32 to index
          %swap3A_806 = arith.constant 928 : index
          %swap3A_807 = tpu.vector_load %arg7[%swap3A_805, %swap3A_806] {strides = array<i32>} : memref<32x1024xf32, #tpu.memory_space<vmem>>, vector<1x16xf32>,
          %swap3A_808 = vector.shape_cast %swap3A_807 : vector<1x16xf32> to vector<16xf32>
          %swap3A_809 = vector.shape_cast %mul3A_804 : vector<16xf32> to vector<1x16xf32>
          tpu.vector_store %arg7[%swap3A_805, %swap3A_806], %swap3A_809 {strides = array<i32>} : memref<32x1024xf32, #tpu.memory_space<vmem>>, vector<1x16xf32>,
          %get3A_810 = arith.index_cast %while3A_103 : i32 to index
          %get3A_811 = arith.constant 944 : index
          %get3A_812 = tpu.vector_load %arg7[%get3A_810, %get3A_811] {strides = array<i32>} : memref<32x1024xf32, #tpu.memory_space<vmem>>, vector<1x16xf32>,
          %get3A_813 = vector.shape_cast %get3A_812 : vector<1x16xf32> to vector<16xf32>
          %mul3A_814 = arith.constant 3.200000e+01 : f32
          %mul3A_815 = vector.broadcast %mul3A_814 : f32 to vector<16xf32>
          %mul3A_816 = arith.mulf %get3A_813, %mul3A_815 : vector<16xf32>
          %swap3A_817 = arith.index_cast %while3A_103 : i32 to index
          %swap3A_818 = arith.constant 944 : index
          %swap3A_819 = tpu.vector_load %arg7[%swap3A_817, %swap3A_818] {strides = array<i32>} : memref<32x1024xf32, #tpu.memory_space<vmem>>, vector<1x16xf32>,
          %swap3A_820 = vector.shape_cast %swap3A_819 : vector<1x16xf32> to vector<16xf32>
          %swap3A_821 = vector.shape_cast %mul3A_816 : vector<16xf32> to vector<1x16xf32>
          tpu.vector_store %arg7[%swap3A_817, %swap3A_818], %swap3A_821 {strides = array<i32>} : memref<32x1024xf32, #tpu.memory_space<vmem>>, vector<1x16xf32>,
          %get3A_822 = arith.index_cast %while3A_103 : i32 to index
          %get3A_823 = arith.constant 960 : index
          %get3A_824 = tpu.vector_load %arg7[%get3A_822, %get3A_823] {strides = array<i32>} : memref<32x1024xf32, #tpu.memory_space<vmem>>, vector<1x16xf32>,
          %get3A_825 = vector.shape_cast %get3A_824 : vector<1x16xf32> to vector<16xf32>
          %mul3A_826 = arith.constant 3.200000e+01 : f32
          %mul3A_827 = vector.broadcast %mul3A_826 : f32 to vector<16xf32>
          %mul3A_828 = arith.mulf %get3A_825, %mul3A_827 : vector<16xf32>
          %swap3A_829 = arith.index_cast %while3A_103 : i32 to index
          %swap3A_830 = arith.constant 960 : index
          %swap3A_831 = tpu.vector_load %arg7[%swap3A_829, %swap3A_830] {strides = array<i32>} : memref<32x1024xf32, #tpu.memory_space<vmem>>, vector<1x16xf32>,
          %swap3A_832 = vector.shape_cast %swap3A_831 : vector<1x16xf32> to vector<16xf32>
          %swap3A_833 = vector.shape_cast %mul3A_828 : vector<16xf32> to vector<1x16xf32>
          tpu.vector_store %arg7[%swap3A_829, %swap3A_830], %swap3A_833 {strides = array<i32>} : memref<32x1024xf32, #tpu.memory_space<vmem>>, vector<1x16xf32>,
          %get3A_834 = arith.index_cast %while3A_103 : i32 to index
          %get3A_835 = arith.constant 976 : index
          %get3A_836 = tpu.vector_load %arg7[%get3A_834, %get3A_835] {strides = array<i32>} : memref<32x1024xf32, #tpu.memory_space<vmem>>, vector<1x16xf32>,
          %get3A_837 = vector.shape_cast %get3A_836 : vector<1x16xf32> to vector<16xf32>
          %mul3A_838 = arith.constant 3.200000e+01 : f32
          %mul3A_839 = vector.broadcast %mul3A_838 : f32 to vector<16xf32>
          %mul3A_840 = arith.mulf %get3A_837, %mul3A_839 : vector<16xf32>
          %swap3A_841 = arith.index_cast %while3A_103 : i32 to index
          %swap3A_842 = arith.constant 976 : index
          %swap3A_843 = tpu.vector_load %arg7[%swap3A_841, %swap3A_842] {strides = array<i32>} : memref<32x1024xf32, #tpu.memory_space<vmem>>, vector<1x16xf32>,
          %swap3A_844 = vector.shape_cast %swap3A_843 : vector<1x16xf32> to vector<16xf32>
          %swap3A_845 = vector.shape_cast %mul3A_840 : vector<16xf32> to vector<1x16xf32>
          tpu.vector_store %arg7[%swap3A_841, %swap3A_842], %swap3A_845 {strides = array<i32>} : memref<32x1024xf32, #tpu.memory_space<vmem>>, vector<1x16xf32>,
          %get3A_846 = arith.index_cast %while3A_103 : i32 to index
          %get3A_847 = arith.constant 992 : index
          %get3A_848 = tpu.vector_load %arg7[%get3A_846, %get3A_847] {strides = array<i32>} : memref<32x1024xf32, #tpu.memory_space<vmem>>, vector<1x16xf32>,
          %get3A_849 = vector.shape_cast %get3A_848 : vector<1x16xf32> to vector<16xf32>
          %mul3A_850 = arith.constant 3.200000e+01 : f32
          %mul3A_851 = vector.broadcast %mul3A_850 : f32 to vector<16xf32>
          %mul3A_852 = arith.mulf %get3A_849, %mul3A_851 : vector<16xf32>
          %swap3A_853 = arith.index_cast %while3A_103 : i32 to index
          %swap3A_854 = arith.constant 992 : index
          %swap3A_855 = tpu.vector_load %arg7[%swap3A_853, %swap3A_854] {strides = array<i32>} : memref<32x1024xf32, #tpu.memory_space<vmem>>, vector<1x16xf32>,
          %swap3A_856 = vector.shape_cast %swap3A_855 : vector<1x16xf32> to vector<16xf32>
          %swap3A_857 = vector.shape_cast %mul3A_852 : vector<16xf32> to vector<1x16xf32>
          tpu.vector_store %arg7[%swap3A_853, %swap3A_854], %swap3A_857 {strides = array<i32>} : memref<32x1024xf32, #tpu.memory_space<vmem>>, vector<1x16xf32>,
          %get3A_858 = arith.index_cast %while3A_103 : i32 to index
          %get3A_859 = arith.constant 1008 : index
          %get3A_860 = tpu.vector_load %arg7[%get3A_858, %get3A_859] {strides = array<i32>} : memref<32x1024xf32, #tpu.memory_space<vmem>>, vector<1x16xf32>,
          %get3A_861 = vector.shape_cast %get3A_860 : vector<1x16xf32> to vector<16xf32>
          %mul3A_862 = arith.constant 3.200000e+01 : f32
          %mul3A_863 = vector.broadcast %mul3A_862 : f32 to vector<16xf32>
          %mul3A_864 = arith.mulf %get3A_861, %mul3A_863 : vector<16xf32>
          %swap3A_865 = arith.index_cast %while3A_103 : i32 to index
          %swap3A_866 = arith.constant 1008 : index
          %swap3A_867 = tpu.vector_load %arg7[%swap3A_865, %swap3A_866] {strides = array<i32>} : memref<32x1024xf32, #tpu.memory_space<vmem>>, vector<1x16xf32>,
          %swap3A_868 = vector.shape_cast %swap3A_867 : vector<1x16xf32> to vector<16xf32>
          %swap3A_869 = vector.shape_cast %mul3A_864 : vector<16xf32> to vector<1x16xf32>
          tpu.vector_store %arg7[%swap3A_865, %swap3A_866], %swap3A_869 {strides = array<i32>} : memref<32x1024xf32, #tpu.memory_space<vmem>>, vector<1x16xf32>,
        }
        %mul3A_87 = arith.constant 8 : i32
        %mul3A_88 = arith.muli %scan3A_72, %mul3A_87 : i32
        %mul3A_89 = arith.constant 32 : i32
        %mul3A_90 = arith.muli %add3A_47, %mul3A_89 : i32
        %add3A_91 = arith.addi %mul3A_2, %mul3A_90 : i32
        %mul3A_92 = arith.constant 8 : i32
        %mul3A_93 = arith.muli %scan3A_72, %mul3A_92 : i32
        %add3A_94 = arith.addi %add3A_91, %mul3A_93 : i32
        %dma_start3A_95 = arith.constant 0 : i32
        %dma_start3A_96 = tpu.memref_slice %arg7[%mul3A_88, %dma_start3A_95] : memref<32x1024xf32, #tpu.memory_space<vmem>> -> memref<8x1024xf32, #tpu.memory_space<vmem>>
        %dma_start3A_97 = arith.constant 0 : i32
        %dma_start3A_98 = tpu.memref_slice %arg4[%add3A_94, %dma_start3A_97] : memref<16384x1024xf32, #tpu.memory_space<hbm>> -> memref<8x1024xf32, #tpu.memory_space<hbm>>
        %dma_start3A_99 = arith.constant 0 : i32
        %dma_start3A_100 = tpu.memref_slice %arg4[%add3A_94, %dma_start3A_99] : memref<16384x1024xf32, #tpu.memory_space<hbm>> -> memref<8x1024xf32, #tpu.memory_space<hbm>>
        %dma_start3A_101 = arith.constant 0 : i32
        %dma_start3A_102 = tpu.memref_slice %arg7[%mul3A_88, %dma_start3A_101] : memref<32x1024xf32, #tpu.memory_space<vmem>> -> memref<8x1024xf32, #tpu.memory_space<vmem>>
        tpu.enqueue_dma source(%dma_start3A_102 : memref<8x1024xf32, #tpu.memory_space<vmem>>) target(%dma_start3A_100 : memref<8x1024xf32, #tpu.memory_space<hbm>>) target_semaphore(%arg11 : memref<!tpu.dma_semaphore, #tpu.memory_space<semaphore_mem>>)
      }
      %scan3A_71 = arith.constant 4 : i32
    }
    %scan3A_13 = arith.constant 8 : i32
    %scan3A_14 = arith.constant 0 : i32
    %scan3A_15 = arith.constant 0 : i32
    %scan3A_16 = arith.constant 4 : i32
    %scan3A_17 = arith.addi %scan3A_15, %scan3A_16 : i32
    %scan3A_18 = arith.constant 1 : i32
    scf.for %scan3A_20 = %scan3A_15 to %scan3A_17 step %scan3A_18  : i32 {
      %mul3A_21 = arith.constant 8 : i32
      %mul3A_22 = arith.muli %scan3A_20, %mul3A_21 : i32
      %add3A_23 = arith.constant 480 : i32
      %add3A_24 = arith.addi %mul3A_2, %add3A_23 : i32
      %mul3A_25 = arith.constant 8 : i32
      %mul3A_26 = arith.muli %scan3A_20, %mul3A_25 : i32
      %add3A_27 = arith.addi %add3A_24, %mul3A_26 : i32
      %dma_wait3A = arith.constant 0 : i32
      %dma_wait3A_28 = tpu.memref_slice %arg7[%mul3A_22, %dma_wait3A] : memref<32x1024xf32, #tpu.memory_space<vmem>> -> memref<8x1024xf32, #tpu.memory_space<vmem>>
      %dma_wait3A_29 = arith.constant 0 : i32
      %dma_wait3A_30 = tpu.memref_slice %arg4[%add3A_27, %dma_wait3A_29] : memref<16384x1024xf32, #tpu.memory_space<hbm>> -> memref<8x1024xf32, #tpu.memory_space<hbm>>
      %dma_wait3A_31 = arith.constant 0 : i32
      %dma_wait3A_32 = tpu.memref_slice %arg4[%add3A_27, %dma_wait3A_31] : memref<16384x1024xf32, #tpu.memory_space<hbm>> -> memref<8x1024xf32, #tpu.memory_space<hbm>>
      %dma_wait3A_33 = arith.constant 0 : i32
      %dma_wait3A_34 = tpu.memref_slice %arg7[%mul3A_22, %dma_wait3A_33] : memref<32x1024xf32, #tpu.memory_space<vmem>> -> memref<8x1024xf32, #tpu.memory_space<vmem>>
      tpu.wait_dma2 semaphore(%arg11 : memref<!tpu.dma_semaphore, #tpu.memory_space<semaphore_mem>>) src(%dma_wait3A_34 : memref<8x1024xf32, #tpu.memory_space<vmem>>) dst(%dma_wait3A_32 : memref<8x1024xf32, #tpu.memory_space<hbm>>)
    }
    %scan3A_19 = arith.constant 4 : i32
    return
  }
}

</mosaic_0001>

<sc_bundles>
// kernel: kernel.3.cloned.1.call-start
scs
__scs_entry_jumppad:
0x0: {  	(pc) =	sbr.rel $0x88, $3  }
0x1: {  	(tag) =	ssettag $0x0;
	lr =	simm.s32 $0x1  }
0x2: {  	[smem:$0x3F9F] =	sst lr;
	_ =	strace $0xD0000000  }
0x3: {  	_ = 	snop  }
0x4: {  	_ = 	snop  }
0x5: {  	_ = 	snop  }
0x6: {  	_ = 	snop  }
0x7: {  	_ = 	snop  }
__scs_overlays_trampoline_lowered:
0x8: {  	[smem:$0x3FAE] =	sst s0  }
0x9: {  	[smem:$0x3FAF] =	sst s1  }
0xa: {  	[smem:$0x3FB0] =	sst s2  }
0xb: {  	[smem:$0x3FB1] =	sst s3  }
0xc: {  	[smem:$0x3FB2] =	sst s4  }
0xd: {  	[smem:$0x3FB3] =	sst s5  }
0xe: {  	[smem:$0x3FB4] =	sst s6  }
0xf: {  	[smem:$0x3FB5] =	sst s7  }
0x10: {  	[smem:$0x3FB6] =	sst s8  }
0x11: {  	[smem:$0x3FB7] =	sst s9;
	s0 =	simm.s32 @!p0 $0x0  }
0x12: {  	s1 =	sld [smem:$0x3F9D];
	s0 =	simm.s32 @p0 $0x1  }
0x13: {  	[smem:$0x3FB8] =	sst s0;
	s0 =	simm.s32 @!p1 $0x0  }
0x14: {  	s2 =	sld [smem:$0x3F9C];
	s0 =	simm.s32 @p1 $0x1  }
0x15: {  	[smem:$0x3FB9] =	sst s0;
	s0 =	simm.s32 @!p2 $0x0  }
0x16: {  	s3 =	sld [smem:$0x3FDB];
	s0 =	simm.s32 @p2 $0x1  }
0x17: {  	s4 =	simm.s32 $0x1BF5;
	[smem:$0x3FBB] =	sst s0  }
0x18: {  	s0 =	sld [smem:$0x3F9E];
	_ =	swait.ge [sflag:s4], $0x0  }
0x19: {  	s7 =	sld [smem:$0x3F9F]  }
0x1a: {  	s8 =	sadd.s32 $0xFFFFE003, lr  }
0x1b: {  	s9 =	sadd.s32 $0xFFFFFEF7, lr;
	s5 =	simm.s32 $0xFFFFFFFF;
	p2 =	slt.u32 s8, $0xFFFFF086  }
0x1c: {  	p1 =	slt.u32 s9, $0xF7A;
	s5 =	simm.s32 @!p2 $0x0  }
0x1d: {  	s5 =	simm.s32 @p1 $0x1;
	p0 =	seq.s32 s7, s2  }
0x1e: {  	s7 =	smul.u32 @!p0 $0xF7A, s2;
	p2 =	seq.s32 @!p0 s5, $0x0  }
0x1f: {  	s9 =	smul.u32 $0xF7A, s1;
	s8 =	simm.s32 @!p0 $0x1BF5;
	p2 =	por !p2, p0  }
0x20: {  	[sflag:s8] =	ssyncset.s32 @!p0 $0xFFFFF086;
	s6 =	sadd.s32 @!p0 s3, s7;
	s7 =	simm.s32 @!p0 $0x108  }
0x21: {  	s3 =	sadd.s32 s3, s9;
	s6 =	sadd.s32 @!p0 $0x88, s6;
	s7 =	simm.s32 @p2 $0x1082  }
0x22: {  	[simem:s7], [sflag:s8] =	dma.local @!p0 [hbm:s6], $0xF7A  }
0x23: {  	s9 =	sor.u32 $0xD0000000, s2;
	s6 =	simm.s32 $0x108;
	_ =	swait.ge @!p0 [sflag:s8], $0x0  }
0x24: {  	s3 =	sadd.s32 $0x88, s3;
	s6 =	simm.s32 @!p1 $0x1082;
	[sflag:s4] =	ssyncset.s32 $0xFFFFF086  }
0x25: {  	[simem:s6], [sflag:s4] =	dma.local [hbm:s3], $0xF7A  }
0x26: {  	[smem:$0x3F9F] =	sst s1;
	(tag) =	ssettag s2;
	_ =	strace s9  }
0x27: {  	s1 =	sld [smem:$0x3FAF]  }
0x28: {  	s2 =	sld [smem:$0x3FB0]  }
0x29: {  	s4 =	sld [smem:$0x3FB2]  }
0x2a: {  	p0 =	seq.s32 s5, $0x0;
	s5 =	sld [smem:$0x3FB3]  }
0x2b: {  	s6 =	sld [smem:$0x3FB4]  }
0x2c: {  	s7 =	sld [smem:$0x3FB5]  }
0x2d: {  	s3 =	simm.s32 $0x108;
	s8 =	sld [smem:$0x3FB6]  }
0x2e: {  	s3 =	simm.s32 @!p0 $0x1082;
	s9 =	sld [smem:$0x3FB7]  }
0x2f: {  	lr =	sadd.s32 s0, s3;
	s0 =	sld [smem:$0x3FAE]  }
0x30: {  	s3 =	sld [smem:$0x3FB1]  }
0x31: {  	[smem:$0x3FBA] =	sst s10  }
0x32: {  	s10 =	sld [smem:$0x3FB8];
	_ =	sdelay $0x3  }
0x33: {  	p0 =	seq.s32 s10, $0x1;
	s10 =	sld [smem:$0x3FBA];
	_ =	sdelay $0x3  }
0x34: {  	[smem:$0x3FBA] =	sst s10  }
0x35: {  	s10 =	sld [smem:$0x3FB9];
	_ =	sdelay $0x3  }
0x36: {  	p1 =	seq.s32 s10, $0x1;
	s10 =	sld [smem:$0x3FBA];
	_ =	sdelay $0x3  }
0x37: {  	[smem:$0x3FBA] =	sst s10  }
0x38: {  	s10 =	sld [smem:$0x3FBB]  }
0x39: {  	_ = 	snop;
	(pc) =	sbr.ind lr, $3  }
0x3a: {  	_ = 	snop  }
0x3b: {  	_ = 	snop  }
0x3c: {  	p2 =	seq.s32 s10, $0x1;
	s10 =	sld [smem:$0x3FBA]  }
0x3d: {  	_ =	shalt  }
0x3e: {  	_ =	shalt  }
0x3f: {  	_ =	shalt  }
0x40: {  	_ =	shalt  }
0x41: {  	_ =	shalt  }
0x42: {  	_ =	shalt  }
0x43: {  	_ =	shalt  }
0x44: {  	_ =	shalt  }
0x45: {  	_ =	shalt  }
0x46: {  	_ =	shalt  }
0x47: {  	_ =	shalt  }
0x48: {  	_ =	shalt  }
0x49: {  	_ =	shalt  }
0x4a: {  	_ =	shalt  }
0x4b: {  	_ =	shalt  }
0x4c: {  	_ =	shalt  }
0x4d: {  	_ =	shalt  }
0x4e: {  	_ =	shalt  }
0x4f: {  	_ =	shalt  }
0x50: {  	_ =	shalt  }
0x51: {  	_ =	shalt  }
0x52: {  	_ =	shalt  }
0x53: {  	_ =	shalt  }
0x54: {  	_ =	shalt  }
0x55: {  	_ =	shalt  }
0x56: {  	_ =	shalt  }
0x57: {  	_ =	shalt  }
0x58: {  	_ =	shalt  }
0x59: {  	_ =	shalt  }
0x5a: {  	_ =	shalt  }
0x5b: {  	_ =	shalt  }
0x5c: {  	_ =	shalt  }
0x5d: {  	_ =	shalt  }
0x5e: {  	_ =	shalt  }
0x5f: {  	_ =	shalt  }
0x60: {  	_ =	shalt  }
0x61: {  	_ =	shalt  }
0x62: {  	_ =	shalt  }
0x63: {  	_ =	shalt  }
0x64: {  	_ =	shalt  }
0x65: {  	_ =	shalt  }
0x66: {  	_ =	shalt  }
0x67: {  	_ =	shalt  }
0x68: {  	_ =	shalt  }
0x69: {  	_ =	shalt  }
0x6a: {  	_ =	shalt  }
0x6b: {  	_ =	shalt  }
0x6c: {  	_ =	shalt  }
0x6d: {  	_ =	shalt  }
0x6e: {  	_ =	shalt  }
0x6f: {  	_ =	shalt  }
0x70: {  	_ =	shalt  }
0x71: {  	_ =	shalt  }
0x72: {  	_ =	shalt  }
0x73: {  	_ =	shalt  }
0x74: {  	_ =	shalt  }
0x75: {  	_ =	shalt  }
0x76: {  	_ =	shalt  }
0x77: {  	_ =	shalt  }
0x78: {  	_ =	shalt  }
0x79: {  	_ =	shalt  }
0x7a: {  	_ =	shalt  }
0x7b: {  	_ =	shalt  }
0x7c: {  	_ =	shalt  }
0x7d: {  	_ =	shalt  }
0x7e: {  	_ =	shalt  }
0x7f: {  	_ =	shalt  }
0x80: {  	_ =	shalt  }
0x81: {  	_ =	shalt  }
0x82: {  	_ =	shalt  }
0x83: {  	_ =	shalt  }
0x84: {  	_ =	shalt  }
0x85: {  	_ =	shalt  }
0x86: {  	_ =	shalt  }
0x87: {  	_ =	shalt  }
.Lfunc_end0:
.L_simem_size_0:
called_computation_lowered:
.L_overlay_start_0:
0x88: {  	s2 =	sld [smem:$0x3FD9]  }
0x89: {  	s3 =	sld [smem:$0x3FFE];
	_ =	sdelay $0x1  }
0x8a: {  	s1 =	srdreg.scid  }
0x8b: {  	s0 =	sand.u32 $0x1, s1  }
0x8c: {  	s17 =	sshll.u32 s0, $0xA;
	s2 =	sadd.s32 s3, s2  }
0x8d: {  	s2 =	sadd.s32 s2, s17  }
0x8e: {  	[smem:$0x3FC6] =	sst s2  }
0x8f: {  	_ = 	snop  }
0x90: {  	s2 =	sld [smem:$0x3FC8]  }
0x91: {  	s18 =	sld [smem:$0x3FD0];
	(tm) =	ssettm $0x1  }
0x92: {  	s4 =	sld [smem:$0x3FFB];
	_ =	sdelay $0x3  }
0x93: {  	_ =	strace s4  }
0x94: {  	s4 =	sld [smem:$0x3FFC];
	_ =	sdelay $0x3  }
0x95: {  	_ =	strace s4  }
0x96: {  	s4 =	sld [smem:$0x3FFD];
	_ =	sdelay $0x3  }
0x97: {  	_ =	strace s4  }
0x98: {  	_ =	strace $0x8FFFFFFF  }
0x99: {  	s19 =	sld [smem:$0x3FDB];
	_ =	sdelay $0x1  }
0x9a: {  	s5 =	simm.s32 $_scs_section_size  }
0x9b: {  	s6 =	simm.s32 $_size__tile_overlayer_lowered;
	s7 =	simm.s32 $_tile_overlayer_lowered  }
0x9c: {  	s22 =	simm.s32 $0x1BFF;
	s21 =	sshll.u32 s7, $0x1;
	s4 =	sadd.s32 s5, s19  }
0x9d: {  	s8 =	simm.s32 $0x0;
	s20 =	sshll.u32 s6, $0x1;
	s6 =	sadd.s32 s21, s4  }
0x9e: {  	[timem:s8], [sflag:s22] =	dma.local [hbm:s6], s20  }
0x9f: {  	_ =	swait.ge [sflag:s22], s20  }
0xa0: {  	s5 =	ssub.s32 $0x0, s20;
	[sflag:s22] =	ssyncset.done $0x0  }
0xa1: {  	[sflag:s22] =	ssyncadd.s32 s5;
	_ =	sdelay $0x1  }
0xa2: {  	s23 =	simm.s32 $0x1B8B  }
0xa3: {  	_ =	swait.ge [sflag:s23], $0x1  }
0xa4: {  	[sflag:s23] =	ssyncset.done $0x0  }
0xa5: {  	s25 =	simm.s32 $0x1B8E;
	s24 =	sld [smem:$0x3FFE];
	[sflag:s23] =	ssyncadd.s32 $0xFFFFFFFF  }
0xa6: {  	s26 =	simm.s32 $execute0_lowered;
	[smem:$0x3FD2] =	sst s25  }
0xa7: {  	s6 =	sshll.u32 s26, $0x1;
	_ =	strace $0x80000046;
	[dreg:$0x1] =	wrdreg $0xFFFFFFFF  }
0xa8: {  	s28 =	simm.s32 $_size_execute0_lowered;
	s4 =	sadd.s32 s4, s6;
	[dreg:$0x0] =	wrdreg $0x0  }
0xa9: {  	s6 =	sshll.u32 s28, $0x1;
	[dreg:$0x2] =	wrdreg s4  }
0xaa: {  	[dreg:$0x3] =	wrdreg s6  }
0xab: {  	[dreg:$0x4] =	wrdreg $0xC0  }
0xac: {  	_ =	task [dreg:s8], $0x5FFFF  }
0xad: {  	[dreg:$0x1] =	wrdreg $0xFFFFFFFF  }
0xae: {  	[dreg:$0x0] =	wrdreg $0x60  }
0xaf: {  	[dreg:$0x2] =	wrdreg s24  }
0xb0: {  	[dreg:$0x3] =	wrdreg s2  }
0xb1: {  	[dreg:$0x4] =	wrdreg s18  }
0xb2: {  	[dreg:$0x5] =	wrdreg $0x9  }
0xb3: {  	_ =	task.clear_ibuf [dreg:s8], $0x6FFFF;
	_ =	strace $0x90000046  }
0xb4: {  	s29 =	simm.s32 $0x9;
	_ =	strace $0x80000048  }
0xb5: {  	_ =	swait.ge [sflag:s29], $0x1  }
0xb6: {  	[sflag:s29] =	ssyncadd.s32 $0xFFFFFFFF  }
0xb7: {  	_ =	strace $0x90000048  }
0xb8: {  	_ =	sfence  }
0xb9: {  	s30 =	sld [smem:$0x0];
	_ =	sdelay $0x2  }
0xba: {  	s31 =	sshll.u32 s1, $0xD;
	s1 =	sshrl.u32 s1, $0x2  }
0xbb: {  	s3 =	sand.u32 $0x4000, s31;
	s1 =	sadd.s32 s1, s30  }
0xbc: {  	s0 =	sor.u32 s3, s0;
	s1 =	sshll.u32 s1, $0x11  }
0xbd: {  	s0 =	sor.u32 s1, s0  }
0xbe: {  	s0 =	sadd.s32 $0x8F2B, s0  }
0xbf: {  	[sflag:s0] =	ssyncadd.remote.s32 $0x1  }
0xc0: {  	_ =	sfence.sel $0xFFFF  }
0xc1: {  	[dreg:$0x0] =	wrdreg $0xFFFFFFFF;
	(pc) =	sbr.abs _section_cstart, $3  }
0xc2: {  	[dreg:$0x1] =	wrdreg $0xFFFFFFFF  }
0xc3: {  	_ =	task.clear_ibuf [dreg:s8], $0x2FFFF;
	_ =	strace $0x9FFFFFFF  }
0xc4: {  	(tm) =	ssettm $0x7FFFFFFF  }
0xc5: {  	_ =	shalt  }
tec
execute0_lowered:
.L_overlay_start_1:
0x0: {  	(tag) =	ssettag $0x1  }
0x1: {  	s0 =	rddreg [dreg:$0x0]  }
0x2: {  	s2 =	rddreg [dreg:$0x1]  }
0x3: {  	s1 =	srdreg.scid;
	s3 =	rddreg [dreg:$0x2]  }
0x4: {  	s4 =	stileid.u32;
	s31 =	simm.s32 $0x1;
	s17 =	simm.s32 $0xB200  }
0x5: {  	s18 =	simm.s32 $0xBA00;
	s19 =	simm.s32 $0xC200;
	s20 =	simm.s32 $0xCA00  }
0x6: {  	s21 =	simm.s32 $0xD200;
	s22 =	simm.s32 $0xDA00;
	s23 =	simm.s32 $0xE200  }
0x7: {  	s24 =	simm.s32 $0xEA00;
	s25 =	simm.s32 $0xF200;
	s26 =	simm.s32 $0xFA00  }
0x8: {  	s28 =	simm.s32 $0x2;
	s29 =	simm.s32 $0x3;
	s1 =	sand.u32 $0x1, s1  }
0x9: {  	s5 =	sshll.u32 s4, $0xA;
	s6 =	sshll.u32 s1, $0x9;
	s1 =	ssub.s32 $0x2, s1  }
0xa: {  	s4 =	simm.s32 $0x0;
	s5 =	sor.u32 s6, s5;
	s7 =	sshrl.u32 s1, $0x1  }
0xb: {  	s8 =	sadd.s32 $0x200, s2;
	s6 =	sshrl.u32 s5, $0x3;
	s1 =	ssub.s32 s1, s7  }
0xc: {  	[smem:$0x7FF] =	sst s4;
	s0 =	sadd.s32 s6, s0;
	s30 =	smax.u32 s1, $0x1  }
0xd: {  	v2 =	vlaneseq.u32;
	_ =	strace $0x80000047;
	s6 =	sadd.s32 $0x400, s0;
	[dreg:$0x6] =	wrdreg s30  }
0xe: {  	vm0 =	vmmov $0xffff;
	s9 =	sadd.s32 $0x300, s2;
	v1 =	vshrl.u32 v2, $0x3;
	s0 =	sadd.s32 $0x404, s0;
	[dreg:$0x4] =	wrdreg s6  }
0xf: {  	v0 =	vand.u32 $0x7, v2;
	v2 =	vor.u32 $0x8, v2;
	v1 =	vmul.u32 $0x8, v1;
	s7 =	sadd.s32 $0x100, s2;
	[dreg:$0x5] =	wrdreg s0;
	s6 =	simm.s32 $0x0  }
.LBB2_1:
0x10: {  	[dreg:$0x7] =	wrdreg s6  }
0x11: {  	s0 =	rddreg [dreg:$0x4];
	s1 =	simm.s32 $0x5  }
0x12: {  	[tilespmem:s4], [sflag:$0x5] =	stream.linear.gather [hbm4b:s0+s4], $0x20, $0x38;
	[tilespmem:$0x10200] =	vst v63  }
0x13: {  	_ =	swait.ge [sflag:s1], $0x20  }
0x14: {  	[sflag:s1] =	ssyncset.done $0x0  }
0x15: {  	[sflag:s1] =	ssyncadd.s32 $0xFFFFFFE0  }
0x16: {  	v3 =	vld [tilespmem:$0x0];
	_ =	sdelay $0x4  }
0x17: {  	v4 =	vshll.u32 v3, $0x3  }
0x18: {  	v3 =	vand.u32 $0x7, v3;
	v4 =	vand.u32 $0xFFFFFFC0, v4  }
0x19: {  	v3 =	vor.u32 v3, v4  }
0x1a: {  	v4 =	vperm.xlane v3, v0;
	_ =	sdelay $0x1  }
0x1b: {  	v4 =	vadd.s32 v1, v4;
	_ =	sdelay $0x3  }
0x1c: {  	s6 =	simm.s32 $0x200  }
0x1d: {  	[tilespmem:s6], [sflag:$0x1] =	stream.indirect_vreg.gather [hbm4b:s2+s4], $0x80, v4, vm0, $0xb8;
	[tilespmem:$0x10200] =	vst v63  }
0x1e: {  	s10 =	simm.s32 $0xA00;
	v3 =	vperm.xlane v3, v2  }
0x1f: {  	[tilespmem:s10], [sflag:$0x1] =	stream.indirect_vreg.gather [hbm4b:s7+s4], $0x80, v4, vm0, $0xb8;
	[tilespmem:$0x10200] =	vst v63  }
0x20: {  	s11 =	simm.s32 $0x1200;
	v3 =	vadd.s32 v1, v3  }
0x21: {  	[tilespmem:s11], [sflag:$0x1] =	stream.indirect_vreg.gather [hbm4b:s8+s4], $0x80, v4, vm0, $0xb8;
	[tilespmem:$0x10200] =	vst v63  }
0x22: {  	s12 =	simm.s32 $0x1A00  }
0x23: {  	[tilespmem:s12], [sflag:$0x1] =	stream.indirect_vreg.gather [hbm4b:s9+s4], $0x80, v4, vm0, $0xb8;
	[tilespmem:$0x10200] =	vst v63  }
0x24: {  	s13 =	simm.s32 $0x2200  }
0x25: {  	[tilespmem:s13], [sflag:$0x1] =	stream.indirect_vreg.gather [hbm4b:s2+s4], $0x80, v3, vm0, $0xb8;
	[tilespmem:$0x10200] =	vst v63  }
0x26: {  	s14 =	simm.s32 $0x2A00  }
0x27: {  	[tilespmem:s14], [sflag:$0x1] =	stream.indirect_vreg.gather [hbm4b:s7+s4], $0x80, v3, vm0, $0xb8;
	[tilespmem:$0x10200] =	vst v63  }
0x28: {  	s15 =	simm.s32 $0x3200  }
0x29: {  	[tilespmem:s15], [sflag:$0x1] =	stream.indirect_vreg.gather [hbm4b:s8+s4], $0x80, v3, vm0, $0xb8;
	[tilespmem:$0x10200] =	vst v63  }
0x2a: {  	s16 =	simm.s32 $0x3A00  }
0x2b: {  	[tilespmem:s16], [sflag:$0x1] =	stream.indirect_vreg.gather [hbm4b:s9+s4], $0x80, v3, vm0, $0xb8;
	[tilespmem:$0x10200] =	vst v63  }
0x2c: {  	v3 =	vld [tilespmem:$0x10];
	_ =	sdelay $0x4  }
0x2d: {  	v63 =	vshll.u32 v3, $0x3  }
0x2e: {  	v3 =	vand.u32 $0x7, v3;
	v4 =	vand.u32 $0xFFFFFFC0, v63  }
0x2f: {  	v3 =	vor.u32 v3, v4  }
0x30: {  	v4 =	vperm.xlane v3, v0;
	_ =	sdelay $0x1  }
0x31: {  	v4 =	vadd.s32 v1, v4;
	_ =	sdelay $0x3  }
0x32: {  	s30 =	simm.s32 $0x4200  }
0x33: {  	[tilespmem:s30], [sflag:$0x1] =	stream.indirect_vreg.gather [hbm4b:s2+s4], $0x80, v4, vm0, $0xb8;
	[tilespmem:$0x10200] =	vst v63  }
0x34: {  	s6 =	simm.s32 $0x4A00;
	v3 =	vperm.xlane v3, v2  }
0x35: {  	[tilespmem:s6], [sflag:$0x1] =	stream.indirect_vreg.gather [hbm4b:s7+s4], $0x80, v4, vm0, $0xb8;
	[tilespmem:$0x10200] =	vst v63  }
0x36: {  	s10 =	simm.s32 $0x5200;
	v3 =	vadd.s32 v1, v3  }
0x37: {  	[tilespmem:s10], [sflag:$0x1] =	stream.indirect_vreg.gather [hbm4b:s8+s4], $0x80, v4, vm0, $0xb8;
	[tilespmem:$0x10200] =	vst v63  }
0x38: {  	s11 =	simm.s32 $0x5A00  }
0x39: {  	[tilespmem:s11], [sflag:$0x1] =	stream.indirect_vreg.gather [hbm4b:s9+s4], $0x80, v4, vm0, $0xb8;
	[tilespmem:$0x10200] =	vst v63  }
0x3a: {  	s12 =	simm.s32 $0x6200  }
0x3b: {  	[tilespmem:s12], [sflag:$0x1] =	stream.indirect_vreg.gather [hbm4b:s2+s4], $0x80, v3, vm0, $0xb8;
	[tilespmem:$0x10200] =	vst v63  }
0x3c: {  	s13 =	simm.s32 $0x6A00  }
0x3d: {  	[tilespmem:s13], [sflag:$0x1] =	stream.indirect_vreg.gather [hbm4b:s7+s4], $0x80, v3, vm0, $0xb8;
	[tilespmem:$0x10200] =	vst v63  }
0x3e: {  	s14 =	simm.s32 $0x7200  }
0x3f: {  	[tilespmem:s14], [sflag:$0x1] =	stream.indirect_vreg.gather [hbm4b:s8+s4], $0x80, v3, vm0, $0xb8;
	[tilespmem:$0x10200] =	vst v63  }
0x40: {  	s15 =	simm.s32 $0x7A00  }
0x41: {  	[tilespmem:s15], [sflag:$0x1] =	stream.indirect_vreg.gather [hbm4b:s9+s4], $0x80, v3, vm0, $0xb8;
	[tilespmem:$0x10200] =	vst v63  }
0x42: {  	s16 =	rddreg [dreg:$0x5];
	s30 =	simm.s32 $0x20  }
0x43: {  	[tilespmem:s30], [sflag:$0x5] =	stream.linear.gather [hbm4b:s16+s4], $0x1E0, $0x38;
	[tilespmem:$0x10200] =	vst v63  }
0x44: {  	_ =	swait.ge [sflag:s1], $0x1E0  }
0x45: {  	[sflag:s1] =	ssyncset.done $0x0  }
0x46: {  	s10 =	simm.s32 $0x0;
	[sflag:s1] =	ssyncadd.s32 $0xFFFFFE20  }
.LBB2_2:
0x47: {  	_ =	swait.ge [sflag:s31], $0x8000  }
0x48: {  	p0 =	seq.s32 s10, $0x0;
	[sflag:s31] =	ssyncset.done $0x0  }
0x49: {  	s0 =	simm.s32 @!p0 $0x4;
	[sflag:s31] =	ssyncadd.s32 $0xFFFF8000  }
0x4a: {  	_ =	swait.ge @!p0 [sflag:s0], $0x2000  }
0x4b: {  	[sflag:s0] =	ssyncset.done @!p0 $0x0  }
0x4c: {  	[sflag:s0] =	ssyncadd.s32 @!p0 $0xFFFFE000  }
0x4d: {  	_ =	swait.ge @!p0 [sflag:s0], $0x2000  }
0x4e: {  	[sflag:s0] =	ssyncset.done @!p0 $0x0  }
0x4f: {  	[sflag:s0] =	ssyncadd.s32 @!p0 $0xFFFFE000  }
0x50: {  	_ =	swait.ge @!p0 [sflag:s0], $0x2000  }
0x51: {  	[sflag:s0] =	ssyncset.done @!p0 $0x0  }
0x52: {  	s1 =	sshll.u32 s10, $0x1;
	[sflag:s0] =	ssyncadd.s32 @!p0 $0xFFFFE000  }
0x53: {  	s1 =	sor.u32 $0x1, s1;
	_ =	swait.ge @!p0 [sflag:s0], $0x2000  }
0x54: {  	s11 =	sshll.u32 s1, $0x5;
	[sflag:s0] =	ssyncset.done @!p0 $0x0  }
0x55: {  	[sflag:s0] =	ssyncadd.s32 @!p0 $0xFFFFE000;
	s0 =	sand.u32 $0x3FFFFFE0, s11  }
0x56: {  	v3 =	vld [tilespmem:s0+$0x0];
	_ =	sdelay $0x4  }
0x57: {  	v4 =	vshll.u32 v3, $0x3  }
0x58: {  	v3 =	vand.u32 $0x7, v3;
	v4 =	vand.u32 $0xFFFFFFC0, v4  }
0x59: {  	v3 =	vor.u32 v3, v4  }
0x5a: {  	v4 =	vperm.xlane v3, v0;
	_ =	sdelay $0x1  }
0x5b: {  	v4 =	vadd.s32 v1, v4;
	_ =	sdelay $0x3  }
0x5c: {  	s13 =	simm.s32 $0x0;
	s15 =	simm.s32 $0x8200  }
0x5d: {  	[tilespmem:s15], [sflag:$0x2] =	stream.indirect_vreg.gather [hbm4b:s2+s13], $0x80, v4, vm0, $0xb8;
	[tilespmem:$0x10200] =	vst v63  }
0x5e: {  	s16 =	simm.s32 $0x8A00;
	v3 =	vperm.xlane v3, v2  }
0x5f: {  	[tilespmem:s16], [sflag:$0x2] =	stream.indirect_vreg.gather [hbm4b:s7+s13], $0x80, v4, vm0, $0xb8;
	[tilespmem:$0x10200] =	vst v63  }
0x60: {  	s6 =	simm.s32 $0x9200;
	v3 =	vadd.s32 v1, v3  }
0x61: {  	[tilespmem:s6], [sflag:$0x2] =	stream.indirect_vreg.gather [hbm4b:s8+s13], $0x80, v4, vm0, $0xb8;
	[tilespmem:$0x10200] =	vst v63  }
0x62: {  	s12 =	simm.s32 $0x9A00  }
0x63: {  	[tilespmem:s12], [sflag:$0x2] =	stream.indirect_vreg.gather [hbm4b:s9+s13], $0x80, v4, vm0, $0xb8;
	[tilespmem:$0x10200] =	vst v63  }
0x64: {  	s14 =	simm.s32 $0xA200  }
0x65: {  	[tilespmem:s14], [sflag:$0x2] =	stream.indirect_vreg.gather [hbm4b:s2+s13], $0x80, v3, vm0, $0xb8;
	[tilespmem:$0x10200] =	vst v63  }
0x66: {  	s15 =	simm.s32 $0xAA00  }
0x67: {  	[tilespmem:s15], [sflag:$0x2] =	stream.indirect_vreg.gather [hbm4b:s7+s13], $0x80, v3, vm0, $0xb8;
	[tilespmem:$0x10200] =	vst v63  }
0x68: {  	_ = 	snop  }
0x69: {  	[tilespmem:s17], [sflag:$0x2] =	stream.indirect_vreg.gather [hbm4b:s8+s13], $0x80, v3, vm0, $0xb8;
	[tilespmem:$0x10200] =	vst v63  }
0x6a: {  	_ = 	snop  }
0x6b: {  	[tilespmem:s18], [sflag:$0x2] =	stream.indirect_vreg.gather [hbm4b:s9+s13], $0x80, v3, vm0, $0xb8;
	[tilespmem:$0x10200] =	vst v63  }
0x6c: {  	v3 =	vld [tilespmem:s0+$0x10];
	_ =	sdelay $0x4  }
0x6d: {  	v63 =	vshll.u32 v3, $0x3  }
0x6e: {  	v3 =	vand.u32 $0x7, v3;
	v4 =	vand.u32 $0xFFFFFFC0, v63  }
0x6f: {  	v3 =	vor.u32 v3, v4  }
0x70: {  	v4 =	vperm.xlane v3, v0;
	_ =	sdelay $0x1  }
0x71: {  	v4 =	vadd.s32 v1, v4;
	_ =	sdelay $0x4  }
0x72: {  	[tilespmem:s19], [sflag:$0x2] =	stream.indirect_vreg.gather [hbm4b:s2+s13], $0x80, v4, vm0, $0xb8;
	[tilespmem:$0x10200] =	vst v63  }
0x73: {  	v3 =	vperm.xlane v3, v2  }
0x74: {  	[tilespmem:s20], [sflag:$0x2] =	stream.indirect_vreg.gather [hbm4b:s7+s13], $0x80, v4, vm0, $0xb8;
	[tilespmem:$0x10200] =	vst v63  }
0x75: {  	v3 =	vadd.s32 v1, v3  }
0x76: {  	[tilespmem:s21], [sflag:$0x2] =	stream.indirect_vreg.gather [hbm4b:s8+s13], $0x80, v4, vm0, $0xb8;
	[tilespmem:$0x10200] =	vst v63  }
0x77: {  	_ = 	snop  }
0x78: {  	[tilespmem:s22], [sflag:$0x2] =	stream.indirect_vreg.gather [hbm4b:s9+s13], $0x80, v4, vm0, $0xb8;
	[tilespmem:$0x10200] =	vst v63  }
0x79: {  	_ = 	snop  }
0x7a: {  	[tilespmem:s23], [sflag:$0x2] =	stream.indirect_vreg.gather [hbm4b:s2+s13], $0x80, v3, vm0, $0xb8;
	[tilespmem:$0x10200] =	vst v63  }
0x7b: {  	_ = 	snop  }
0x7c: {  	[tilespmem:s24], [sflag:$0x2] =	stream.indirect_vreg.gather [hbm4b:s7+s13], $0x80, v3, vm0, $0xb8;
	[tilespmem:$0x10200] =	vst v63  }
0x7d: {  	s16 =	sshll.u32 s10, $0x6  }
0x7e: {  	[tilespmem:s25], [sflag:$0x2] =	stream.indirect_vreg.gather [hbm4b:s8+s13], $0x80, v3, vm0, $0xb8;
	[tilespmem:$0x10200] =	vst v63  }
0x7f: {  	s30 =	sadd.s32 s5, s16;
	s6 =	simm.s32 $0x0  }
0x80: {  	[tilespmem:s26], [sflag:$0x2] =	stream.indirect_vreg.gather [hbm4b:s9+s13], $0x80, v3, vm0, $0xb8;
	[tilespmem:$0x10200] =	vst v63  }
.LBB2_3:
0x81: {  	s0 =	sshll.u32 s6, $0x3  }
0x82: {  	s12 =	smov.u32 s13;
	s1 =	smov.u32 s13;
	s14 =	simm.s32 $0x0  }
.LBB2_4:
0x83: {  	s15 =	sand.u32 $0x3FFFE000, s1;
	s16 =	sshra.s32 s14, $0x2  }
0x84: {  	s15 =	sadd.s32 s16, s15  }
0x85: {  	v3 =	vld [tilespmem:s15+$0x200]  }
0x86: {  	v4 =	vld [tilespmem:s15+$0x210]  }
0x87: {  	v6 =	vld [tilespmem:s15+$0x230]  }
0x88: {  	v8 =	vld [tilespmem:s15+$0x260]  }
0x89: {  	v5 =	vld [tilespmem:s15+$0x220]  }
0x8a: {  	v43 =	vld [tilespmem:s15+$0x600];
	v3 =	vmul.f32 $3.200000000e+01, v3  }
0x8b: {  	v7 =	vld [tilespmem:s15+$0x250];
	v4 =	vmul.f32 $3.200000000e+01, v4  }
0x8c: {  	v46 =	vld [tilespmem:s15+$0x620];
	v44 =	vmul.f32 $3.200000000e+01, v6;
	[tilespmem:s15+$0x200] =	vst v3  }
0x8d: {  	v9 =	vld [tilespmem:s15+$0x270];
	v47 =	vmul.f32 $3.200000000e+01, v8;
	[tilespmem:s15+$0x210] =	vst v4  }
0x8e: {  	v49 =	vld [tilespmem:s15+$0x650];
	v3 =	vmul.f32 $3.200000000e+01, v5;
	[tilespmem:s15+$0x230] =	vst v44  }
0x8f: {  	v45 =	vld [tilespmem:s15+$0x610];
	v50 =	vmul.f32 $3.200000000e+01, v43;
	[tilespmem:s15+$0x260] =	vst v47  }
0x90: {  	v52 =	vld [tilespmem:s15+$0x670];
	[tilespmem:s15+$0x220] =	vst v3;
	v3 =	vmul.f32 $3.200000000e+01, v7  }
0x91: {  	v48 =	vld [tilespmem:s15+$0x630];
	v53 =	vmul.f32 $3.200000000e+01, v46;
	[tilespmem:s15+$0x600] =	vst v50  }
0x92: {  	v55 =	vld [tilespmem:s15+$0xA10];
	[tilespmem:s15+$0x250] =	vst v3;
	v3 =	vmul.f32 $3.200000000e+01, v9  }
0x93: {  	v51 =	vld [tilespmem:s15+$0x660];
	v56 =	vmul.f32 $3.200000000e+01, v49;
	[tilespmem:s15+$0x620] =	vst v53  }
0x94: {  	v58 =	vld [tilespmem:s15+$0xA30];
	[tilespmem:s15+$0x270] =	vst v3;
	v3 =	vmul.f32 $3.200000000e+01, v45  }
0x95: {  	v54 =	vld [tilespmem:s15+$0xA00];
	v59 =	vmul.f32 $3.200000000e+01, v52;
	[tilespmem:s15+$0x650] =	vst v56  }
0x96: {  	v61 =	vld [tilespmem:s15+$0xA60];
	[tilespmem:s15+$0x610] =	vst v3;
	v3 =	vmul.f32 $3.200000000e+01, v48  }
0x97: {  	v57 =	vld [tilespmem:s15+$0xA20];
	v62 =	vmul.f32 $3.200000000e+01, v55;
	[tilespmem:s15+$0x670] =	vst v59  }
0x98: {  	v12 =	vld [tilespmem:s15+$0xE00];
	[tilespmem:s15+$0x630] =	vst v3;
	v3 =	vmul.f32 $3.200000000e+01, v51  }
0x99: {  	v60 =	vld [tilespmem:s15+$0xA50];
	v13 =	vmul.f32 $3.200000000e+01, v58;
	[tilespmem:s15+$0xA10] =	vst v62  }
0x9a: {  	v15 =	vld [tilespmem:s15+$0xE20];
	[tilespmem:s15+$0x660] =	vst v3;
	v3 =	vmul.f32 $3.200000000e+01, v54  }
0x9b: {  	v63 =	vld [tilespmem:s15+$0xA70];
	v16 =	vmul.f32 $3.200000000e+01, v61;
	[tilespmem:s15+$0xA30] =	vst v13  }
0x9c: {  	v18 =	vld [tilespmem:s15+$0xE50];
	[tilespmem:s15+$0xA00] =	vst v3;
	v3 =	vmul.f32 $3.200000000e+01, v57  }
0x9d: {  	v14 =	vld [tilespmem:s15+$0xE10];
	v19 =	vmul.f32 $3.200000000e+01, v12;
	[tilespmem:s15+$0xA60] =	vst v16  }
0x9e: {  	v21 =	vld [tilespmem:s15+$0xE70];
	[tilespmem:s15+$0xA20] =	vst v3;
	v3 =	vmul.f32 $3.200000000e+01, v60  }
0x9f: {  	v17 =	vld [tilespmem:s15+$0xE30];
	v22 =	vmul.f32 $3.200000000e+01, v15;
	[tilespmem:s15+$0xE00] =	vst v19  }
0xa0: {  	v24 =	vld [tilespmem:s15+$0x1210];
	[tilespmem:s15+$0xA50] =	vst v3;
	v3 =	vmul.f32 $3.200000000e+01, v63  }
0xa1: {  	v20 =	vld [tilespmem:s15+$0xE60];
	v25 =	vmul.f32 $3.200000000e+01, v18;
	[tilespmem:s15+$0xE20] =	vst v22  }
0xa2: {  	v27 =	vld [tilespmem:s15+$0x1230];
	[tilespmem:s15+$0xA70] =	vst v3;
	v3 =	vmul.f32 $3.200000000e+01, v14  }
0xa3: {  	v23 =	vld [tilespmem:s15+$0x1200];
	v28 =	vmul.f32 $3.200000000e+01, v21;
	[tilespmem:s15+$0xE50] =	vst v25  }
0xa4: {  	v30 =	vld [tilespmem:s15+$0x1260];
	[tilespmem:s15+$0xE10] =	vst v3;
	v3 =	vmul.f32 $3.200000000e+01, v17  }
0xa5: {  	v26 =	vld [tilespmem:s15+$0x1220];
	v31 =	vmul.f32 $3.200000000e+01, v24;
	[tilespmem:s15+$0xE70] =	vst v28  }
0xa6: {  	v33 =	vld [tilespmem:s15+$0x1600];
	[tilespmem:s15+$0xE30] =	vst v3;
	v3 =	vmul.f32 $3.200000000e+01, v20  }
0xa7: {  	v29 =	vld [tilespmem:s15+$0x1250];
	v34 =	vmul.f32 $3.200000000e+01, v27;
	[tilespmem:s15+$0x1210] =	vst v31  }
0xa8: {  	v36 =	vld [tilespmem:s15+$0x1620];
	[tilespmem:s15+$0xE60] =	vst v3;
	v3 =	vmul.f32 $3.200000000e+01, v23  }
0xa9: {  	v32 =	vld [tilespmem:s15+$0x1270];
	v37 =	vmul.f32 $3.200000000e+01, v30;
	[tilespmem:s15+$0x1230] =	vst v34  }
0xaa: {  	v39 =	vld [tilespmem:s15+$0x1650];
	[tilespmem:s15+$0x1200] =	vst v3;
	v3 =	vmul.f32 $3.200000000e+01, v26  }
0xab: {  	v35 =	vld [tilespmem:s15+$0x1610];
	v40 =	vmul.f32 $3.200000000e+01, v33;
	[tilespmem:s15+$0x1260] =	vst v37  }
0xac: {  	v42 =	vld [tilespmem:s15+$0x1670];
	[tilespmem:s15+$0x1220] =	vst v3;
	v3 =	vmul.f32 $3.200000000e+01, v29  }
0xad: {  	v38 =	vld [tilespmem:s15+$0x1630];
	v43 =	vmul.f32 $3.200000000e+01, v36;
	[tilespmem:s15+$0x1600] =	vst v40  }
0xae: {  	v47 =	vld [tilespmem:s15+$0x1A20];
	[tilespmem:s15+$0x1250] =	vst v3;
	v3 =	vmul.f32 $3.200000000e+01, v32  }
0xaf: {  	v41 =	vld [tilespmem:s15+$0x1660];
	v46 =	vmul.f32 $3.200000000e+01, v39;
	[tilespmem:s15+$0x1620] =	vst v43  }
0xb0: {  	v50 =	vld [tilespmem:s15+$0x1A50];
	[tilespmem:s15+$0x1270] =	vst v3;
	v3 =	vmul.f32 $3.200000000e+01, v35  }
0xb1: {  	v49 =	vmul.f32 $3.200000000e+01, v42;
	v44 =	vld [tilespmem:s15+$0x1A00];
	[tilespmem:s15+$0x1650] =	vst v46  }
0xb2: {  	v53 =	vld [tilespmem:s15+$0x1A70];
	[tilespmem:s15+$0x1610] =	vst v3;
	v3 =	vmul.f32 $3.200000000e+01, v38  }
0xb3: {  	[tilespmem:s15+$0x1670] =	vst v49;
	v7 =	vmul.f32 $3.200000000e+01, v47;
	v45 =	vld [tilespmem:s15+$0x1A10]  }
0xb4: {  	v48 =	vld [tilespmem:s15+$0x1A30];
	[tilespmem:s15+$0x1630] =	vst v3;
	v3 =	vmul.f32 $3.200000000e+01, v41  }
0xb5: {  	v9 =	vmul.f32 $3.200000000e+01, v50;
	[tilespmem:s15+$0x1A20] =	vst v7;
	v51 =	vld [tilespmem:s15+$0x1A60]  }
0xb6: {  	[tilespmem:s15+$0x1660] =	vst v3;
	v3 =	vmul.f32 $3.200000000e+01, v44  }
0xb7: {  	v58 =	vld [tilespmem:s15+$0x1640];
	v6 =	vmul.f32 $3.200000000e+01, v53;
	[tilespmem:s15+$0x1A50] =	vst v9  }
0xb8: {  	v52 =	vmul.f32 $3.200000000e+01, v45;
	[tilespmem:s15+$0x1A00] =	vst v3;
	v3 =	vld [tilespmem:s15+$0x240]  }
0xb9: {  	v56 =	vld [tilespmem:s15+$0xE40];
	[tilespmem:s15+$0x1A70] =	vst v6;
	v8 =	vmul.f32 $3.200000000e+01, v48  }
0xba: {  	v55 =	vld [tilespmem:s15+$0xA40];
	[tilespmem:s15+$0x1A10] =	vst v52;
	v5 =	vmul.f32 $3.200000000e+01, v51  }
0xbb: {  	v54 =	vld [tilespmem:s15+$0x640];
	[tilespmem:s15+$0x1A30] =	vst v8  }
0xbc: {  	s16 =	sor.u32 $0x1C00, s12;
	v62 =	vmul.f32 $3.200000000e+01, v58;
	v57 =	vld [tilespmem:s15+$0x1240];
	[tilespmem:s15+$0x1A60] =	vst v5  }
0xbd: {  	v60 =	vld [tilespmem:s16+$0x200];
	v3 =	vmul.f32 $3.200000000e+01, v3  }
0xbe: {  	v59 =	vld [tilespmem:s15+$0x1A40];
	v61 =	vmul.f32 $3.200000000e+01, v56;
	[tilespmem:s15+$0x1640] =	vst v62  }
0xbf: {  	[tilespmem:s15+$0x240] =	vst v3;
	v3 =	vmul.f32 $3.200000000e+01, v55  }
0xc0: {  	[tilespmem:s15+$0xE40] =	vst v61;
	v4 =	vmul.f32 $3.200000000e+01, v54  }
0xc1: {  	[tilespmem:s15+$0xA40] =	vst v3;
	v3 =	vmul.f32 $3.200000000e+01, v57  }
0xc2: {  	[tilespmem:s15+$0x640] =	vst v4;
	v63 =	vmul.f32 $3.200000000e+01, v60  }
0xc3: {  	[tilespmem:s15+$0x1240] =	vst v3;
	v3 =	vmul.f32 $3.200000000e+01, v59  }
0xc4: {  	[tilespmem:s16+$0x200] =	vst v63  }
0xc5: {  	s16 =	sor.u32 $0x1C10, s12;
	[tilespmem:s15+$0x1A40] =	vst v3  }
0xc6: {  	v3 =	vld [tilespmem:s16+$0x200];
	_ =	sdelay $0x4  }
0xc7: {  	v3 =	vmul.f32 $3.200000000e+01, v3;
	_ =	sdelay $0x1  }
0xc8: {  	[tilespmem:s16+$0x200] =	vst v3;
	s16 =	sor.u32 $0x1C20, s12  }
0xc9: {  	v3 =	vld [tilespmem:s16+$0x200];
	_ =	sdelay $0x4  }
0xca: {  	v3 =	vmul.f32 $3.200000000e+01, v3;
	_ =	sdelay $0x1  }
0xcb: {  	[tilespmem:s16+$0x200] =	vst v3;
	s16 =	sor.u32 $0x1C30, s12  }
0xcc: {  	v3 =	vld [tilespmem:s16+$0x200];
	_ =	sdelay $0x4  }
0xcd: {  	v3 =	vmul.f32 $3.200000000e+01, v3;
	_ =	sdelay $0x1  }
0xce: {  	[tilespmem:s16+$0x200] =	vst v3;
	s16 =	sor.u32 $0x1C40, s12  }
0xcf: {  	v3 =	vld [tilespmem:s16+$0x200];
	_ =	sdelay $0x4  }
0xd0: {  	v3 =	vmul.f32 $3.200000000e+01, v3;
	_ =	sdelay $0x1  }
0xd1: {  	[tilespmem:s16+$0x200] =	vst v3;
	s16 =	sor.u32 $0x1C50, s12  }
0xd2: {  	v3 =	vld [tilespmem:s16+$0x200];
	_ =	sdelay $0x4  }
0xd3: {  	v3 =	vmul.f32 $3.200000000e+01, v3;
	_ =	sdelay $0x1  }
0xd4: {  	[tilespmem:s16+$0x200] =	vst v3;
	s16 =	sor.u32 $0x1C60, s12  }
0xd5: {  	v3 =	vld [tilespmem:s16+$0x200];
	_ =	sdelay $0x4  }
0xd6: {  	v3 =	vmul.f32 $3.200000000e+01, v3;
	_ =	sdelay $0x1  }
0xd7: {  	[tilespmem:s16+$0x200] =	vst v3;
	s16 =	sor.u32 $0x1C70, s12  }
0xd8: {  	v3 =	vld [tilespmem:s16+$0x200];
	_ =	sdelay $0x1  }
0xd9: {  	p0 =	sne.s32 s14, $0xE00  }
.Ltmp0:
0xda: {  	_ = 	snop;
	(pc) =	sbr.rel @p0 .LBB2_4-.Ltmp0, $3  }
0xdb: {  	_ = 	snop  }
0xdc: {  	v3 =	vmul.f32 $3.200000000e+01, v3;
	_ =	sdelay $0x1  }
0xdd: {  	s1 =	sadd.s32 $0x400, s1;
	s14 =	sadd.s32 $0x200, s14;
	s12 =	sadd.s32 $0x480, s12;
	[tilespmem:s16+$0x200] =	vst v3  }
0xde: {  	s1 =	sshll.u32 s6, $0xD;
	s6 =	sadd.s32 $0x1, s6  }
0xdf: {  	p0 =	sne.s32 s6, $0x4  }
.Ltmp1:
0xe0: {  	_ = 	snop;
	(pc) =	sbr.rel @p0 .LBB2_3-.Ltmp1, $4  }
0xe1: {  	s0 =	sadd.s32 s30, s0  }
0xe2: {  	s1 =	sand.u32 $0x3FFFE000, s1;
	s0 =	sshll.u32 s0, $0x7  }
0xe3: {  	s13 =	sadd.s32 $0x2000, s13;
	s1 =	sor.u32 $0x200, s1;
	s0 =	sadd.s32 s3, s0  }
0xe4: {  	[hbm4b:s0+s4] =	stream.linear.scatter [tilespmem:s1], [sflag:$0x3], $0x2000, $0x38;
	[tilespmem:$0x10200] =	vst v63  }
0xe5: {  	_ =	swait.ge [sflag:s28], $0x8000  }
0xe6: {  	[sflag:s28] =	ssyncset.done $0x0  }
0xe7: {  	[sflag:s28] =	ssyncadd.s32 $0xFFFF8000  }
0xe8: {  	_ =	swait.ge [sflag:s29], $0x2000  }
0xe9: {  	[sflag:s29] =	ssyncset.done $0x0  }
0xea: {  	[sflag:s29] =	ssyncadd.s32 $0xFFFFE000  }
0xeb: {  	_ =	swait.ge [sflag:s29], $0x2000  }
0xec: {  	[sflag:s29] =	ssyncset.done $0x0  }
0xed: {  	[sflag:s29] =	ssyncadd.s32 $0xFFFFE000  }
0xee: {  	_ =	swait.ge [sflag:s29], $0x2000  }
0xef: {  	[sflag:s29] =	ssyncset.done $0x0  }
0xf0: {  	[sflag:s29] =	ssyncadd.s32 $0xFFFFE000  }
0xf1: {  	p0 =	seq.s32 s10, $0x7;
	_ =	swait.ge [sflag:s29], $0x2000  }
0xf2: {  	s0 =	sshll.u32 @!p0 s10, $0x6;
	[sflag:s29] =	ssyncset.done $0x0  }
0xf3: {  	s0 =	sand.u32 @!p0 $0x3FFFFFC0, s0;
	[sflag:s29] =	ssyncadd.s32 $0xFFFFE000  }
0xf4: {  	v3 =	vld @!p0 [tilespmem:s0+$0x40];
	_ =	sdelay $0x4  }
0xf5: {  	v4 =	vshll.u32 @!p0 v3, $0x3  }
0xf6: {  	v5 =	vlaneseq.u32 @!p0;
	v3 =	vand.u32 @!p0 $0x7, v3;
	v4 =	vand.u32 @!p0 $0xFFFFFFC0, v4  }
0xf7: {  	v6 =	vshrl.u32 @!p0 v5, $0x3;
	v3 =	vor.u32 @!p0 v3, v4;
	v4 =	vand.u32 @!p0 $0x7, v5  }
0xf8: {  	v6 =	vmul.u32 @!p0 $0x8, v6;
	v7 =	vperm.xlane @!p0 v3, v4;
	_ =	sdelay $0x1  }
0xf9: {  	v7 =	vadd.s32 @!p0 v6, v7;
	_ =	sdelay $0x3  }
0xfa: {  	vm1 =	vmmov @!p0 $0xffff;
	s1 =	simm.s32 @!p0 $0x0;
	s6 =	simm.s32 @!p0 $0x200  }
0xfb: {  	v5 =	vor.u32 @!p0 $0x8, v5;
	[tilespmem:s6], [sflag:$0x1] =	stream.indirect_vreg.gather @!p0 [hbm4b:s2+s1], $0x80, v7, vm1, $0xb8;
	[tilespmem:$0x10200] =	vst v63  }
0xfc: {  	v3 =	vperm.xlane @!p0 v3, v5;
	s6 =	simm.s32 @!p0 $0xA00  }
0xfd: {  	[tilespmem:s6], [sflag:$0x1] =	stream.indirect_vreg.gather @!p0 [hbm4b:s7+s1], $0x80, v7, vm1, $0xb8;
	[tilespmem:$0x10200] =	vst v63  }
0xfe: {  	v3 =	vadd.s32 @!p0 v6, v3;
	s6 =	simm.s32 @!p0 $0x1200  }
0xff: {  	[tilespmem:s6], [sflag:$0x1] =	stream.indirect_vreg.gather @!p0 [hbm4b:s8+s1], $0x80, v7, vm1, $0xb8;
	[tilespmem:$0x10200] =	vst v63  }
0x100: {  	s6 =	simm.s32 @!p0 $0x1A00  }
0x101: {  	[tilespmem:s6], [sflag:$0x1] =	stream.indirect_vreg.gather @!p0 [hbm4b:s9+s1], $0x80, v7, vm1, $0xb8;
	[tilespmem:$0x10200] =	vst v63  }
0x102: {  	s6 =	simm.s32 @!p0 $0x2200  }
0x103: {  	[tilespmem:s6], [sflag:$0x1] =	stream.indirect_vreg.gather @!p0 [hbm4b:s2+s1], $0x80, v3, vm1, $0xb8;
	[tilespmem:$0x10200] =	vst v63  }
0x104: {  	s6 =	simm.s32 @!p0 $0x2A00  }
0x105: {  	[tilespmem:s6], [sflag:$0x1] =	stream.indirect_vreg.gather @!p0 [hbm4b:s7+s1], $0x80, v3, vm1, $0xb8;
	[tilespmem:$0x10200] =	vst v63  }
0x106: {  	s6 =	simm.s32 @!p0 $0x3200  }
0x107: {  	[tilespmem:s6], [sflag:$0x1] =	stream.indirect_vreg.gather @!p0 [hbm4b:s8+s1], $0x80, v3, vm1, $0xb8;
	[tilespmem:$0x10200] =	vst v63  }
0x108: {  	s6 =	simm.s32 @!p0 $0x3A00  }
0x109: {  	[tilespmem:s6], [sflag:$0x1] =	stream.indirect_vreg.gather @!p0 [hbm4b:s9+s1], $0x80, v3, vm1, $0xb8;
	[tilespmem:$0x10200] =	vst v63  }
0x10a: {  	v3 =	vld @!p0 [tilespmem:s0+$0x50];
	_ =	sdelay $0x4  }
0x10b: {  	v7 =	vshll.u32 @!p0 v3, $0x3  }
0x10c: {  	v3 =	vand.u32 @!p0 $0x7, v3;
	v7 =	vand.u32 @!p0 $0xFFFFFFC0, v7  }
0x10d: {  	v3 =	vor.u32 @!p0 v3, v7  }
0x10e: {  	v4 =	vperm.xlane @!p0 v3, v4;
	_ =	sdelay $0x1  }
0x10f: {  	v4 =	vadd.s32 @!p0 v6, v4;
	_ =	sdelay $0x3  }
0x110: {  	s0 =	simm.s32 @!p0 $0x4200  }
0x111: {  	[tilespmem:s0], [sflag:$0x1] =	stream.indirect_vreg.gather @!p0 [hbm4b:s2+s1], $0x80, v4, vm1, $0xb8;
	[tilespmem:$0x10200] =	vst v63  }
0x112: {  	v3 =	vperm.xlane @!p0 v3, v5;
	s0 =	simm.s32 @!p0 $0x4A00  }
0x113: {  	[tilespmem:s0], [sflag:$0x1] =	stream.indirect_vreg.gather @!p0 [hbm4b:s7+s1], $0x80, v4, vm1, $0xb8;
	[tilespmem:$0x10200] =	vst v63  }
0x114: {  	v3 =	vadd.s32 @!p0 v6, v3;
	s0 =	simm.s32 @!p0 $0x5200  }
0x115: {  	[tilespmem:s0], [sflag:$0x1] =	stream.indirect_vreg.gather @!p0 [hbm4b:s8+s1], $0x80, v4, vm1, $0xb8;
	[tilespmem:$0x10200] =	vst v63  }
0x116: {  	s0 =	simm.s32 @!p0 $0x5A00  }
0x117: {  	[tilespmem:s0], [sflag:$0x1] =	stream.indirect_vreg.gather @!p0 [hbm4b:s9+s1], $0x80, v4, vm1, $0xb8;
	[tilespmem:$0x10200] =	vst v63  }
0x118: {  	s0 =	simm.s32 @!p0 $0x6200  }
0x119: {  	[tilespmem:s0], [sflag:$0x1] =	stream.indirect_vreg.gather @!p0 [hbm4b:s2+s1], $0x80, v3, vm1, $0xb8;
	[tilespmem:$0x10200] =	vst v63  }
0x11a: {  	s0 =	simm.s32 @!p0 $0x6A00  }
0x11b: {  	[tilespmem:s0], [sflag:$0x1] =	stream.indirect_vreg.gather @!p0 [hbm4b:s7+s1], $0x80, v3, vm1, $0xb8;
	[tilespmem:$0x10200] =	vst v63  }
0x11c: {  	s11 =	sadd.s32 s5, s11;
	s0 =	simm.s32 @!p0 $0x7200  }
0x11d: {  	[tilespmem:s0], [sflag:$0x1] =	stream.indirect_vreg.gather @!p0 [hbm4b:s8+s1], $0x80, v3, vm1, $0xb8;
	[tilespmem:$0x10200] =	vst v63  }
0x11e: {  	s12 =	simm.s32 $0x0;
	s6 =	simm.s32 $0x0;
	s0 =	simm.s32 @!p0 $0x7A00  }
0x11f: {  	[tilespmem:s0], [sflag:$0x1] =	stream.indirect_vreg.gather @!p0 [hbm4b:s9+s1], $0x80, v3, vm1, $0xb8;
	[tilespmem:$0x10200] =	vst v63  }
.LBB2_7:
0x120: {  	s0 =	sshll.u32 s6, $0x3  }
0x121: {  	s1 =	smov.u32 s12;
	s13 =	smov.u32 s12;
	s14 =	simm.s32 $0x0  }
.LBB2_8:
0x122: {  	s15 =	sand.u32 $0x3FFFE000, s13;
	s16 =	sshra.s32 s14, $0x2  }
0x123: {  	s15 =	sadd.s32 s16, s15  }
0x124: {  	v3 =	vld [tilespmem:s15+$0x8200]  }
0x125: {  	v4 =	vld [tilespmem:s15+$0x8210]  }
0x126: {  	v6 =	vld [tilespmem:s15+$0x8230]  }
0x127: {  	v8 =	vld [tilespmem:s15+$0x8260]  }
0x128: {  	v5 =	vld [tilespmem:s15+$0x8220]  }
0x129: {  	v43 =	vld [tilespmem:s15+$0x8600];
	v3 =	vmul.f32 $3.200000000e+01, v3  }
0x12a: {  	v7 =	vld [tilespmem:s15+$0x8250];
	v4 =	vmul.f32 $3.200000000e+01, v4  }
0x12b: {  	v46 =	vld [tilespmem:s15+$0x8620];
	v44 =	vmul.f32 $3.200000000e+01, v6;
	[tilespmem:s15+$0x8200] =	vst v3  }
0x12c: {  	v9 =	vld [tilespmem:s15+$0x8270];
	v47 =	vmul.f32 $3.200000000e+01, v8;
	[tilespmem:s15+$0x8210] =	vst v4  }
0x12d: {  	v49 =	vld [tilespmem:s15+$0x8650];
	v3 =	vmul.f32 $3.200000000e+01, v5;
	[tilespmem:s15+$0x8230] =	vst v44  }
0x12e: {  	v45 =	vld [tilespmem:s15+$0x8610];
	v50 =	vmul.f32 $3.200000000e+01, v43;
	[tilespmem:s15+$0x8260] =	vst v47  }
0x12f: {  	v52 =	vld [tilespmem:s15+$0x8670];
	[tilespmem:s15+$0x8220] =	vst v3;
	v3 =	vmul.f32 $3.200000000e+01, v7  }
0x130: {  	v48 =	vld [tilespmem:s15+$0x8630];
	v53 =	vmul.f32 $3.200000000e+01, v46;
	[tilespmem:s15+$0x8600] =	vst v50  }
0x131: {  	v55 =	vld [tilespmem:s15+$0x8A10];
	[tilespmem:s15+$0x8250] =	vst v3;
	v3 =	vmul.f32 $3.200000000e+01, v9  }
0x132: {  	v51 =	vld [tilespmem:s15+$0x8660];
	v56 =	vmul.f32 $3.200000000e+01, v49;
	[tilespmem:s15+$0x8620] =	vst v53  }
0x133: {  	v58 =	vld [tilespmem:s15+$0x8A30];
	[tilespmem:s15+$0x8270] =	vst v3;
	v3 =	vmul.f32 $3.200000000e+01, v45  }
0x134: {  	v54 =	vld [tilespmem:s15+$0x8A00];
	v59 =	vmul.f32 $3.200000000e+01, v52;
	[tilespmem:s15+$0x8650] =	vst v56  }
0x135: {  	v61 =	vld [tilespmem:s15+$0x8A60];
	[tilespmem:s15+$0x8610] =	vst v3;
	v3 =	vmul.f32 $3.200000000e+01, v48  }
0x136: {  	v57 =	vld [tilespmem:s15+$0x8A20];
	v62 =	vmul.f32 $3.200000000e+01, v55;
	[tilespmem:s15+$0x8670] =	vst v59  }
0x137: {  	v12 =	vld [tilespmem:s15+$0x8E00];
	[tilespmem:s15+$0x8630] =	vst v3;
	v3 =	vmul.f32 $3.200000000e+01, v51  }
0x138: {  	v60 =	vld [tilespmem:s15+$0x8A50];
	v13 =	vmul.f32 $3.200000000e+01, v58;
	[tilespmem:s15+$0x8A10] =	vst v62  }
0x139: {  	v15 =	vld [tilespmem:s15+$0x8E20];
	[tilespmem:s15+$0x8660] =	vst v3;
	v3 =	vmul.f32 $3.200000000e+01, v54  }
0x13a: {  	v63 =	vld [tilespmem:s15+$0x8A70];
	v16 =	vmul.f32 $3.200000000e+01, v61;
	[tilespmem:s15+$0x8A30] =	vst v13  }
0x13b: {  	v18 =	vld [tilespmem:s15+$0x8E50];
	[tilespmem:s15+$0x8A00] =	vst v3;
	v3 =	vmul.f32 $3.200000000e+01, v57  }
0x13c: {  	v14 =	vld [tilespmem:s15+$0x8E10];
	v19 =	vmul.f32 $3.200000000e+01, v12;
	[tilespmem:s15+$0x8A60] =	vst v16  }
0x13d: {  	v21 =	vld [tilespmem:s15+$0x8E70];
	[tilespmem:s15+$0x8A20] =	vst v3;
	v3 =	vmul.f32 $3.200000000e+01, v60  }
0x13e: {  	v17 =	vld [tilespmem:s15+$0x8E30];
	v22 =	vmul.f32 $3.200000000e+01, v15;
	[tilespmem:s15+$0x8E00] =	vst v19  }
0x13f: {  	v24 =	vld [tilespmem:s15+$0x9210];
	[tilespmem:s15+$0x8A50] =	vst v3;
	v3 =	vmul.f32 $3.200000000e+01, v63  }
0x140: {  	v20 =	vld [tilespmem:s15+$0x8E60];
	v25 =	vmul.f32 $3.200000000e+01, v18;
	[tilespmem:s15+$0x8E20] =	vst v22  }
0x141: {  	v27 =	vld [tilespmem:s15+$0x9230];
	[tilespmem:s15+$0x8A70] =	vst v3;
	v3 =	vmul.f32 $3.200000000e+01, v14  }
0x142: {  	v23 =	vld [tilespmem:s15+$0x9200];
	v28 =	vmul.f32 $3.200000000e+01, v21;
	[tilespmem:s15+$0x8E50] =	vst v25  }
0x143: {  	v30 =	vld [tilespmem:s15+$0x9260];
	[tilespmem:s15+$0x8E10] =	vst v3;
	v3 =	vmul.f32 $3.200000000e+01, v17  }
0x144: {  	v26 =	vld [tilespmem:s15+$0x9220];
	v31 =	vmul.f32 $3.200000000e+01, v24;
	[tilespmem:s15+$0x8E70] =	vst v28  }
0x145: {  	v33 =	vld [tilespmem:s15+$0x9600];
	[tilespmem:s15+$0x8E30] =	vst v3;
	v3 =	vmul.f32 $3.200000000e+01, v20  }
0x146: {  	v29 =	vld [tilespmem:s15+$0x9250];
	v34 =	vmul.f32 $3.200000000e+01, v27;
	[tilespmem:s15+$0x9210] =	vst v31  }
0x147: {  	v36 =	vld [tilespmem:s15+$0x9620];
	[tilespmem:s15+$0x8E60] =	vst v3;
	v3 =	vmul.f32 $3.200000000e+01, v23  }
0x148: {  	v32 =	vld [tilespmem:s15+$0x9270];
	v37 =	vmul.f32 $3.200000000e+01, v30;
	[tilespmem:s15+$0x9230] =	vst v34  }
0x149: {  	v39 =	vld [tilespmem:s15+$0x9650];
	[tilespmem:s15+$0x9200] =	vst v3;
	v3 =	vmul.f32 $3.200000000e+01, v26  }
0x14a: {  	v35 =	vld [tilespmem:s15+$0x9610];
	v40 =	vmul.f32 $3.200000000e+01, v33;
	[tilespmem:s15+$0x9260] =	vst v37  }
0x14b: {  	v42 =	vld [tilespmem:s15+$0x9670];
	[tilespmem:s15+$0x9220] =	vst v3;
	v3 =	vmul.f32 $3.200000000e+01, v29  }
0x14c: {  	v38 =	vld [tilespmem:s15+$0x9630];
	v43 =	vmul.f32 $3.200000000e+01, v36;
	[tilespmem:s15+$0x9600] =	vst v40  }
0x14d: {  	v47 =	vld [tilespmem:s15+$0x9A20];
	[tilespmem:s15+$0x9250] =	vst v3;
	v3 =	vmul.f32 $3.200000000e+01, v32  }
0x14e: {  	v41 =	vld [tilespmem:s15+$0x9660];
	v46 =	vmul.f32 $3.200000000e+01, v39;
	[tilespmem:s15+$0x9620] =	vst v43  }
0x14f: {  	v50 =	vld [tilespmem:s15+$0x9A50];
	[tilespmem:s15+$0x9270] =	vst v3;
	v3 =	vmul.f32 $3.200000000e+01, v35  }
0x150: {  	v49 =	vmul.f32 $3.200000000e+01, v42;
	v44 =	vld [tilespmem:s15+$0x9A00];
	[tilespmem:s15+$0x9650] =	vst v46  }
0x151: {  	v53 =	vld [tilespmem:s15+$0x9A70];
	[tilespmem:s15+$0x9610] =	vst v3;
	v3 =	vmul.f32 $3.200000000e+01, v38  }
0x152: {  	[tilespmem:s15+$0x9670] =	vst v49;
	v7 =	vmul.f32 $3.200000000e+01, v47;
	v45 =	vld [tilespmem:s15+$0x9A10]  }
0x153: {  	v48 =	vld [tilespmem:s15+$0x9A30];
	[tilespmem:s15+$0x9630] =	vst v3;
	v3 =	vmul.f32 $3.200000000e+01, v41  }
0x154: {  	v9 =	vmul.f32 $3.200000000e+01, v50;
	[tilespmem:s15+$0x9A20] =	vst v7;
	v51 =	vld [tilespmem:s15+$0x9A60]  }
0x155: {  	[tilespmem:s15+$0x9660] =	vst v3;
	v3 =	vmul.f32 $3.200000000e+01, v44  }
0x156: {  	v58 =	vld [tilespmem:s15+$0x9640];
	v6 =	vmul.f32 $3.200000000e+01, v53;
	[tilespmem:s15+$0x9A50] =	vst v9  }
0x157: {  	v52 =	vmul.f32 $3.200000000e+01, v45;
	[tilespmem:s15+$0x9A00] =	vst v3;
	v3 =	vld [tilespmem:s15+$0x8240]  }
0x158: {  	v56 =	vld [tilespmem:s15+$0x8E40];
	[tilespmem:s15+$0x9A70] =	vst v6;
	v8 =	vmul.f32 $3.200000000e+01, v48  }
0x159: {  	v55 =	vld [tilespmem:s15+$0x8A40];
	[tilespmem:s15+$0x9A10] =	vst v52;
	v5 =	vmul.f32 $3.200000000e+01, v51  }
0x15a: {  	v54 =	vld [tilespmem:s15+$0x8640];
	[tilespmem:s15+$0x9A30] =	vst v8  }
0x15b: {  	s30 =	sor.u32 $0x1C00, s1;
	v62 =	vmul.f32 $3.200000000e+01, v58;
	v57 =	vld [tilespmem:s15+$0x9240];
	[tilespmem:s15+$0x9A60] =	vst v5  }
0x15c: {  	v60 =	vld [tilespmem:s30+$0x8200];
	v3 =	vmul.f32 $3.200000000e+01, v3  }
0x15d: {  	v59 =	vld [tilespmem:s15+$0x9A40];
	v61 =	vmul.f32 $3.200000000e+01, v56;
	[tilespmem:s15+$0x9640] =	vst v62  }
0x15e: {  	[tilespmem:s15+$0x8240] =	vst v3;
	v3 =	vmul.f32 $3.200000000e+01, v55  }
0x15f: {  	[tilespmem:s15+$0x8E40] =	vst v61;
	v4 =	vmul.f32 $3.200000000e+01, v54  }
0x160: {  	[tilespmem:s15+$0x8A40] =	vst v3;
	v3 =	vmul.f32 $3.200000000e+01, v57  }
0x161: {  	[tilespmem:s15+$0x8640] =	vst v4;
	v63 =	vmul.f32 $3.200000000e+01, v60  }
0x162: {  	[tilespmem:s15+$0x9240] =	vst v3;
	v3 =	vmul.f32 $3.200000000e+01, v59  }
0x163: {  	[tilespmem:s30+$0x8200] =	vst v63  }
0x164: {  	s30 =	sor.u32 $0x1C10, s1;
	[tilespmem:s15+$0x9A40] =	vst v3  }
0x165: {  	v3 =	vld [tilespmem:s30+$0x8200];
	_ =	sdelay $0x4  }
0x166: {  	v3 =	vmul.f32 $3.200000000e+01, v3;
	_ =	sdelay $0x1  }
0x167: {  	s16 =	sor.u32 $0x1C20, s1;
	[tilespmem:s30+$0x8200] =	vst v3  }
0x168: {  	v3 =	vld [tilespmem:s16+$0x8200];
	_ =	sdelay $0x4  }
0x169: {  	v3 =	vmul.f32 $3.200000000e+01, v3;
	_ =	sdelay $0x1  }
0x16a: {  	s30 =	sor.u32 $0x1C30, s1;
	[tilespmem:s16+$0x8200] =	vst v3  }
0x16b: {  	v3 =	vld [tilespmem:s30+$0x8200];
	_ =	sdelay $0x4  }
0x16c: {  	v3 =	vmul.f32 $3.200000000e+01, v3;
	_ =	sdelay $0x1  }
0x16d: {  	s16 =	sor.u32 $0x1C40, s1;
	[tilespmem:s30+$0x8200] =	vst v3  }
0x16e: {  	v3 =	vld [tilespmem:s16+$0x8200];
	_ =	sdelay $0x4  }
0x16f: {  	v3 =	vmul.f32 $3.200000000e+01, v3;
	_ =	sdelay $0x1  }
0x170: {  	s30 =	sor.u32 $0x1C50, s1;
	[tilespmem:s16+$0x8200] =	vst v3  }
0x171: {  	v3 =	vld [tilespmem:s30+$0x8200];
	_ =	sdelay $0x4  }
0x172: {  	v3 =	vmul.f32 $3.200000000e+01, v3;
	_ =	sdelay $0x1  }
0x173: {  	s16 =	sor.u32 $0x1C60, s1;
	[tilespmem:s30+$0x8200] =	vst v3  }
0x174: {  	v3 =	vld [tilespmem:s16+$0x8200];
	_ =	sdelay $0x4  }
0x175: {  	v3 =	vmul.f32 $3.200000000e+01, v3;
	_ =	sdelay $0x1  }
0x176: {  	s30 =	sor.u32 $0x1C70, s1;
	[tilespmem:s16+$0x8200] =	vst v3  }
0x177: {  	v3 =	vld [tilespmem:s30+$0x8200];
	_ =	sdelay $0x1  }
0x178: {  	p0 =	sne.s32 s14, $0xE00  }
.Ltmp2:
0x179: {  	_ = 	snop;
	(pc) =	sbr.rel @p0 .LBB2_8-.Ltmp2, $3  }
0x17a: {  	_ = 	snop  }
0x17b: {  	v3 =	vmul.f32 $3.200000000e+01, v3;
	_ =	sdelay $0x1  }
0x17c: {  	s13 =	sadd.s32 $0x400, s13;
	s14 =	sadd.s32 $0x200, s14;
	s1 =	sadd.s32 $0x480, s1;
	[tilespmem:s30+$0x8200] =	vst v3  }
0x17d: {  	s1 =	sshll.u32 s6, $0xD;
	s6 =	sadd.s32 $0x1, s6  }
0x17e: {  	p0 =	sne.s32 s6, $0x4  }
.Ltmp3:
0x17f: {  	_ = 	snop;
	(pc) =	sbr.rel @p0 .LBB2_7-.Ltmp3, $4  }
0x180: {  	s0 =	sadd.s32 s11, s0  }
0x181: {  	s1 =	sand.u32 $0x3FFFE000, s1;
	s0 =	sshll.u32 s0, $0x7  }
0x182: {  	s12 =	sadd.s32 $0x2000, s12;
	s1 =	sadd.s32 $0x8200, s1;
	s0 =	sadd.s32 s3, s0  }
0x183: {  	[hbm4b:s0+s4] =	stream.linear.scatter [tilespmem:s1], [sflag:$0x4], $0x2000, $0x38;
	[tilespmem:$0x10200] =	vst v63  }
0x184: {  	s10 =	sadd.s32 $0x1, s10  }
0x185: {  	p0 =	sne.s32 s10, $0x8  }
.Ltmp4:
0x186: {  	_ = 	snop;
	(pc) =	sbr.rel @p0 .LBB2_2-.Ltmp4, $1  }
0x187: {  	_ =	sdelay $0x3  }
0x188: {  	s1 =	simm.s32 $0x4  }
0x189: {  	_ =	swait.ge [sflag:s1], $0x2000  }
0x18a: {  	[sflag:s1] =	ssyncset.done $0x0  }
0x18b: {  	[sflag:s1] =	ssyncadd.s32 $0xFFFFE000  }
0x18c: {  	_ =	swait.ge [sflag:s1], $0x2000  }
0x18d: {  	[sflag:s1] =	ssyncset.done $0x0  }
0x18e: {  	[sflag:s1] =	ssyncadd.s32 $0xFFFFE000  }
0x18f: {  	_ =	swait.ge [sflag:s1], $0x2000  }
0x190: {  	[sflag:s1] =	ssyncset.done $0x0  }
0x191: {  	[sflag:s1] =	ssyncadd.s32 $0xFFFFE000  }
0x192: {  	_ =	swait.ge [sflag:s1], $0x2000  }
0x193: {  	s6 =	rddreg [dreg:$0x7]  }
0x194: {  	s0 =	rddreg [dreg:$0x6];
	s6 =	sadd.s32 $0x1, s6  }
0x195: {  	p0 =	sne.s32 s6, s0  }
.Ltmp5:
0x196: {  	_ = 	snop;
	(pc) =	sbr.rel @p0 .LBB2_1-.Ltmp5, $3  }
0x197: {  	_ =	sdelay $0x1  }
0x198: {  	[sflag:s1] =	ssyncset.done $0x0  }
0x199: {  	[sflag:s1] =	ssyncadd.s32 $0xFFFFE000  }
0x19a: {  	_ =	sfence.sel $0x180000  }
0x19b: {  	[bflag:$0x0] =	sbarrier.arrive $0xFFFF  }
0x19c: {  	_ =	strace $0x90000047  }
0x19d: {  	s0 =	stileid.u32;
	[bflag:$0x2] =	sbarrier.arrive $0xFFFF  }
0x19e: {  	p0 =	sne.s32 s0, $0x0;
	s0 =	rddreg [dreg:$0x3]  }
0x19f: {  	s0 =	sadd.s32 @!p0 $0x100000, s0  }
0x1a0: {  	[sflag:s0] =	ssyncadd.tile.s32 @!p0 $0x1;
	_ =	shalt  }
.Lfunc_end2:
_tile_overlayer_lowered:
.L_overlay_start_2:
0x1a1: {  	(tag) =	ssettag $0x2  }
0x1a2: {  	s0 =	rddreg [dreg:$0x0];
	s2 =	stileid.u32  }
0x1a3: {  	s1 =	rddreg [dreg:$0x1];
	p0 =	sne.s32 s2, $0x0  }
0x1a4: {  	s3 =	rddreg [dreg:$0x2];
	[bflag:$0x3] =	sbarrier.arrive $0xFFFF;
	s2 =	simm.s32 @!p0 $0x1C05  }
0x1a5: {  	[timem:s3], [sflag:s2] =	dma.local @!p0 [hbm:s0], s1  }
0x1a6: {  	s0 =	simm.s32 @!p0 $0x5  }
0x1a7: {  	_ =	swait.ge @!p0 [sflag:s0], s1  }
0x1a8: {  	s1 =	ssub.s32 @!p0 $0x0, s1;
	[sflag:s0] =	ssyncset.done @!p0 $0x0  }
0x1a9: {  	[sflag:s0] =	ssyncadd.s32 @!p0 s1  }
0x1aa: {  	[bflag:$0x3] =	sbarrier.arrive $0xFFFF  }
0x1ab: {  	_ =	shalt  }

</sc_bundles>
